<compile_context>
chip_gen: v7x
topology: tpu7x:2x2x1
jax: 0.10.2.dev20260603
libtpu: 0.0.44.dev20260713+nightly
codegen_flags: <defaults>
</compile_context>

<pallas_src>
import jax
import jax.numpy as jnp
from jax import lax
from jax.experimental import pallas as pl
from jax.experimental.pallas import tpu as pltpu
from jax.experimental.pallas import tpu_sc as plsc

NS = 9
DPAD = 128
ROWS_TILE = 512
PT_TILE = 512
NWORK = 32
IDX_CH = 256


def _knn_body(x1_ref, x2_ref, n1_ref, n2_ref, out_ref):
    x1 = x1_ref[...]
    x2 = x2_ref[...]
    n_all = x2.shape[1]
    nch = n_all // 128
    rows = x1.shape[0]
    prod = lax.dot_general(x1, x2, (((1,), (0,)), ((), ())),
                           preferred_element_type=jnp.float32)
    d = (n1_ref[...] + n2_ref[...]) + prod
    boff = pl.program_id(0) * n_all

    rsub = 128
    big0 = jnp.full((rsub, 128), 0x7F800000, jnp.int32)
    g1s, g2s, g3s = [], [], []
    for r0 in range(0, rows, rsub):
        g1 = big0
        g2 = big0
        g3 = big0
        for j in range(nch):
            dj = d[r0:r0 + rsub, j * 128:(j + 1) * 128]
            kj = (lax.bitcast_convert_type(dj, jnp.int32) & (-64)) | j
            m2 = jnp.maximum(g1, kj)
            g1 = jnp.minimum(g1, kj)
            m3 = jnp.maximum(g2, m2)
            g2 = jnp.minimum(g2, m2)
            g3 = jnp.minimum(g3, m3)
        g1s.append(g1)
        g2s.append(g2)
        g3s.append(g3)
    g1 = jnp.concatenate(g1s, axis=0)
    g2 = jnp.concatenate(g2s, axis=0)
    g3 = jnp.concatenate(g3s, axis=0)
    big = jnp.int32(0x7F800000)
    liota = lax.broadcasted_iota(jnp.int32, (rows, 128), 1)
    cols = []
    for _ in range(NS):
        m = jnp.min(g1, axis=1, keepdims=True)
        lane = jnp.min(jnp.where(g1 == m, liota, 128), axis=1, keepdims=True)
        cols.append((m & 63) * 128 + lane + boff)
        sel = liota == lane
        g1 = jnp.where(sel, g2, g1)
        g2 = jnp.where(sel, g3, g2)
        g3 = jnp.where(sel, big, g3)
    cols.append(jnp.zeros((rows, 16 - NS), jnp.int32))
    out_ref[...] = jnp.concatenate(cols, axis=1)


def _knn_topk(x1t, xyz):
    b, n, _ = x1t.shape
    r = ROWS_TILE
    nrm = jnp.sum(x1t * x1t, axis=2, keepdims=True)
    return pl.pallas_call(
        _knn_body,
        grid=(b, n // r),
        in_specs=[
            pl.BlockSpec((None, r, 3), lambda bb, i: (bb, i, 0)),
            pl.BlockSpec((None, 3, n), lambda bb, i: (bb, 0, 0)),
            pl.BlockSpec((None, r, 1), lambda bb, i: (bb, i, 0)),
            pl.BlockSpec((None, 1, n), lambda bb, i: (bb, 0, 0)),
        ],
        out_specs=pl.BlockSpec((None, r, 16), lambda bb, i: (bb, i, 0)),
        out_shape=jax.ShapeDtypeStruct((b, n, 16), jnp.int32),
    )(x1t, -2.0 * xyz, nrm, jnp.transpose(nrm, (0, 2, 1)))


def _sc_gather(table, idx_flat, total_rows):
    rows_w = total_rows // NWORK
    nch = rows_w // IDX_CH

    def body(table_hbm, idx_hbm, out_hbm, idx_v, rows_v, sem):
        wid = lax.axis_index("s") * 2 + lax.axis_index("c")
        rbase = pl.multiple_of(wid * rows_w, IDX_CH)
        pltpu.sync_copy(idx_hbm.at[pl.ds(rbase, rows_w)], idx_v)

        def start(i):
            ioff = pl.multiple_of(i * IDX_CH, IDX_CH)
            pltpu.async_copy(
                table_hbm.at[idx_v.at[pl.ds(ioff, IDX_CH)]],
                rows_v.at[lax.rem(i, 2)], sem)

        start(0)

        def step(i, carry):
            @pl.when(i + 1 < nch)
            def _():
                start(i + 1)
            ioff = pl.multiple_of(i * IDX_CH, IDX_CH)
            pltpu.make_async_copy(
                table_hbm.at[idx_v.at[pl.ds(ioff, IDX_CH)]],
                rows_v.at[lax.rem(i, 2)], sem).wait()
            off = pl.multiple_of(wid * rows_w + i * IDX_CH, IDX_CH)
            pltpu.sync_copy(rows_v.at[lax.rem(i, 2)],
                            out_hbm.at[pl.ds(off, IDX_CH)])
            return carry

        lax.fori_loop(0, nch, step, 0)

    run = pl.kernel(
        body,
        out_type=jax.ShapeDtypeStruct((total_rows, DPAD), jnp.float32),
        scratch_types=[
            pltpu.VMEM((rows_w,), jnp.int32),
            pltpu.VMEM((2, IDX_CH, DPAD), jnp.float32),
            pltpu.SemaphoreType.DMA,
        ],
        mesh=plsc.VectorSubcoreMesh(core_axis_name="c", subcore_axis_name="s"),
    )
    return run(table, idx_flat)


def _leaky(x):
    return jnp.where(x >= 0, x, 0.1 * x)


def _conv_body(g_ref, u_ref, w0_ref, q_ref, w1_ref, wfc_ref, b1_ref, bfc_ref,
               out1_ref, out2_ref):
    u = u_ref[...]
    p1 = u[:, :64]

    def mm(a, b):
        return lax.dot_general(a, b, (((1,), (0,)), ((), ())),
                               preferred_element_type=jnp.float32)

    wr0 = w0_ref[0]
    wz0 = w0_ref[1]
    wh0 = w0_ref[2]
    pr = mm(u, q_ref[0])
    pz = mm(u, q_ref[1])
    ph = mm(u, q_ref[2])
    wr1 = w1_ref[0]
    wz1 = w1_ref[1]
    wh1 = w1_ref[2]
    wfro = w1_ref[3]

    t = u.shape[0]
    gall = g_ref[...].reshape(NS * t, g_ref.shape[2])
    r0a = mm(gall, wr0)
    z0a = mm(gall, wz0)
    h0a = mm(gall, wh0)

    r0 = []
    zmax = None
    for s in range(NS):
        r0.append(_leaky(r0a[s * t:(s + 1) * t] + pr))
        zs = _leaky(z0a[s * t:(s + 1) * t] + pz)
        zmax = zs if zmax is None else jnp.maximum(zmax, zs)
    z = jax.nn.sigmoid(mm(zmax, wz1) + b1_ref[1:2, :])

    r1a = jax.nn.sigmoid(mm(jnp.concatenate(r0, axis=0), wr1)
                         + b1_ref[0:1, :])
    pe = mm(jnp.concatenate([p1 * r1a[s * t:(s + 1) * t]
                             for s in range(NS)], axis=0), wfro)
    hmax = None
    for s in range(NS):
        hs = _leaky(h0a[s * t:(s + 1) * t] + ph + pe[s * t:(s + 1) * t])
        hmax = hs if hmax is None else jnp.maximum(hmax, hs)
    h = jnp.tanh(mm(hmax, wh1) + b1_ref[2:3, :])

    fn = (1.0 - z) * p1 + z * h
    fl = jnp.clip(mm(fn - p1, wfc_ref[...]) + bfc_ref[...], -200.0, 200.0)
    out1_ref[...] = fn.T
    out2_ref[...] = fl.T


def _conv_pipeline(g3, u, w0, q, w1, wfc, b1, bfc):
    bn = u.shape[0]
    t = PT_TILE
    return pl.pallas_call(
        _conv_body,
        grid=(bn // t,),
        in_specs=[
            pl.BlockSpec((NS, t, DPAD), lambda i: (0, i, 0)),
            pl.BlockSpec((t, DPAD), lambda i: (i, 0)),
            pl.BlockSpec((3, DPAD, 64), lambda i: (0, 0, 0)),
            pl.BlockSpec((3, DPAD, 64), lambda i: (0, 0, 0)),
            pl.BlockSpec((4, 64, 64), lambda i: (0, 0, 0)),
            pl.BlockSpec((64, 3), lambda i: (0, 0)),
            pl.BlockSpec((3, 64), lambda i: (0, 0)),
            pl.BlockSpec((1, 3), lambda i: (0, 0)),
        ],
        out_specs=[
            pl.BlockSpec((64, t), lambda i: (0, i)),
            pl.BlockSpec((3, t), lambda i: (0, i)),
        ],
        out_shape=[
            jax.ShapeDtypeStruct((64, bn), jnp.float32),
            jax.ShapeDtypeStruct((3, bn), jnp.float32),
        ],
    )(g3, u, w0, q, w1, wfc, b1, bfc)


def kernel(xyz, feats, cost_volume,
           W_r0, b_r0, W_r1, b_r1,
           W_z0, b_z0, W_z1, b_z1,
           W_h0, b_h0, W_h1, b_h1,
           W_fuse_r, W_fuse_z, W_fuse_r_o, W_fc, b_fc):
    b, _, n = xyz.shape
    cf = feats.shape[1]
    f32 = jnp.float32

    x1t = jnp.transpose(xyz, (0, 2, 1))
    p1t = jnp.transpose(feats, (0, 2, 1))
    p2t = jnp.transpose(cost_volume, (0, 2, 1))

    table = jnp.concatenate(
        [p2t, x1t, jnp.zeros((b, n, DPAD - cf - 3), f32)], axis=2)
    gs = []
    for bb in range(b):
        idx16 = _knn_topk(x1t[bb:bb + 1], xyz[bb:bb + 1])
        idx9 = idx16[0, :, :NS]
        idx_flat = jnp.transpose(idx9, (1, 0)).reshape(-1)
        gs.append(_sc_gather(table[bb], idx_flat, NS * n).reshape(NS, n, DPAD))

    zp13 = jnp.zeros((DPAD - cf - 3, 64), f32)
    w0 = jnp.stack([
        jnp.concatenate([W_r0.T, zp13], axis=0),
        jnp.concatenate([W_z0.T, zp13], axis=0),
        jnp.concatenate([W_h0.T, zp13], axis=0),
    ])
    zp12 = jnp.zeros((DPAD - cf - 4, 64), f32)
    q = jnp.stack([
        jnp.concatenate([W_fuse_r.T, -W_r0[:, cf:cf + 3].T, b_r0[None, :], zp12], 0),
        jnp.concatenate([W_fuse_z.T, -W_z0[:, cf:cf + 3].T, b_z0[None, :], zp12], 0),
        jnp.concatenate([jnp.zeros((cf, 64), f32), -W_h0[:, cf:cf + 3].T,
                         b_h0[None, :], zp12], 0),
    ])
    w1 = jnp.stack([W_r1.T, W_z1.T, W_h1.T, W_fuse_r_o.T])
    b1 = jnp.stack([b_r1, b_z1, b_h1])
    u = jnp.concatenate(
        [p1t, x1t, jnp.ones((b, n, 1), f32), jnp.zeros((b, n, DPAD - cf - 4), f32)],
        axis=2)

    o1s, o2s = [], []
    for bb in range(b):
        out1, out2 = _conv_pipeline(gs[bb], u[bb], w0, q, w1, W_fc.T, b1,
                                    b_fc[None, :])
        o1s.append(out1)
        o2s.append(out2)
    return jnp.stack(o1s), jnp.stack(o2s)

# --- scband reference (transcript-rebuilt; emitter-appended) ---
"""Pipeline reference for scband-point-conv-bidirection-13520557048084 (READ-ONLY COPY).

The authoritative reference and input builder live on the scoring server;
editing this copy changes nothing except your own understanding.
"""

import jax, jax.numpy as jnp
import numpy as np

B, N, C_FEAT, C_COST, NS = 2, 8192, 64, 64, 9
CHANNELS = [64, 64]

def _mk(key, shape, scale=0.05):
    return jax.random.normal(key, shape, dtype=jnp.float32) * scale

def setup_inputs(seed: int = 0) -> dict:
    key = jax.random.key(seed)
    ks = jax.random.split(key, 32)
    inp = {}
    inp['xyz'] = jax.random.normal(ks[0], (B, 3, N), dtype=jnp.float32)
    inp['feats'] = jax.random.normal(ks[1], (B, C_FEAT, N), dtype=jnp.float32)
    inp['cost_volume'] = jax.random.normal(ks[2], (B, C_COST, N), dtype=jnp.float32)
    # GRU params
    last = C_COST + 3
    i = 3
    for branch in ['r', 'z', 'h']:
        lc = last
        for li, oc in enumerate(CHANNELS):
            inp[f'W_{branch}{li}'] = _mk(ks[i], (oc, lc)); i += 1
            inp[f'b_{branch}{li}'] = jnp.zeros((oc,), dtype=jnp.float32)
            lc = oc
    inp['W_fuse_r'] = _mk(ks[i], (CHANNELS[0], C_FEAT)); i += 1
    inp['W_fuse_z'] = _mk(ks[i], (CHANNELS[0], C_FEAT)); i += 1
    inp['W_fuse_r_o'] = _mk(ks[i], (CHANNELS[0], C_FEAT)); i += 1
    inp['W_fc'] = _mk(ks[i], (3, CHANNELS[-1])); i += 1
    inp['b_fc'] = jnp.zeros((3,), dtype=jnp.float32)
    return inp

def _conv1d(x, W, b=None):
    # x: [B, Cin, N], W: [Cout, Cin]
    y = jnp.einsum('oc,bcn->bon', W, x)
    if b is not None:
        y = y + b[None, :, None]
    return y

def _conv2d(x, W, b=None):
    # x: [B, Cin, S, N], W: [Cout, Cin]
    y = jnp.einsum('oc,bcsn->bosn', W, x)
    if b is not None:
        y = y + b[None, :, None, None]
    return y

def _leaky(x):
    return jnp.where(x >= 0, x, 0.1 * x)

def reference(xyz, feats, cost_volume,
              W_r0, b_r0, W_r1, b_r1,
              W_z0, b_z0, W_z1, b_z1,
              W_h0, b_h0, W_h1, b_h1,
              W_fuse_r, W_fuse_z, W_fuse_r_o, W_fc, b_fc):
    Bn, _, Nn = xyz.shape
    xyz1 = jnp.transpose(xyz, (0, 2, 1))  # [B, N, 3]
    xyz2 = xyz1
    points1 = feats  # [B, C, N]
    points2 = cost_volume
    # square distance [B, N1, N2]
    sq = jnp.sum(xyz1 ** 2, -1)[:, :, None] + jnp.sum(xyz2 ** 2, -1)[:, None, :] - 2.0 * jnp.einsum('bnc,bmc->bnm', xyz1, xyz2)
    neg_d, knn_idx = jax.lax.top_k(-sq, NS)  # smallest
    # gather neighbors
    neighbor_xyz = jnp.take_along_axis(xyz2[:, None, :, :], knn_idx[:, :, :, None], axis=2)  # wrong axis approach; use vmap-friendly gather
    neighbor_xyz = jax.vmap(lambda pts, idx: pts[idx])(xyz2, knn_idx)  # [B, N1, NS, 3]
    direction_xyz = neighbor_xyz - xyz1[:, :, None, :]
    p2t = jnp.transpose(points2, (0, 2, 1))  # [B, N2, C]
    grouped_points2 = jax.vmap(lambda pts, idx: pts[idx])(p2t, knn_idx)  # [B, N1, NS, C]
    new_points = jnp.concatenate([grouped_points2, direction_xyz], axis=-1)  # [B, N1, NS, C+3]
    new_points = jnp.transpose(new_points, (0, 3, 2, 1))  # [B, C+3, NS, N1]

    Wr = [(W_r0, b_r0), (W_r1, b_r1)]
    Wz = [(W_z0, b_z0), (W_z1, b_z1)]
    Wh = [(W_h0, b_h0), (W_h1, b_h1)]
    nL = len(Wr)

    # r branch
    r = new_points
    for i, (W, b) in enumerate(Wr):
        r = _conv2d(r, W, b)
        if i == 0:
            gp1 = _conv1d(points1, W_fuse_r)  # [B, C0, N]
            r = r + gp1[:, :, None, :]
        if i == nL - 1:
            r = jax.nn.sigmoid(r)
        else:
            r = _leaky(r)

    # z branch
    z = new_points
    for i, (W, b) in enumerate(Wz):
        z = _conv2d(z, W, b)
        if i == 0:
            gp1 = _conv1d(points1, W_fuse_z)
            z = z + gp1[:, :, None, :]
        if i == nL - 1:
            z = jax.nn.sigmoid(z)
        else:
            z = _leaky(z)
        if i == nL - 2:
            z = jnp.max(z, axis=-2, keepdims=True)
    z = jnp.squeeze(z, axis=-2)  # [B, C, N]

    p1_exp = points1[:, :, None, :] * r  # r * point1_graph_expand, broadcast over NS
    p1_exp = _conv2d(p1_exp, W_fuse_r_o)

    h = new_points
    for i, (W, b) in enumerate(Wh):
        h = _conv2d(h, W, b)
        if i == 0:
            h = h + p1_exp
        if i == nL - 1:
            h = jnp.tanh(h)
        else:
            h = _leaky(h)
        if i == nL - 2:
            h = jnp.max(h, axis=-2, keepdims=True)
    h = jnp.squeeze(h, axis=-2)  # [B, C, N]

    feats_new = (1.0 - z) * points1 + z * h
    new_pts = feats_new - feats
    flow_local = jnp.clip(_conv1d(new_pts, W_fc, b_fc), -200.0, 200.0)
    return feats_new, flow_local

if __name__ == "__main__":
    import jax
    _d = setup_inputs()
    print(jax.jit(kernel)(*tuple(_d.values())))

</pallas_src>

<mosaic_0001>
#map = affine_map<(d0, d1) -> (0, 0)>
#map1 = affine_map<(d0, d1) -> (0)>
module attributes {stable_mosaic.version = 14 : i64} {
  func.func @body(%arg0: i32, %arg1: i32, %arg2: memref<8192x128xf32, #tpu.memory_space<hbm>>, %arg3: memref<73728xi32, #tpu.memory_space<hbm>>, %arg4: memref<73728x128xf32, #tpu.memory_space<hbm>>, %arg5: memref<2304xi32, #tpu.memory_space<vmem>>, %arg6: memref<2x256x128xf32, #tpu.memory_space<vmem>>, %arg7: memref<!tpu.dma_semaphore, #tpu.memory_space<semaphore_mem>>) attributes {dimension_semantics = [#tpu.dimension_semantics<core_parallel>, #tpu.dimension_semantics<subcore_parallel>], iteration_bounds = array<i64: 2, 16>, scalar_prefetch = 0 : i64, scratch_operands = 3 : i64, tpu.core_type = #tpu.core_type<sc_vector_subcore>, window_params = [{transform_indices = #map}, {transform_indices = #map1}, {transform_indices = #map}]} {
    %mul3A = arith.constant 2 : i32
    %mul3A_0 = arith.muli %arg1, %mul3A : i32
    %add3A = arith.addi %mul3A_0, %arg0 : i32
    %mul3A_1 = arith.constant 2304 : i32
    %mul3A_2 = arith.muli %add3A, %mul3A_1 : i32
    %multiple_of3A = tpu.assume_multiple %mul3A_2, 256 : i32
    "tpu.region"() ({
      %run_scoped3A = tpu.sem_alloc : memref<!tpu.dma_semaphore, #tpu.memory_space<semaphore_mem>>
      %dma_start3A_19 = tpu.memref_slice %arg3[%multiple_of3A] : memref<73728xi32, #tpu.memory_space<hbm>> -> memref<2304xi32, #tpu.memory_space<hbm>>
      %dma_start3A_20 = tpu.memref_slice %arg3[%multiple_of3A] : memref<73728xi32, #tpu.memory_space<hbm>> -> memref<2304xi32, #tpu.memory_space<hbm>>
      tpu.enqueue_dma source(%dma_start3A_20 : memref<2304xi32, #tpu.memory_space<hbm>>) target(%arg5 : memref<2304xi32, #tpu.memory_space<vmem>>) target_semaphore(%run_scoped3A : memref<!tpu.dma_semaphore, #tpu.memory_space<semaphore_mem>>)
      %dma_wait3A = tpu.memref_slice %arg3[%multiple_of3A] : memref<73728xi32, #tpu.memory_space<hbm>> -> memref<2304xi32, #tpu.memory_space<hbm>>
      %dma_wait3A_21 = tpu.memref_slice %arg3[%multiple_of3A] : memref<73728xi32, #tpu.memory_space<hbm>> -> memref<2304xi32, #tpu.memory_space<hbm>>
      tpu.wait_dma2 semaphore(%run_scoped3A : memref<!tpu.dma_semaphore, #tpu.memory_space<semaphore_mem>>) src(%dma_wait3A_21 : memref<2304xi32, #tpu.memory_space<hbm>>) dst(%arg5 : memref<2304xi32, #tpu.memory_space<vmem>>)
      tpu.yield
    }) : () -> ()
    %multiple_of3A_3 = arith.constant 0 : i32
    %multiple_of3A_4 = tpu.assume_multiple %multiple_of3A_3, 256 : i32
    %rem3A = arith.constant 0 : i32
    %rem3A_5 = arith.constant 2 : i32
    %rem3A_6 = arith.remsi %rem3A, %rem3A_5 : i32
    %dma_start3A = arith.constant 0 : i32
    %dma_start3A_7 = arith.constant 0 : i32
    %dma_start3A_8 = tpu.memref_slice %arg6[%rem3A_6, %dma_start3A, %dma_start3A_7] : memref<2x256x128xf32, #tpu.memory_space<vmem>> -> memref<1x256x128xf32, #tpu.memory_space<vmem>>
    %dma_start3A_9 = tpu.memref_squeeze %dma_start3A_8 : memref<1x256x128xf32, #tpu.memory_space<vmem>> -> memref<256x128xf32, #tpu.memory_space<vmem>>
    %dma_start3A_10 = tpu.memref_slice %arg5[%multiple_of3A_4] : memref<2304xi32, #tpu.memory_space<vmem>> -> memref<256xi32, #tpu.memory_space<vmem>>
    %dma_start3A_11 = arith.constant 0 : i32
    %dma_start3A_12 = arith.constant 0 : i32
    %dma_start3A_13 = tpu.memref_slice %arg2[%dma_start3A_11, %dma_start3A_12] : memref<8192x128xf32, #tpu.memory_space<hbm>> -> memref<8192x128xf32, #tpu.memory_space<hbm>>
    tpu.enqueue_indirect_dma source(%dma_start3A_13 : memref<8192x128xf32, #tpu.memory_space<hbm>>) target(%dma_start3A_9 : memref<256x128xf32, #tpu.memory_space<vmem>>) offsets(%dma_start3A_10 : memref<256xi32, #tpu.memory_space<vmem>>) semaphore(%arg7 : memref<!tpu.dma_semaphore, #tpu.memory_space<semaphore_mem>>)
    %scan3A = arith.constant 0 : i32
    %scan3A_14 = arith.constant 0 : i32
    %scan3A_15 = arith.constant 9 : i32
    %scan3A_16 = arith.addi %scan3A_14, %scan3A_15 : i32
    %scan3A_17 = arith.constant 1 : i32
    scf.for %scan3A_19 = %scan3A_14 to %scan3A_16 step %scan3A_17  : i32 {
      %add3A_20 = arith.constant 1 : i32
      %add3A_21 = arith.addi %scan3A_19, %add3A_20 : i32
      %lt3A = arith.constant 9 : i32
      %lt3A_22 = arith.cmpi slt, %add3A_21, %lt3A : i32
      %convert_element_type3A = arith.extui %lt3A_22 : i1 to i32
      %cond3A = arith.constant 0 : i32
      %cond3A_23 = arith.cmpi ne, %convert_element_type3A, %cond3A : i32
      scf.if %cond3A_23 {
        %add3A_44 = arith.constant 1 : i32
        %add3A_45 = arith.addi %scan3A_19, %add3A_44 : i32
        %mul3A_46 = arith.constant 256 : i32
        %mul3A_47 = arith.muli %add3A_45, %mul3A_46 : i32
        %multiple_of3A_48 = tpu.assume_multiple %mul3A_47, 256 : i32
        %rem3A_49 = arith.constant 2 : i32
        %rem3A_50 = arith.remsi %add3A_45, %rem3A_49 : i32
        %dma_start3A_51 = arith.constant 0 : i32
        %dma_start3A_52 = arith.constant 0 : i32
        %dma_start3A_53 = tpu.memref_slice %arg6[%rem3A_50, %dma_start3A_51, %dma_start3A_52] : memref<2x256x128xf32, #tpu.memory_space<vmem>> -> memref<1x256x128xf32, #tpu.memory_space<vmem>>
        %dma_start3A_54 = tpu.memref_squeeze %dma_start3A_53 : memref<1x256x128xf32, #tpu.memory_space<vmem>> -> memref<256x128xf32, #tpu.memory_space<vmem>>
        %dma_start3A_55 = tpu.memref_slice %arg5[%multiple_of3A_48] : memref<2304xi32, #tpu.memory_space<vmem>> -> memref<256xi32, #tpu.memory_space<vmem>>
        %dma_start3A_56 = arith.constant 0 : i32
        %dma_start3A_57 = arith.constant 0 : i32
        %dma_start3A_58 = tpu.memref_slice %arg2[%dma_start3A_56, %dma_start3A_57] : memref<8192x128xf32, #tpu.memory_space<hbm>> -> memref<8192x128xf32, #tpu.memory_space<hbm>>
        tpu.enqueue_indirect_dma source(%dma_start3A_58 : memref<8192x128xf32, #tpu.memory_space<hbm>>) target(%dma_start3A_54 : memref<256x128xf32, #tpu.memory_space<vmem>>) offsets(%dma_start3A_55 : memref<256xi32, #tpu.memory_space<vmem>>) semaphore(%arg7 : memref<!tpu.dma_semaphore, #tpu.memory_space<semaphore_mem>>)
      } else {
      }
      %mul3A_24 = arith.constant 256 : i32
      %mul3A_25 = arith.muli %scan3A_19, %mul3A_24 : i32
      %multiple_of3A_26 = tpu.assume_multiple %mul3A_25, 256 : i32
      %rem3A_27 = arith.constant 2 : i32
      %rem3A_28 = arith.remsi %scan3A_19, %rem3A_27 : i32
      %dma_wait3A = arith.constant 0 : i32
      %dma_wait3A_29 = arith.constant 0 : i32
      %dma_wait3A_30 = tpu.memref_slice %arg6[%rem3A_28, %dma_wait3A, %dma_wait3A_29] : memref<2x256x128xf32, #tpu.memory_space<vmem>> -> memref<1x256x128xf32, #tpu.memory_space<vmem>>
      %dma_wait3A_31 = tpu.memref_squeeze %dma_wait3A_30 : memref<1x256x128xf32, #tpu.memory_space<vmem>> -> memref<256x128xf32, #tpu.memory_space<vmem>>
      %dma_wait3A_32 = tpu.memref_slice %arg5[%multiple_of3A_26] : memref<2304xi32, #tpu.memory_space<vmem>> -> memref<256xi32, #tpu.memory_space<vmem>>
      %dma_wait3A_33 = arith.constant 0 : i32
      %dma_wait3A_34 = arith.constant 0 : i32
      %dma_wait3A_35 = tpu.memref_slice %arg2[%dma_wait3A_33, %dma_wait3A_34] : memref<8192x128xf32, #tpu.memory_space<hbm>> -> memref<8192x128xf32, #tpu.memory_space<hbm>>
      tpu.wait_indirect_dma semaphore(%arg7 : memref<!tpu.dma_semaphore, #tpu.memory_space<semaphore_mem>>) src(%dma_wait3A_35 : memref<8192x128xf32, #tpu.memory_space<hbm>>) dst(%dma_wait3A_31 : memref<256x128xf32, #tpu.memory_space<vmem>>)
      %mul3A_36 = arith.constant 2304 : i32
      %mul3A_37 = arith.muli %add3A, %mul3A_36 : i32
      %mul3A_38 = arith.constant 256 : i32
      %mul3A_39 = arith.muli %scan3A_19, %mul3A_38 : i32
      %add3A_40 = arith.addi %mul3A_37, %mul3A_39 : i32
      %multiple_of3A_41 = tpu.assume_multiple %add3A_40, 256 : i32
      %rem3A_42 = arith.constant 2 : i32
      %rem3A_43 = arith.remsi %scan3A_19, %rem3A_42 : i32
      "tpu.region"() ({
        %run_scoped3A = tpu.sem_alloc : memref<!tpu.dma_semaphore, #tpu.memory_space<semaphore_mem>>
        %dma_start3A_44 = arith.constant 0 : i32
        %dma_start3A_45 = arith.constant 0 : i32
        %dma_start3A_46 = tpu.memref_slice %arg6[%rem3A_43, %dma_start3A_44, %dma_start3A_45] : memref<2x256x128xf32, #tpu.memory_space<vmem>> -> memref<1x256x128xf32, #tpu.memory_space<vmem>>
        %dma_start3A_47 = tpu.memref_squeeze %dma_start3A_46 : memref<1x256x128xf32, #tpu.memory_space<vmem>> -> memref<256x128xf32, #tpu.memory_space<vmem>>
        %dma_start3A_48 = arith.constant 0 : i32
        %dma_start3A_49 = tpu.memref_slice %arg4[%multiple_of3A_41, %dma_start3A_48] : memref<73728x128xf32, #tpu.memory_space<hbm>> -> memref<256x128xf32, #tpu.memory_space<hbm>>
        %dma_start3A_50 = arith.constant 0 : i32
        %dma_start3A_51 = tpu.memref_slice %arg4[%multiple_of3A_41, %dma_start3A_50] : memref<73728x128xf32, #tpu.memory_space<hbm>> -> memref<256x128xf32, #tpu.memory_space<hbm>>
        %dma_start3A_52 = arith.constant 0 : i32
        %dma_start3A_53 = arith.constant 0 : i32
        %dma_start3A_54 = tpu.memref_slice %arg6[%rem3A_43, %dma_start3A_52, %dma_start3A_53] : memref<2x256x128xf32, #tpu.memory_space<vmem>> -> memref<1x256x128xf32, #tpu.memory_space<vmem>>
        %dma_start3A_55 = tpu.memref_squeeze %dma_start3A_54 : memref<1x256x128xf32, #tpu.memory_space<vmem>> -> memref<256x128xf32, #tpu.memory_space<vmem>>
        tpu.enqueue_dma source(%dma_start3A_55 : memref<256x128xf32, #tpu.memory_space<vmem>>) target(%dma_start3A_51 : memref<256x128xf32, #tpu.memory_space<hbm>>) target_semaphore(%run_scoped3A : memref<!tpu.dma_semaphore, #tpu.memory_space<semaphore_mem>>)
        %dma_wait3A_56 = arith.constant 0 : i32
        %dma_wait3A_57 = arith.constant 0 : i32
        %dma_wait3A_58 = tpu.memref_slice %arg6[%rem3A_43, %dma_wait3A_56, %dma_wait3A_57] : memref<2x256x128xf32, #tpu.memory_space<vmem>> -> memref<1x256x128xf32, #tpu.memory_space<vmem>>
        %dma_wait3A_59 = tpu.memref_squeeze %dma_wait3A_58 : memref<1x256x128xf32, #tpu.memory_space<vmem>> -> memref<256x128xf32, #tpu.memory_space<vmem>>
        %dma_wait3A_60 = arith.constant 0 : i32
        %dma_wait3A_61 = tpu.memref_slice %arg4[%multiple_of3A_41, %dma_wait3A_60] : memref<73728x128xf32, #tpu.memory_space<hbm>> -> memref<256x128xf32, #tpu.memory_space<hbm>>
        %dma_wait3A_62 = arith.constant 0 : i32
        %dma_wait3A_63 = tpu.memref_slice %arg4[%multiple_of3A_41, %dma_wait3A_62] : memref<73728x128xf32, #tpu.memory_space<hbm>> -> memref<256x128xf32, #tpu.memory_space<hbm>>
        %dma_wait3A_64 = arith.constant 0 : i32
        %dma_wait3A_65 = arith.constant 0 : i32
        %dma_wait3A_66 = tpu.memref_slice %arg6[%rem3A_43, %dma_wait3A_64, %dma_wait3A_65] : memref<2x256x128xf32, #tpu.memory_space<vmem>> -> memref<1x256x128xf32, #tpu.memory_space<vmem>>
        %dma_wait3A_67 = tpu.memref_squeeze %dma_wait3A_66 : memref<1x256x128xf32, #tpu.memory_space<vmem>> -> memref<256x128xf32, #tpu.memory_space<vmem>>
        tpu.wait_dma2 semaphore(%run_scoped3A : memref<!tpu.dma_semaphore, #tpu.memory_space<semaphore_mem>>) src(%dma_wait3A_67 : memref<256x128xf32, #tpu.memory_space<vmem>>) dst(%dma_wait3A_63 : memref<256x128xf32, #tpu.memory_space<hbm>>)
        tpu.yield
      }) : () -> ()
    }
    %scan3A_18 = arith.constant 9 : i32
    return
  }
}

#map = affine_map<(d0, d1) -> (0, 0)>
#map1 = affine_map<(d0, d1) -> (0)>
module attributes {stable_mosaic.version = 14 : i64} {
  func.func @body(%arg0: i32, %arg1: i32, %arg2: memref<8192x128xf32, #tpu.memory_space<hbm>>, %arg3: memref<73728xi32, #tpu.memory_space<hbm>>, %arg4: memref<73728x128xf32, #tpu.memory_space<hbm>>, %arg5: memref<2304xi32, #tpu.memory_space<vmem>>, %arg6: memref<2x256x128xf32, #tpu.memory_space<vmem>>, %arg7: memref<!tpu.dma_semaphore, #tpu.memory_space<semaphore_mem>>) attributes {dimension_semantics = [#tpu.dimension_semantics<core_parallel>, #tpu.dimension_semantics<subcore_parallel>], iteration_bounds = array<i64: 2, 16>, scalar_prefetch = 0 : i64, scratch_operands = 3 : i64, tpu.core_type = #tpu.core_type<sc_vector_subcore>, window_params = [{transform_indices = #map}, {transform_indices = #map1}, {transform_indices = #map}]} {
    %mul3A = arith.constant 2 : i32
    %mul3A_0 = arith.muli %arg1, %mul3A : i32
    %add3A = arith.addi %mul3A_0, %arg0 : i32
    %mul3A_1 = arith.constant 2304 : i32
    %mul3A_2 = arith.muli %add3A, %mul3A_1 : i32
    %multiple_of3A = tpu.assume_multiple %mul3A_2, 256 : i32
    "tpu.region"() ({
      %run_scoped3A = tpu.sem_alloc : memref<!tpu.dma_semaphore, #tpu.memory_space<semaphore_mem>>
      %dma_start3A_19 = tpu.memref_slice %arg3[%multiple_of3A] : memref<73728xi32, #tpu.memory_space<hbm>> -> memref<2304xi32, #tpu.memory_space<hbm>>
      %dma_start3A_20 = tpu.memref_slice %arg3[%multiple_of3A] : memref<73728xi32, #tpu.memory_space<hbm>> -> memref<2304xi32, #tpu.memory_space<hbm>>
      tpu.enqueue_dma source(%dma_start3A_20 : memref<2304xi32, #tpu.memory_space<hbm>>) target(%arg5 : memref<2304xi32, #tpu.memory_space<vmem>>) target_semaphore(%run_scoped3A : memref<!tpu.dma_semaphore, #tpu.memory_space<semaphore_mem>>)
      %dma_wait3A = tpu.memref_slice %arg3[%multiple_of3A] : memref<73728xi32, #tpu.memory_space<hbm>> -> memref<2304xi32, #tpu.memory_space<hbm>>
      %dma_wait3A_21 = tpu.memref_slice %arg3[%multiple_of3A] : memref<73728xi32, #tpu.memory_space<hbm>> -> memref<2304xi32, #tpu.memory_space<hbm>>
      tpu.wait_dma2 semaphore(%run_scoped3A : memref<!tpu.dma_semaphore, #tpu.memory_space<semaphore_mem>>) src(%dma_wait3A_21 : memref<2304xi32, #tpu.memory_space<hbm>>) dst(%arg5 : memref<2304xi32, #tpu.memory_space<vmem>>)
      tpu.yield
    }) : () -> ()
    %multiple_of3A_3 = arith.constant 0 : i32
    %multiple_of3A_4 = tpu.assume_multiple %multiple_of3A_3, 256 : i32
    %rem3A = arith.constant 0 : i32
    %rem3A_5 = arith.constant 2 : i32
    %rem3A_6 = arith.remsi %rem3A, %rem3A_5 : i32
    %dma_start3A = arith.constant 0 : i32
    %dma_start3A_7 = arith.constant 0 : i32
    %dma_start3A_8 = tpu.memref_slice %arg6[%rem3A_6, %dma_start3A, %dma_start3A_7] : memref<2x256x128xf32, #tpu.memory_space<vmem>> -> memref<1x256x128xf32, #tpu.memory_space<vmem>>
    %dma_start3A_9 = tpu.memref_squeeze %dma_start3A_8 : memref<1x256x128xf32, #tpu.memory_space<vmem>> -> memref<256x128xf32, #tpu.memory_space<vmem>>
    %dma_start3A_10 = tpu.memref_slice %arg5[%multiple_of3A_4] : memref<2304xi32, #tpu.memory_space<vmem>> -> memref<256xi32, #tpu.memory_space<vmem>>
    %dma_start3A_11 = arith.constant 0 : i32
    %dma_start3A_12 = arith.constant 0 : i32
    %dma_start3A_13 = tpu.memref_slice %arg2[%dma_start3A_11, %dma_start3A_12] : memref<8192x128xf32, #tpu.memory_space<hbm>> -> memref<8192x128xf32, #tpu.memory_space<hbm>>
    tpu.enqueue_indirect_dma source(%dma_start3A_13 : memref<8192x128xf32, #tpu.memory_space<hbm>>) target(%dma_start3A_9 : memref<256x128xf32, #tpu.memory_space<vmem>>) offsets(%dma_start3A_10 : memref<256xi32, #tpu.memory_space<vmem>>) semaphore(%arg7 : memref<!tpu.dma_semaphore, #tpu.memory_space<semaphore_mem>>)
    %scan3A = arith.constant 0 : i32
    %scan3A_14 = arith.constant 0 : i32
    %scan3A_15 = arith.constant 9 : i32
    %scan3A_16 = arith.addi %scan3A_14, %scan3A_15 : i32
    %scan3A_17 = arith.constant 1 : i32
    scf.for %scan3A_19 = %scan3A_14 to %scan3A_16 step %scan3A_17  : i32 {
      %add3A_20 = arith.constant 1 : i32
      %add3A_21 = arith.addi %scan3A_19, %add3A_20 : i32
      %lt3A = arith.constant 9 : i32
      %lt3A_22 = arith.cmpi slt, %add3A_21, %lt3A : i32
      %convert_element_type3A = arith.extui %lt3A_22 : i1 to i32
      %cond3A = arith.constant 0 : i32
      %cond3A_23 = arith.cmpi ne, %convert_element_type3A, %cond3A : i32
      scf.if %cond3A_23 {
        %add3A_44 = arith.constant 1 : i32
        %add3A_45 = arith.addi %scan3A_19, %add3A_44 : i32
        %mul3A_46 = arith.constant 256 : i32
        %mul3A_47 = arith.muli %add3A_45, %mul3A_46 : i32
        %multiple_of3A_48 = tpu.assume_multiple %mul3A_47, 256 : i32
        %rem3A_49 = arith.constant 2 : i32
        %rem3A_50 = arith.remsi %add3A_45, %rem3A_49 : i32
        %dma_start3A_51 = arith.constant 0 : i32
        %dma_start3A_52 = arith.constant 0 : i32
        %dma_start3A_53 = tpu.memref_slice %arg6[%rem3A_50, %dma_start3A_51, %dma_start3A_52] : memref<2x256x128xf32, #tpu.memory_space<vmem>> -> memref<1x256x128xf32, #tpu.memory_space<vmem>>
        %dma_start3A_54 = tpu.memref_squeeze %dma_start3A_53 : memref<1x256x128xf32, #tpu.memory_space<vmem>> -> memref<256x128xf32, #tpu.memory_space<vmem>>
        %dma_start3A_55 = tpu.memref_slice %arg5[%multiple_of3A_48] : memref<2304xi32, #tpu.memory_space<vmem>> -> memref<256xi32, #tpu.memory_space<vmem>>
        %dma_start3A_56 = arith.constant 0 : i32
        %dma_start3A_57 = arith.constant 0 : i32
        %dma_start3A_58 = tpu.memref_slice %arg2[%dma_start3A_56, %dma_start3A_57] : memref<8192x128xf32, #tpu.memory_space<hbm>> -> memref<8192x128xf32, #tpu.memory_space<hbm>>
        tpu.enqueue_indirect_dma source(%dma_start3A_58 : memref<8192x128xf32, #tpu.memory_space<hbm>>) target(%dma_start3A_54 : memref<256x128xf32, #tpu.memory_space<vmem>>) offsets(%dma_start3A_55 : memref<256xi32, #tpu.memory_space<vmem>>) semaphore(%arg7 : memref<!tpu.dma_semaphore, #tpu.memory_space<semaphore_mem>>)
      } else {
      }
      %mul3A_24 = arith.constant 256 : i32
      %mul3A_25 = arith.muli %scan3A_19, %mul3A_24 : i32
      %multiple_of3A_26 = tpu.assume_multiple %mul3A_25, 256 : i32
      %rem3A_27 = arith.constant 2 : i32
      %rem3A_28 = arith.remsi %scan3A_19, %rem3A_27 : i32
      %dma_wait3A = arith.constant 0 : i32
      %dma_wait3A_29 = arith.constant 0 : i32
      %dma_wait3A_30 = tpu.memref_slice %arg6[%rem3A_28, %dma_wait3A, %dma_wait3A_29] : memref<2x256x128xf32, #tpu.memory_space<vmem>> -> memref<1x256x128xf32, #tpu.memory_space<vmem>>
      %dma_wait3A_31 = tpu.memref_squeeze %dma_wait3A_30 : memref<1x256x128xf32, #tpu.memory_space<vmem>> -> memref<256x128xf32, #tpu.memory_space<vmem>>
      %dma_wait3A_32 = tpu.memref_slice %arg5[%multiple_of3A_26] : memref<2304xi32, #tpu.memory_space<vmem>> -> memref<256xi32, #tpu.memory_space<vmem>>
      %dma_wait3A_33 = arith.constant 0 : i32
      %dma_wait3A_34 = arith.constant 0 : i32
      %dma_wait3A_35 = tpu.memref_slice %arg2[%dma_wait3A_33, %dma_wait3A_34] : memref<8192x128xf32, #tpu.memory_space<hbm>> -> memref<8192x128xf32, #tpu.memory_space<hbm>>
      tpu.wait_indirect_dma semaphore(%arg7 : memref<!tpu.dma_semaphore, #tpu.memory_space<semaphore_mem>>) src(%dma_wait3A_35 : memref<8192x128xf32, #tpu.memory_space<hbm>>) dst(%dma_wait3A_31 : memref<256x128xf32, #tpu.memory_space<vmem>>)
      %mul3A_36 = arith.constant 2304 : i32
      %mul3A_37 = arith.muli %add3A, %mul3A_36 : i32
      %mul3A_38 = arith.constant 256 : i32
      %mul3A_39 = arith.muli %scan3A_19, %mul3A_38 : i32
      %add3A_40 = arith.addi %mul3A_37, %mul3A_39 : i32
      %multiple_of3A_41 = tpu.assume_multiple %add3A_40, 256 : i32
      %rem3A_42 = arith.constant 2 : i32
      %rem3A_43 = arith.remsi %scan3A_19, %rem3A_42 : i32
      "tpu.region"() ({
        %run_scoped3A = tpu.sem_alloc : memref<!tpu.dma_semaphore, #tpu.memory_space<semaphore_mem>>
        %dma_start3A_44 = arith.constant 0 : i32
        %dma_start3A_45 = arith.constant 0 : i32
        %dma_start3A_46 = tpu.memref_slice %arg6[%rem3A_43, %dma_start3A_44, %dma_start3A_45] : memref<2x256x128xf32, #tpu.memory_space<vmem>> -> memref<1x256x128xf32, #tpu.memory_space<vmem>>
        %dma_start3A_47 = tpu.memref_squeeze %dma_start3A_46 : memref<1x256x128xf32, #tpu.memory_space<vmem>> -> memref<256x128xf32, #tpu.memory_space<vmem>>
        %dma_start3A_48 = arith.constant 0 : i32
        %dma_start3A_49 = tpu.memref_slice %arg4[%multiple_of3A_41, %dma_start3A_48] : memref<73728x128xf32, #tpu.memory_space<hbm>> -> memref<256x128xf32, #tpu.memory_space<hbm>>
        %dma_start3A_50 = arith.constant 0 : i32
        %dma_start3A_51 = tpu.memref_slice %arg4[%multiple_of3A_41, %dma_start3A_50] : memref<73728x128xf32, #tpu.memory_space<hbm>> -> memref<256x128xf32, #tpu.memory_space<hbm>>
        %dma_start3A_52 = arith.constant 0 : i32
        %dma_start3A_53 = arith.constant 0 : i32
        %dma_start3A_54 = tpu.memref_slice %arg6[%rem3A_43, %dma_start3A_52, %dma_start3A_53] : memref<2x256x128xf32, #tpu.memory_space<vmem>> -> memref<1x256x128xf32, #tpu.memory_space<vmem>>
        %dma_start3A_55 = tpu.memref_squeeze %dma_start3A_54 : memref<1x256x128xf32, #tpu.memory_space<vmem>> -> memref<256x128xf32, #tpu.memory_space<vmem>>
        tpu.enqueue_dma source(%dma_start3A_55 : memref<256x128xf32, #tpu.memory_space<vmem>>) target(%dma_start3A_51 : memref<256x128xf32, #tpu.memory_space<hbm>>) target_semaphore(%run_scoped3A : memref<!tpu.dma_semaphore, #tpu.memory_space<semaphore_mem>>)
        %dma_wait3A_56 = arith.constant 0 : i32
        %dma_wait3A_57 = arith.constant 0 : i32
        %dma_wait3A_58 = tpu.memref_slice %arg6[%rem3A_43, %dma_wait3A_56, %dma_wait3A_57] : memref<2x256x128xf32, #tpu.memory_space<vmem>> -> memref<1x256x128xf32, #tpu.memory_space<vmem>>
        %dma_wait3A_59 = tpu.memref_squeeze %dma_wait3A_58 : memref<1x256x128xf32, #tpu.memory_space<vmem>> -> memref<256x128xf32, #tpu.memory_space<vmem>>
        %dma_wait3A_60 = arith.constant 0 : i32
        %dma_wait3A_61 = tpu.memref_slice %arg4[%multiple_of3A_41, %dma_wait3A_60] : memref<73728x128xf32, #tpu.memory_space<hbm>> -> memref<256x128xf32, #tpu.memory_space<hbm>>
        %dma_wait3A_62 = arith.constant 0 : i32
        %dma_wait3A_63 = tpu.memref_slice %arg4[%multiple_of3A_41, %dma_wait3A_62] : memref<73728x128xf32, #tpu.memory_space<hbm>> -> memref<256x128xf32, #tpu.memory_space<hbm>>
        %dma_wait3A_64 = arith.constant 0 : i32
        %dma_wait3A_65 = arith.constant 0 : i32
        %dma_wait3A_66 = tpu.memref_slice %arg6[%rem3A_43, %dma_wait3A_64, %dma_wait3A_65] : memref<2x256x128xf32, #tpu.memory_space<vmem>> -> memref<1x256x128xf32, #tpu.memory_space<vmem>>
        %dma_wait3A_67 = tpu.memref_squeeze %dma_wait3A_66 : memref<1x256x128xf32, #tpu.memory_space<vmem>> -> memref<256x128xf32, #tpu.memory_space<vmem>>
        tpu.wait_dma2 semaphore(%run_scoped3A : memref<!tpu.dma_semaphore, #tpu.memory_space<semaphore_mem>>) src(%dma_wait3A_67 : memref<256x128xf32, #tpu.memory_space<vmem>>) dst(%dma_wait3A_63 : memref<256x128xf32, #tpu.memory_space<hbm>>)
        tpu.yield
      }) : () -> ()
    }
    %scan3A_18 = arith.constant 9 : i32
    return
  }
}

module attributes {stable_mosaic.version = 14 : i64} {
  func.func @_knn_body(%arg0: i32, %arg1: i32, %arg2: memref<1x512x3xf32, #tpu.memory_space<vmem>>, %arg3: memref<1x3x8192xf32, #tpu.memory_space<vmem>>, %arg4: memref<1x512x1xf32, #tpu.memory_space<vmem>>, %arg5: memref<1x1x8192xf32, #tpu.memory_space<vmem>>, %arg6: memref<1x512x16xi32, #tpu.memory_space<vmem>>) attributes {dimension_semantics = [#tpu.dimension_semantics<arbitrary>, #tpu.dimension_semantics<arbitrary>], iteration_bounds = array<i64: 1, 16>, scalar_prefetch = 0 : i64, scratch_operands = 0 : i64, tpu.core_type = #tpu.core_type<tc>, window_params = [{transform_indices = @transform_0, window_bounds = array<i64: 1, 512, 3>}, {transform_indices = @transform_1, window_bounds = array<i64: 1, 3, 8192>}, {transform_indices = @transform_2, window_bounds = array<i64: 1, 512, 1>}, {transform_indices = @transform_3, window_bounds = array<i64: 1, 1, 8192>}, {transform_indices = @transform_4, window_bounds = array<i64: 1, 512, 16>}]} {
    %get3A = arith.constant 0 : index
    %get3A_0 = arith.constant 0 : index
    %get3A_1 = arith.constant 0 : index
    %get3A_2 = vector.load %arg2[%get3A, %get3A_0, %get3A_1] : memref<1x512x3xf32, #tpu.memory_space<vmem>>, vector<1x512x3xf32>
    %get3A_3 = vector.shape_cast %get3A_2 : vector<1x512x3xf32> to vector<512x3xf32>
    %get3A_4 = arith.constant 0 : index
    %get3A_5 = arith.constant 0 : index
    %get3A_6 = arith.constant 0 : index
    %get3A_7 = vector.load %arg3[%get3A_4, %get3A_5, %get3A_6] : memref<1x3x8192xf32, #tpu.memory_space<vmem>>, vector<1x3x8192xf32>
    %get3A_8 = vector.shape_cast %get3A_7 : vector<1x3x8192xf32> to vector<3x8192xf32>
    %dot_general3A = arith.constant dense<0.000000e+00> : vector<512x8192xf32>
    %dot_general3A_9 = tpu.matmul %get3A_3, %get3A_8, %dot_general3A {dimension_numbers = #tpu.dot_dimension_numbers<[1], [0], [0], [1], [0, 0, 1, 1], [], []>, transpose_lhs_hint = false} : vector<512x3xf32>, vector<3x8192xf32>, vector<512x8192xf32> -> vector<512x8192xf32>
    %get3A_10 = arith.constant 0 : index
    %get3A_11 = arith.constant 0 : index
    %get3A_12 = arith.constant 0 : index
    %get3A_13 = vector.load %arg4[%get3A_10, %get3A_11, %get3A_12] : memref<1x512x1xf32, #tpu.memory_space<vmem>>, vector<1x512x1xf32>
    %get3A_14 = vector.shape_cast %get3A_13 : vector<1x512x1xf32> to vector<512x1xf32>
    %get3A_15 = arith.constant 0 : index
    %get3A_16 = arith.constant 0 : index
    %get3A_17 = arith.constant 0 : index
    %get3A_18 = vector.load %arg5[%get3A_15, %get3A_16, %get3A_17] : memref<1x1x8192xf32, #tpu.memory_space<vmem>>, vector<1x1x8192xf32>
    %get3A_19 = vector.shape_cast %get3A_18 : vector<1x1x8192xf32> to vector<1x8192xf32>
    %add3A = vector.broadcast %get3A_14 : vector<512x1xf32> to vector<512x8192xf32>
    %add3A_20 = vector.broadcast %get3A_19 : vector<1x8192xf32> to vector<512x8192xf32>
    %add3A_21 = arith.addf %add3A, %add3A_20 : vector<512x8192xf32>
    %add3A_22 = arith.addf %add3A_21, %dot_general3A_9 : vector<512x8192xf32>
    %mul3A = arith.constant 8192 : i32
    %mul3A_23 = arith.muli %arg0, %mul3A : i32
    %broadcast_in_dim3A = arith.constant 2139095040 : i32
    %broadcast_in_dim3A_24 = vector.broadcast %broadcast_in_dim3A : i32 to vector<128x128xi32>
    %slice3A = vector.extract_strided_slice %add3A_22 {offsets = [0, 0], sizes = [128, 128], strides = [1, 1]} : vector<512x8192xf32> to vector<128x128xf32>
    %bitcast_convert_type3A = tpu.bitcast %slice3A : vector<128x128xf32> -> vector<128x128xi32>
    %and3A = arith.constant -64 : i32
    %and3A_25 = vector.broadcast %and3A : i32 to vector<128x128xi32>
    %and3A_26 = arith.andi %bitcast_convert_type3A, %and3A_25 : vector<128x128xi32>
    %or3A = arith.constant 0 : i32
    %or3A_27 = vector.broadcast %or3A : i32 to vector<128x128xi32>
    %or3A_28 = arith.ori %and3A_26, %or3A_27 : vector<128x128xi32>
    %max3A = arith.maxsi %broadcast_in_dim3A_24, %or3A_28 : vector<128x128xi32>
    %min3A = arith.minsi %broadcast_in_dim3A_24, %or3A_28 : vector<128x128xi32>
    %max3A_29 = arith.maxsi %broadcast_in_dim3A_24, %max3A : vector<128x128xi32>
    %min3A_30 = arith.minsi %broadcast_in_dim3A_24, %max3A : vector<128x128xi32>
    %min3A_31 = arith.minsi %broadcast_in_dim3A_24, %max3A_29 : vector<128x128xi32>
    %slice3A_32 = vector.extract_strided_slice %add3A_22 {offsets = [0, 128], sizes = [128, 128], strides = [1, 1]} : vector<512x8192xf32> to vector<128x128xf32>
    %bitcast_convert_type3A_33 = tpu.bitcast %slice3A_32 : vector<128x128xf32> -> vector<128x128xi32>
    %and3A_34 = arith.constant -64 : i32
    %and3A_35 = vector.broadcast %and3A_34 : i32 to vector<128x128xi32>
    %and3A_36 = arith.andi %bitcast_convert_type3A_33, %and3A_35 : vector<128x128xi32>
    %or3A_37 = arith.constant 1 : i32
    %or3A_38 = vector.broadcast %or3A_37 : i32 to vector<128x128xi32>
    %or3A_39 = arith.ori %and3A_36, %or3A_38 : vector<128x128xi32>
    %max3A_40 = arith.maxsi %min3A, %or3A_39 : vector<128x128xi32>
    %min3A_41 = arith.minsi %min3A, %or3A_39 : vector<128x128xi32>
    %max3A_42 = arith.maxsi %min3A_30, %max3A_40 : vector<128x128xi32>
    %min3A_43 = arith.minsi %min3A_30, %max3A_40 : vector<128x128xi32>
    %min3A_44 = arith.minsi %min3A_31, %max3A_42 : vector<128x128xi32>
    %slice3A_45 = vector.extract_strided_slice %add3A_22 {offsets = [0, 256], sizes = [128, 128], strides = [1, 1]} : vector<512x8192xf32> to vector<128x128xf32>
    %bitcast_convert_type3A_46 = tpu.bitcast %slice3A_45 : vector<128x128xf32> -> vector<128x128xi32>
    %and3A_47 = arith.constant -64 : i32
    %and3A_48 = vector.broadcast %and3A_47 : i32 to vector<128x128xi32>
    %and3A_49 = arith.andi %bitcast_convert_type3A_46, %and3A_48 : vector<128x128xi32>
    %or3A_50 = arith.constant 2 : i32
    %or3A_51 = vector.broadcast %or3A_50 : i32 to vector<128x128xi32>
    %or3A_52 = arith.ori %and3A_49, %or3A_51 : vector<128x128xi32>
    %max3A_53 = arith.maxsi %min3A_41, %or3A_52 : vector<128x128xi32>
    %min3A_54 = arith.minsi %min3A_41, %or3A_52 : vector<128x128xi32>
    %max3A_55 = arith.maxsi %min3A_43, %max3A_53 : vector<128x128xi32>
    %min3A_56 = arith.minsi %min3A_43, %max3A_53 : vector<128x128xi32>
    %min3A_57 = arith.minsi %min3A_44, %max3A_55 : vector<128x128xi32>
    %slice3A_58 = vector.extract_strided_slice %add3A_22 {offsets = [0, 384], sizes = [128, 128], strides = [1, 1]} : vector<512x8192xf32> to vector<128x128xf32>
    %bitcast_convert_type3A_59 = tpu.bitcast %slice3A_58 : vector<128x128xf32> -> vector<128x128xi32>
    %and3A_60 = arith.constant -64 : i32
    %and3A_61 = vector.broadcast %and3A_60 : i32 to vector<128x128xi32>
    %and3A_62 = arith.andi %bitcast_convert_type3A_59, %and3A_61 : vector<128x128xi32>
    %or3A_63 = arith.constant 3 : i32
    %or3A_64 = vector.broadcast %or3A_63 : i32 to vector<128x128xi32>
    %or3A_65 = arith.ori %and3A_62, %or3A_64 : vector<128x128xi32>
    %max3A_66 = arith.maxsi %min3A_54, %or3A_65 : vector<128x128xi32>
    %min3A_67 = arith.minsi %min3A_54, %or3A_65 : vector<128x128xi32>
    %max3A_68 = arith.maxsi %min3A_56, %max3A_66 : vector<128x128xi32>
    %min3A_69 = arith.minsi %min3A_56, %max3A_66 : vector<128x128xi32>
    %min3A_70 = arith.minsi %min3A_57, %max3A_68 : vector<128x128xi32>
    %slice3A_71 = vector.extract_strided_slice %add3A_22 {offsets = [0, 512], sizes = [128, 128], strides = [1, 1]} : vector<512x8192xf32> to vector<128x128xf32>
    %bitcast_convert_type3A_72 = tpu.bitcast %slice3A_71 : vector<128x128xf32> -> vector<128x128xi32>
    %and3A_73 = arith.constant -64 : i32
    %and3A_74 = vector.broadcast %and3A_73 : i32 to vector<128x128xi32>
    %and3A_75 = arith.andi %bitcast_convert_type3A_72, %and3A_74 : vector<128x128xi32>
    %or3A_76 = arith.constant 4 : i32
    %or3A_77 = vector.broadcast %or3A_76 : i32 to vector<128x128xi32>
    %or3A_78 = arith.ori %and3A_75, %or3A_77 : vector<128x128xi32>
    %max3A_79 = arith.maxsi %min3A_67, %or3A_78 : vector<128x128xi32>
    %min3A_80 = arith.minsi %min3A_67, %or3A_78 : vector<128x128xi32>
    %max3A_81 = arith.maxsi %min3A_69, %max3A_79 : vector<128x128xi32>
    %min3A_82 = arith.minsi %min3A_69, %max3A_79 : vector<128x128xi32>
    %min3A_83 = arith.minsi %min3A_70, %max3A_81 : vector<128x128xi32>
    %slice3A_84 = vector.extract_strided_slice %add3A_22 {offsets = [0, 640], sizes = [128, 128], strides = [1, 1]} : vector<512x8192xf32> to vector<128x128xf32>
    %bitcast_convert_type3A_85 = tpu.bitcast %slice3A_84 : vector<128x128xf32> -> vector<128x128xi32>
    %and3A_86 = arith.constant -64 : i32
    %and3A_87 = vector.broadcast %and3A_86 : i32 to vector<128x128xi32>
    %and3A_88 = arith.andi %bitcast_convert_type3A_85, %and3A_87 : vector<128x128xi32>
    %or3A_89 = arith.constant 5 : i32
    %or3A_90 = vector.broadcast %or3A_89 : i32 to vector<128x128xi32>
    %or3A_91 = arith.ori %and3A_88, %or3A_90 : vector<128x128xi32>
    %max3A_92 = arith.maxsi %min3A_80, %or3A_91 : vector<128x128xi32>
    %min3A_93 = arith.minsi %min3A_80, %or3A_91 : vector<128x128xi32>
    %max3A_94 = arith.maxsi %min3A_82, %max3A_92 : vector<128x128xi32>
    %min3A_95 = arith.minsi %min3A_82, %max3A_92 : vector<128x128xi32>
    %min3A_96 = arith.minsi %min3A_83, %max3A_94 : vector<128x128xi32>
    %slice3A_97 = vector.extract_strided_slice %add3A_22 {offsets = [0, 768], sizes = [128, 128], strides = [1, 1]} : vector<512x8192xf32> to vector<128x128xf32>
    %bitcast_convert_type3A_98 = tpu.bitcast %slice3A_97 : vector<128x128xf32> -> vector<128x128xi32>
    %and3A_99 = arith.constant -64 : i32
    %and3A_100 = vector.broadcast %and3A_99 : i32 to vector<128x128xi32>
    %and3A_101 = arith.andi %bitcast_convert_type3A_98, %and3A_100 : vector<128x128xi32>
    %or3A_102 = arith.constant 6 : i32
    %or3A_103 = vector.broadcast %or3A_102 : i32 to vector<128x128xi32>
    %or3A_104 = arith.ori %and3A_101, %or3A_103 : vector<128x128xi32>
    %max3A_105 = arith.maxsi %min3A_93, %or3A_104 : vector<128x128xi32>
    %min3A_106 = arith.minsi %min3A_93, %or3A_104 : vector<128x128xi32>
    %max3A_107 = arith.maxsi %min3A_95, %max3A_105 : vector<128x128xi32>
    %min3A_108 = arith.minsi %min3A_95, %max3A_105 : vector<128x128xi32>
    %min3A_109 = arith.minsi %min3A_96, %max3A_107 : vector<128x128xi32>
    %slice3A_110 = vector.extract_strided_slice %add3A_22 {offsets = [0, 896], sizes = [128, 128], strides = [1, 1]} : vector<512x8192xf32> to vector<128x128xf32>
    %bitcast_convert_type3A_111 = tpu.bitcast %slice3A_110 : vector<128x128xf32> -> vector<128x128xi32>
    %and3A_112 = arith.constant -64 : i32
    %and3A_113 = vector.broadcast %and3A_112 : i32 to vector<128x128xi32>
    %and3A_114 = arith.andi %bitcast_convert_type3A_111, %and3A_113 : vector<128x128xi32>
    %or3A_115 = arith.constant 7 : i32
    %or3A_116 = vector.broadcast %or3A_115 : i32 to vector<128x128xi32>
    %or3A_117 = arith.ori %and3A_114, %or3A_116 : vector<128x128xi32>
    %max3A_118 = arith.maxsi %min3A_106, %or3A_117 : vector<128x128xi32>
    %min3A_119 = arith.minsi %min3A_106, %or3A_117 : vector<128x128xi32>
    %max3A_120 = arith.maxsi %min3A_108, %max3A_118 : vector<128x128xi32>
    %min3A_121 = arith.minsi %min3A_108, %max3A_118 : vector<128x128xi32>
    %min3A_122 = arith.minsi %min3A_109, %max3A_120 : vector<128x128xi32>
    %slice3A_123 = vector.extract_strided_slice %add3A_22 {offsets = [0, 1024], sizes = [128, 128], strides = [1, 1]} : vector<512x8192xf32> to vector<128x128xf32>
    %bitcast_convert_type3A_124 = tpu.bitcast %slice3A_123 : vector<128x128xf32> -> vector<128x128xi32>
    %and3A_125 = arith.constant -64 : i32
    %and3A_126 = vector.broadcast %and3A_125 : i32 to vector<128x128xi32>
    %and3A_127 = arith.andi %bitcast_convert_type3A_124, %and3A_126 : vector<128x128xi32>
    %or3A_128 = arith.constant 8 : i32
    %or3A_129 = vector.broadcast %or3A_128 : i32 to vector<128x128xi32>
    %or3A_130 = arith.ori %and3A_127, %or3A_129 : vector<128x128xi32>
    %max3A_131 = arith.maxsi %min3A_119, %or3A_130 : vector<128x128xi32>
    %min3A_132 = arith.minsi %min3A_119, %or3A_130 : vector<128x128xi32>
    %max3A_133 = arith.maxsi %min3A_121, %max3A_131 : vector<128x128xi32>
    %min3A_134 = arith.minsi %min3A_121, %max3A_131 : vector<128x128xi32>
    %min3A_135 = arith.minsi %min3A_122, %max3A_133 : vector<128x128xi32>
    %slice3A_136 = vector.extract_strided_slice %add3A_22 {offsets = [0, 1152], sizes = [128, 128], strides = [1, 1]} : vector<512x8192xf32> to vector<128x128xf32>
    %bitcast_convert_type3A_137 = tpu.bitcast %slice3A_136 : vector<128x128xf32> -> vector<128x128xi32>
    %and3A_138 = arith.constant -64 : i32
    %and3A_139 = vector.broadcast %and3A_138 : i32 to vector<128x128xi32>
    %and3A_140 = arith.andi %bitcast_convert_type3A_137, %and3A_139 : vector<128x128xi32>
    %or3A_141 = arith.constant 9 : i32
    %or3A_142 = vector.broadcast %or3A_141 : i32 to vector<128x128xi32>
    %or3A_143 = arith.ori %and3A_140, %or3A_142 : vector<128x128xi32>
    %max3A_144 = arith.maxsi %min3A_132, %or3A_143 : vector<128x128xi32>
    %min3A_145 = arith.minsi %min3A_132, %or3A_143 : vector<128x128xi32>
    %max3A_146 = arith.maxsi %min3A_134, %max3A_144 : vector<128x128xi32>
    %min3A_147 = arith.minsi %min3A_134, %max3A_144 : vector<128x128xi32>
    %min3A_148 = arith.minsi %min3A_135, %max3A_146 : vector<128x128xi32>
    %slice3A_149 = vector.extract_strided_slice %add3A_22 {offsets = [0, 1280], sizes = [128, 128], strides = [1, 1]} : vector<512x8192xf32> to vector<128x128xf32>
    %bitcast_convert_type3A_150 = tpu.bitcast %slice3A_149 : vector<128x128xf32> -> vector<128x128xi32>
    %and3A_151 = arith.constant -64 : i32
    %and3A_152 = vector.broadcast %and3A_151 : i32 to vector<128x128xi32>
    %and3A_153 = arith.andi %bitcast_convert_type3A_150, %and3A_152 : vector<128x128xi32>
    %or3A_154 = arith.constant 10 : i32
    %or3A_155 = vector.broadcast %or3A_154 : i32 to vector<128x128xi32>
    %or3A_156 = arith.ori %and3A_153, %or3A_155 : vector<128x128xi32>
    %max3A_157 = arith.maxsi %min3A_145, %or3A_156 : vector<128x128xi32>
    %min3A_158 = arith.minsi %min3A_145, %or3A_156 : vector<128x128xi32>
    %max3A_159 = arith.maxsi %min3A_147, %max3A_157 : vector<128x128xi32>
    %min3A_160 = arith.minsi %min3A_147, %max3A_157 : vector<128x128xi32>
    %min3A_161 = arith.minsi %min3A_148, %max3A_159 : vector<128x128xi32>
    %slice3A_162 = vector.extract_strided_slice %add3A_22 {offsets = [0, 1408], sizes = [128, 128], strides = [1, 1]} : vector<512x8192xf32> to vector<128x128xf32>
    %bitcast_convert_type3A_163 = tpu.bitcast %slice3A_162 : vector<128x128xf32> -> vector<128x128xi32>
    %and3A_164 = arith.constant -64 : i32
    %and3A_165 = vector.broadcast %and3A_164 : i32 to vector<128x128xi32>
    %and3A_166 = arith.andi %bitcast_convert_type3A_163, %and3A_165 : vector<128x128xi32>
    %or3A_167 = arith.constant 11 : i32
    %or3A_168 = vector.broadcast %or3A_167 : i32 to vector<128x128xi32>
    %or3A_169 = arith.ori %and3A_166, %or3A_168 : vector<128x128xi32>
    %max3A_170 = arith.maxsi %min3A_158, %or3A_169 : vector<128x128xi32>
    %min3A_171 = arith.minsi %min3A_158, %or3A_169 : vector<128x128xi32>
    %max3A_172 = arith.maxsi %min3A_160, %max3A_170 : vector<128x128xi32>
    %min3A_173 = arith.minsi %min3A_160, %max3A_170 : vector<128x128xi32>
    %min3A_174 = arith.minsi %min3A_161, %max3A_172 : vector<128x128xi32>
    %slice3A_175 = vector.extract_strided_slice %add3A_22 {offsets = [0, 1536], sizes = [128, 128], strides = [1, 1]} : vector<512x8192xf32> to vector<128x128xf32>
    %bitcast_convert_type3A_176 = tpu.bitcast %slice3A_175 : vector<128x128xf32> -> vector<128x128xi32>
    %and3A_177 = arith.constant -64 : i32
    %and3A_178 = vector.broadcast %and3A_177 : i32 to vector<128x128xi32>
    %and3A_179 = arith.andi %bitcast_convert_type3A_176, %and3A_178 : vector<128x128xi32>
    %or3A_180 = arith.constant 12 : i32
    %or3A_181 = vector.broadcast %or3A_180 : i32 to vector<128x128xi32>
    %or3A_182 = arith.ori %and3A_179, %or3A_181 : vector<128x128xi32>
    %max3A_183 = arith.maxsi %min3A_171, %or3A_182 : vector<128x128xi32>
    %min3A_184 = arith.minsi %min3A_171, %or3A_182 : vector<128x128xi32>
    %max3A_185 = arith.maxsi %min3A_173, %max3A_183 : vector<128x128xi32>
    %min3A_186 = arith.minsi %min3A_173, %max3A_183 : vector<128x128xi32>
    %min3A_187 = arith.minsi %min3A_174, %max3A_185 : vector<128x128xi32>
    %slice3A_188 = vector.extract_strided_slice %add3A_22 {offsets = [0, 1664], sizes = [128, 128], strides = [1, 1]} : vector<512x8192xf32> to vector<128x128xf32>
    %bitcast_convert_type3A_189 = tpu.bitcast %slice3A_188 : vector<128x128xf32> -> vector<128x128xi32>
    %and3A_190 = arith.constant -64 : i32
    %and3A_191 = vector.broadcast %and3A_190 : i32 to vector<128x128xi32>
    %and3A_192 = arith.andi %bitcast_convert_type3A_189, %and3A_191 : vector<128x128xi32>
    %or3A_193 = arith.constant 13 : i32
    %or3A_194 = vector.broadcast %or3A_193 : i32 to vector<128x128xi32>
    %or3A_195 = arith.ori %and3A_192, %or3A_194 : vector<128x128xi32>
    %max3A_196 = arith.maxsi %min3A_184, %or3A_195 : vector<128x128xi32>
    %min3A_197 = arith.minsi %min3A_184, %or3A_195 : vector<128x128xi32>
    %max3A_198 = arith.maxsi %min3A_186, %max3A_196 : vector<128x128xi32>
    %min3A_199 = arith.minsi %min3A_186, %max3A_196 : vector<128x128xi32>
    %min3A_200 = arith.minsi %min3A_187, %max3A_198 : vector<128x128xi32>
    %slice3A_201 = vector.extract_strided_slice %add3A_22 {offsets = [0, 1792], sizes = [128, 128], strides = [1, 1]} : vector<512x8192xf32> to vector<128x128xf32>
    %bitcast_convert_type3A_202 = tpu.bitcast %slice3A_201 : vector<128x128xf32> -> vector<128x128xi32>
    %and3A_203 = arith.constant -64 : i32
    %and3A_204 = vector.broadcast %and3A_203 : i32 to vector<128x128xi32>
    %and3A_205 = arith.andi %bitcast_convert_type3A_202, %and3A_204 : vector<128x128xi32>
    %or3A_206 = arith.constant 14 : i32
    %or3A_207 = vector.broadcast %or3A_206 : i32 to vector<128x128xi32>
    %or3A_208 = arith.ori %and3A_205, %or3A_207 : vector<128x128xi32>
    %max3A_209 = arith.maxsi %min3A_197, %or3A_208 : vector<128x128xi32>
    %min3A_210 = arith.minsi %min3A_197, %or3A_208 : vector<128x128xi32>
    %max3A_211 = arith.maxsi %min3A_199, %max3A_209 : vector<128x128xi32>
    %min3A_212 = arith.minsi %min3A_199, %max3A_209 : vector<128x128xi32>
    %min3A_213 = arith.minsi %min3A_200, %max3A_211 : vector<128x128xi32>
    %slice3A_214 = vector.extract_strided_slice %add3A_22 {offsets = [0, 1920], sizes = [128, 128], strides = [1, 1]} : vector<512x8192xf32> to vector<128x128xf32>
    %bitcast_convert_type3A_215 = tpu.bitcast %slice3A_214 : vector<128x128xf32> -> vector<128x128xi32>
    %and3A_216 = arith.constant -64 : i32
    %and3A_217 = vector.broadcast %and3A_216 : i32 to vector<128x128xi32>
    %and3A_218 = arith.andi %bitcast_convert_type3A_215, %and3A_217 : vector<128x128xi32>
    %or3A_219 = arith.constant 15 : i32
    %or3A_220 = vector.broadcast %or3A_219 : i32 to vector<128x128xi32>
    %or3A_221 = arith.ori %and3A_218, %or3A_220 : vector<128x128xi32>
    %max3A_222 = arith.maxsi %min3A_210, %or3A_221 : vector<128x128xi32>
    %min3A_223 = arith.minsi %min3A_210, %or3A_221 : vector<128x128xi32>
    %max3A_224 = arith.maxsi %min3A_212, %max3A_222 : vector<128x128xi32>
    %min3A_225 = arith.minsi %min3A_212, %max3A_222 : vector<128x128xi32>
    %min3A_226 = arith.minsi %min3A_213, %max3A_224 : vector<128x128xi32>
    %slice3A_227 = vector.extract_strided_slice %add3A_22 {offsets = [0, 2048], sizes = [128, 128], strides = [1, 1]} : vector<512x8192xf32> to vector<128x128xf32>
    %bitcast_convert_type3A_228 = tpu.bitcast %slice3A_227 : vector<128x128xf32> -> vector<128x128xi32>
    %and3A_229 = arith.constant -64 : i32
    %and3A_230 = vector.broadcast %and3A_229 : i32 to vector<128x128xi32>
    %and3A_231 = arith.andi %bitcast_convert_type3A_228, %and3A_230 : vector<128x128xi32>
    %or3A_232 = arith.constant 16 : i32
    %or3A_233 = vector.broadcast %or3A_232 : i32 to vector<128x128xi32>
    %or3A_234 = arith.ori %and3A_231, %or3A_233 : vector<128x128xi32>
    %max3A_235 = arith.maxsi %min3A_223, %or3A_234 : vector<128x128xi32>
    %min3A_236 = arith.minsi %min3A_223, %or3A_234 : vector<128x128xi32>
    %max3A_237 = arith.maxsi %min3A_225, %max3A_235 : vector<128x128xi32>
    %min3A_238 = arith.minsi %min3A_225, %max3A_235 : vector<128x128xi32>
    %min3A_239 = arith.minsi %min3A_226, %max3A_237 : vector<128x128xi32>
    %slice3A_240 = vector.extract_strided_slice %add3A_22 {offsets = [0, 2176], sizes = [128, 128], strides = [1, 1]} : vector<512x8192xf32> to vector<128x128xf32>
    %bitcast_convert_type3A_241 = tpu.bitcast %slice3A_240 : vector<128x128xf32> -> vector<128x128xi32>
    %and3A_242 = arith.constant -64 : i32
    %and3A_243 = vector.broadcast %and3A_242 : i32 to vector<128x128xi32>
    %and3A_244 = arith.andi %bitcast_convert_type3A_241, %and3A_243 : vector<128x128xi32>
    %or3A_245 = arith.constant 17 : i32
    %or3A_246 = vector.broadcast %or3A_245 : i32 to vector<128x128xi32>
    %or3A_247 = arith.ori %and3A_244, %or3A_246 : vector<128x128xi32>
    %max3A_248 = arith.maxsi %min3A_236, %or3A_247 : vector<128x128xi32>
    %min3A_249 = arith.minsi %min3A_236, %or3A_247 : vector<128x128xi32>
    %max3A_250 = arith.maxsi %min3A_238, %max3A_248 : vector<128x128xi32>
    %min3A_251 = arith.minsi %min3A_238, %max3A_248 : vector<128x128xi32>
    %min3A_252 = arith.minsi %min3A_239, %max3A_250 : vector<128x128xi32>
    %slice3A_253 = vector.extract_strided_slice %add3A_22 {offsets = [0, 2304], sizes = [128, 128], strides = [1, 1]} : vector<512x8192xf32> to vector<128x128xf32>
    %bitcast_convert_type3A_254 = tpu.bitcast %slice3A_253 : vector<128x128xf32> -> vector<128x128xi32>
    %and3A_255 = arith.constant -64 : i32
    %and3A_256 = vector.broadcast %and3A_255 : i32 to vector<128x128xi32>
    %and3A_257 = arith.andi %bitcast_convert_type3A_254, %and3A_256 : vector<128x128xi32>
    %or3A_258 = arith.constant 18 : i32
    %or3A_259 = vector.broadcast %or3A_258 : i32 to vector<128x128xi32>
    %or3A_260 = arith.ori %and3A_257, %or3A_259 : vector<128x128xi32>
    %max3A_261 = arith.maxsi %min3A_249, %or3A_260 : vector<128x128xi32>
    %min3A_262 = arith.minsi %min3A_249, %or3A_260 : vector<128x128xi32>
    %max3A_263 = arith.maxsi %min3A_251, %max3A_261 : vector<128x128xi32>
    %min3A_264 = arith.minsi %min3A_251, %max3A_261 : vector<128x128xi32>
    %min3A_265 = arith.minsi %min3A_252, %max3A_263 : vector<128x128xi32>
    %slice3A_266 = vector.extract_strided_slice %add3A_22 {offsets = [0, 2432], sizes = [128, 128], strides = [1, 1]} : vector<512x8192xf32> to vector<128x128xf32>
    %bitcast_convert_type3A_267 = tpu.bitcast %slice3A_266 : vector<128x128xf32> -> vector<128x128xi32>
    %and3A_268 = arith.constant -64 : i32
    %and3A_269 = vector.broadcast %and3A_268 : i32 to vector<128x128xi32>
    %and3A_270 = arith.andi %bitcast_convert_type3A_267, %and3A_269 : vector<128x128xi32>
    %or3A_271 = arith.constant 19 : i32
    %or3A_272 = vector.broadcast %or3A_271 : i32 to vector<128x128xi32>
    %or3A_273 = arith.ori %and3A_270, %or3A_272 : vector<128x128xi32>
    %max3A_274 = arith.maxsi %min3A_262, %or3A_273 : vector<128x128xi32>
    %min3A_275 = arith.minsi %min3A_262, %or3A_273 : vector<128x128xi32>
    %max3A_276 = arith.maxsi %min3A_264, %max3A_274 : vector<128x128xi32>
    %min3A_277 = arith.minsi %min3A_264, %max3A_274 : vector<128x128xi32>
    %min3A_278 = arith.minsi %min3A_265, %max3A_276 : vector<128x128xi32>
    %slice3A_279 = vector.extract_strided_slice %add3A_22 {offsets = [0, 2560], sizes = [128, 128], strides = [1, 1]} : vector<512x8192xf32> to vector<128x128xf32>
    %bitcast_convert_type3A_280 = tpu.bitcast %slice3A_279 : vector<128x128xf32> -> vector<128x128xi32>
    %and3A_281 = arith.constant -64 : i32
    %and3A_282 = vector.broadcast %and3A_281 : i32 to vector<128x128xi32>
    %and3A_283 = arith.andi %bitcast_convert_type3A_280, %and3A_282 : vector<128x128xi32>
    %or3A_284 = arith.constant 20 : i32
    %or3A_285 = vector.broadcast %or3A_284 : i32 to vector<128x128xi32>
    %or3A_286 = arith.ori %and3A_283, %or3A_285 : vector<128x128xi32>
    %max3A_287 = arith.maxsi %min3A_275, %or3A_286 : vector<128x128xi32>
    %min3A_288 = arith.minsi %min3A_275, %or3A_286 : vector<128x128xi32>
    %max3A_289 = arith.maxsi %min3A_277, %max3A_287 : vector<128x128xi32>
    %min3A_290 = arith.minsi %min3A_277, %max3A_287 : vector<128x128xi32>
    %min3A_291 = arith.minsi %min3A_278, %max3A_289 : vector<128x128xi32>
    %slice3A_292 = vector.extract_strided_slice %add3A_22 {offsets = [0, 2688], sizes = [128, 128], strides = [1, 1]} : vector<512x8192xf32> to vector<128x128xf32>
    %bitcast_convert_type3A_293 = tpu.bitcast %slice3A_292 : vector<128x128xf32> -> vector<128x128xi32>
    %and3A_294 = arith.constant -64 : i32
    %and3A_295 = vector.broadcast %and3A_294 : i32 to vector<128x128xi32>
    %and3A_296 = arith.andi %bitcast_convert_type3A_293, %and3A_295 : vector<128x128xi32>
    %or3A_297 = arith.constant 21 : i32
    %or3A_298 = vector.broadcast %or3A_297 : i32 to vector<128x128xi32>
    %or3A_299 = arith.ori %and3A_296, %or3A_298 : vector<128x128xi32>
    %max3A_300 = arith.maxsi %min3A_288, %or3A_299 : vector<128x128xi32>
    %min3A_301 = arith.minsi %min3A_288, %or3A_299 : vector<128x128xi32>
    %max3A_302 = arith.maxsi %min3A_290, %max3A_300 : vector<128x128xi32>
    %min3A_303 = arith.minsi %min3A_290, %max3A_300 : vector<128x128xi32>
    %min3A_304 = arith.minsi %min3A_291, %max3A_302 : vector<128x128xi32>
    %slice3A_305 = vector.extract_strided_slice %add3A_22 {offsets = [0, 2816], sizes = [128, 128], strides = [1, 1]} : vector<512x8192xf32> to vector<128x128xf32>
    %bitcast_convert_type3A_306 = tpu.bitcast %slice3A_305 : vector<128x128xf32> -> vector<128x128xi32>
    %and3A_307 = arith.constant -64 : i32
    %and3A_308 = vector.broadcast %and3A_307 : i32 to vector<128x128xi32>
    %and3A_309 = arith.andi %bitcast_convert_type3A_306, %and3A_308 : vector<128x128xi32>
    %or3A_310 = arith.constant 22 : i32
    %or3A_311 = vector.broadcast %or3A_310 : i32 to vector<128x128xi32>
    %or3A_312 = arith.ori %and3A_309, %or3A_311 : vector<128x128xi32>
    %max3A_313 = arith.maxsi %min3A_301, %or3A_312 : vector<128x128xi32>
    %min3A_314 = arith.minsi %min3A_301, %or3A_312 : vector<128x128xi32>
    %max3A_315 = arith.maxsi %min3A_303, %max3A_313 : vector<128x128xi32>
    %min3A_316 = arith.minsi %min3A_303, %max3A_313 : vector<128x128xi32>
    %min3A_317 = arith.minsi %min3A_304, %max3A_315 : vector<128x128xi32>
    %slice3A_318 = vector.extract_strided_slice %add3A_22 {offsets = [0, 2944], sizes = [128, 128], strides = [1, 1]} : vector<512x8192xf32> to vector<128x128xf32>
    %bitcast_convert_type3A_319 = tpu.bitcast %slice3A_318 : vector<128x128xf32> -> vector<128x128xi32>
    %and3A_320 = arith.constant -64 : i32
    %and3A_321 = vector.broadcast %and3A_320 : i32 to vector<128x128xi32>
    %and3A_322 = arith.andi %bitcast_convert_type3A_319, %and3A_321 : vector<128x128xi32>
    %or3A_323 = arith.constant 23 : i32
    %or3A_324 = vector.broadcast %or3A_323 : i32 to vector<128x128xi32>
    %or3A_325 = arith.ori %and3A_322, %or3A_324 : vector<128x128xi32>
    %max3A_326 = arith.maxsi %min3A_314, %or3A_325 : vector<128x128xi32>
    %min3A_327 = arith.minsi %min3A_314, %or3A_325 : vector<128x128xi32>
    %max3A_328 = arith.maxsi %min3A_316, %max3A_326 : vector<128x128xi32>
    %min3A_329 = arith.minsi %min3A_316, %max3A_326 : vector<128x128xi32>
    %min3A_330 = arith.minsi %min3A_317, %max3A_328 : vector<128x128xi32>
    %slice3A_331 = vector.extract_strided_slice %add3A_22 {offsets = [0, 3072], sizes = [128, 128], strides = [1, 1]} : vector<512x8192xf32> to vector<128x128xf32>
    %bitcast_convert_type3A_332 = tpu.bitcast %slice3A_331 : vector<128x128xf32> -> vector<128x128xi32>
    %and3A_333 = arith.constant -64 : i32
    %and3A_334 = vector.broadcast %and3A_333 : i32 to vector<128x128xi32>
    %and3A_335 = arith.andi %bitcast_convert_type3A_332, %and3A_334 : vector<128x128xi32>
    %or3A_336 = arith.constant 24 : i32
    %or3A_337 = vector.broadcast %or3A_336 : i32 to vector<128x128xi32>
    %or3A_338 = arith.ori %and3A_335, %or3A_337 : vector<128x128xi32>
    %max3A_339 = arith.maxsi %min3A_327, %or3A_338 : vector<128x128xi32>
    %min3A_340 = arith.minsi %min3A_327, %or3A_338 : vector<128x128xi32>
    %max3A_341 = arith.maxsi %min3A_329, %max3A_339 : vector<128x128xi32>
    %min3A_342 = arith.minsi %min3A_329, %max3A_339 : vector<128x128xi32>
    %min3A_343 = arith.minsi %min3A_330, %max3A_341 : vector<128x128xi32>
    %slice3A_344 = vector.extract_strided_slice %add3A_22 {offsets = [0, 3200], sizes = [128, 128], strides = [1, 1]} : vector<512x8192xf32> to vector<128x128xf32>
    %bitcast_convert_type3A_345 = tpu.bitcast %slice3A_344 : vector<128x128xf32> -> vector<128x128xi32>
    %and3A_346 = arith.constant -64 : i32
    %and3A_347 = vector.broadcast %and3A_346 : i32 to vector<128x128xi32>
    %and3A_348 = arith.andi %bitcast_convert_type3A_345, %and3A_347 : vector<128x128xi32>
    %or3A_349 = arith.constant 25 : i32
    %or3A_350 = vector.broadcast %or3A_349 : i32 to vector<128x128xi32>
    %or3A_351 = arith.ori %and3A_348, %or3A_350 : vector<128x128xi32>
    %max3A_352 = arith.maxsi %min3A_340, %or3A_351 : vector<128x128xi32>
    %min3A_353 = arith.minsi %min3A_340, %or3A_351 : vector<128x128xi32>
    %max3A_354 = arith.maxsi %min3A_342, %max3A_352 : vector<128x128xi32>
    %min3A_355 = arith.minsi %min3A_342, %max3A_352 : vector<128x128xi32>
    %min3A_356 = arith.minsi %min3A_343, %max3A_354 : vector<128x128xi32>
    %slice3A_357 = vector.extract_strided_slice %add3A_22 {offsets = [0, 3328], sizes = [128, 128], strides = [1, 1]} : vector<512x8192xf32> to vector<128x128xf32>
    %bitcast_convert_type3A_358 = tpu.bitcast %slice3A_357 : vector<128x128xf32> -> vector<128x128xi32>
    %and3A_359 = arith.constant -64 : i32
    %and3A_360 = vector.broadcast %and3A_359 : i32 to vector<128x128xi32>
    %and3A_361 = arith.andi %bitcast_convert_type3A_358, %and3A_360 : vector<128x128xi32>
    %or3A_362 = arith.constant 26 : i32
    %or3A_363 = vector.broadcast %or3A_362 : i32 to vector<128x128xi32>
    %or3A_364 = arith.ori %and3A_361, %or3A_363 : vector<128x128xi32>
    %max3A_365 = arith.maxsi %min3A_353, %or3A_364 : vector<128x128xi32>
    %min3A_366 = arith.minsi %min3A_353, %or3A_364 : vector<128x128xi32>
    %max3A_367 = arith.maxsi %min3A_355, %max3A_365 : vector<128x128xi32>
    %min3A_368 = arith.minsi %min3A_355, %max3A_365 : vector<128x128xi32>
    %min3A_369 = arith.minsi %min3A_356, %max3A_367 : vector<128x128xi32>
    %slice3A_370 = vector.extract_strided_slice %add3A_22 {offsets = [0, 3456], sizes = [128, 128], strides = [1, 1]} : vector<512x8192xf32> to vector<128x128xf32>
    %bitcast_convert_type3A_371 = tpu.bitcast %slice3A_370 : vector<128x128xf32> -> vector<128x128xi32>
    %and3A_372 = arith.constant -64 : i32
    %and3A_373 = vector.broadcast %and3A_372 : i32 to vector<128x128xi32>
    %and3A_374 = arith.andi %bitcast_convert_type3A_371, %and3A_373 : vector<128x128xi32>
    %or3A_375 = arith.constant 27 : i32
    %or3A_376 = vector.broadcast %or3A_375 : i32 to vector<128x128xi32>
    %or3A_377 = arith.ori %and3A_374, %or3A_376 : vector<128x128xi32>
    %max3A_378 = arith.maxsi %min3A_366, %or3A_377 : vector<128x128xi32>
    %min3A_379 = arith.minsi %min3A_366, %or3A_377 : vector<128x128xi32>
    %max3A_380 = arith.maxsi %min3A_368, %max3A_378 : vector<128x128xi32>
    %min3A_381 = arith.minsi %min3A_368, %max3A_378 : vector<128x128xi32>
    %min3A_382 = arith.minsi %min3A_369, %max3A_380 : vector<128x128xi32>
    %slice3A_383 = vector.extract_strided_slice %add3A_22 {offsets = [0, 3584], sizes = [128, 128], strides = [1, 1]} : vector<512x8192xf32> to vector<128x128xf32>
    %bitcast_convert_type3A_384 = tpu.bitcast %slice3A_383 : vector<128x128xf32> -> vector<128x128xi32>
    %and3A_385 = arith.constant -64 : i32
    %and3A_386 = vector.broadcast %and3A_385 : i32 to vector<128x128xi32>
    %and3A_387 = arith.andi %bitcast_convert_type3A_384, %and3A_386 : vector<128x128xi32>
    %or3A_388 = arith.constant 28 : i32
    %or3A_389 = vector.broadcast %or3A_388 : i32 to vector<128x128xi32>
    %or3A_390 = arith.ori %and3A_387, %or3A_389 : vector<128x128xi32>
    %max3A_391 = arith.maxsi %min3A_379, %or3A_390 : vector<128x128xi32>
    %min3A_392 = arith.minsi %min3A_379, %or3A_390 : vector<128x128xi32>
    %max3A_393 = arith.maxsi %min3A_381, %max3A_391 : vector<128x128xi32>
    %min3A_394 = arith.minsi %min3A_381, %max3A_391 : vector<128x128xi32>
    %min3A_395 = arith.minsi %min3A_382, %max3A_393 : vector<128x128xi32>
    %slice3A_396 = vector.extract_strided_slice %add3A_22 {offsets = [0, 3712], sizes = [128, 128], strides = [1, 1]} : vector<512x8192xf32> to vector<128x128xf32>
    %bitcast_convert_type3A_397 = tpu.bitcast %slice3A_396 : vector<128x128xf32> -> vector<128x128xi32>
    %and3A_398 = arith.constant -64 : i32
    %and3A_399 = vector.broadcast %and3A_398 : i32 to vector<128x128xi32>
    %and3A_400 = arith.andi %bitcast_convert_type3A_397, %and3A_399 : vector<128x128xi32>
    %or3A_401 = arith.constant 29 : i32
    %or3A_402 = vector.broadcast %or3A_401 : i32 to vector<128x128xi32>
    %or3A_403 = arith.ori %and3A_400, %or3A_402 : vector<128x128xi32>
    %max3A_404 = arith.maxsi %min3A_392, %or3A_403 : vector<128x128xi32>
    %min3A_405 = arith.minsi %min3A_392, %or3A_403 : vector<128x128xi32>
    %max3A_406 = arith.maxsi %min3A_394, %max3A_404 : vector<128x128xi32>
    %min3A_407 = arith.minsi %min3A_394, %max3A_404 : vector<128x128xi32>
    %min3A_408 = arith.minsi %min3A_395, %max3A_406 : vector<128x128xi32>
    %slice3A_409 = vector.extract_strided_slice %add3A_22 {offsets = [0, 3840], sizes = [128, 128], strides = [1, 1]} : vector<512x8192xf32> to vector<128x128xf32>
    %bitcast_convert_type3A_410 = tpu.bitcast %slice3A_409 : vector<128x128xf32> -> vector<128x128xi32>
    %and3A_411 = arith.constant -64 : i32
    %and3A_412 = vector.broadcast %and3A_411 : i32 to vector<128x128xi32>
    %and3A_413 = arith.andi %bitcast_convert_type3A_410, %and3A_412 : vector<128x128xi32>
    %or3A_414 = arith.constant 30 : i32
    %or3A_415 = vector.broadcast %or3A_414 : i32 to vector<128x128xi32>
    %or3A_416 = arith.ori %and3A_413, %or3A_415 : vector<128x128xi32>
    %max3A_417 = arith.maxsi %min3A_405, %or3A_416 : vector<128x128xi32>
    %min3A_418 = arith.minsi %min3A_405, %or3A_416 : vector<128x128xi32>
    %max3A_419 = arith.maxsi %min3A_407, %max3A_417 : vector<128x128xi32>
    %min3A_420 = arith.minsi %min3A_407, %max3A_417 : vector<128x128xi32>
    %min3A_421 = arith.minsi %min3A_408, %max3A_419 : vector<128x128xi32>
    %slice3A_422 = vector.extract_strided_slice %add3A_22 {offsets = [0, 3968], sizes = [128, 128], strides = [1, 1]} : vector<512x8192xf32> to vector<128x128xf32>
    %bitcast_convert_type3A_423 = tpu.bitcast %slice3A_422 : vector<128x128xf32> -> vector<128x128xi32>
    %and3A_424 = arith.constant -64 : i32
    %and3A_425 = vector.broadcast %and3A_424 : i32 to vector<128x128xi32>
    %and3A_426 = arith.andi %bitcast_convert_type3A_423, %and3A_425 : vector<128x128xi32>
    %or3A_427 = arith.constant 31 : i32
    %or3A_428 = vector.broadcast %or3A_427 : i32 to vector<128x128xi32>
    %or3A_429 = arith.ori %and3A_426, %or3A_428 : vector<128x128xi32>
    %max3A_430 = arith.maxsi %min3A_418, %or3A_429 : vector<128x128xi32>
    %min3A_431 = arith.minsi %min3A_418, %or3A_429 : vector<128x128xi32>
    %max3A_432 = arith.maxsi %min3A_420, %max3A_430 : vector<128x128xi32>
    %min3A_433 = arith.minsi %min3A_420, %max3A_430 : vector<128x128xi32>
    %min3A_434 = arith.minsi %min3A_421, %max3A_432 : vector<128x128xi32>
    %slice3A_435 = vector.extract_strided_slice %add3A_22 {offsets = [0, 4096], sizes = [128, 128], strides = [1, 1]} : vector<512x8192xf32> to vector<128x128xf32>
    %bitcast_convert_type3A_436 = tpu.bitcast %slice3A_435 : vector<128x128xf32> -> vector<128x128xi32>
    %and3A_437 = arith.constant -64 : i32
    %and3A_438 = vector.broadcast %and3A_437 : i32 to vector<128x128xi32>
    %and3A_439 = arith.andi %bitcast_convert_type3A_436, %and3A_438 : vector<128x128xi32>
    %or3A_440 = arith.constant 32 : i32
    %or3A_441 = vector.broadcast %or3A_440 : i32 to vector<128x128xi32>
    %or3A_442 = arith.ori %and3A_439, %or3A_441 : vector<128x128xi32>
    %max3A_443 = arith.maxsi %min3A_431, %or3A_442 : vector<128x128xi32>
    %min3A_444 = arith.minsi %min3A_431, %or3A_442 : vector<128x128xi32>
    %max3A_445 = arith.maxsi %min3A_433, %max3A_443 : vector<128x128xi32>
    %min3A_446 = arith.minsi %min3A_433, %max3A_443 : vector<128x128xi32>
    %min3A_447 = arith.minsi %min3A_434, %max3A_445 : vector<128x128xi32>
    %slice3A_448 = vector.extract_strided_slice %add3A_22 {offsets = [0, 4224], sizes = [128, 128], strides = [1, 1]} : vector<512x8192xf32> to vector<128x128xf32>
    %bitcast_convert_type3A_449 = tpu.bitcast %slice3A_448 : vector<128x128xf32> -> vector<128x128xi32>
    %and3A_450 = arith.constant -64 : i32
    %and3A_451 = vector.broadcast %and3A_450 : i32 to vector<128x128xi32>
    %and3A_452 = arith.andi %bitcast_convert_type3A_449, %and3A_451 : vector<128x128xi32>
    %or3A_453 = arith.constant 33 : i32
    %or3A_454 = vector.broadcast %or3A_453 : i32 to vector<128x128xi32>
    %or3A_455 = arith.ori %and3A_452, %or3A_454 : vector<128x128xi32>
    %max3A_456 = arith.maxsi %min3A_444, %or3A_455 : vector<128x128xi32>
    %min3A_457 = arith.minsi %min3A_444, %or3A_455 : vector<128x128xi32>
    %max3A_458 = arith.maxsi %min3A_446, %max3A_456 : vector<128x128xi32>
    %min3A_459 = arith.minsi %min3A_446, %max3A_456 : vector<128x128xi32>
    %min3A_460 = arith.minsi %min3A_447, %max3A_458 : vector<128x128xi32>
    %slice3A_461 = vector.extract_strided_slice %add3A_22 {offsets = [0, 4352], sizes = [128, 128], strides = [1, 1]} : vector<512x8192xf32> to vector<128x128xf32>
    %bitcast_convert_type3A_462 = tpu.bitcast %slice3A_461 : vector<128x128xf32> -> vector<128x128xi32>
    %and3A_463 = arith.constant -64 : i32
    %and3A_464 = vector.broadcast %and3A_463 : i32 to vector<128x128xi32>
    %and3A_465 = arith.andi %bitcast_convert_type3A_462, %and3A_464 : vector<128x128xi32>
    %or3A_466 = arith.constant 34 : i32
    %or3A_467 = vector.broadcast %or3A_466 : i32 to vector<128x128xi32>
    %or3A_468 = arith.ori %and3A_465, %or3A_467 : vector<128x128xi32>
    %max3A_469 = arith.maxsi %min3A_457, %or3A_468 : vector<128x128xi32>
    %min3A_470 = arith.minsi %min3A_457, %or3A_468 : vector<128x128xi32>
    %max3A_471 = arith.maxsi %min3A_459, %max3A_469 : vector<128x128xi32>
    %min3A_472 = arith.minsi %min3A_459, %max3A_469 : vector<128x128xi32>
    %min3A_473 = arith.minsi %min3A_460, %max3A_471 : vector<128x128xi32>
    %slice3A_474 = vector.extract_strided_slice %add3A_22 {offsets = [0, 4480], sizes = [128, 128], strides = [1, 1]} : vector<512x8192xf32> to vector<128x128xf32>
    %bitcast_convert_type3A_475 = tpu.bitcast %slice3A_474 : vector<128x128xf32> -> vector<128x128xi32>
    %and3A_476 = arith.constant -64 : i32
    %and3A_477 = vector.broadcast %and3A_476 : i32 to vector<128x128xi32>
    %and3A_478 = arith.andi %bitcast_convert_type3A_475, %and3A_477 : vector<128x128xi32>
    %or3A_479 = arith.constant 35 : i32
    %or3A_480 = vector.broadcast %or3A_479 : i32 to vector<128x128xi32>
    %or3A_481 = arith.ori %and3A_478, %or3A_480 : vector<128x128xi32>
    %max3A_482 = arith.maxsi %min3A_470, %or3A_481 : vector<128x128xi32>
    %min3A_483 = arith.minsi %min3A_470, %or3A_481 : vector<128x128xi32>
    %max3A_484 = arith.maxsi %min3A_472, %max3A_482 : vector<128x128xi32>
    %min3A_485 = arith.minsi %min3A_472, %max3A_482 : vector<128x128xi32>
    %min3A_486 = arith.minsi %min3A_473, %max3A_484 : vector<128x128xi32>
    %slice3A_487 = vector.extract_strided_slice %add3A_22 {offsets = [0, 4608], sizes = [128, 128], strides = [1, 1]} : vector<512x8192xf32> to vector<128x128xf32>
    %bitcast_convert_type3A_488 = tpu.bitcast %slice3A_487 : vector<128x128xf32> -> vector<128x128xi32>
    %and3A_489 = arith.constant -64 : i32
    %and3A_490 = vector.broadcast %and3A_489 : i32 to vector<128x128xi32>
    %and3A_491 = arith.andi %bitcast_convert_type3A_488, %and3A_490 : vector<128x128xi32>
    %or3A_492 = arith.constant 36 : i32
    %or3A_493 = vector.broadcast %or3A_492 : i32 to vector<128x128xi32>
    %or3A_494 = arith.ori %and3A_491, %or3A_493 : vector<128x128xi32>
    %max3A_495 = arith.maxsi %min3A_483, %or3A_494 : vector<128x128xi32>
    %min3A_496 = arith.minsi %min3A_483, %or3A_494 : vector<128x128xi32>
    %max3A_497 = arith.maxsi %min3A_485, %max3A_495 : vector<128x128xi32>
    %min3A_498 = arith.minsi %min3A_485, %max3A_495 : vector<128x128xi32>
    %min3A_499 = arith.minsi %min3A_486, %max3A_497 : vector<128x128xi32>
    %slice3A_500 = vector.extract_strided_slice %add3A_22 {offsets = [0, 4736], sizes = [128, 128], strides = [1, 1]} : vector<512x8192xf32> to vector<128x128xf32>
    %bitcast_convert_type3A_501 = tpu.bitcast %slice3A_500 : vector<128x128xf32> -> vector<128x128xi32>
    %and3A_502 = arith.constant -64 : i32
    %and3A_503 = vector.broadcast %and3A_502 : i32 to vector<128x128xi32>
    %and3A_504 = arith.andi %bitcast_convert_type3A_501, %and3A_503 : vector<128x128xi32>
    %or3A_505 = arith.constant 37 : i32
    %or3A_506 = vector.broadcast %or3A_505 : i32 to vector<128x128xi32>
    %or3A_507 = arith.ori %and3A_504, %or3A_506 : vector<128x128xi32>
    %max3A_508 = arith.maxsi %min3A_496, %or3A_507 : vector<128x128xi32>
    %min3A_509 = arith.minsi %min3A_496, %or3A_507 : vector<128x128xi32>
    %max3A_510 = arith.maxsi %min3A_498, %max3A_508 : vector<128x128xi32>
    %min3A_511 = arith.minsi %min3A_498, %max3A_508 : vector<128x128xi32>
    %min3A_512 = arith.minsi %min3A_499, %max3A_510 : vector<128x128xi32>
    %slice3A_513 = vector.extract_strided_slice %add3A_22 {offsets = [0, 4864], sizes = [128, 128], strides = [1, 1]} : vector<512x8192xf32> to vector<128x128xf32>
    %bitcast_convert_type3A_514 = tpu.bitcast %slice3A_513 : vector<128x128xf32> -> vector<128x128xi32>
    %and3A_515 = arith.constant -64 : i32
    %and3A_516 = vector.broadcast %and3A_515 : i32 to vector<128x128xi32>
    %and3A_517 = arith.andi %bitcast_convert_type3A_514, %and3A_516 : vector<128x128xi32>
    %or3A_518 = arith.constant 38 : i32
    %or3A_519 = vector.broadcast %or3A_518 : i32 to vector<128x128xi32>
    %or3A_520 = arith.ori %and3A_517, %or3A_519 : vector<128x128xi32>
    %max3A_521 = arith.maxsi %min3A_509, %or3A_520 : vector<128x128xi32>
    %min3A_522 = arith.minsi %min3A_509, %or3A_520 : vector<128x128xi32>
    %max3A_523 = arith.maxsi %min3A_511, %max3A_521 : vector<128x128xi32>
    %min3A_524 = arith.minsi %min3A_511, %max3A_521 : vector<128x128xi32>
    %min3A_525 = arith.minsi %min3A_512, %max3A_523 : vector<128x128xi32>
    %slice3A_526 = vector.extract_strided_slice %add3A_22 {offsets = [0, 4992], sizes = [128, 128], strides = [1, 1]} : vector<512x8192xf32> to vector<128x128xf32>
    %bitcast_convert_type3A_527 = tpu.bitcast %slice3A_526 : vector<128x128xf32> -> vector<128x128xi32>
    %and3A_528 = arith.constant -64 : i32
    %and3A_529 = vector.broadcast %and3A_528 : i32 to vector<128x128xi32>
    %and3A_530 = arith.andi %bitcast_convert_type3A_527, %and3A_529 : vector<128x128xi32>
    %or3A_531 = arith.constant 39 : i32
    %or3A_532 = vector.broadcast %or3A_531 : i32 to vector<128x128xi32>
    %or3A_533 = arith.ori %and3A_530, %or3A_532 : vector<128x128xi32>
    %max3A_534 = arith.maxsi %min3A_522, %or3A_533 : vector<128x128xi32>
    %min3A_535 = arith.minsi %min3A_522, %or3A_533 : vector<128x128xi32>
    %max3A_536 = arith.maxsi %min3A_524, %max3A_534 : vector<128x128xi32>
    %min3A_537 = arith.minsi %min3A_524, %max3A_534 : vector<128x128xi32>
    %min3A_538 = arith.minsi %min3A_525, %max3A_536 : vector<128x128xi32>
    %slice3A_539 = vector.extract_strided_slice %add3A_22 {offsets = [0, 5120], sizes = [128, 128], strides = [1, 1]} : vector<512x8192xf32> to vector<128x128xf32>
    %bitcast_convert_type3A_540 = tpu.bitcast %slice3A_539 : vector<128x128xf32> -> vector<128x128xi32>
    %and3A_541 = arith.constant -64 : i32
    %and3A_542 = vector.broadcast %and3A_541 : i32 to vector<128x128xi32>
    %and3A_543 = arith.andi %bitcast_convert_type3A_540, %and3A_542 : vector<128x128xi32>
    %or3A_544 = arith.constant 40 : i32
    %or3A_545 = vector.broadcast %or3A_544 : i32 to vector<128x128xi32>
    %or3A_546 = arith.ori %and3A_543, %or3A_545 : vector<128x128xi32>
    %max3A_547 = arith.maxsi %min3A_535, %or3A_546 : vector<128x128xi32>
    %min3A_548 = arith.minsi %min3A_535, %or3A_546 : vector<128x128xi32>
    %max3A_549 = arith.maxsi %min3A_537, %max3A_547 : vector<128x128xi32>
    %min3A_550 = arith.minsi %min3A_537, %max3A_547 : vector<128x128xi32>
    %min3A_551 = arith.minsi %min3A_538, %max3A_549 : vector<128x128xi32>
    %slice3A_552 = vector.extract_strided_slice %add3A_22 {offsets = [0, 5248], sizes = [128, 128], strides = [1, 1]} : vector<512x8192xf32> to vector<128x128xf32>
    %bitcast_convert_type3A_553 = tpu.bitcast %slice3A_552 : vector<128x128xf32> -> vector<128x128xi32>
    %and3A_554 = arith.constant -64 : i32
    %and3A_555 = vector.broadcast %and3A_554 : i32 to vector<128x128xi32>
    %and3A_556 = arith.andi %bitcast_convert_type3A_553, %and3A_555 : vector<128x128xi32>
    %or3A_557 = arith.constant 41 : i32
    %or3A_558 = vector.broadcast %or3A_557 : i32 to vector<128x128xi32>
    %or3A_559 = arith.ori %and3A_556, %or3A_558 : vector<128x128xi32>
    %max3A_560 = arith.maxsi %min3A_548, %or3A_559 : vector<128x128xi32>
    %min3A_561 = arith.minsi %min3A_548, %or3A_559 : vector<128x128xi32>
    %max3A_562 = arith.maxsi %min3A_550, %max3A_560 : vector<128x128xi32>
    %min3A_563 = arith.minsi %min3A_550, %max3A_560 : vector<128x128xi32>
    %min3A_564 = arith.minsi %min3A_551, %max3A_562 : vector<128x128xi32>
    %slice3A_565 = vector.extract_strided_slice %add3A_22 {offsets = [0, 5376], sizes = [128, 128], strides = [1, 1]} : vector<512x8192xf32> to vector<128x128xf32>
    %bitcast_convert_type3A_566 = tpu.bitcast %slice3A_565 : vector<128x128xf32> -> vector<128x128xi32>
    %and3A_567 = arith.constant -64 : i32
    %and3A_568 = vector.broadcast %and3A_567 : i32 to vector<128x128xi32>
    %and3A_569 = arith.andi %bitcast_convert_type3A_566, %and3A_568 : vector<128x128xi32>
    %or3A_570 = arith.constant 42 : i32
    %or3A_571 = vector.broadcast %or3A_570 : i32 to vector<128x128xi32>
    %or3A_572 = arith.ori %and3A_569, %or3A_571 : vector<128x128xi32>
    %max3A_573 = arith.maxsi %min3A_561, %or3A_572 : vector<128x128xi32>
    %min3A_574 = arith.minsi %min3A_561, %or3A_572 : vector<128x128xi32>
    %max3A_575 = arith.maxsi %min3A_563, %max3A_573 : vector<128x128xi32>
    %min3A_576 = arith.minsi %min3A_563, %max3A_573 : vector<128x128xi32>
    %min3A_577 = arith.minsi %min3A_564, %max3A_575 : vector<128x128xi32>
    %slice3A_578 = vector.extract_strided_slice %add3A_22 {offsets = [0, 5504], sizes = [128, 128], strides = [1, 1]} : vector<512x8192xf32> to vector<128x128xf32>
    %bitcast_convert_type3A_579 = tpu.bitcast %slice3A_578 : vector<128x128xf32> -> vector<128x128xi32>
    %and3A_580 = arith.constant -64 : i32
    %and3A_581 = vector.broadcast %and3A_580 : i32 to vector<128x128xi32>
    %and3A_582 = arith.andi %bitcast_convert_type3A_579, %and3A_581 : vector<128x128xi32>
    %or3A_583 = arith.constant 43 : i32
    %or3A_584 = vector.broadcast %or3A_583 : i32 to vector<128x128xi32>
    %or3A_585 = arith.ori %and3A_582, %or3A_584 : vector<128x128xi32>
    %max3A_586 = arith.maxsi %min3A_574, %or3A_585 : vector<128x128xi32>
    %min3A_587 = arith.minsi %min3A_574, %or3A_585 : vector<128x128xi32>
    %max3A_588 = arith.maxsi %min3A_576, %max3A_586 : vector<128x128xi32>
    %min3A_589 = arith.minsi %min3A_576, %max3A_586 : vector<128x128xi32>
    %min3A_590 = arith.minsi %min3A_577, %max3A_588 : vector<128x128xi32>
    %slice3A_591 = vector.extract_strided_slice %add3A_22 {offsets = [0, 5632], sizes = [128, 128], strides = [1, 1]} : vector<512x8192xf32> to vector<128x128xf32>
    %bitcast_convert_type3A_592 = tpu.bitcast %slice3A_591 : vector<128x128xf32> -> vector<128x128xi32>
    %and3A_593 = arith.constant -64 : i32
    %and3A_594 = vector.broadcast %and3A_593 : i32 to vector<128x128xi32>
    %and3A_595 = arith.andi %bitcast_convert_type3A_592, %and3A_594 : vector<128x128xi32>
    %or3A_596 = arith.constant 44 : i32
    %or3A_597 = vector.broadcast %or3A_596 : i32 to vector<128x128xi32>
    %or3A_598 = arith.ori %and3A_595, %or3A_597 : vector<128x128xi32>
    %max3A_599 = arith.maxsi %min3A_587, %or3A_598 : vector<128x128xi32>
    %min3A_600 = arith.minsi %min3A_587, %or3A_598 : vector<128x128xi32>
    %max3A_601 = arith.maxsi %min3A_589, %max3A_599 : vector<128x128xi32>
    %min3A_602 = arith.minsi %min3A_589, %max3A_599 : vector<128x128xi32>
    %min3A_603 = arith.minsi %min3A_590, %max3A_601 : vector<128x128xi32>
    %slice3A_604 = vector.extract_strided_slice %add3A_22 {offsets = [0, 5760], sizes = [128, 128], strides = [1, 1]} : vector<512x8192xf32> to vector<128x128xf32>
    %bitcast_convert_type3A_605 = tpu.bitcast %slice3A_604 : vector<128x128xf32> -> vector<128x128xi32>
    %and3A_606 = arith.constant -64 : i32
    %and3A_607 = vector.broadcast %and3A_606 : i32 to vector<128x128xi32>
    %and3A_608 = arith.andi %bitcast_convert_type3A_605, %and3A_607 : vector<128x128xi32>
    %or3A_609 = arith.constant 45 : i32
    %or3A_610 = vector.broadcast %or3A_609 : i32 to vector<128x128xi32>
    %or3A_611 = arith.ori %and3A_608, %or3A_610 : vector<128x128xi32>
    %max3A_612 = arith.maxsi %min3A_600, %or3A_611 : vector<128x128xi32>
    %min3A_613 = arith.minsi %min3A_600, %or3A_611 : vector<128x128xi32>
    %max3A_614 = arith.maxsi %min3A_602, %max3A_612 : vector<128x128xi32>
    %min3A_615 = arith.minsi %min3A_602, %max3A_612 : vector<128x128xi32>
    %min3A_616 = arith.minsi %min3A_603, %max3A_614 : vector<128x128xi32>
    %slice3A_617 = vector.extract_strided_slice %add3A_22 {offsets = [0, 5888], sizes = [128, 128], strides = [1, 1]} : vector<512x8192xf32> to vector<128x128xf32>
    %bitcast_convert_type3A_618 = tpu.bitcast %slice3A_617 : vector<128x128xf32> -> vector<128x128xi32>
    %and3A_619 = arith.constant -64 : i32
    %and3A_620 = vector.broadcast %and3A_619 : i32 to vector<128x128xi32>
    %and3A_621 = arith.andi %bitcast_convert_type3A_618, %and3A_620 : vector<128x128xi32>
    %or3A_622 = arith.constant 46 : i32
    %or3A_623 = vector.broadcast %or3A_622 : i32 to vector<128x128xi32>
    %or3A_624 = arith.ori %and3A_621, %or3A_623 : vector<128x128xi32>
    %max3A_625 = arith.maxsi %min3A_613, %or3A_624 : vector<128x128xi32>
    %min3A_626 = arith.minsi %min3A_613, %or3A_624 : vector<128x128xi32>
    %max3A_627 = arith.maxsi %min3A_615, %max3A_625 : vector<128x128xi32>
    %min3A_628 = arith.minsi %min3A_615, %max3A_625 : vector<128x128xi32>
    %min3A_629 = arith.minsi %min3A_616, %max3A_627 : vector<128x128xi32>
    %slice3A_630 = vector.extract_strided_slice %add3A_22 {offsets = [0, 6016], sizes = [128, 128], strides = [1, 1]} : vector<512x8192xf32> to vector<128x128xf32>
    %bitcast_convert_type3A_631 = tpu.bitcast %slice3A_630 : vector<128x128xf32> -> vector<128x128xi32>
    %and3A_632 = arith.constant -64 : i32
    %and3A_633 = vector.broadcast %and3A_632 : i32 to vector<128x128xi32>
    %and3A_634 = arith.andi %bitcast_convert_type3A_631, %and3A_633 : vector<128x128xi32>
    %or3A_635 = arith.constant 47 : i32
    %or3A_636 = vector.broadcast %or3A_635 : i32 to vector<128x128xi32>
    %or3A_637 = arith.ori %and3A_634, %or3A_636 : vector<128x128xi32>
    %max3A_638 = arith.maxsi %min3A_626, %or3A_637 : vector<128x128xi32>
    %min3A_639 = arith.minsi %min3A_626, %or3A_637 : vector<128x128xi32>
    %max3A_640 = arith.maxsi %min3A_628, %max3A_638 : vector<128x128xi32>
    %min3A_641 = arith.minsi %min3A_628, %max3A_638 : vector<128x128xi32>
    %min3A_642 = arith.minsi %min3A_629, %max3A_640 : vector<128x128xi32>
    %slice3A_643 = vector.extract_strided_slice %add3A_22 {offsets = [0, 6144], sizes = [128, 128], strides = [1, 1]} : vector<512x8192xf32> to vector<128x128xf32>
    %bitcast_convert_type3A_644 = tpu.bitcast %slice3A_643 : vector<128x128xf32> -> vector<128x128xi32>
    %and3A_645 = arith.constant -64 : i32
    %and3A_646 = vector.broadcast %and3A_645 : i32 to vector<128x128xi32>
    %and3A_647 = arith.andi %bitcast_convert_type3A_644, %and3A_646 : vector<128x128xi32>
    %or3A_648 = arith.constant 48 : i32
    %or3A_649 = vector.broadcast %or3A_648 : i32 to vector<128x128xi32>
    %or3A_650 = arith.ori %and3A_647, %or3A_649 : vector<128x128xi32>
    %max3A_651 = arith.maxsi %min3A_639, %or3A_650 : vector<128x128xi32>
    %min3A_652 = arith.minsi %min3A_639, %or3A_650 : vector<128x128xi32>
    %max3A_653 = arith.maxsi %min3A_641, %max3A_651 : vector<128x128xi32>
    %min3A_654 = arith.minsi %min3A_641, %max3A_651 : vector<128x128xi32>
    %min3A_655 = arith.minsi %min3A_642, %max3A_653 : vector<128x128xi32>
    %slice3A_656 = vector.extract_strided_slice %add3A_22 {offsets = [0, 6272], sizes = [128, 128], strides = [1, 1]} : vector<512x8192xf32> to vector<128x128xf32>
    %bitcast_convert_type3A_657 = tpu.bitcast %slice3A_656 : vector<128x128xf32> -> vector<128x128xi32>
    %and3A_658 = arith.constant -64 : i32
    %and3A_659 = vector.broadcast %and3A_658 : i32 to vector<128x128xi32>
    %and3A_660 = arith.andi %bitcast_convert_type3A_657, %and3A_659 : vector<128x128xi32>
    %or3A_661 = arith.constant 49 : i32
    %or3A_662 = vector.broadcast %or3A_661 : i32 to vector<128x128xi32>
    %or3A_663 = arith.ori %and3A_660, %or3A_662 : vector<128x128xi32>
    %max3A_664 = arith.maxsi %min3A_652, %or3A_663 : vector<128x128xi32>
    %min3A_665 = arith.minsi %min3A_652, %or3A_663 : vector<128x128xi32>
    %max3A_666 = arith.maxsi %min3A_654, %max3A_664 : vector<128x128xi32>
    %min3A_667 = arith.minsi %min3A_654, %max3A_664 : vector<128x128xi32>
    %min3A_668 = arith.minsi %min3A_655, %max3A_666 : vector<128x128xi32>
    %slice3A_669 = vector.extract_strided_slice %add3A_22 {offsets = [0, 6400], sizes = [128, 128], strides = [1, 1]} : vector<512x8192xf32> to vector<128x128xf32>
    %bitcast_convert_type3A_670 = tpu.bitcast %slice3A_669 : vector<128x128xf32> -> vector<128x128xi32>
    %and3A_671 = arith.constant -64 : i32
    %and3A_672 = vector.broadcast %and3A_671 : i32 to vector<128x128xi32>
    %and3A_673 = arith.andi %bitcast_convert_type3A_670, %and3A_672 : vector<128x128xi32>
    %or3A_674 = arith.constant 50 : i32
    %or3A_675 = vector.broadcast %or3A_674 : i32 to vector<128x128xi32>
    %or3A_676 = arith.ori %and3A_673, %or3A_675 : vector<128x128xi32>
    %max3A_677 = arith.maxsi %min3A_665, %or3A_676 : vector<128x128xi32>
    %min3A_678 = arith.minsi %min3A_665, %or3A_676 : vector<128x128xi32>
    %max3A_679 = arith.maxsi %min3A_667, %max3A_677 : vector<128x128xi32>
    %min3A_680 = arith.minsi %min3A_667, %max3A_677 : vector<128x128xi32>
    %min3A_681 = arith.minsi %min3A_668, %max3A_679 : vector<128x128xi32>
    %slice3A_682 = vector.extract_strided_slice %add3A_22 {offsets = [0, 6528], sizes = [128, 128], strides = [1, 1]} : vector<512x8192xf32> to vector<128x128xf32>
    %bitcast_convert_type3A_683 = tpu.bitcast %slice3A_682 : vector<128x128xf32> -> vector<128x128xi32>
    %and3A_684 = arith.constant -64 : i32
    %and3A_685 = vector.broadcast %and3A_684 : i32 to vector<128x128xi32>
    %and3A_686 = arith.andi %bitcast_convert_type3A_683, %and3A_685 : vector<128x128xi32>
    %or3A_687 = arith.constant 51 : i32
    %or3A_688 = vector.broadcast %or3A_687 : i32 to vector<128x128xi32>
    %or3A_689 = arith.ori %and3A_686, %or3A_688 : vector<128x128xi32>
    %max3A_690 = arith.maxsi %min3A_678, %or3A_689 : vector<128x128xi32>
    %min3A_691 = arith.minsi %min3A_678, %or3A_689 : vector<128x128xi32>
    %max3A_692 = arith.maxsi %min3A_680, %max3A_690 : vector<128x128xi32>
    %min3A_693 = arith.minsi %min3A_680, %max3A_690 : vector<128x128xi32>
    %min3A_694 = arith.minsi %min3A_681, %max3A_692 : vector<128x128xi32>
    %slice3A_695 = vector.extract_strided_slice %add3A_22 {offsets = [0, 6656], sizes = [128, 128], strides = [1, 1]} : vector<512x8192xf32> to vector<128x128xf32>
    %bitcast_convert_type3A_696 = tpu.bitcast %slice3A_695 : vector<128x128xf32> -> vector<128x128xi32>
    %and3A_697 = arith.constant -64 : i32
    %and3A_698 = vector.broadcast %and3A_697 : i32 to vector<128x128xi32>
    %and3A_699 = arith.andi %bitcast_convert_type3A_696, %and3A_698 : vector<128x128xi32>
    %or3A_700 = arith.constant 52 : i32
    %or3A_701 = vector.broadcast %or3A_700 : i32 to vector<128x128xi32>
    %or3A_702 = arith.ori %and3A_699, %or3A_701 : vector<128x128xi32>
    %max3A_703 = arith.maxsi %min3A_691, %or3A_702 : vector<128x128xi32>
    %min3A_704 = arith.minsi %min3A_691, %or3A_702 : vector<128x128xi32>
    %max3A_705 = arith.maxsi %min3A_693, %max3A_703 : vector<128x128xi32>
    %min3A_706 = arith.minsi %min3A_693, %max3A_703 : vector<128x128xi32>
    %min3A_707 = arith.minsi %min3A_694, %max3A_705 : vector<128x128xi32>
    %slice3A_708 = vector.extract_strided_slice %add3A_22 {offsets = [0, 6784], sizes = [128, 128], strides = [1, 1]} : vector<512x8192xf32> to vector<128x128xf32>
    %bitcast_convert_type3A_709 = tpu.bitcast %slice3A_708 : vector<128x128xf32> -> vector<128x128xi32>
    %and3A_710 = arith.constant -64 : i32
    %and3A_711 = vector.broadcast %and3A_710 : i32 to vector<128x128xi32>
    %and3A_712 = arith.andi %bitcast_convert_type3A_709, %and3A_711 : vector<128x128xi32>
    %or3A_713 = arith.constant 53 : i32
    %or3A_714 = vector.broadcast %or3A_713 : i32 to vector<128x128xi32>
    %or3A_715 = arith.ori %and3A_712, %or3A_714 : vector<128x128xi32>
    %max3A_716 = arith.maxsi %min3A_704, %or3A_715 : vector<128x128xi32>
    %min3A_717 = arith.minsi %min3A_704, %or3A_715 : vector<128x128xi32>
    %max3A_718 = arith.maxsi %min3A_706, %max3A_716 : vector<128x128xi32>
    %min3A_719 = arith.minsi %min3A_706, %max3A_716 : vector<128x128xi32>
    %min3A_720 = arith.minsi %min3A_707, %max3A_718 : vector<128x128xi32>
    %slice3A_721 = vector.extract_strided_slice %add3A_22 {offsets = [0, 6912], sizes = [128, 128], strides = [1, 1]} : vector<512x8192xf32> to vector<128x128xf32>
    %bitcast_convert_type3A_722 = tpu.bitcast %slice3A_721 : vector<128x128xf32> -> vector<128x128xi32>
    %and3A_723 = arith.constant -64 : i32
    %and3A_724 = vector.broadcast %and3A_723 : i32 to vector<128x128xi32>
    %and3A_725 = arith.andi %bitcast_convert_type3A_722, %and3A_724 : vector<128x128xi32>
    %or3A_726 = arith.constant 54 : i32
    %or3A_727 = vector.broadcast %or3A_726 : i32 to vector<128x128xi32>
    %or3A_728 = arith.ori %and3A_725, %or3A_727 : vector<128x128xi32>
    %max3A_729 = arith.maxsi %min3A_717, %or3A_728 : vector<128x128xi32>
    %min3A_730 = arith.minsi %min3A_717, %or3A_728 : vector<128x128xi32>
    %max3A_731 = arith.maxsi %min3A_719, %max3A_729 : vector<128x128xi32>
    %min3A_732 = arith.minsi %min3A_719, %max3A_729 : vector<128x128xi32>
    %min3A_733 = arith.minsi %min3A_720, %max3A_731 : vector<128x128xi32>
    %slice3A_734 = vector.extract_strided_slice %add3A_22 {offsets = [0, 7040], sizes = [128, 128], strides = [1, 1]} : vector<512x8192xf32> to vector<128x128xf32>
    %bitcast_convert_type3A_735 = tpu.bitcast %slice3A_734 : vector<128x128xf32> -> vector<128x128xi32>
    %and3A_736 = arith.constant -64 : i32
    %and3A_737 = vector.broadcast %and3A_736 : i32 to vector<128x128xi32>
    %and3A_738 = arith.andi %bitcast_convert_type3A_735, %and3A_737 : vector<128x128xi32>
    %or3A_739 = arith.constant 55 : i32
    %or3A_740 = vector.broadcast %or3A_739 : i32 to vector<128x128xi32>
    %or3A_741 = arith.ori %and3A_738, %or3A_740 : vector<128x128xi32>
    %max3A_742 = arith.maxsi %min3A_730, %or3A_741 : vector<128x128xi32>
    %min3A_743 = arith.minsi %min3A_730, %or3A_741 : vector<128x128xi32>
    %max3A_744 = arith.maxsi %min3A_732, %max3A_742 : vector<128x128xi32>
    %min3A_745 = arith.minsi %min3A_732, %max3A_742 : vector<128x128xi32>
    %min3A_746 = arith.minsi %min3A_733, %max3A_744 : vector<128x128xi32>
    %slice3A_747 = vector.extract_strided_slice %add3A_22 {offsets = [0, 7168], sizes = [128, 128], strides = [1, 1]} : vector<512x8192xf32> to vector<128x128xf32>
    %bitcast_convert_type3A_748 = tpu.bitcast %slice3A_747 : vector<128x128xf32> -> vector<128x128xi32>
    %and3A_749 = arith.constant -64 : i32
    %and3A_750 = vector.broadcast %and3A_749 : i32 to vector<128x128xi32>
    %and3A_751 = arith.andi %bitcast_convert_type3A_748, %and3A_750 : vector<128x128xi32>
    %or3A_752 = arith.constant 56 : i32
    %or3A_753 = vector.broadcast %or3A_752 : i32 to vector<128x128xi32>
    %or3A_754 = arith.ori %and3A_751, %or3A_753 : vector<128x128xi32>
    %max3A_755 = arith.maxsi %min3A_743, %or3A_754 : vector<128x128xi32>
    %min3A_756 = arith.minsi %min3A_743, %or3A_754 : vector<128x128xi32>
    %max3A_757 = arith.maxsi %min3A_745, %max3A_755 : vector<128x128xi32>
    %min3A_758 = arith.minsi %min3A_745, %max3A_755 : vector<128x128xi32>
    %min3A_759 = arith.minsi %min3A_746, %max3A_757 : vector<128x128xi32>
    %slice3A_760 = vector.extract_strided_slice %add3A_22 {offsets = [0, 7296], sizes = [128, 128], strides = [1, 1]} : vector<512x8192xf32> to vector<128x128xf32>
    %bitcast_convert_type3A_761 = tpu.bitcast %slice3A_760 : vector<128x128xf32> -> vector<128x128xi32>
    %and3A_762 = arith.constant -64 : i32
    %and3A_763 = vector.broadcast %and3A_762 : i32 to vector<128x128xi32>
    %and3A_764 = arith.andi %bitcast_convert_type3A_761, %and3A_763 : vector<128x128xi32>
    %or3A_765 = arith.constant 57 : i32
    %or3A_766 = vector.broadcast %or3A_765 : i32 to vector<128x128xi32>
    %or3A_767 = arith.ori %and3A_764, %or3A_766 : vector<128x128xi32>
    %max3A_768 = arith.maxsi %min3A_756, %or3A_767 : vector<128x128xi32>
    %min3A_769 = arith.minsi %min3A_756, %or3A_767 : vector<128x128xi32>
    %max3A_770 = arith.maxsi %min3A_758, %max3A_768 : vector<128x128xi32>
    %min3A_771 = arith.minsi %min3A_758, %max3A_768 : vector<128x128xi32>
    %min3A_772 = arith.minsi %min3A_759, %max3A_770 : vector<128x128xi32>
    %slice3A_773 = vector.extract_strided_slice %add3A_22 {offsets = [0, 7424], sizes = [128, 128], strides = [1, 1]} : vector<512x8192xf32> to vector<128x128xf32>
    %bitcast_convert_type3A_774 = tpu.bitcast %slice3A_773 : vector<128x128xf32> -> vector<128x128xi32>
    %and3A_775 = arith.constant -64 : i32
    %and3A_776 = vector.broadcast %and3A_775 : i32 to vector<128x128xi32>
    %and3A_777 = arith.andi %bitcast_convert_type3A_774, %and3A_776 : vector<128x128xi32>
    %or3A_778 = arith.constant 58 : i32
    %or3A_779 = vector.broadcast %or3A_778 : i32 to vector<128x128xi32>
    %or3A_780 = arith.ori %and3A_777, %or3A_779 : vector<128x128xi32>
    %max3A_781 = arith.maxsi %min3A_769, %or3A_780 : vector<128x128xi32>
    %min3A_782 = arith.minsi %min3A_769, %or3A_780 : vector<128x128xi32>
    %max3A_783 = arith.maxsi %min3A_771, %max3A_781 : vector<128x128xi32>
    %min3A_784 = arith.minsi %min3A_771, %max3A_781 : vector<128x128xi32>
    %min3A_785 = arith.minsi %min3A_772, %max3A_783 : vector<128x128xi32>
    %slice3A_786 = vector.extract_strided_slice %add3A_22 {offsets = [0, 7552], sizes = [128, 128], strides = [1, 1]} : vector<512x8192xf32> to vector<128x128xf32>
    %bitcast_convert_type3A_787 = tpu.bitcast %slice3A_786 : vector<128x128xf32> -> vector<128x128xi32>
    %and3A_788 = arith.constant -64 : i32
    %and3A_789 = vector.broadcast %and3A_788 : i32 to vector<128x128xi32>
    %and3A_790 = arith.andi %bitcast_convert_type3A_787, %and3A_789 : vector<128x128xi32>
    %or3A_791 = arith.constant 59 : i32
    %or3A_792 = vector.broadcast %or3A_791 : i32 to vector<128x128xi32>
    %or3A_793 = arith.ori %and3A_790, %or3A_792 : vector<128x128xi32>
    %max3A_794 = arith.maxsi %min3A_782, %or3A_793 : vector<128x128xi32>
    %min3A_795 = arith.minsi %min3A_782, %or3A_793 : vector<128x128xi32>
    %max3A_796 = arith.maxsi %min3A_784, %max3A_794 : vector<128x128xi32>
    %min3A_797 = arith.minsi %min3A_784, %max3A_794 : vector<128x128xi32>
    %min3A_798 = arith.minsi %min3A_785, %max3A_796 : vector<128x128xi32>
    %slice3A_799 = vector.extract_strided_slice %add3A_22 {offsets = [0, 7680], sizes = [128, 128], strides = [1, 1]} : vector<512x8192xf32> to vector<128x128xf32>
    %bitcast_convert_type3A_800 = tpu.bitcast %slice3A_799 : vector<128x128xf32> -> vector<128x128xi32>
    %and3A_801 = arith.constant -64 : i32
    %and3A_802 = vector.broadcast %and3A_801 : i32 to vector<128x128xi32>
    %and3A_803 = arith.andi %bitcast_convert_type3A_800, %and3A_802 : vector<128x128xi32>
    %or3A_804 = arith.constant 60 : i32
    %or3A_805 = vector.broadcast %or3A_804 : i32 to vector<128x128xi32>
    %or3A_806 = arith.ori %and3A_803, %or3A_805 : vector<128x128xi32>
    %max3A_807 = arith.maxsi %min3A_795, %or3A_806 : vector<128x128xi32>
    %min3A_808 = arith.minsi %min3A_795, %or3A_806 : vector<128x128xi32>
    %max3A_809 = arith.maxsi %min3A_797, %max3A_807 : vector<128x128xi32>
    %min3A_810 = arith.minsi %min3A_797, %max3A_807 : vector<128x128xi32>
    %min3A_811 = arith.minsi %min3A_798, %max3A_809 : vector<128x128xi32>
    %slice3A_812 = vector.extract_strided_slice %add3A_22 {offsets = [0, 7808], sizes = [128, 128], strides = [1, 1]} : vector<512x8192xf32> to vector<128x128xf32>
    %bitcast_convert_type3A_813 = tpu.bitcast %slice3A_812 : vector<128x128xf32> -> vector<128x128xi32>
    %and3A_814 = arith.constant -64 : i32
    %and3A_815 = vector.broadcast %and3A_814 : i32 to vector<128x128xi32>
    %and3A_816 = arith.andi %bitcast_convert_type3A_813, %and3A_815 : vector<128x128xi32>
    %or3A_817 = arith.constant 61 : i32
    %or3A_818 = vector.broadcast %or3A_817 : i32 to vector<128x128xi32>
    %or3A_819 = arith.ori %and3A_816, %or3A_818 : vector<128x128xi32>
    %max3A_820 = arith.maxsi %min3A_808, %or3A_819 : vector<128x128xi32>
    %min3A_821 = arith.minsi %min3A_808, %or3A_819 : vector<128x128xi32>
    %max3A_822 = arith.maxsi %min3A_810, %max3A_820 : vector<128x128xi32>
    %min3A_823 = arith.minsi %min3A_810, %max3A_820 : vector<128x128xi32>
    %min3A_824 = arith.minsi %min3A_811, %max3A_822 : vector<128x128xi32>
    %slice3A_825 = vector.extract_strided_slice %add3A_22 {offsets = [0, 7936], sizes = [128, 128], strides = [1, 1]} : vector<512x8192xf32> to vector<128x128xf32>
    %bitcast_convert_type3A_826 = tpu.bitcast %slice3A_825 : vector<128x128xf32> -> vector<128x128xi32>
    %and3A_827 = arith.constant -64 : i32
    %and3A_828 = vector.broadcast %and3A_827 : i32 to vector<128x128xi32>
    %and3A_829 = arith.andi %bitcast_convert_type3A_826, %and3A_828 : vector<128x128xi32>
    %or3A_830 = arith.constant 62 : i32
    %or3A_831 = vector.broadcast %or3A_830 : i32 to vector<128x128xi32>
    %or3A_832 = arith.ori %and3A_829, %or3A_831 : vector<128x128xi32>
    %max3A_833 = arith.maxsi %min3A_821, %or3A_832 : vector<128x128xi32>
    %min3A_834 = arith.minsi %min3A_821, %or3A_832 : vector<128x128xi32>
    %max3A_835 = arith.maxsi %min3A_823, %max3A_833 : vector<128x128xi32>
    %min3A_836 = arith.minsi %min3A_823, %max3A_833 : vector<128x128xi32>
    %min3A_837 = arith.minsi %min3A_824, %max3A_835 : vector<128x128xi32>
    %slice3A_838 = vector.extract_strided_slice %add3A_22 {offsets = [0, 8064], sizes = [128, 128], strides = [1, 1]} : vector<512x8192xf32> to vector<128x128xf32>
    %bitcast_convert_type3A_839 = tpu.bitcast %slice3A_838 : vector<128x128xf32> -> vector<128x128xi32>
    %and3A_840 = arith.constant -64 : i32
    %and3A_841 = vector.broadcast %and3A_840 : i32 to vector<128x128xi32>
    %and3A_842 = arith.andi %bitcast_convert_type3A_839, %and3A_841 : vector<128x128xi32>
    %or3A_843 = arith.constant 63 : i32
    %or3A_844 = vector.broadcast %or3A_843 : i32 to vector<128x128xi32>
    %or3A_845 = arith.ori %and3A_842, %or3A_844 : vector<128x128xi32>
    %max3A_846 = arith.maxsi %min3A_834, %or3A_845 : vector<128x128xi32>
    %min3A_847 = arith.minsi %min3A_834, %or3A_845 : vector<128x128xi32>
    %max3A_848 = arith.maxsi %min3A_836, %max3A_846 : vector<128x128xi32>
    %min3A_849 = arith.minsi %min3A_836, %max3A_846 : vector<128x128xi32>
    %min3A_850 = arith.minsi %min3A_837, %max3A_848 : vector<128x128xi32>
    %slice3A_851 = vector.extract_strided_slice %add3A_22 {offsets = [128, 0], sizes = [128, 128], strides = [1, 1]} : vector<512x8192xf32> to vector<128x128xf32>
    %bitcast_convert_type3A_852 = tpu.bitcast %slice3A_851 : vector<128x128xf32> -> vector<128x128xi32>
    %and3A_853 = arith.constant -64 : i32
    %and3A_854 = vector.broadcast %and3A_853 : i32 to vector<128x128xi32>
    %and3A_855 = arith.andi %bitcast_convert_type3A_852, %and3A_854 : vector<128x128xi32>
    %or3A_856 = arith.constant 0 : i32
    %or3A_857 = vector.broadcast %or3A_856 : i32 to vector<128x128xi32>
    %or3A_858 = arith.ori %and3A_855, %or3A_857 : vector<128x128xi32>
    %max3A_859 = arith.maxsi %broadcast_in_dim3A_24, %or3A_858 : vector<128x128xi32>
    %min3A_860 = arith.minsi %broadcast_in_dim3A_24, %or3A_858 : vector<128x128xi32>
    %max3A_861 = arith.maxsi %broadcast_in_dim3A_24, %max3A_859 : vector<128x128xi32>
    %min3A_862 = arith.minsi %broadcast_in_dim3A_24, %max3A_859 : vector<128x128xi32>
    %min3A_863 = arith.minsi %broadcast_in_dim3A_24, %max3A_861 : vector<128x128xi32>
    %slice3A_864 = vector.extract_strided_slice %add3A_22 {offsets = [128, 128], sizes = [128, 128], strides = [1, 1]} : vector<512x8192xf32> to vector<128x128xf32>
    %bitcast_convert_type3A_865 = tpu.bitcast %slice3A_864 : vector<128x128xf32> -> vector<128x128xi32>
    %and3A_866 = arith.constant -64 : i32
    %and3A_867 = vector.broadcast %and3A_866 : i32 to vector<128x128xi32>
    %and3A_868 = arith.andi %bitcast_convert_type3A_865, %and3A_867 : vector<128x128xi32>
    %or3A_869 = arith.constant 1 : i32
    %or3A_870 = vector.broadcast %or3A_869 : i32 to vector<128x128xi32>
    %or3A_871 = arith.ori %and3A_868, %or3A_870 : vector<128x128xi32>
    %max3A_872 = arith.maxsi %min3A_860, %or3A_871 : vector<128x128xi32>
    %min3A_873 = arith.minsi %min3A_860, %or3A_871 : vector<128x128xi32>
    %max3A_874 = arith.maxsi %min3A_862, %max3A_872 : vector<128x128xi32>
    %min3A_875 = arith.minsi %min3A_862, %max3A_872 : vector<128x128xi32>
    %min3A_876 = arith.minsi %min3A_863, %max3A_874 : vector<128x128xi32>
    %slice3A_877 = vector.extract_strided_slice %add3A_22 {offsets = [128, 256], sizes = [128, 128], strides = [1, 1]} : vector<512x8192xf32> to vector<128x128xf32>
    %bitcast_convert_type3A_878 = tpu.bitcast %slice3A_877 : vector<128x128xf32> -> vector<128x128xi32>
    %and3A_879 = arith.constant -64 : i32
    %and3A_880 = vector.broadcast %and3A_879 : i32 to vector<128x128xi32>
    %and3A_881 = arith.andi %bitcast_convert_type3A_878, %and3A_880 : vector<128x128xi32>
    %or3A_882 = arith.constant 2 : i32
    %or3A_883 = vector.broadcast %or3A_882 : i32 to vector<128x128xi32>
    %or3A_884 = arith.ori %and3A_881, %or3A_883 : vector<128x128xi32>
    %max3A_885 = arith.maxsi %min3A_873, %or3A_884 : vector<128x128xi32>
    %min3A_886 = arith.minsi %min3A_873, %or3A_884 : vector<128x128xi32>
    %max3A_887 = arith.maxsi %min3A_875, %max3A_885 : vector<128x128xi32>
    %min3A_888 = arith.minsi %min3A_875, %max3A_885 : vector<128x128xi32>
    %min3A_889 = arith.minsi %min3A_876, %max3A_887 : vector<128x128xi32>
    %slice3A_890 = vector.extract_strided_slice %add3A_22 {offsets = [128, 384], sizes = [128, 128], strides = [1, 1]} : vector<512x8192xf32> to vector<128x128xf32>
    %bitcast_convert_type3A_891 = tpu.bitcast %slice3A_890 : vector<128x128xf32> -> vector<128x128xi32>
    %and3A_892 = arith.constant -64 : i32
    %and3A_893 = vector.broadcast %and3A_892 : i32 to vector<128x128xi32>
    %and3A_894 = arith.andi %bitcast_convert_type3A_891, %and3A_893 : vector<128x128xi32>
    %or3A_895 = arith.constant 3 : i32
    %or3A_896 = vector.broadcast %or3A_895 : i32 to vector<128x128xi32>
    %or3A_897 = arith.ori %and3A_894, %or3A_896 : vector<128x128xi32>
    %max3A_898 = arith.maxsi %min3A_886, %or3A_897 : vector<128x128xi32>
    %min3A_899 = arith.minsi %min3A_886, %or3A_897 : vector<128x128xi32>
    %max3A_900 = arith.maxsi %min3A_888, %max3A_898 : vector<128x128xi32>
    %min3A_901 = arith.minsi %min3A_888, %max3A_898 : vector<128x128xi32>
    %min3A_902 = arith.minsi %min3A_889, %max3A_900 : vector<128x128xi32>
    %slice3A_903 = vector.extract_strided_slice %add3A_22 {offsets = [128, 512], sizes = [128, 128], strides = [1, 1]} : vector<512x8192xf32> to vector<128x128xf32>
    %bitcast_convert_type3A_904 = tpu.bitcast %slice3A_903 : vector<128x128xf32> -> vector<128x128xi32>
    %and3A_905 = arith.constant -64 : i32
    %and3A_906 = vector.broadcast %and3A_905 : i32 to vector<128x128xi32>
    %and3A_907 = arith.andi %bitcast_convert_type3A_904, %and3A_906 : vector<128x128xi32>
    %or3A_908 = arith.constant 4 : i32
    %or3A_909 = vector.broadcast %or3A_908 : i32 to vector<128x128xi32>
    %or3A_910 = arith.ori %and3A_907, %or3A_909 : vector<128x128xi32>
    %max3A_911 = arith.maxsi %min3A_899, %or3A_910 : vector<128x128xi32>
    %min3A_912 = arith.minsi %min3A_899, %or3A_910 : vector<128x128xi32>
    %max3A_913 = arith.maxsi %min3A_901, %max3A_911 : vector<128x128xi32>
    %min3A_914 = arith.minsi %min3A_901, %max3A_911 : vector<128x128xi32>
    %min3A_915 = arith.minsi %min3A_902, %max3A_913 : vector<128x128xi32>
    %slice3A_916 = vector.extract_strided_slice %add3A_22 {offsets = [128, 640], sizes = [128, 128], strides = [1, 1]} : vector<512x8192xf32> to vector<128x128xf32>
    %bitcast_convert_type3A_917 = tpu.bitcast %slice3A_916 : vector<128x128xf32> -> vector<128x128xi32>
    %and3A_918 = arith.constant -64 : i32
    %and3A_919 = vector.broadcast %and3A_918 : i32 to vector<128x128xi32>
    %and3A_920 = arith.andi %bitcast_convert_type3A_917, %and3A_919 : vector<128x128xi32>
    %or3A_921 = arith.constant 5 : i32
    %or3A_922 = vector.broadcast %or3A_921 : i32 to vector<128x128xi32>
    %or3A_923 = arith.ori %and3A_920, %or3A_922 : vector<128x128xi32>
    %max3A_924 = arith.maxsi %min3A_912, %or3A_923 : vector<128x128xi32>
    %min3A_925 = arith.minsi %min3A_912, %or3A_923 : vector<128x128xi32>
    %max3A_926 = arith.maxsi %min3A_914, %max3A_924 : vector<128x128xi32>
    %min3A_927 = arith.minsi %min3A_914, %max3A_924 : vector<128x128xi32>
    %min3A_928 = arith.minsi %min3A_915, %max3A_926 : vector<128x128xi32>
    %slice3A_929 = vector.extract_strided_slice %add3A_22 {offsets = [128, 768], sizes = [128, 128], strides = [1, 1]} : vector<512x8192xf32> to vector<128x128xf32>
    %bitcast_convert_type3A_930 = tpu.bitcast %slice3A_929 : vector<128x128xf32> -> vector<128x128xi32>
    %and3A_931 = arith.constant -64 : i32
    %and3A_932 = vector.broadcast %and3A_931 : i32 to vector<128x128xi32>
    %and3A_933 = arith.andi %bitcast_convert_type3A_930, %and3A_932 : vector<128x128xi32>
    %or3A_934 = arith.constant 6 : i32
    %or3A_935 = vector.broadcast %or3A_934 : i32 to vector<128x128xi32>
    %or3A_936 = arith.ori %and3A_933, %or3A_935 : vector<128x128xi32>
    %max3A_937 = arith.maxsi %min3A_925, %or3A_936 : vector<128x128xi32>
    %min3A_938 = arith.minsi %min3A_925, %or3A_936 : vector<128x128xi32>
    %max3A_939 = arith.maxsi %min3A_927, %max3A_937 : vector<128x128xi32>
    %min3A_940 = arith.minsi %min3A_927, %max3A_937 : vector<128x128xi32>
    %min3A_941 = arith.minsi %min3A_928, %max3A_939 : vector<128x128xi32>
    %slice3A_942 = vector.extract_strided_slice %add3A_22 {offsets = [128, 896], sizes = [128, 128], strides = [1, 1]} : vector<512x8192xf32> to vector<128x128xf32>
    %bitcast_convert_type3A_943 = tpu.bitcast %slice3A_942 : vector<128x128xf32> -> vector<128x128xi32>
    %and3A_944 = arith.constant -64 : i32
    %and3A_945 = vector.broadcast %and3A_944 : i32 to vector<128x128xi32>
    %and3A_946 = arith.andi %bitcast_convert_type3A_943, %and3A_945 : vector<128x128xi32>
    %or3A_947 = arith.constant 7 : i32
    %or3A_948 = vector.broadcast %or3A_947 : i32 to vector<128x128xi32>
    %or3A_949 = arith.ori %and3A_946, %or3A_948 : vector<128x128xi32>
    %max3A_950 = arith.maxsi %min3A_938, %or3A_949 : vector<128x128xi32>
    %min3A_951 = arith.minsi %min3A_938, %or3A_949 : vector<128x128xi32>
    %max3A_952 = arith.maxsi %min3A_940, %max3A_950 : vector<128x128xi32>
    %min3A_953 = arith.minsi %min3A_940, %max3A_950 : vector<128x128xi32>
    %min3A_954 = arith.minsi %min3A_941, %max3A_952 : vector<128x128xi32>
    %slice3A_955 = vector.extract_strided_slice %add3A_22 {offsets = [128, 1024], sizes = [128, 128], strides = [1, 1]} : vector<512x8192xf32> to vector<128x128xf32>
    %bitcast_convert_type3A_956 = tpu.bitcast %slice3A_955 : vector<128x128xf32> -> vector<128x128xi32>
    %and3A_957 = arith.constant -64 : i32
    %and3A_958 = vector.broadcast %and3A_957 : i32 to vector<128x128xi32>
    %and3A_959 = arith.andi %bitcast_convert_type3A_956, %and3A_958 : vector<128x128xi32>
    %or3A_960 = arith.constant 8 : i32
    %or3A_961 = vector.broadcast %or3A_960 : i32 to vector<128x128xi32>
    %or3A_962 = arith.ori %and3A_959, %or3A_961 : vector<128x128xi32>
    %max3A_963 = arith.maxsi %min3A_951, %or3A_962 : vector<128x128xi32>
    %min3A_964 = arith.minsi %min3A_951, %or3A_962 : vector<128x128xi32>
    %max3A_965 = arith.maxsi %min3A_953, %max3A_963 : vector<128x128xi32>
    %min3A_966 = arith.minsi %min3A_953, %max3A_963 : vector<128x128xi32>
    %min3A_967 = arith.minsi %min3A_954, %max3A_965 : vector<128x128xi32>
    %slice3A_968 = vector.extract_strided_slice %add3A_22 {offsets = [128, 1152], sizes = [128, 128], strides = [1, 1]} : vector<512x8192xf32> to vector<128x128xf32>
    %bitcast_convert_type3A_969 = tpu.bitcast %slice3A_968 : vector<128x128xf32> -> vector<128x128xi32>
    %and3A_970 = arith.constant -64 : i32
    %and3A_971 = vector.broadcast %and3A_970 : i32 to vector<128x128xi32>
    %and3A_972 = arith.andi %bitcast_convert_type3A_969, %and3A_971 : vector<128x128xi32>
    %or3A_973 = arith.constant 9 : i32
    %or3A_974 = vector.broadcast %or3A_973 : i32 to vector<128x128xi32>
    %or3A_975 = arith.ori %and3A_972, %or3A_974 : vector<128x128xi32>
    %max3A_976 = arith.maxsi %min3A_964, %or3A_975 : vector<128x128xi32>
    %min3A_977 = arith.minsi %min3A_964, %or3A_975 : vector<128x128xi32>
    %max3A_978 = arith.maxsi %min3A_966, %max3A_976 : vector<128x128xi32>
    %min3A_979 = arith.minsi %min3A_966, %max3A_976 : vector<128x128xi32>
    %min3A_980 = arith.minsi %min3A_967, %max3A_978 : vector<128x128xi32>
    %slice3A_981 = vector.extract_strided_slice %add3A_22 {offsets = [128, 1280], sizes = [128, 128], strides = [1, 1]} : vector<512x8192xf32> to vector<128x128xf32>
    %bitcast_convert_type3A_982 = tpu.bitcast %slice3A_981 : vector<128x128xf32> -> vector<128x128xi32>
    %and3A_983 = arith.constant -64 : i32
    %and3A_984 = vector.broadcast %and3A_983 : i32 to vector<128x128xi32>
    %and3A_985 = arith.andi %bitcast_convert_type3A_982, %and3A_984 : vector<128x128xi32>
    %or3A_986 = arith.constant 10 : i32
    %or3A_987 = vector.broadcast %or3A_986 : i32 to vector<128x128xi32>
    %or3A_988 = arith.ori %and3A_985, %or3A_987 : vector<128x128xi32>
    %max3A_989 = arith.maxsi %min3A_977, %or3A_988 : vector<128x128xi32>
    %min3A_990 = arith.minsi %min3A_977, %or3A_988 : vector<128x128xi32>
    %max3A_991 = arith.maxsi %min3A_979, %max3A_989 : vector<128x128xi32>
    %min3A_992 = arith.minsi %min3A_979, %max3A_989 : vector<128x128xi32>
    %min3A_993 = arith.minsi %min3A_980, %max3A_991 : vector<128x128xi32>
    %slice3A_994 = vector.extract_strided_slice %add3A_22 {offsets = [128, 1408], sizes = [128, 128], strides = [1, 1]} : vector<512x8192xf32> to vector<128x128xf32>
    %bitcast_convert_type3A_995 = tpu.bitcast %slice3A_994 : vector<128x128xf32> -> vector<128x128xi32>
    %and3A_996 = arith.constant -64 : i32
    %and3A_997 = vector.broadcast %and3A_996 : i32 to vector<128x128xi32>
    %and3A_998 = arith.andi %bitcast_convert_type3A_995, %and3A_997 : vector<128x128xi32>
    %or3A_999 = arith.constant 11 : i32
    %or3A_1000 = vector.broadcast %or3A_999 : i32 to vector<128x128xi32>
    %or3A_1001 = arith.ori %and3A_998, %or3A_1000 : vector<128x128xi32>
    %max3A_1002 = arith.maxsi %min3A_990, %or3A_1001 : vector<128x128xi32>
    %min3A_1003 = arith.minsi %min3A_990, %or3A_1001 : vector<128x128xi32>
    %max3A_1004 = arith.maxsi %min3A_992, %max3A_1002 : vector<128x128xi32>
    %min3A_1005 = arith.minsi %min3A_992, %max3A_1002 : vector<128x128xi32>
    %min3A_1006 = arith.minsi %min3A_993, %max3A_1004 : vector<128x128xi32>
    %slice3A_1007 = vector.extract_strided_slice %add3A_22 {offsets = [128, 1536], sizes = [128, 128], strides = [1, 1]} : vector<512x8192xf32> to vector<128x128xf32>
    %bitcast_convert_type3A_1008 = tpu.bitcast %slice3A_1007 : vector<128x128xf32> -> vector<128x128xi32>
    %and3A_1009 = arith.constant -64 : i32
    %and3A_1010 = vector.broadcast %and3A_1009 : i32 to vector<128x128xi32>
    %and3A_1011 = arith.andi %bitcast_convert_type3A_1008, %and3A_1010 : vector<128x128xi32>
    %or3A_1012 = arith.constant 12 : i32
    %or3A_1013 = vector.broadcast %or3A_1012 : i32 to vector<128x128xi32>
    %or3A_1014 = arith.ori %and3A_1011, %or3A_1013 : vector<128x128xi32>
    %max3A_1015 = arith.maxsi %min3A_1003, %or3A_1014 : vector<128x128xi32>
    %min3A_1016 = arith.minsi %min3A_1003, %or3A_1014 : vector<128x128xi32>
    %max3A_1017 = arith.maxsi %min3A_1005, %max3A_1015 : vector<128x128xi32>
    %min3A_1018 = arith.minsi %min3A_1005, %max3A_1015 : vector<128x128xi32>
    %min3A_1019 = arith.minsi %min3A_1006, %max3A_1017 : vector<128x128xi32>
    %slice3A_1020 = vector.extract_strided_slice %add3A_22 {offsets = [128, 1664], sizes = [128, 128], strides = [1, 1]} : vector<512x8192xf32> to vector<128x128xf32>
    %bitcast_convert_type3A_1021 = tpu.bitcast %slice3A_1020 : vector<128x128xf32> -> vector<128x128xi32>
    %and3A_1022 = arith.constant -64 : i32
    %and3A_1023 = vector.broadcast %and3A_1022 : i32 to vector<128x128xi32>
    %and3A_1024 = arith.andi %bitcast_convert_type3A_1021, %and3A_1023 : vector<128x128xi32>
    %or3A_1025 = arith.constant 13 : i32
    %or3A_1026 = vector.broadcast %or3A_1025 : i32 to vector<128x128xi32>
    %or3A_1027 = arith.ori %and3A_1024, %or3A_1026 : vector<128x128xi32>
    %max3A_1028 = arith.maxsi %min3A_1016, %or3A_1027 : vector<128x128xi32>
    %min3A_1029 = arith.minsi %min3A_1016, %or3A_1027 : vector<128x128xi32>
    %max3A_1030 = arith.maxsi %min3A_1018, %max3A_1028 : vector<128x128xi32>
    %min3A_1031 = arith.minsi %min3A_1018, %max3A_1028 : vector<128x128xi32>
    %min3A_1032 = arith.minsi %min3A_1019, %max3A_1030 : vector<128x128xi32>
    %slice3A_1033 = vector.extract_strided_slice %add3A_22 {offsets = [128, 1792], sizes = [128, 128], strides = [1, 1]} : vector<512x8192xf32> to vector<128x128xf32>
    %bitcast_convert_type3A_1034 = tpu.bitcast %slice3A_1033 : vector<128x128xf32> -> vector<128x128xi32>
    %and3A_1035 = arith.constant -64 : i32
    %and3A_1036 = vector.broadcast %and3A_1035 : i32 to vector<128x128xi32>
    %and3A_1037 = arith.andi %bitcast_convert_type3A_1034, %and3A_1036 : vector<128x128xi32>
    %or3A_1038 = arith.constant 14 : i32
    %or3A_1039 = vector.broadcast %or3A_1038 : i32 to vector<128x128xi32>
    %or3A_1040 = arith.ori %and3A_1037, %or3A_1039 : vector<128x128xi32>
    %max3A_1041 = arith.maxsi %min3A_1029, %or3A_1040 : vector<128x128xi32>
    %min3A_1042 = arith.minsi %min3A_1029, %or3A_1040 : vector<128x128xi32>
    %max3A_1043 = arith.maxsi %min3A_1031, %max3A_1041 : vector<128x128xi32>
    %min3A_1044 = arith.minsi %min3A_1031, %max3A_1041 : vector<128x128xi32>
    %min3A_1045 = arith.minsi %min3A_1032, %max3A_1043 : vector<128x128xi32>
    %slice3A_1046 = vector.extract_strided_slice %add3A_22 {offsets = [128, 1920], sizes = [128, 128], strides = [1, 1]} : vector<512x8192xf32> to vector<128x128xf32>
    %bitcast_convert_type3A_1047 = tpu.bitcast %slice3A_1046 : vector<128x128xf32> -> vector<128x128xi32>
    %and3A_1048 = arith.constant -64 : i32
    %and3A_1049 = vector.broadcast %and3A_1048 : i32 to vector<128x128xi32>
    %and3A_1050 = arith.andi %bitcast_convert_type3A_1047, %and3A_1049 : vector<128x128xi32>
    %or3A_1051 = arith.constant 15 : i32
    %or3A_1052 = vector.broadcast %or3A_1051 : i32 to vector<128x128xi32>
    %or3A_1053 = arith.ori %and3A_1050, %or3A_1052 : vector<128x128xi32>
    %max3A_1054 = arith.maxsi %min3A_1042, %or3A_1053 : vector<128x128xi32>
    %min3A_1055 = arith.minsi %min3A_1042, %or3A_1053 : vector<128x128xi32>
    %max3A_1056 = arith.maxsi %min3A_1044, %max3A_1054 : vector<128x128xi32>
    %min3A_1057 = arith.minsi %min3A_1044, %max3A_1054 : vector<128x128xi32>
    %min3A_1058 = arith.minsi %min3A_1045, %max3A_1056 : vector<128x128xi32>
    %slice3A_1059 = vector.extract_strided_slice %add3A_22 {offsets = [128, 2048], sizes = [128, 128], strides = [1, 1]} : vector<512x8192xf32> to vector<128x128xf32>
    %bitcast_convert_type3A_1060 = tpu.bitcast %slice3A_1059 : vector<128x128xf32> -> vector<128x128xi32>
    %and3A_1061 = arith.constant -64 : i32
    %and3A_1062 = vector.broadcast %and3A_1061 : i32 to vector<128x128xi32>
    %and3A_1063 = arith.andi %bitcast_convert_type3A_1060, %and3A_1062 : vector<128x128xi32>
    %or3A_1064 = arith.constant 16 : i32
    %or3A_1065 = vector.broadcast %or3A_1064 : i32 to vector<128x128xi32>
    %or3A_1066 = arith.ori %and3A_1063, %or3A_1065 : vector<128x128xi32>
    %max3A_1067 = arith.maxsi %min3A_1055, %or3A_1066 : vector<128x128xi32>
    %min3A_1068 = arith.minsi %min3A_1055, %or3A_1066 : vector<128x128xi32>
    %max3A_1069 = arith.maxsi %min3A_1057, %max3A_1067 : vector<128x128xi32>
    %min3A_1070 = arith.minsi %min3A_1057, %max3A_1067 : vector<128x128xi32>
    %min3A_1071 = arith.minsi %min3A_1058, %max3A_1069 : vector<128x128xi32>
    %slice3A_1072 = vector.extract_strided_slice %add3A_22 {offsets = [128, 2176], sizes = [128, 128], strides = [1, 1]} : vector<512x8192xf32> to vector<128x128xf32>
    %bitcast_convert_type3A_1073 = tpu.bitcast %slice3A_1072 : vector<128x128xf32> -> vector<128x128xi32>
    %and3A_1074 = arith.constant -64 : i32
    %and3A_1075 = vector.broadcast %and3A_1074 : i32 to vector<128x128xi32>
    %and3A_1076 = arith.andi %bitcast_convert_type3A_1073, %and3A_1075 : vector<128x128xi32>
    %or3A_1077 = arith.constant 17 : i32
    %or3A_1078 = vector.broadcast %or3A_1077 : i32 to vector<128x128xi32>
    %or3A_1079 = arith.ori %and3A_1076, %or3A_1078 : vector<128x128xi32>
    %max3A_1080 = arith.maxsi %min3A_1068, %or3A_1079 : vector<128x128xi32>
    %min3A_1081 = arith.minsi %min3A_1068, %or3A_1079 : vector<128x128xi32>
    %max3A_1082 = arith.maxsi %min3A_1070, %max3A_1080 : vector<128x128xi32>
    %min3A_1083 = arith.minsi %min3A_1070, %max3A_1080 : vector<128x128xi32>
    %min3A_1084 = arith.minsi %min3A_1071, %max3A_1082 : vector<128x128xi32>
    %slice3A_1085 = vector.extract_strided_slice %add3A_22 {offsets = [128, 2304], sizes = [128, 128], strides = [1, 1]} : vector<512x8192xf32> to vector<128x128xf32>
    %bitcast_convert_type3A_1086 = tpu.bitcast %slice3A_1085 : vector<128x128xf32> -> vector<128x128xi32>
    %and3A_1087 = arith.constant -64 : i32
    %and3A_1088 = vector.broadcast %and3A_1087 : i32 to vector<128x128xi32>
    %and3A_1089 = arith.andi %bitcast_convert_type3A_1086, %and3A_1088 : vector<128x128xi32>
    %or3A_1090 = arith.constant 18 : i32
    %or3A_1091 = vector.broadcast %or3A_1090 : i32 to vector<128x128xi32>
    %or3A_1092 = arith.ori %and3A_1089, %or3A_1091 : vector<128x128xi32>
    %max3A_1093 = arith.maxsi %min3A_1081, %or3A_1092 : vector<128x128xi32>
    %min3A_1094 = arith.minsi %min3A_1081, %or3A_1092 : vector<128x128xi32>
    %max3A_1095 = arith.maxsi %min3A_1083, %max3A_1093 : vector<128x128xi32>
    %min3A_1096 = arith.minsi %min3A_1083, %max3A_1093 : vector<128x128xi32>
    %min3A_1097 = arith.minsi %min3A_1084, %max3A_1095 : vector<128x128xi32>
    %slice3A_1098 = vector.extract_strided_slice %add3A_22 {offsets = [128, 2432], sizes = [128, 128], strides = [1, 1]} : vector<512x8192xf32> to vector<128x128xf32>
    %bitcast_convert_type3A_1099 = tpu.bitcast %slice3A_1098 : vector<128x128xf32> -> vector<128x128xi32>
    %and3A_1100 = arith.constant -64 : i32
    %and3A_1101 = vector.broadcast %and3A_1100 : i32 to vector<128x128xi32>
    %and3A_1102 = arith.andi %bitcast_convert_type3A_1099, %and3A_1101 : vector<128x128xi32>
    %or3A_1103 = arith.constant 19 : i32
    %or3A_1104 = vector.broadcast %or3A_1103 : i32 to vector<128x128xi32>
    %or3A_1105 = arith.ori %and3A_1102, %or3A_1104 : vector<128x128xi32>
    %max3A_1106 = arith.maxsi %min3A_1094, %or3A_1105 : vector<128x128xi32>
    %min3A_1107 = arith.minsi %min3A_1094, %or3A_1105 : vector<128x128xi32>
    %max3A_1108 = arith.maxsi %min3A_1096, %max3A_1106 : vector<128x128xi32>
    %min3A_1109 = arith.minsi %min3A_1096, %max3A_1106 : vector<128x128xi32>
    %min3A_1110 = arith.minsi %min3A_1097, %max3A_1108 : vector<128x128xi32>
    %slice3A_1111 = vector.extract_strided_slice %add3A_22 {offsets = [128, 2560], sizes = [128, 128], strides = [1, 1]} : vector<512x8192xf32> to vector<128x128xf32>
    %bitcast_convert_type3A_1112 = tpu.bitcast %slice3A_1111 : vector<128x128xf32> -> vector<128x128xi32>
    %and3A_1113 = arith.constant -64 : i32
    %and3A_1114 = vector.broadcast %and3A_1113 : i32 to vector<128x128xi32>
    %and3A_1115 = arith.andi %bitcast_convert_type3A_1112, %and3A_1114 : vector<128x128xi32>
    %or3A_1116 = arith.constant 20 : i32
    %or3A_1117 = vector.broadcast %or3A_1116 : i32 to vector<128x128xi32>
    %or3A_1118 = arith.ori %and3A_1115, %or3A_1117 : vector<128x128xi32>
    %max3A_1119 = arith.maxsi %min3A_1107, %or3A_1118 : vector<128x128xi32>
    %min3A_1120 = arith.minsi %min3A_1107, %or3A_1118 : vector<128x128xi32>
    %max3A_1121 = arith.maxsi %min3A_1109, %max3A_1119 : vector<128x128xi32>
    %min3A_1122 = arith.minsi %min3A_1109, %max3A_1119 : vector<128x128xi32>
    %min3A_1123 = arith.minsi %min3A_1110, %max3A_1121 : vector<128x128xi32>
    %slice3A_1124 = vector.extract_strided_slice %add3A_22 {offsets = [128, 2688], sizes = [128, 128], strides = [1, 1]} : vector<512x8192xf32> to vector<128x128xf32>
    %bitcast_convert_type3A_1125 = tpu.bitcast %slice3A_1124 : vector<128x128xf32> -> vector<128x128xi32>
    %and3A_1126 = arith.constant -64 : i32
    %and3A_1127 = vector.broadcast %and3A_1126 : i32 to vector<128x128xi32>
    %and3A_1128 = arith.andi %bitcast_convert_type3A_1125, %and3A_1127 : vector<128x128xi32>
    %or3A_1129 = arith.constant 21 : i32
    %or3A_1130 = vector.broadcast %or3A_1129 : i32 to vector<128x128xi32>
    %or3A_1131 = arith.ori %and3A_1128, %or3A_1130 : vector<128x128xi32>
    %max3A_1132 = arith.maxsi %min3A_1120, %or3A_1131 : vector<128x128xi32>
    %min3A_1133 = arith.minsi %min3A_1120, %or3A_1131 : vector<128x128xi32>
    %max3A_1134 = arith.maxsi %min3A_1122, %max3A_1132 : vector<128x128xi32>
    %min3A_1135 = arith.minsi %min3A_1122, %max3A_1132 : vector<128x128xi32>
    %min3A_1136 = arith.minsi %min3A_1123, %max3A_1134 : vector<128x128xi32>
    %slice3A_1137 = vector.extract_strided_slice %add3A_22 {offsets = [128, 2816], sizes = [128, 128], strides = [1, 1]} : vector<512x8192xf32> to vector<128x128xf32>
    %bitcast_convert_type3A_1138 = tpu.bitcast %slice3A_1137 : vector<128x128xf32> -> vector<128x128xi32>
    %and3A_1139 = arith.constant -64 : i32
    %and3A_1140 = vector.broadcast %and3A_1139 : i32 to vector<128x128xi32>
    %and3A_1141 = arith.andi %bitcast_convert_type3A_1138, %and3A_1140 : vector<128x128xi32>
    %or3A_1142 = arith.constant 22 : i32
    %or3A_1143 = vector.broadcast %or3A_1142 : i32 to vector<128x128xi32>
    %or3A_1144 = arith.ori %and3A_1141, %or3A_1143 : vector<128x128xi32>
    %max3A_1145 = arith.maxsi %min3A_1133, %or3A_1144 : vector<128x128xi32>
    %min3A_1146 = arith.minsi %min3A_1133, %or3A_1144 : vector<128x128xi32>
    %max3A_1147 = arith.maxsi %min3A_1135, %max3A_1145 : vector<128x128xi32>
    %min3A_1148 = arith.minsi %min3A_1135, %max3A_1145 : vector<128x128xi32>
    %min3A_1149 = arith.minsi %min3A_1136, %max3A_1147 : vector<128x128xi32>
    %slice3A_1150 = vector.extract_strided_slice %add3A_22 {offsets = [128, 2944], sizes = [128, 128], strides = [1, 1]} : vector<512x8192xf32> to vector<128x128xf32>
    %bitcast_convert_type3A_1151 = tpu.bitcast %slice3A_1150 : vector<128x128xf32> -> vector<128x128xi32>
    %and3A_1152 = arith.constant -64 : i32
    %and3A_1153 = vector.broadcast %and3A_1152 : i32 to vector<128x128xi32>
    %and3A_1154 = arith.andi %bitcast_convert_type3A_1151, %and3A_1153 : vector<128x128xi32>
    %or3A_1155 = arith.constant 23 : i32
    %or3A_1156 = vector.broadcast %or3A_1155 : i32 to vector<128x128xi32>
    %or3A_1157 = arith.ori %and3A_1154, %or3A_1156 : vector<128x128xi32>
    %max3A_1158 = arith.maxsi %min3A_1146, %or3A_1157 : vector<128x128xi32>
    %min3A_1159 = arith.minsi %min3A_1146, %or3A_1157 : vector<128x128xi32>
    %max3A_1160 = arith.maxsi %min3A_1148, %max3A_1158 : vector<128x128xi32>
    %min3A_1161 = arith.minsi %min3A_1148, %max3A_1158 : vector<128x128xi32>
    %min3A_1162 = arith.minsi %min3A_1149, %max3A_1160 : vector<128x128xi32>
    %slice3A_1163 = vector.extract_strided_slice %add3A_22 {offsets = [128, 3072], sizes = [128, 128], strides = [1, 1]} : vector<512x8192xf32> to vector<128x128xf32>
    %bitcast_convert_type3A_1164 = tpu.bitcast %slice3A_1163 : vector<128x128xf32> -> vector<128x128xi32>
    %and3A_1165 = arith.constant -64 : i32
    %and3A_1166 = vector.broadcast %and3A_1165 : i32 to vector<128x128xi32>
    %and3A_1167 = arith.andi %bitcast_convert_type3A_1164, %and3A_1166 : vector<128x128xi32>
    %or3A_1168 = arith.constant 24 : i32
    %or3A_1169 = vector.broadcast %or3A_1168 : i32 to vector<128x128xi32>
    %or3A_1170 = arith.ori %and3A_1167, %or3A_1169 : vector<128x128xi32>
    %max3A_1171 = arith.maxsi %min3A_1159, %or3A_1170 : vector<128x128xi32>
    %min3A_1172 = arith.minsi %min3A_1159, %or3A_1170 : vector<128x128xi32>
    %max3A_1173 = arith.maxsi %min3A_1161, %max3A_1171 : vector<128x128xi32>
    %min3A_1174 = arith.minsi %min3A_1161, %max3A_1171 : vector<128x128xi32>
    %min3A_1175 = arith.minsi %min3A_1162, %max3A_1173 : vector<128x128xi32>
    %slice3A_1176 = vector.extract_strided_slice %add3A_22 {offsets = [128, 3200], sizes = [128, 128], strides = [1, 1]} : vector<512x8192xf32> to vector<128x128xf32>
    %bitcast_convert_type3A_1177 = tpu.bitcast %slice3A_1176 : vector<128x128xf32> -> vector<128x128xi32>
    %and3A_1178 = arith.constant -64 : i32
    %and3A_1179 = vector.broadcast %and3A_1178 : i32 to vector<128x128xi32>
    %and3A_1180 = arith.andi %bitcast_convert_type3A_1177, %and3A_1179 : vector<128x128xi32>
    %or3A_1181 = arith.constant 25 : i32
    %or3A_1182 = vector.broadcast %or3A_1181 : i32 to vector<128x128xi32>
    %or3A_1183 = arith.ori %and3A_1180, %or3A_1182 : vector<128x128xi32>
    %max3A_1184 = arith.maxsi %min3A_1172, %or3A_1183 : vector<128x128xi32>
    %min3A_1185 = arith.minsi %min3A_1172, %or3A_1183 : vector<128x128xi32>
    %max3A_1186 = arith.maxsi %min3A_1174, %max3A_1184 : vector<128x128xi32>
    %min3A_1187 = arith.minsi %min3A_1174, %max3A_1184 : vector<128x128xi32>
    %min3A_1188 = arith.minsi %min3A_1175, %max3A_1186 : vector<128x128xi32>
    %slice3A_1189 = vector.extract_strided_slice %add3A_22 {offsets = [128, 3328], sizes = [128, 128], strides = [1, 1]} : vector<512x8192xf32> to vector<128x128xf32>
    %bitcast_convert_type3A_1190 = tpu.bitcast %slice3A_1189 : vector<128x128xf32> -> vector<128x128xi32>
    %and3A_1191 = arith.constant -64 : i32
    %and3A_1192 = vector.broadcast %and3A_1191 : i32 to vector<128x128xi32>
    %and3A_1193 = arith.andi %bitcast_convert_type3A_1190, %and3A_1192 : vector<128x128xi32>
    %or3A_1194 = arith.constant 26 : i32
    %or3A_1195 = vector.broadcast %or3A_1194 : i32 to vector<128x128xi32>
    %or3A_1196 = arith.ori %and3A_1193, %or3A_1195 : vector<128x128xi32>
    %max3A_1197 = arith.maxsi %min3A_1185, %or3A_1196 : vector<128x128xi32>
    %min3A_1198 = arith.minsi %min3A_1185, %or3A_1196 : vector<128x128xi32>
    %max3A_1199 = arith.maxsi %min3A_1187, %max3A_1197 : vector<128x128xi32>
    %min3A_1200 = arith.minsi %min3A_1187, %max3A_1197 : vector<128x128xi32>
    %min3A_1201 = arith.minsi %min3A_1188, %max3A_1199 : vector<128x128xi32>
    %slice3A_1202 = vector.extract_strided_slice %add3A_22 {offsets = [128, 3456], sizes = [128, 128], strides = [1, 1]} : vector<512x8192xf32> to vector<128x128xf32>
    %bitcast_convert_type3A_1203 = tpu.bitcast %slice3A_1202 : vector<128x128xf32> -> vector<128x128xi32>
    %and3A_1204 = arith.constant -64 : i32
    %and3A_1205 = vector.broadcast %and3A_1204 : i32 to vector<128x128xi32>
    %and3A_1206 = arith.andi %bitcast_convert_type3A_1203, %and3A_1205 : vector<128x128xi32>
    %or3A_1207 = arith.constant 27 : i32
    %or3A_1208 = vector.broadcast %or3A_1207 : i32 to vector<128x128xi32>
    %or3A_1209 = arith.ori %and3A_1206, %or3A_1208 : vector<128x128xi32>
    %max3A_1210 = arith.maxsi %min3A_1198, %or3A_1209 : vector<128x128xi32>
    %min3A_1211 = arith.minsi %min3A_1198, %or3A_1209 : vector<128x128xi32>
    %max3A_1212 = arith.maxsi %min3A_1200, %max3A_1210 : vector<128x128xi32>
    %min3A_1213 = arith.minsi %min3A_1200, %max3A_1210 : vector<128x128xi32>
    %min3A_1214 = arith.minsi %min3A_1201, %max3A_1212 : vector<128x128xi32>
    %slice3A_1215 = vector.extract_strided_slice %add3A_22 {offsets = [128, 3584], sizes = [128, 128], strides = [1, 1]} : vector<512x8192xf32> to vector<128x128xf32>
    %bitcast_convert_type3A_1216 = tpu.bitcast %slice3A_1215 : vector<128x128xf32> -> vector<128x128xi32>
    %and3A_1217 = arith.constant -64 : i32
    %and3A_1218 = vector.broadcast %and3A_1217 : i32 to vector<128x128xi32>
    %and3A_1219 = arith.andi %bitcast_convert_type3A_1216, %and3A_1218 : vector<128x128xi32>
    %or3A_1220 = arith.constant 28 : i32
    %or3A_1221 = vector.broadcast %or3A_1220 : i32 to vector<128x128xi32>
    %or3A_1222 = arith.ori %and3A_1219, %or3A_1221 : vector<128x128xi32>
    %max3A_1223 = arith.maxsi %min3A_1211, %or3A_1222 : vector<128x128xi32>
    %min3A_1224 = arith.minsi %min3A_1211, %or3A_1222 : vector<128x128xi32>
    %max3A_1225 = arith.maxsi %min3A_1213, %max3A_1223 : vector<128x128xi32>
    %min3A_1226 = arith.minsi %min3A_1213, %max3A_1223 : vector<128x128xi32>
    %min3A_1227 = arith.minsi %min3A_1214, %max3A_1225 : vector<128x128xi32>
    %slice3A_1228 = vector.extract_strided_slice %add3A_22 {offsets = [128, 3712], sizes = [128, 128], strides = [1, 1]} : vector<512x8192xf32> to vector<128x128xf32>
    %bitcast_convert_type3A_1229 = tpu.bitcast %slice3A_1228 : vector<128x128xf32> -> vector<128x128xi32>
    %and3A_1230 = arith.constant -64 : i32
    %and3A_1231 = vector.broadcast %and3A_1230 : i32 to vector<128x128xi32>
    %and3A_1232 = arith.andi %bitcast_convert_type3A_1229, %and3A_1231 : vector<128x128xi32>
    %or3A_1233 = arith.constant 29 : i32
    %or3A_1234 = vector.broadcast %or3A_1233 : i32 to vector<128x128xi32>
    %or3A_1235 = arith.ori %and3A_1232, %or3A_1234 : vector<128x128xi32>
    %max3A_1236 = arith.maxsi %min3A_1224, %or3A_1235 : vector<128x128xi32>
    %min3A_1237 = arith.minsi %min3A_1224, %or3A_1235 : vector<128x128xi32>
    %max3A_1238 = arith.maxsi %min3A_1226, %max3A_1236 : vector<128x128xi32>
    %min3A_1239 = arith.minsi %min3A_1226, %max3A_1236 : vector<128x128xi32>
    %min3A_1240 = arith.minsi %min3A_1227, %max3A_1238 : vector<128x128xi32>
    %slice3A_1241 = vector.extract_strided_slice %add3A_22 {offsets = [128, 3840], sizes = [128, 128], strides = [1, 1]} : vector<512x8192xf32> to vector<128x128xf32>
    %bitcast_convert_type3A_1242 = tpu.bitcast %slice3A_1241 : vector<128x128xf32> -> vector<128x128xi32>
    %and3A_1243 = arith.constant -64 : i32
    %and3A_1244 = vector.broadcast %and3A_1243 : i32 to vector<128x128xi32>
    %and3A_1245 = arith.andi %bitcast_convert_type3A_1242, %and3A_1244 : vector<128x128xi32>
    %or3A_1246 = arith.constant 30 : i32
    %or3A_1247 = vector.broadcast %or3A_1246 : i32 to vector<128x128xi32>
    %or3A_1248 = arith.ori %and3A_1245, %or3A_1247 : vector<128x128xi32>
    %max3A_1249 = arith.maxsi %min3A_1237, %or3A_1248 : vector<128x128xi32>
    %min3A_1250 = arith.minsi %min3A_1237, %or3A_1248 : vector<128x128xi32>
    %max3A_1251 = arith.maxsi %min3A_1239, %max3A_1249 : vector<128x128xi32>
    %min3A_1252 = arith.minsi %min3A_1239, %max3A_1249 : vector<128x128xi32>
    %min3A_1253 = arith.minsi %min3A_1240, %max3A_1251 : vector<128x128xi32>
    %slice3A_1254 = vector.extract_strided_slice %add3A_22 {offsets = [128, 3968], sizes = [128, 128], strides = [1, 1]} : vector<512x8192xf32> to vector<128x128xf32>
    %bitcast_convert_type3A_1255 = tpu.bitcast %slice3A_1254 : vector<128x128xf32> -> vector<128x128xi32>
    %and3A_1256 = arith.constant -64 : i32
    %and3A_1257 = vector.broadcast %and3A_1256 : i32 to vector<128x128xi32>
    %and3A_1258 = arith.andi %bitcast_convert_type3A_1255, %and3A_1257 : vector<128x128xi32>
    %or3A_1259 = arith.constant 31 : i32
    %or3A_1260 = vector.broadcast %or3A_1259 : i32 to vector<128x128xi32>
    %or3A_1261 = arith.ori %and3A_1258, %or3A_1260 : vector<128x128xi32>
    %max3A_1262 = arith.maxsi %min3A_1250, %or3A_1261 : vector<128x128xi32>
    %min3A_1263 = arith.minsi %min3A_1250, %or3A_1261 : vector<128x128xi32>
    %max3A_1264 = arith.maxsi %min3A_1252, %max3A_1262 : vector<128x128xi32>
    %min3A_1265 = arith.minsi %min3A_1252, %max3A_1262 : vector<128x128xi32>
    %min3A_1266 = arith.minsi %min3A_1253, %max3A_1264 : vector<128x128xi32>
    %slice3A_1267 = vector.extract_strided_slice %add3A_22 {offsets = [128, 4096], sizes = [128, 128], strides = [1, 1]} : vector<512x8192xf32> to vector<128x128xf32>
    %bitcast_convert_type3A_1268 = tpu.bitcast %slice3A_1267 : vector<128x128xf32> -> vector<128x128xi32>
    %and3A_1269 = arith.constant -64 : i32
    %and3A_1270 = vector.broadcast %and3A_1269 : i32 to vector<128x128xi32>
    %and3A_1271 = arith.andi %bitcast_convert_type3A_1268, %and3A_1270 : vector<128x128xi32>
    %or3A_1272 = arith.constant 32 : i32
    %or3A_1273 = vector.broadcast %or3A_1272 : i32 to vector<128x128xi32>
    %or3A_1274 = arith.ori %and3A_1271, %or3A_1273 : vector<128x128xi32>
    %max3A_1275 = arith.maxsi %min3A_1263, %or3A_1274 : vector<128x128xi32>
    %min3A_1276 = arith.minsi %min3A_1263, %or3A_1274 : vector<128x128xi32>
    %max3A_1277 = arith.maxsi %min3A_1265, %max3A_1275 : vector<128x128xi32>
    %min3A_1278 = arith.minsi %min3A_1265, %max3A_1275 : vector<128x128xi32>
    %min3A_1279 = arith.minsi %min3A_1266, %max3A_1277 : vector<128x128xi32>
    %slice3A_1280 = vector.extract_strided_slice %add3A_22 {offsets = [128, 4224], sizes = [128, 128], strides = [1, 1]} : vector<512x8192xf32> to vector<128x128xf32>
    %bitcast_convert_type3A_1281 = tpu.bitcast %slice3A_1280 : vector<128x128xf32> -> vector<128x128xi32>
    %and3A_1282 = arith.constant -64 : i32
    %and3A_1283 = vector.broadcast %and3A_1282 : i32 to vector<128x128xi32>
    %and3A_1284 = arith.andi %bitcast_convert_type3A_1281, %and3A_1283 : vector<128x128xi32>
    %or3A_1285 = arith.constant 33 : i32
    %or3A_1286 = vector.broadcast %or3A_1285 : i32 to vector<128x128xi32>
    %or3A_1287 = arith.ori %and3A_1284, %or3A_1286 : vector<128x128xi32>
    %max3A_1288 = arith.maxsi %min3A_1276, %or3A_1287 : vector<128x128xi32>
    %min3A_1289 = arith.minsi %min3A_1276, %or3A_1287 : vector<128x128xi32>
    %max3A_1290 = arith.maxsi %min3A_1278, %max3A_1288 : vector<128x128xi32>
    %min3A_1291 = arith.minsi %min3A_1278, %max3A_1288 : vector<128x128xi32>
    %min3A_1292 = arith.minsi %min3A_1279, %max3A_1290 : vector<128x128xi32>
    %slice3A_1293 = vector.extract_strided_slice %add3A_22 {offsets = [128, 4352], sizes = [128, 128], strides = [1, 1]} : vector<512x8192xf32> to vector<128x128xf32>
    %bitcast_convert_type3A_1294 = tpu.bitcast %slice3A_1293 : vector<128x128xf32> -> vector<128x128xi32>
    %and3A_1295 = arith.constant -64 : i32
    %and3A_1296 = vector.broadcast %and3A_1295 : i32 to vector<128x128xi32>
    %and3A_1297 = arith.andi %bitcast_convert_type3A_1294, %and3A_1296 : vector<128x128xi32>
    %or3A_1298 = arith.constant 34 : i32
    %or3A_1299 = vector.broadcast %or3A_1298 : i32 to vector<128x128xi32>
    %or3A_1300 = arith.ori %and3A_1297, %or3A_1299 : vector<128x128xi32>
    %max3A_1301 = arith.maxsi %min3A_1289, %or3A_1300 : vector<128x128xi32>
    %min3A_1302 = arith.minsi %min3A_1289, %or3A_1300 : vector<128x128xi32>
    %max3A_1303 = arith.maxsi %min3A_1291, %max3A_1301 : vector<128x128xi32>
    %min3A_1304 = arith.minsi %min3A_1291, %max3A_1301 : vector<128x128xi32>
    %min3A_1305 = arith.minsi %min3A_1292, %max3A_1303 : vector<128x128xi32>
    %slice3A_1306 = vector.extract_strided_slice %add3A_22 {offsets = [128, 4480], sizes = [128, 128], strides = [1, 1]} : vector<512x8192xf32> to vector<128x128xf32>
    %bitcast_convert_type3A_1307 = tpu.bitcast %slice3A_1306 : vector<128x128xf32> -> vector<128x128xi32>
    %and3A_1308 = arith.constant -64 : i32
    %and3A_1309 = vector.broadcast %and3A_1308 : i32 to vector<128x128xi32>
    %and3A_1310 = arith.andi %bitcast_convert_type3A_1307, %and3A_1309 : vector<128x128xi32>
    %or3A_1311 = arith.constant 35 : i32
    %or3A_1312 = vector.broadcast %or3A_1311 : i32 to vector<128x128xi32>
    %or3A_1313 = arith.ori %and3A_1310, %or3A_1312 : vector<128x128xi32>
    %max3A_1314 = arith.maxsi %min3A_1302, %or3A_1313 : vector<128x128xi32>
    %min3A_1315 = arith.minsi %min3A_1302, %or3A_1313 : vector<128x128xi32>
    %max3A_1316 = arith.maxsi %min3A_1304, %max3A_1314 : vector<128x128xi32>
    %min3A_1317 = arith.minsi %min3A_1304, %max3A_1314 : vector<128x128xi32>
    %min3A_1318 = arith.minsi %min3A_1305, %max3A_1316 : vector<128x128xi32>
    %slice3A_1319 = vector.extract_strided_slice %add3A_22 {offsets = [128, 4608], sizes = [128, 128], strides = [1, 1]} : vector<512x8192xf32> to vector<128x128xf32>
    %bitcast_convert_type3A_1320 = tpu.bitcast %slice3A_1319 : vector<128x128xf32> -> vector<128x128xi32>
    %and3A_1321 = arith.constant -64 : i32
    %and3A_1322 = vector.broadcast %and3A_1321 : i32 to vector<128x128xi32>
    %and3A_1323 = arith.andi %bitcast_convert_type3A_1320, %and3A_1322 : vector<128x128xi32>
    %or3A_1324 = arith.constant 36 : i32
    %or3A_1325 = vector.broadcast %or3A_1324 : i32 to vector<128x128xi32>
    %or3A_1326 = arith.ori %and3A_1323, %or3A_1325 : vector<128x128xi32>
    %max3A_1327 = arith.maxsi %min3A_1315, %or3A_1326 : vector<128x128xi32>
    %min3A_1328 = arith.minsi %min3A_1315, %or3A_1326 : vector<128x128xi32>
    %max3A_1329 = arith.maxsi %min3A_1317, %max3A_1327 : vector<128x128xi32>
    %min3A_1330 = arith.minsi %min3A_1317, %max3A_1327 : vector<128x128xi32>
    %min3A_1331 = arith.minsi %min3A_1318, %max3A_1329 : vector<128x128xi32>
    %slice3A_1332 = vector.extract_strided_slice %add3A_22 {offsets = [128, 4736], sizes = [128, 128], strides = [1, 1]} : vector<512x8192xf32> to vector<128x128xf32>
    %bitcast_convert_type3A_1333 = tpu.bitcast %slice3A_1332 : vector<128x128xf32> -> vector<128x128xi32>
    %and3A_1334 = arith.constant -64 : i32
    %and3A_1335 = vector.broadcast %and3A_1334 : i32 to vector<128x128xi32>
    %and3A_1336 = arith.andi %bitcast_convert_type3A_1333, %and3A_1335 : vector<128x128xi32>
    %or3A_1337 = arith.constant 37 : i32
    %or3A_1338 = vector.broadcast %or3A_1337 : i32 to vector<128x128xi32>
    %or3A_1339 = arith.ori %and3A_1336, %or3A_1338 : vector<128x128xi32>
    %max3A_1340 = arith.maxsi %min3A_1328, %or3A_1339 : vector<128x128xi32>
    %min3A_1341 = arith.minsi %min3A_1328, %or3A_1339 : vector<128x128xi32>
    %max3A_1342 = arith.maxsi %min3A_1330, %max3A_1340 : vector<128x128xi32>
    %min3A_1343 = arith.minsi %min3A_1330, %max3A_1340 : vector<128x128xi32>
    %min3A_1344 = arith.minsi %min3A_1331, %max3A_1342 : vector<128x128xi32>
    %slice3A_1345 = vector.extract_strided_slice %add3A_22 {offsets = [128, 4864], sizes = [128, 128], strides = [1, 1]} : vector<512x8192xf32> to vector<128x128xf32>
    %bitcast_convert_type3A_1346 = tpu.bitcast %slice3A_1345 : vector<128x128xf32> -> vector<128x128xi32>
    %and3A_1347 = arith.constant -64 : i32
    %and3A_1348 = vector.broadcast %and3A_1347 : i32 to vector<128x128xi32>
    %and3A_1349 = arith.andi %bitcast_convert_type3A_1346, %and3A_1348 : vector<128x128xi32>
    %or3A_1350 = arith.constant 38 : i32
    %or3A_1351 = vector.broadcast %or3A_1350 : i32 to vector<128x128xi32>
    %or3A_1352 = arith.ori %and3A_1349, %or3A_1351 : vector<128x128xi32>
    %max3A_1353 = arith.maxsi %min3A_1341, %or3A_1352 : vector<128x128xi32>
    %min3A_1354 = arith.minsi %min3A_1341, %or3A_1352 : vector<128x128xi32>
    %max3A_1355 = arith.maxsi %min3A_1343, %max3A_1353 : vector<128x128xi32>
    %min3A_1356 = arith.minsi %min3A_1343, %max3A_1353 : vector<128x128xi32>
    %min3A_1357 = arith.minsi %min3A_1344, %max3A_1355 : vector<128x128xi32>
    %slice3A_1358 = vector.extract_strided_slice %add3A_22 {offsets = [128, 4992], sizes = [128, 128], strides = [1, 1]} : vector<512x8192xf32> to vector<128x128xf32>
    %bitcast_convert_type3A_1359 = tpu.bitcast %slice3A_1358 : vector<128x128xf32> -> vector<128x128xi32>
    %and3A_1360 = arith.constant -64 : i32
    %and3A_1361 = vector.broadcast %and3A_1360 : i32 to vector<128x128xi32>
    %and3A_1362 = arith.andi %bitcast_convert_type3A_1359, %and3A_1361 : vector<128x128xi32>
    %or3A_1363 = arith.constant 39 : i32
    %or3A_1364 = vector.broadcast %or3A_1363 : i32 to vector<128x128xi32>
    %or3A_1365 = arith.ori %and3A_1362, %or3A_1364 : vector<128x128xi32>
    %max3A_1366 = arith.maxsi %min3A_1354, %or3A_1365 : vector<128x128xi32>
    %min3A_1367 = arith.minsi %min3A_1354, %or3A_1365 : vector<128x128xi32>
    %max3A_1368 = arith.maxsi %min3A_1356, %max3A_1366 : vector<128x128xi32>
    %min3A_1369 = arith.minsi %min3A_1356, %max3A_1366 : vector<128x128xi32>
    %min3A_1370 = arith.minsi %min3A_1357, %max3A_1368 : vector<128x128xi32>
    %slice3A_1371 = vector.extract_strided_slice %add3A_22 {offsets = [128, 5120], sizes = [128, 128], strides = [1, 1]} : vector<512x8192xf32> to vector<128x128xf32>
    %bitcast_convert_type3A_1372 = tpu.bitcast %slice3A_1371 : vector<128x128xf32> -> vector<128x128xi32>
    %and3A_1373 = arith.constant -64 : i32
    %and3A_1374 = vector.broadcast %and3A_1373 : i32 to vector<128x128xi32>
    %and3A_1375 = arith.andi %bitcast_convert_type3A_1372, %and3A_1374 : vector<128x128xi32>
    %or3A_1376 = arith.constant 40 : i32
    %or3A_1377 = vector.broadcast %or3A_1376 : i32 to vector<128x128xi32>
    %or3A_1378 = arith.ori %and3A_1375, %or3A_1377 : vector<128x128xi32>
    %max3A_1379 = arith.maxsi %min3A_1367, %or3A_1378 : vector<128x128xi32>
    %min3A_1380 = arith.minsi %min3A_1367, %or3A_1378 : vector<128x128xi32>
    %max3A_1381 = arith.maxsi %min3A_1369, %max3A_1379 : vector<128x128xi32>
    %min3A_1382 = arith.minsi %min3A_1369, %max3A_1379 : vector<128x128xi32>
    %min3A_1383 = arith.minsi %min3A_1370, %max3A_1381 : vector<128x128xi32>
    %slice3A_1384 = vector.extract_strided_slice %add3A_22 {offsets = [128, 5248], sizes = [128, 128], strides = [1, 1]} : vector<512x8192xf32> to vector<128x128xf32>
    %bitcast_convert_type3A_1385 = tpu.bitcast %slice3A_1384 : vector<128x128xf32> -> vector<128x128xi32>
    %and3A_1386 = arith.constant -64 : i32
    %and3A_1387 = vector.broadcast %and3A_1386 : i32 to vector<128x128xi32>
    %and3A_1388 = arith.andi %bitcast_convert_type3A_1385, %and3A_1387 : vector<128x128xi32>
    %or3A_1389 = arith.constant 41 : i32
    %or3A_1390 = vector.broadcast %or3A_1389 : i32 to vector<128x128xi32>
    %or3A_1391 = arith.ori %and3A_1388, %or3A_1390 : vector<128x128xi32>
    %max3A_1392 = arith.maxsi %min3A_1380, %or3A_1391 : vector<128x128xi32>
    %min3A_1393 = arith.minsi %min3A_1380, %or3A_1391 : vector<128x128xi32>
    %max3A_1394 = arith.maxsi %min3A_1382, %max3A_1392 : vector<128x128xi32>
    %min3A_1395 = arith.minsi %min3A_1382, %max3A_1392 : vector<128x128xi32>
    %min3A_1396 = arith.minsi %min3A_1383, %max3A_1394 : vector<128x128xi32>
    %slice3A_1397 = vector.extract_strided_slice %add3A_22 {offsets = [128, 5376], sizes = [128, 128], strides = [1, 1]} : vector<512x8192xf32> to vector<128x128xf32>
    %bitcast_convert_type3A_1398 = tpu.bitcast %slice3A_1397 : vector<128x128xf32> -> vector<128x128xi32>
    %and3A_1399 = arith.constant -64 : i32
    %and3A_1400 = vector.broadcast %and3A_1399 : i32 to vector<128x128xi32>
    %and3A_1401 = arith.andi %bitcast_convert_type3A_1398, %and3A_1400 : vector<128x128xi32>
    %or3A_1402 = arith.constant 42 : i32
    %or3A_1403 = vector.broadcast %or3A_1402 : i32 to vector<128x128xi32>
    %or3A_1404 = arith.ori %and3A_1401, %or3A_1403 : vector<128x128xi32>
    %max3A_1405 = arith.maxsi %min3A_1393, %or3A_1404 : vector<128x128xi32>
    %min3A_1406 = arith.minsi %min3A_1393, %or3A_1404 : vector<128x128xi32>
    %max3A_1407 = arith.maxsi %min3A_1395, %max3A_1405 : vector<128x128xi32>
    %min3A_1408 = arith.minsi %min3A_1395, %max3A_1405 : vector<128x128xi32>
    %min3A_1409 = arith.minsi %min3A_1396, %max3A_1407 : vector<128x128xi32>
    %slice3A_1410 = vector.extract_strided_slice %add3A_22 {offsets = [128, 5504], sizes = [128, 128], strides = [1, 1]} : vector<512x8192xf32> to vector<128x128xf32>
    %bitcast_convert_type3A_1411 = tpu.bitcast %slice3A_1410 : vector<128x128xf32> -> vector<128x128xi32>
    %and3A_1412 = arith.constant -64 : i32
    %and3A_1413 = vector.broadcast %and3A_1412 : i32 to vector<128x128xi32>
    %and3A_1414 = arith.andi %bitcast_convert_type3A_1411, %and3A_1413 : vector<128x128xi32>
    %or3A_1415 = arith.constant 43 : i32
    %or3A_1416 = vector.broadcast %or3A_1415 : i32 to vector<128x128xi32>
    %or3A_1417 = arith.ori %and3A_1414, %or3A_1416 : vector<128x128xi32>
    %max3A_1418 = arith.maxsi %min3A_1406, %or3A_1417 : vector<128x128xi32>
    %min3A_1419 = arith.minsi %min3A_1406, %or3A_1417 : vector<128x128xi32>
    %max3A_1420 = arith.maxsi %min3A_1408, %max3A_1418 : vector<128x128xi32>
    %min3A_1421 = arith.minsi %min3A_1408, %max3A_1418 : vector<128x128xi32>
    %min3A_1422 = arith.minsi %min3A_1409, %max3A_1420 : vector<128x128xi32>
    %slice3A_1423 = vector.extract_strided_slice %add3A_22 {offsets = [128, 5632], sizes = [128, 128], strides = [1, 1]} : vector<512x8192xf32> to vector<128x128xf32>
    %bitcast_convert_type3A_1424 = tpu.bitcast %slice3A_1423 : vector<128x128xf32> -> vector<128x128xi32>
    %and3A_1425 = arith.constant -64 : i32
    %and3A_1426 = vector.broadcast %and3A_1425 : i32 to vector<128x128xi32>
    %and3A_1427 = arith.andi %bitcast_convert_type3A_1424, %and3A_1426 : vector<128x128xi32>
    %or3A_1428 = arith.constant 44 : i32
    %or3A_1429 = vector.broadcast %or3A_1428 : i32 to vector<128x128xi32>
    %or3A_1430 = arith.ori %and3A_1427, %or3A_1429 : vector<128x128xi32>
    %max3A_1431 = arith.maxsi %min3A_1419, %or3A_1430 : vector<128x128xi32>
    %min3A_1432 = arith.minsi %min3A_1419, %or3A_1430 : vector<128x128xi32>
    %max3A_1433 = arith.maxsi %min3A_1421, %max3A_1431 : vector<128x128xi32>
    %min3A_1434 = arith.minsi %min3A_1421, %max3A_1431 : vector<128x128xi32>
    %min3A_1435 = arith.minsi %min3A_1422, %max3A_1433 : vector<128x128xi32>
    %slice3A_1436 = vector.extract_strided_slice %add3A_22 {offsets = [128, 5760], sizes = [128, 128], strides = [1, 1]} : vector<512x8192xf32> to vector<128x128xf32>
    %bitcast_convert_type3A_1437 = tpu.bitcast %slice3A_1436 : vector<128x128xf32> -> vector<128x128xi32>
    %and3A_1438 = arith.constant -64 : i32
    %and3A_1439 = vector.broadcast %and3A_1438 : i32 to vector<128x128xi32>
    %and3A_1440 = arith.andi %bitcast_convert_type3A_1437, %and3A_1439 : vector<128x128xi32>
    %or3A_1441 = arith.constant 45 : i32
    %or3A_1442 = vector.broadcast %or3A_1441 : i32 to vector<128x128xi32>
    %or3A_1443 = arith.ori %and3A_1440, %or3A_1442 : vector<128x128xi32>
    %max3A_1444 = arith.maxsi %min3A_1432, %or3A_1443 : vector<128x128xi32>
    %min3A_1445 = arith.minsi %min3A_1432, %or3A_1443 : vector<128x128xi32>
    %max3A_1446 = arith.maxsi %min3A_1434, %max3A_1444 : vector<128x128xi32>
    %min3A_1447 = arith.minsi %min3A_1434, %max3A_1444 : vector<128x128xi32>
    %min3A_1448 = arith.minsi %min3A_1435, %max3A_1446 : vector<128x128xi32>
    %slice3A_1449 = vector.extract_strided_slice %add3A_22 {offsets = [128, 5888], sizes = [128, 128], strides = [1, 1]} : vector<512x8192xf32> to vector<128x128xf32>
    %bitcast_convert_type3A_1450 = tpu.bitcast %slice3A_1449 : vector<128x128xf32> -> vector<128x128xi32>
    %and3A_1451 = arith.constant -64 : i32
    %and3A_1452 = vector.broadcast %and3A_1451 : i32 to vector<128x128xi32>
    %and3A_1453 = arith.andi %bitcast_convert_type3A_1450, %and3A_1452 : vector<128x128xi32>
    %or3A_1454 = arith.constant 46 : i32
    %or3A_1455 = vector.broadcast %or3A_1454 : i32 to vector<128x128xi32>
    %or3A_1456 = arith.ori %and3A_1453, %or3A_1455 : vector<128x128xi32>
    %max3A_1457 = arith.maxsi %min3A_1445, %or3A_1456 : vector<128x128xi32>
    %min3A_1458 = arith.minsi %min3A_1445, %or3A_1456 : vector<128x128xi32>
    %max3A_1459 = arith.maxsi %min3A_1447, %max3A_1457 : vector<128x128xi32>
    %min3A_1460 = arith.minsi %min3A_1447, %max3A_1457 : vector<128x128xi32>
    %min3A_1461 = arith.minsi %min3A_1448, %max3A_1459 : vector<128x128xi32>
    %slice3A_1462 = vector.extract_strided_slice %add3A_22 {offsets = [128, 6016], sizes = [128, 128], strides = [1, 1]} : vector<512x8192xf32> to vector<128x128xf32>
    %bitcast_convert_type3A_1463 = tpu.bitcast %slice3A_1462 : vector<128x128xf32> -> vector<128x128xi32>
    %and3A_1464 = arith.constant -64 : i32
    %and3A_1465 = vector.broadcast %and3A_1464 : i32 to vector<128x128xi32>
    %and3A_1466 = arith.andi %bitcast_convert_type3A_1463, %and3A_1465 : vector<128x128xi32>
    %or3A_1467 = arith.constant 47 : i32
    %or3A_1468 = vector.broadcast %or3A_1467 : i32 to vector<128x128xi32>
    %or3A_1469 = arith.ori %and3A_1466, %or3A_1468 : vector<128x128xi32>
    %max3A_1470 = arith.maxsi %min3A_1458, %or3A_1469 : vector<128x128xi32>
    %min3A_1471 = arith.minsi %min3A_1458, %or3A_1469 : vector<128x128xi32>
    %max3A_1472 = arith.maxsi %min3A_1460, %max3A_1470 : vector<128x128xi32>
    %min3A_1473 = arith.minsi %min3A_1460, %max3A_1470 : vector<128x128xi32>
    %min3A_1474 = arith.minsi %min3A_1461, %max3A_1472 : vector<128x128xi32>
    %slice3A_1475 = vector.extract_strided_slice %add3A_22 {offsets = [128, 6144], sizes = [128, 128], strides = [1, 1]} : vector<512x8192xf32> to vector<128x128xf32>
    %bitcast_convert_type3A_1476 = tpu.bitcast %slice3A_1475 : vector<128x128xf32> -> vector<128x128xi32>
    %and3A_1477 = arith.constant -64 : i32
    %and3A_1478 = vector.broadcast %and3A_1477 : i32 to vector<128x128xi32>
    %and3A_1479 = arith.andi %bitcast_convert_type3A_1476, %and3A_1478 : vector<128x128xi32>
    %or3A_1480 = arith.constant 48 : i32
    %or3A_1481 = vector.broadcast %or3A_1480 : i32 to vector<128x128xi32>
    %or3A_1482 = arith.ori %and3A_1479, %or3A_1481 : vector<128x128xi32>
    %max3A_1483 = arith.maxsi %min3A_1471, %or3A_1482 : vector<128x128xi32>
    %min3A_1484 = arith.minsi %min3A_1471, %or3A_1482 : vector<128x128xi32>
    %max3A_1485 = arith.maxsi %min3A_1473, %max3A_1483 : vector<128x128xi32>
    %min3A_1486 = arith.minsi %min3A_1473, %max3A_1483 : vector<128x128xi32>
    %min3A_1487 = arith.minsi %min3A_1474, %max3A_1485 : vector<128x128xi32>
    %slice3A_1488 = vector.extract_strided_slice %add3A_22 {offsets = [128, 6272], sizes = [128, 128], strides = [1, 1]} : vector<512x8192xf32> to vector<128x128xf32>
    %bitcast_convert_type3A_1489 = tpu.bitcast %slice3A_1488 : vector<128x128xf32> -> vector<128x128xi32>
    %and3A_1490 = arith.constant -64 : i32
    %and3A_1491 = vector.broadcast %and3A_1490 : i32 to vector<128x128xi32>
    %and3A_1492 = arith.andi %bitcast_convert_type3A_1489, %and3A_1491 : vector<128x128xi32>
    %or3A_1493 = arith.constant 49 : i32
    %or3A_1494 = vector.broadcast %or3A_1493 : i32 to vector<128x128xi32>
    %or3A_1495 = arith.ori %and3A_1492, %or3A_1494 : vector<128x128xi32>
    %max3A_1496 = arith.maxsi %min3A_1484, %or3A_1495 : vector<128x128xi32>
    %min3A_1497 = arith.minsi %min3A_1484, %or3A_1495 : vector<128x128xi32>
    %max3A_1498 = arith.maxsi %min3A_1486, %max3A_1496 : vector<128x128xi32>
    %min3A_1499 = arith.minsi %min3A_1486, %max3A_1496 : vector<128x128xi32>
    %min3A_1500 = arith.minsi %min3A_1487, %max3A_1498 : vector<128x128xi32>
    %slice3A_1501 = vector.extract_strided_slice %add3A_22 {offsets = [128, 6400], sizes = [128, 128], strides = [1, 1]} : vector<512x8192xf32> to vector<128x128xf32>
    %bitcast_convert_type3A_1502 = tpu.bitcast %slice3A_1501 : vector<128x128xf32> -> vector<128x128xi32>
    %and3A_1503 = arith.constant -64 : i32
    %and3A_1504 = vector.broadcast %and3A_1503 : i32 to vector<128x128xi32>
    %and3A_1505 = arith.andi %bitcast_convert_type3A_1502, %and3A_1504 : vector<128x128xi32>
    %or3A_1506 = arith.constant 50 : i32
    %or3A_1507 = vector.broadcast %or3A_1506 : i32 to vector<128x128xi32>
    %or3A_1508 = arith.ori %and3A_1505, %or3A_1507 : vector<128x128xi32>
    %max3A_1509 = arith.maxsi %min3A_1497, %or3A_1508 : vector<128x128xi32>
    %min3A_1510 = arith.minsi %min3A_1497, %or3A_1508 : vector<128x128xi32>
    %max3A_1511 = arith.maxsi %min3A_1499, %max3A_1509 : vector<128x128xi32>
    %min3A_1512 = arith.minsi %min3A_1499, %max3A_1509 : vector<128x128xi32>
    %min3A_1513 = arith.minsi %min3A_1500, %max3A_1511 : vector<128x128xi32>
    %slice3A_1514 = vector.extract_strided_slice %add3A_22 {offsets = [128, 6528], sizes = [128, 128], strides = [1, 1]} : vector<512x8192xf32> to vector<128x128xf32>
    %bitcast_convert_type3A_1515 = tpu.bitcast %slice3A_1514 : vector<128x128xf32> -> vector<128x128xi32>
    %and3A_1516 = arith.constant -64 : i32
    %and3A_1517 = vector.broadcast %and3A_1516 : i32 to vector<128x128xi32>
    %and3A_1518 = arith.andi %bitcast_convert_type3A_1515, %and3A_1517 : vector<128x128xi32>
    %or3A_1519 = arith.constant 51 : i32
    %or3A_1520 = vector.broadcast %or3A_1519 : i32 to vector<128x128xi32>
    %or3A_1521 = arith.ori %and3A_1518, %or3A_1520 : vector<128x128xi32>
    %max3A_1522 = arith.maxsi %min3A_1510, %or3A_1521 : vector<128x128xi32>
    %min3A_1523 = arith.minsi %min3A_1510, %or3A_1521 : vector<128x128xi32>
    %max3A_1524 = arith.maxsi %min3A_1512, %max3A_1522 : vector<128x128xi32>
    %min3A_1525 = arith.minsi %min3A_1512, %max3A_1522 : vector<128x128xi32>
    %min3A_1526 = arith.minsi %min3A_1513, %max3A_1524 : vector<128x128xi32>
    %slice3A_1527 = vector.extract_strided_slice %add3A_22 {offsets = [128, 6656], sizes = [128, 128], strides = [1, 1]} : vector<512x8192xf32> to vector<128x128xf32>
    %bitcast_convert_type3A_1528 = tpu.bitcast %slice3A_1527 : vector<128x128xf32> -> vector<128x128xi32>
    %and3A_1529 = arith.constant -64 : i32
    %and3A_1530 = vector.broadcast %and3A_1529 : i32 to vector<128x128xi32>
    %and3A_1531 = arith.andi %bitcast_convert_type3A_1528, %and3A_1530 : vector<128x128xi32>
    %or3A_1532 = arith.constant 52 : i32
    %or3A_1533 = vector.broadcast %or3A_1532 : i32 to vector<128x128xi32>
    %or3A_1534 = arith.ori %and3A_1531, %or3A_1533 : vector<128x128xi32>
    %max3A_1535 = arith.maxsi %min3A_1523, %or3A_1534 : vector<128x128xi32>
    %min3A_1536 = arith.minsi %min3A_1523, %or3A_1534 : vector<128x128xi32>
    %max3A_1537 = arith.maxsi %min3A_1525, %max3A_1535 : vector<128x128xi32>
    %min3A_1538 = arith.minsi %min3A_1525, %max3A_1535 : vector<128x128xi32>
    %min3A_1539 = arith.minsi %min3A_1526, %max3A_1537 : vector<128x128xi32>
    %slice3A_1540 = vector.extract_strided_slice %add3A_22 {offsets = [128, 6784], sizes = [128, 128], strides = [1, 1]} : vector<512x8192xf32> to vector<128x128xf32>
    %bitcast_convert_type3A_1541 = tpu.bitcast %slice3A_1540 : vector<128x128xf32> -> vector<128x128xi32>
    %and3A_1542 = arith.constant -64 : i32
    %and3A_1543 = vector.broadcast %and3A_1542 : i32 to vector<128x128xi32>
    %and3A_1544 = arith.andi %bitcast_convert_type3A_1541, %and3A_1543 : vector<128x128xi32>
    %or3A_1545 = arith.constant 53 : i32
    %or3A_1546 = vector.broadcast %or3A_1545 : i32 to vector<128x128xi32>
    %or3A_1547 = arith.ori %and3A_1544, %or3A_1546 : vector<128x128xi32>
    %max3A_1548 = arith.maxsi %min3A_1536, %or3A_1547 : vector<128x128xi32>
    %min3A_1549 = arith.minsi %min3A_1536, %or3A_1547 : vector<128x128xi32>
    %max3A_1550 = arith.maxsi %min3A_1538, %max3A_1548 : vector<128x128xi32>
    %min3A_1551 = arith.minsi %min3A_1538, %max3A_1548 : vector<128x128xi32>
    %min3A_1552 = arith.minsi %min3A_1539, %max3A_1550 : vector<128x128xi32>
    %slice3A_1553 = vector.extract_strided_slice %add3A_22 {offsets = [128, 6912], sizes = [128, 128], strides = [1, 1]} : vector<512x8192xf32> to vector<128x128xf32>
    %bitcast_convert_type3A_1554 = tpu.bitcast %slice3A_1553 : vector<128x128xf32> -> vector<128x128xi32>
    %and3A_1555 = arith.constant -64 : i32
    %and3A_1556 = vector.broadcast %and3A_1555 : i32 to vector<128x128xi32>
    %and3A_1557 = arith.andi %bitcast_convert_type3A_1554, %and3A_1556 : vector<128x128xi32>
    %or3A_1558 = arith.constant 54 : i32
    %or3A_1559 = vector.broadcast %or3A_1558 : i32 to vector<128x128xi32>
    %or3A_1560 = arith.ori %and3A_1557, %or3A_1559 : vector<128x128xi32>
    %max3A_1561 = arith.maxsi %min3A_1549, %or3A_1560 : vector<128x128xi32>
    %min3A_1562 = arith.minsi %min3A_1549, %or3A_1560 : vector<128x128xi32>
    %max3A_1563 = arith.maxsi %min3A_1551, %max3A_1561 : vector<128x128xi32>
    %min3A_1564 = arith.minsi %min3A_1551, %max3A_1561 : vector<128x128xi32>
    %min3A_1565 = arith.minsi %min3A_1552, %max3A_1563 : vector<128x128xi32>
    %slice3A_1566 = vector.extract_strided_slice %add3A_22 {offsets = [128, 7040], sizes = [128, 128], strides = [1, 1]} : vector<512x8192xf32> to vector<128x128xf32>
    %bitcast_convert_type3A_1567 = tpu.bitcast %slice3A_1566 : vector<128x128xf32> -> vector<128x128xi32>
    %and3A_1568 = arith.constant -64 : i32
    %and3A_1569 = vector.broadcast %and3A_1568 : i32 to vector<128x128xi32>
    %and3A_1570 = arith.andi %bitcast_convert_type3A_1567, %and3A_1569 : vector<128x128xi32>
    %or3A_1571 = arith.constant 55 : i32
    %or3A_1572 = vector.broadcast %or3A_1571 : i32 to vector<128x128xi32>
    %or3A_1573 = arith.ori %and3A_1570, %or3A_1572 : vector<128x128xi32>
    %max3A_1574 = arith.maxsi %min3A_1562, %or3A_1573 : vector<128x128xi32>
    %min3A_1575 = arith.minsi %min3A_1562, %or3A_1573 : vector<128x128xi32>
    %max3A_1576 = arith.maxsi %min3A_1564, %max3A_1574 : vector<128x128xi32>
    %min3A_1577 = arith.minsi %min3A_1564, %max3A_1574 : vector<128x128xi32>
    %min3A_1578 = arith.minsi %min3A_1565, %max3A_1576 : vector<128x128xi32>
    %slice3A_1579 = vector.extract_strided_slice %add3A_22 {offsets = [128, 7168], sizes = [128, 128], strides = [1, 1]} : vector<512x8192xf32> to vector<128x128xf32>
    %bitcast_convert_type3A_1580 = tpu.bitcast %slice3A_1579 : vector<128x128xf32> -> vector<128x128xi32>
    %and3A_1581 = arith.constant -64 : i32
    %and3A_1582 = vector.broadcast %and3A_1581 : i32 to vector<128x128xi32>
    %and3A_1583 = arith.andi %bitcast_convert_type3A_1580, %and3A_1582 : vector<128x128xi32>
    %or3A_1584 = arith.constant 56 : i32
    %or3A_1585 = vector.broadcast %or3A_1584 : i32 to vector<128x128xi32>
    %or3A_1586 = arith.ori %and3A_1583, %or3A_1585 : vector<128x128xi32>
    %max3A_1587 = arith.maxsi %min3A_1575, %or3A_1586 : vector<128x128xi32>
    %min3A_1588 = arith.minsi %min3A_1575, %or3A_1586 : vector<128x128xi32>
    %max3A_1589 = arith.maxsi %min3A_1577, %max3A_1587 : vector<128x128xi32>
    %min3A_1590 = arith.minsi %min3A_1577, %max3A_1587 : vector<128x128xi32>
    %min3A_1591 = arith.minsi %min3A_1578, %max3A_1589 : vector<128x128xi32>
    %slice3A_1592 = vector.extract_strided_slice %add3A_22 {offsets = [128, 7296], sizes = [128, 128], strides = [1, 1]} : vector<512x8192xf32> to vector<128x128xf32>
    %bitcast_convert_type3A_1593 = tpu.bitcast %slice3A_1592 : vector<128x128xf32> -> vector<128x128xi32>
    %and3A_1594 = arith.constant -64 : i32
    %and3A_1595 = vector.broadcast %and3A_1594 : i32 to vector<128x128xi32>
    %and3A_1596 = arith.andi %bitcast_convert_type3A_1593, %and3A_1595 : vector<128x128xi32>
    %or3A_1597 = arith.constant 57 : i32
    %or3A_1598 = vector.broadcast %or3A_1597 : i32 to vector<128x128xi32>
    %or3A_1599 = arith.ori %and3A_1596, %or3A_1598 : vector<128x128xi32>
    %max3A_1600 = arith.maxsi %min3A_1588, %or3A_1599 : vector<128x128xi32>
    %min3A_1601 = arith.minsi %min3A_1588, %or3A_1599 : vector<128x128xi32>
    %max3A_1602 = arith.maxsi %min3A_1590, %max3A_1600 : vector<128x128xi32>
    %min3A_1603 = arith.minsi %min3A_1590, %max3A_1600 : vector<128x128xi32>
    %min3A_1604 = arith.minsi %min3A_1591, %max3A_1602 : vector<128x128xi32>
    %slice3A_1605 = vector.extract_strided_slice %add3A_22 {offsets = [128, 7424], sizes = [128, 128], strides = [1, 1]} : vector<512x8192xf32> to vector<128x128xf32>
    %bitcast_convert_type3A_1606 = tpu.bitcast %slice3A_1605 : vector<128x128xf32> -> vector<128x128xi32>
    %and3A_1607 = arith.constant -64 : i32
    %and3A_1608 = vector.broadcast %and3A_1607 : i32 to vector<128x128xi32>
    %and3A_1609 = arith.andi %bitcast_convert_type3A_1606, %and3A_1608 : vector<128x128xi32>
    %or3A_1610 = arith.constant 58 : i32
    %or3A_1611 = vector.broadcast %or3A_1610 : i32 to vector<128x128xi32>
    %or3A_1612 = arith.ori %and3A_1609, %or3A_1611 : vector<128x128xi32>
    %max3A_1613 = arith.maxsi %min3A_1601, %or3A_1612 : vector<128x128xi32>
    %min3A_1614 = arith.minsi %min3A_1601, %or3A_1612 : vector<128x128xi32>
    %max3A_1615 = arith.maxsi %min3A_1603, %max3A_1613 : vector<128x128xi32>
    %min3A_1616 = arith.minsi %min3A_1603, %max3A_1613 : vector<128x128xi32>
    %min3A_1617 = arith.minsi %min3A_1604, %max3A_1615 : vector<128x128xi32>
    %slice3A_1618 = vector.extract_strided_slice %add3A_22 {offsets = [128, 7552], sizes = [128, 128], strides = [1, 1]} : vector<512x8192xf32> to vector<128x128xf32>
    %bitcast_convert_type3A_1619 = tpu.bitcast %slice3A_1618 : vector<128x128xf32> -> vector<128x128xi32>
    %and3A_1620 = arith.constant -64 : i32
    %and3A_1621 = vector.broadcast %and3A_1620 : i32 to vector<128x128xi32>
    %and3A_1622 = arith.andi %bitcast_convert_type3A_1619, %and3A_1621 : vector<128x128xi32>
    %or3A_1623 = arith.constant 59 : i32
    %or3A_1624 = vector.broadcast %or3A_1623 : i32 to vector<128x128xi32>
    %or3A_1625 = arith.ori %and3A_1622, %or3A_1624 : vector<128x128xi32>
    %max3A_1626 = arith.maxsi %min3A_1614, %or3A_1625 : vector<128x128xi32>
    %min3A_1627 = arith.minsi %min3A_1614, %or3A_1625 : vector<128x128xi32>
    %max3A_1628 = arith.maxsi %min3A_1616, %max3A_1626 : vector<128x128xi32>
    %min3A_1629 = arith.minsi %min3A_1616, %max3A_1626 : vector<128x128xi32>
    %min3A_1630 = arith.minsi %min3A_1617, %max3A_1628 : vector<128x128xi32>
    %slice3A_1631 = vector.extract_strided_slice %add3A_22 {offsets = [128, 7680], sizes = [128, 128], strides = [1, 1]} : vector<512x8192xf32> to vector<128x128xf32>
    %bitcast_convert_type3A_1632 = tpu.bitcast %slice3A_1631 : vector<128x128xf32> -> vector<128x128xi32>
    %and3A_1633 = arith.constant -64 : i32
    %and3A_1634 = vector.broadcast %and3A_1633 : i32 to vector<128x128xi32>
    %and3A_1635 = arith.andi %bitcast_convert_type3A_1632, %and3A_1634 : vector<128x128xi32>
    %or3A_1636 = arith.constant 60 : i32
    %or3A_1637 = vector.broadcast %or3A_1636 : i32 to vector<128x128xi32>
    %or3A_1638 = arith.ori %and3A_1635, %or3A_1637 : vector<128x128xi32>
    %max3A_1639 = arith.maxsi %min3A_1627, %or3A_1638 : vector<128x128xi32>
    %min3A_1640 = arith.minsi %min3A_1627, %or3A_1638 : vector<128x128xi32>
    %max3A_1641 = arith.maxsi %min3A_1629, %max3A_1639 : vector<128x128xi32>
    %min3A_1642 = arith.minsi %min3A_1629, %max3A_1639 : vector<128x128xi32>
    %min3A_1643 = arith.minsi %min3A_1630, %max3A_1641 : vector<128x128xi32>
    %slice3A_1644 = vector.extract_strided_slice %add3A_22 {offsets = [128, 7808], sizes = [128, 128], strides = [1, 1]} : vector<512x8192xf32> to vector<128x128xf32>
    %bitcast_convert_type3A_1645 = tpu.bitcast %slice3A_1644 : vector<128x128xf32> -> vector<128x128xi32>
    %and3A_1646 = arith.constant -64 : i32
    %and3A_1647 = vector.broadcast %and3A_1646 : i32 to vector<128x128xi32>
    %and3A_1648 = arith.andi %bitcast_convert_type3A_1645, %and3A_1647 : vector<128x128xi32>
    %or3A_1649 = arith.constant 61 : i32
    %or3A_1650 = vector.broadcast %or3A_1649 : i32 to vector<128x128xi32>
    %or3A_1651 = arith.ori %and3A_1648, %or3A_1650 : vector<128x128xi32>
    %max3A_1652 = arith.maxsi %min3A_1640, %or3A_1651 : vector<128x128xi32>
    %min3A_1653 = arith.minsi %min3A_1640, %or3A_1651 : vector<128x128xi32>
    %max3A_1654 = arith.maxsi %min3A_1642, %max3A_1652 : vector<128x128xi32>
    %min3A_1655 = arith.minsi %min3A_1642, %max3A_1652 : vector<128x128xi32>
    %min3A_1656 = arith.minsi %min3A_1643, %max3A_1654 : vector<128x128xi32>
    %slice3A_1657 = vector.extract_strided_slice %add3A_22 {offsets = [128, 7936], sizes = [128, 128], strides = [1, 1]} : vector<512x8192xf32> to vector<128x128xf32>
    %bitcast_convert_type3A_1658 = tpu.bitcast %slice3A_1657 : vector<128x128xf32> -> vector<128x128xi32>
    %and3A_1659 = arith.constant -64 : i32
    %and3A_1660 = vector.broadcast %and3A_1659 : i32 to vector<128x128xi32>
    %and3A_1661 = arith.andi %bitcast_convert_type3A_1658, %and3A_1660 : vector<128x128xi32>
    %or3A_1662 = arith.constant 62 : i32
    %or3A_1663 = vector.broadcast %or3A_1662 : i32 to vector<128x128xi32>
    %or3A_1664 = arith.ori %and3A_1661, %or3A_1663 : vector<128x128xi32>
    %max3A_1665 = arith.maxsi %min3A_1653, %or3A_1664 : vector<128x128xi32>
    %min3A_1666 = arith.minsi %min3A_1653, %or3A_1664 : vector<128x128xi32>
    %max3A_1667 = arith.maxsi %min3A_1655, %max3A_1665 : vector<128x128xi32>
    %min3A_1668 = arith.minsi %min3A_1655, %max3A_1665 : vector<128x128xi32>
    %min3A_1669 = arith.minsi %min3A_1656, %max3A_1667 : vector<128x128xi32>
    %slice3A_1670 = vector.extract_strided_slice %add3A_22 {offsets = [128, 8064], sizes = [128, 128], strides = [1, 1]} : vector<512x8192xf32> to vector<128x128xf32>
    %bitcast_convert_type3A_1671 = tpu.bitcast %slice3A_1670 : vector<128x128xf32> -> vector<128x128xi32>
    %and3A_1672 = arith.constant -64 : i32
    %and3A_1673 = vector.broadcast %and3A_1672 : i32 to vector<128x128xi32>
    %and3A_1674 = arith.andi %bitcast_convert_type3A_1671, %and3A_1673 : vector<128x128xi32>
    %or3A_1675 = arith.constant 63 : i32
    %or3A_1676 = vector.broadcast %or3A_1675 : i32 to vector<128x128xi32>
    %or3A_1677 = arith.ori %and3A_1674, %or3A_1676 : vector<128x128xi32>
    %max3A_1678 = arith.maxsi %min3A_1666, %or3A_1677 : vector<128x128xi32>
    %min3A_1679 = arith.minsi %min3A_1666, %or3A_1677 : vector<128x128xi32>
    %max3A_1680 = arith.maxsi %min3A_1668, %max3A_1678 : vector<128x128xi32>
    %min3A_1681 = arith.minsi %min3A_1668, %max3A_1678 : vector<128x128xi32>
    %min3A_1682 = arith.minsi %min3A_1669, %max3A_1680 : vector<128x128xi32>
    %slice3A_1683 = vector.extract_strided_slice %add3A_22 {offsets = [256, 0], sizes = [128, 128], strides = [1, 1]} : vector<512x8192xf32> to vector<128x128xf32>
    %bitcast_convert_type3A_1684 = tpu.bitcast %slice3A_1683 : vector<128x128xf32> -> vector<128x128xi32>
    %and3A_1685 = arith.constant -64 : i32
    %and3A_1686 = vector.broadcast %and3A_1685 : i32 to vector<128x128xi32>
    %and3A_1687 = arith.andi %bitcast_convert_type3A_1684, %and3A_1686 : vector<128x128xi32>
    %or3A_1688 = arith.constant 0 : i32
    %or3A_1689 = vector.broadcast %or3A_1688 : i32 to vector<128x128xi32>
    %or3A_1690 = arith.ori %and3A_1687, %or3A_1689 : vector<128x128xi32>
    %max3A_1691 = arith.maxsi %broadcast_in_dim3A_24, %or3A_1690 : vector<128x128xi32>
    %min3A_1692 = arith.minsi %broadcast_in_dim3A_24, %or3A_1690 : vector<128x128xi32>
    %max3A_1693 = arith.maxsi %broadcast_in_dim3A_24, %max3A_1691 : vector<128x128xi32>
    %min3A_1694 = arith.minsi %broadcast_in_dim3A_24, %max3A_1691 : vector<128x128xi32>
    %min3A_1695 = arith.minsi %broadcast_in_dim3A_24, %max3A_1693 : vector<128x128xi32>
    %slice3A_1696 = vector.extract_strided_slice %add3A_22 {offsets = [256, 128], sizes = [128, 128], strides = [1, 1]} : vector<512x8192xf32> to vector<128x128xf32>
    %bitcast_convert_type3A_1697 = tpu.bitcast %slice3A_1696 : vector<128x128xf32> -> vector<128x128xi32>
    %and3A_1698 = arith.constant -64 : i32
    %and3A_1699 = vector.broadcast %and3A_1698 : i32 to vector<128x128xi32>
    %and3A_1700 = arith.andi %bitcast_convert_type3A_1697, %and3A_1699 : vector<128x128xi32>
    %or3A_1701 = arith.constant 1 : i32
    %or3A_1702 = vector.broadcast %or3A_1701 : i32 to vector<128x128xi32>
    %or3A_1703 = arith.ori %and3A_1700, %or3A_1702 : vector<128x128xi32>
    %max3A_1704 = arith.maxsi %min3A_1692, %or3A_1703 : vector<128x128xi32>
    %min3A_1705 = arith.minsi %min3A_1692, %or3A_1703 : vector<128x128xi32>
    %max3A_1706 = arith.maxsi %min3A_1694, %max3A_1704 : vector<128x128xi32>
    %min3A_1707 = arith.minsi %min3A_1694, %max3A_1704 : vector<128x128xi32>
    %min3A_1708 = arith.minsi %min3A_1695, %max3A_1706 : vector<128x128xi32>
    %slice3A_1709 = vector.extract_strided_slice %add3A_22 {offsets = [256, 256], sizes = [128, 128], strides = [1, 1]} : vector<512x8192xf32> to vector<128x128xf32>
    %bitcast_convert_type3A_1710 = tpu.bitcast %slice3A_1709 : vector<128x128xf32> -> vector<128x128xi32>
    %and3A_1711 = arith.constant -64 : i32
    %and3A_1712 = vector.broadcast %and3A_1711 : i32 to vector<128x128xi32>
    %and3A_1713 = arith.andi %bitcast_convert_type3A_1710, %and3A_1712 : vector<128x128xi32>
    %or3A_1714 = arith.constant 2 : i32
    %or3A_1715 = vector.broadcast %or3A_1714 : i32 to vector<128x128xi32>
    %or3A_1716 = arith.ori %and3A_1713, %or3A_1715 : vector<128x128xi32>
    %max3A_1717 = arith.maxsi %min3A_1705, %or3A_1716 : vector<128x128xi32>
    %min3A_1718 = arith.minsi %min3A_1705, %or3A_1716 : vector<128x128xi32>
    %max3A_1719 = arith.maxsi %min3A_1707, %max3A_1717 : vector<128x128xi32>
    %min3A_1720 = arith.minsi %min3A_1707, %max3A_1717 : vector<128x128xi32>
    %min3A_1721 = arith.minsi %min3A_1708, %max3A_1719 : vector<128x128xi32>
    %slice3A_1722 = vector.extract_strided_slice %add3A_22 {offsets = [256, 384], sizes = [128, 128], strides = [1, 1]} : vector<512x8192xf32> to vector<128x128xf32>
    %bitcast_convert_type3A_1723 = tpu.bitcast %slice3A_1722 : vector<128x128xf32> -> vector<128x128xi32>
    %and3A_1724 = arith.constant -64 : i32
    %and3A_1725 = vector.broadcast %and3A_1724 : i32 to vector<128x128xi32>
    %and3A_1726 = arith.andi %bitcast_convert_type3A_1723, %and3A_1725 : vector<128x128xi32>
    %or3A_1727 = arith.constant 3 : i32
    %or3A_1728 = vector.broadcast %or3A_1727 : i32 to vector<128x128xi32>
    %or3A_1729 = arith.ori %and3A_1726, %or3A_1728 : vector<128x128xi32>
    %max3A_1730 = arith.maxsi %min3A_1718, %or3A_1729 : vector<128x128xi32>
    %min3A_1731 = arith.minsi %min3A_1718, %or3A_1729 : vector<128x128xi32>
    %max3A_1732 = arith.maxsi %min3A_1720, %max3A_1730 : vector<128x128xi32>
    %min3A_1733 = arith.minsi %min3A_1720, %max3A_1730 : vector<128x128xi32>
    %min3A_1734 = arith.minsi %min3A_1721, %max3A_1732 : vector<128x128xi32>
    %slice3A_1735 = vector.extract_strided_slice %add3A_22 {offsets = [256, 512], sizes = [128, 128], strides = [1, 1]} : vector<512x8192xf32> to vector<128x128xf32>
    %bitcast_convert_type3A_1736 = tpu.bitcast %slice3A_1735 : vector<128x128xf32> -> vector<128x128xi32>
    %and3A_1737 = arith.constant -64 : i32
    %and3A_1738 = vector.broadcast %and3A_1737 : i32 to vector<128x128xi32>
    %and3A_1739 = arith.andi %bitcast_convert_type3A_1736, %and3A_1738 : vector<128x128xi32>
    %or3A_1740 = arith.constant 4 : i32
    %or3A_1741 = vector.broadcast %or3A_1740 : i32 to vector<128x128xi32>
    %or3A_1742 = arith.ori %and3A_1739, %or3A_1741 : vector<128x128xi32>
    %max3A_1743 = arith.maxsi %min3A_1731, %or3A_1742 : vector<128x128xi32>
    %min3A_1744 = arith.minsi %min3A_1731, %or3A_1742 : vector<128x128xi32>
    %max3A_1745 = arith.maxsi %min3A_1733, %max3A_1743 : vector<128x128xi32>
    %min3A_1746 = arith.minsi %min3A_1733, %max3A_1743 : vector<128x128xi32>
    %min3A_1747 = arith.minsi %min3A_1734, %max3A_1745 : vector<128x128xi32>
    %slice3A_1748 = vector.extract_strided_slice %add3A_22 {offsets = [256, 640], sizes = [128, 128], strides = [1, 1]} : vector<512x8192xf32> to vector<128x128xf32>
    %bitcast_convert_type3A_1749 = tpu.bitcast %slice3A_1748 : vector<128x128xf32> -> vector<128x128xi32>
    %and3A_1750 = arith.constant -64 : i32
    %and3A_1751 = vector.broadcast %and3A_1750 : i32 to vector<128x128xi32>
    %and3A_1752 = arith.andi %bitcast_convert_type3A_1749, %and3A_1751 : vector<128x128xi32>
    %or3A_1753 = arith.constant 5 : i32
    %or3A_1754 = vector.broadcast %or3A_1753 : i32 to vector<128x128xi32>
    %or3A_1755 = arith.ori %and3A_1752, %or3A_1754 : vector<128x128xi32>
    %max3A_1756 = arith.maxsi %min3A_1744, %or3A_1755 : vector<128x128xi32>
    %min3A_1757 = arith.minsi %min3A_1744, %or3A_1755 : vector<128x128xi32>
    %max3A_1758 = arith.maxsi %min3A_1746, %max3A_1756 : vector<128x128xi32>
    %min3A_1759 = arith.minsi %min3A_1746, %max3A_1756 : vector<128x128xi32>
    %min3A_1760 = arith.minsi %min3A_1747, %max3A_1758 : vector<128x128xi32>
    %slice3A_1761 = vector.extract_strided_slice %add3A_22 {offsets = [256, 768], sizes = [128, 128], strides = [1, 1]} : vector<512x8192xf32> to vector<128x128xf32>
    %bitcast_convert_type3A_1762 = tpu.bitcast %slice3A_1761 : vector<128x128xf32> -> vector<128x128xi32>
    %and3A_1763 = arith.constant -64 : i32
    %and3A_1764 = vector.broadcast %and3A_1763 : i32 to vector<128x128xi32>
    %and3A_1765 = arith.andi %bitcast_convert_type3A_1762, %and3A_1764 : vector<128x128xi32>
    %or3A_1766 = arith.constant 6 : i32
    %or3A_1767 = vector.broadcast %or3A_1766 : i32 to vector<128x128xi32>
    %or3A_1768 = arith.ori %and3A_1765, %or3A_1767 : vector<128x128xi32>
    %max3A_1769 = arith.maxsi %min3A_1757, %or3A_1768 : vector<128x128xi32>
    %min3A_1770 = arith.minsi %min3A_1757, %or3A_1768 : vector<128x128xi32>
    %max3A_1771 = arith.maxsi %min3A_1759, %max3A_1769 : vector<128x128xi32>
    %min3A_1772 = arith.minsi %min3A_1759, %max3A_1769 : vector<128x128xi32>
    %min3A_1773 = arith.minsi %min3A_1760, %max3A_1771 : vector<128x128xi32>
    %slice3A_1774 = vector.extract_strided_slice %add3A_22 {offsets = [256, 896], sizes = [128, 128], strides = [1, 1]} : vector<512x8192xf32> to vector<128x128xf32>
    %bitcast_convert_type3A_1775 = tpu.bitcast %slice3A_1774 : vector<128x128xf32> -> vector<128x128xi32>
    %and3A_1776 = arith.constant -64 : i32
    %and3A_1777 = vector.broadcast %and3A_1776 : i32 to vector<128x128xi32>
    %and3A_1778 = arith.andi %bitcast_convert_type3A_1775, %and3A_1777 : vector<128x128xi32>
    %or3A_1779 = arith.constant 7 : i32
    %or3A_1780 = vector.broadcast %or3A_1779 : i32 to vector<128x128xi32>
    %or3A_1781 = arith.ori %and3A_1778, %or3A_1780 : vector<128x128xi32>
    %max3A_1782 = arith.maxsi %min3A_1770, %or3A_1781 : vector<128x128xi32>
    %min3A_1783 = arith.minsi %min3A_1770, %or3A_1781 : vector<128x128xi32>
    %max3A_1784 = arith.maxsi %min3A_1772, %max3A_1782 : vector<128x128xi32>
    %min3A_1785 = arith.minsi %min3A_1772, %max3A_1782 : vector<128x128xi32>
    %min3A_1786 = arith.minsi %min3A_1773, %max3A_1784 : vector<128x128xi32>
    %slice3A_1787 = vector.extract_strided_slice %add3A_22 {offsets = [256, 1024], sizes = [128, 128], strides = [1, 1]} : vector<512x8192xf32> to vector<128x128xf32>
    %bitcast_convert_type3A_1788 = tpu.bitcast %slice3A_1787 : vector<128x128xf32> -> vector<128x128xi32>
    %and3A_1789 = arith.constant -64 : i32
    %and3A_1790 = vector.broadcast %and3A_1789 : i32 to vector<128x128xi32>
    %and3A_1791 = arith.andi %bitcast_convert_type3A_1788, %and3A_1790 : vector<128x128xi32>
    %or3A_1792 = arith.constant 8 : i32
    %or3A_1793 = vector.broadcast %or3A_1792 : i32 to vector<128x128xi32>
    %or3A_1794 = arith.ori %and3A_1791, %or3A_1793 : vector<128x128xi32>
    %max3A_1795 = arith.maxsi %min3A_1783, %or3A_1794 : vector<128x128xi32>
    %min3A_1796 = arith.minsi %min3A_1783, %or3A_1794 : vector<128x128xi32>
    %max3A_1797 = arith.maxsi %min3A_1785, %max3A_1795 : vector<128x128xi32>
    %min3A_1798 = arith.minsi %min3A_1785, %max3A_1795 : vector<128x128xi32>
    %min3A_1799 = arith.minsi %min3A_1786, %max3A_1797 : vector<128x128xi32>
    %slice3A_1800 = vector.extract_strided_slice %add3A_22 {offsets = [256, 1152], sizes = [128, 128], strides = [1, 1]} : vector<512x8192xf32> to vector<128x128xf32>
    %bitcast_convert_type3A_1801 = tpu.bitcast %slice3A_1800 : vector<128x128xf32> -> vector<128x128xi32>
    %and3A_1802 = arith.constant -64 : i32
    %and3A_1803 = vector.broadcast %and3A_1802 : i32 to vector<128x128xi32>
    %and3A_1804 = arith.andi %bitcast_convert_type3A_1801, %and3A_1803 : vector<128x128xi32>
    %or3A_1805 = arith.constant 9 : i32
    %or3A_1806 = vector.broadcast %or3A_1805 : i32 to vector<128x128xi32>
    %or3A_1807 = arith.ori %and3A_1804, %or3A_1806 : vector<128x128xi32>
    %max3A_1808 = arith.maxsi %min3A_1796, %or3A_1807 : vector<128x128xi32>
    %min3A_1809 = arith.minsi %min3A_1796, %or3A_1807 : vector<128x128xi32>
    %max3A_1810 = arith.maxsi %min3A_1798, %max3A_1808 : vector<128x128xi32>
    %min3A_1811 = arith.minsi %min3A_1798, %max3A_1808 : vector<128x128xi32>
    %min3A_1812 = arith.minsi %min3A_1799, %max3A_1810 : vector<128x128xi32>
    %slice3A_1813 = vector.extract_strided_slice %add3A_22 {offsets = [256, 1280], sizes = [128, 128], strides = [1, 1]} : vector<512x8192xf32> to vector<128x128xf32>
    %bitcast_convert_type3A_1814 = tpu.bitcast %slice3A_1813 : vector<128x128xf32> -> vector<128x128xi32>
    %and3A_1815 = arith.constant -64 : i32
    %and3A_1816 = vector.broadcast %and3A_1815 : i32 to vector<128x128xi32>
    %and3A_1817 = arith.andi %bitcast_convert_type3A_1814, %and3A_1816 : vector<128x128xi32>
    %or3A_1818 = arith.constant 10 : i32
    %or3A_1819 = vector.broadcast %or3A_1818 : i32 to vector<128x128xi32>
    %or3A_1820 = arith.ori %and3A_1817, %or3A_1819 : vector<128x128xi32>
    %max3A_1821 = arith.maxsi %min3A_1809, %or3A_1820 : vector<128x128xi32>
    %min3A_1822 = arith.minsi %min3A_1809, %or3A_1820 : vector<128x128xi32>
    %max3A_1823 = arith.maxsi %min3A_1811, %max3A_1821 : vector<128x128xi32>
    %min3A_1824 = arith.minsi %min3A_1811, %max3A_1821 : vector<128x128xi32>
    %min3A_1825 = arith.minsi %min3A_1812, %max3A_1823 : vector<128x128xi32>
    %slice3A_1826 = vector.extract_strided_slice %add3A_22 {offsets = [256, 1408], sizes = [128, 128], strides = [1, 1]} : vector<512x8192xf32> to vector<128x128xf32>
    %bitcast_convert_type3A_1827 = tpu.bitcast %slice3A_1826 : vector<128x128xf32> -> vector<128x128xi32>
    %and3A_1828 = arith.constant -64 : i32
    %and3A_1829 = vector.broadcast %and3A_1828 : i32 to vector<128x128xi32>
    %and3A_1830 = arith.andi %bitcast_convert_type3A_1827, %and3A_1829 : vector<128x128xi32>
    %or3A_1831 = arith.constant 11 : i32
    %or3A_1832 = vector.broadcast %or3A_1831 : i32 to vector<128x128xi32>
    %or3A_1833 = arith.ori %and3A_1830, %or3A_1832 : vector<128x128xi32>
    %max3A_1834 = arith.maxsi %min3A_1822, %or3A_1833 : vector<128x128xi32>
    %min3A_1835 = arith.minsi %min3A_1822, %or3A_1833 : vector<128x128xi32>
    %max3A_1836 = arith.maxsi %min3A_1824, %max3A_1834 : vector<128x128xi32>
    %min3A_1837 = arith.minsi %min3A_1824, %max3A_1834 : vector<128x128xi32>
    %min3A_1838 = arith.minsi %min3A_1825, %max3A_1836 : vector<128x128xi32>
    %slice3A_1839 = vector.extract_strided_slice %add3A_22 {offsets = [256, 1536], sizes = [128, 128], strides = [1, 1]} : vector<512x8192xf32> to vector<128x128xf32>
    %bitcast_convert_type3A_1840 = tpu.bitcast %slice3A_1839 : vector<128x128xf32> -> vector<128x128xi32>
    %and3A_1841 = arith.constant -64 : i32
    %and3A_1842 = vector.broadcast %and3A_1841 : i32 to vector<128x128xi32>
    %and3A_1843 = arith.andi %bitcast_convert_type3A_1840, %and3A_1842 : vector<128x128xi32>
    %or3A_1844 = arith.constant 12 : i32
    %or3A_1845 = vector.broadcast %or3A_1844 : i32 to vector<128x128xi32>
    %or3A_1846 = arith.ori %and3A_1843, %or3A_1845 : vector<128x128xi32>
    %max3A_1847 = arith.maxsi %min3A_1835, %or3A_1846 : vector<128x128xi32>
    %min3A_1848 = arith.minsi %min3A_1835, %or3A_1846 : vector<128x128xi32>
    %max3A_1849 = arith.maxsi %min3A_1837, %max3A_1847 : vector<128x128xi32>
    %min3A_1850 = arith.minsi %min3A_1837, %max3A_1847 : vector<128x128xi32>
    %min3A_1851 = arith.minsi %min3A_1838, %max3A_1849 : vector<128x128xi32>
    %slice3A_1852 = vector.extract_strided_slice %add3A_22 {offsets = [256, 1664], sizes = [128, 128], strides = [1, 1]} : vector<512x8192xf32> to vector<128x128xf32>
    %bitcast_convert_type3A_1853 = tpu.bitcast %slice3A_1852 : vector<128x128xf32> -> vector<128x128xi32>
    %and3A_1854 = arith.constant -64 : i32
    %and3A_1855 = vector.broadcast %and3A_1854 : i32 to vector<128x128xi32>
    %and3A_1856 = arith.andi %bitcast_convert_type3A_1853, %and3A_1855 : vector<128x128xi32>
    %or3A_1857 = arith.constant 13 : i32
    %or3A_1858 = vector.broadcast %or3A_1857 : i32 to vector<128x128xi32>
    %or3A_1859 = arith.ori %and3A_1856, %or3A_1858 : vector<128x128xi32>
    %max3A_1860 = arith.maxsi %min3A_1848, %or3A_1859 : vector<128x128xi32>
    %min3A_1861 = arith.minsi %min3A_1848, %or3A_1859 : vector<128x128xi32>
    %max3A_1862 = arith.maxsi %min3A_1850, %max3A_1860 : vector<128x128xi32>
    %min3A_1863 = arith.minsi %min3A_1850, %max3A_1860 : vector<128x128xi32>
    %min3A_1864 = arith.minsi %min3A_1851, %max3A_1862 : vector<128x128xi32>
    %slice3A_1865 = vector.extract_strided_slice %add3A_22 {offsets = [256, 1792], sizes = [128, 128], strides = [1, 1]} : vector<512x8192xf32> to vector<128x128xf32>
    %bitcast_convert_type3A_1866 = tpu.bitcast %slice3A_1865 : vector<128x128xf32> -> vector<128x128xi32>
    %and3A_1867 = arith.constant -64 : i32
    %and3A_1868 = vector.broadcast %and3A_1867 : i32 to vector<128x128xi32>
    %and3A_1869 = arith.andi %bitcast_convert_type3A_1866, %and3A_1868 : vector<128x128xi32>
    %or3A_1870 = arith.constant 14 : i32
    %or3A_1871 = vector.broadcast %or3A_1870 : i32 to vector<128x128xi32>
    %or3A_1872 = arith.ori %and3A_1869, %or3A_1871 : vector<128x128xi32>
    %max3A_1873 = arith.maxsi %min3A_1861, %or3A_1872 : vector<128x128xi32>
    %min3A_1874 = arith.minsi %min3A_1861, %or3A_1872 : vector<128x128xi32>
    %max3A_1875 = arith.maxsi %min3A_1863, %max3A_1873 : vector<128x128xi32>
    %min3A_1876 = arith.minsi %min3A_1863, %max3A_1873 : vector<128x128xi32>
    %min3A_1877 = arith.minsi %min3A_1864, %max3A_1875 : vector<128x128xi32>
    %slice3A_1878 = vector.extract_strided_slice %add3A_22 {offsets = [256, 1920], sizes = [128, 128], strides = [1, 1]} : vector<512x8192xf32> to vector<128x128xf32>
    %bitcast_convert_type3A_1879 = tpu.bitcast %slice3A_1878 : vector<128x128xf32> -> vector<128x128xi32>
    %and3A_1880 = arith.constant -64 : i32
    %and3A_1881 = vector.broadcast %and3A_1880 : i32 to vector<128x128xi32>
    %and3A_1882 = arith.andi %bitcast_convert_type3A_1879, %and3A_1881 : vector<128x128xi32>
    %or3A_1883 = arith.constant 15 : i32
    %or3A_1884 = vector.broadcast %or3A_1883 : i32 to vector<128x128xi32>
    %or3A_1885 = arith.ori %and3A_1882, %or3A_1884 : vector<128x128xi32>
    %max3A_1886 = arith.maxsi %min3A_1874, %or3A_1885 : vector<128x128xi32>
    %min3A_1887 = arith.minsi %min3A_1874, %or3A_1885 : vector<128x128xi32>
    %max3A_1888 = arith.maxsi %min3A_1876, %max3A_1886 : vector<128x128xi32>
    %min3A_1889 = arith.minsi %min3A_1876, %max3A_1886 : vector<128x128xi32>
    %min3A_1890 = arith.minsi %min3A_1877, %max3A_1888 : vector<128x128xi32>
    %slice3A_1891 = vector.extract_strided_slice %add3A_22 {offsets = [256, 2048], sizes = [128, 128], strides = [1, 1]} : vector<512x8192xf32> to vector<128x128xf32>
    %bitcast_convert_type3A_1892 = tpu.bitcast %slice3A_1891 : vector<128x128xf32> -> vector<128x128xi32>
    %and3A_1893 = arith.constant -64 : i32
    %and3A_1894 = vector.broadcast %and3A_1893 : i32 to vector<128x128xi32>
    %and3A_1895 = arith.andi %bitcast_convert_type3A_1892, %and3A_1894 : vector<128x128xi32>
    %or3A_1896 = arith.constant 16 : i32
    %or3A_1897 = vector.broadcast %or3A_1896 : i32 to vector<128x128xi32>
    %or3A_1898 = arith.ori %and3A_1895, %or3A_1897 : vector<128x128xi32>
    %max3A_1899 = arith.maxsi %min3A_1887, %or3A_1898 : vector<128x128xi32>
    %min3A_1900 = arith.minsi %min3A_1887, %or3A_1898 : vector<128x128xi32>
    %max3A_1901 = arith.maxsi %min3A_1889, %max3A_1899 : vector<128x128xi32>
    %min3A_1902 = arith.minsi %min3A_1889, %max3A_1899 : vector<128x128xi32>
    %min3A_1903 = arith.minsi %min3A_1890, %max3A_1901 : vector<128x128xi32>
    %slice3A_1904 = vector.extract_strided_slice %add3A_22 {offsets = [256, 2176], sizes = [128, 128], strides = [1, 1]} : vector<512x8192xf32> to vector<128x128xf32>
    %bitcast_convert_type3A_1905 = tpu.bitcast %slice3A_1904 : vector<128x128xf32> -> vector<128x128xi32>
    %and3A_1906 = arith.constant -64 : i32
    %and3A_1907 = vector.broadcast %and3A_1906 : i32 to vector<128x128xi32>
    %and3A_1908 = arith.andi %bitcast_convert_type3A_1905, %and3A_1907 : vector<128x128xi32>
    %or3A_1909 = arith.constant 17 : i32
    %or3A_1910 = vector.broadcast %or3A_1909 : i32 to vector<128x128xi32>
    %or3A_1911 = arith.ori %and3A_1908, %or3A_1910 : vector<128x128xi32>
    %max3A_1912 = arith.maxsi %min3A_1900, %or3A_1911 : vector<128x128xi32>
    %min3A_1913 = arith.minsi %min3A_1900, %or3A_1911 : vector<128x128xi32>
    %max3A_1914 = arith.maxsi %min3A_1902, %max3A_1912 : vector<128x128xi32>
    %min3A_1915 = arith.minsi %min3A_1902, %max3A_1912 : vector<128x128xi32>
    %min3A_1916 = arith.minsi %min3A_1903, %max3A_1914 : vector<128x128xi32>
    %slice3A_1917 = vector.extract_strided_slice %add3A_22 {offsets = [256, 2304], sizes = [128, 128], strides = [1, 1]} : vector<512x8192xf32> to vector<128x128xf32>
    %bitcast_convert_type3A_1918 = tpu.bitcast %slice3A_1917 : vector<128x128xf32> -> vector<128x128xi32>
    %and3A_1919 = arith.constant -64 : i32
    %and3A_1920 = vector.broadcast %and3A_1919 : i32 to vector<128x128xi32>
    %and3A_1921 = arith.andi %bitcast_convert_type3A_1918, %and3A_1920 : vector<128x128xi32>
    %or3A_1922 = arith.constant 18 : i32
    %or3A_1923 = vector.broadcast %or3A_1922 : i32 to vector<128x128xi32>
    %or3A_1924 = arith.ori %and3A_1921, %or3A_1923 : vector<128x128xi32>
    %max3A_1925 = arith.maxsi %min3A_1913, %or3A_1924 : vector<128x128xi32>
    %min3A_1926 = arith.minsi %min3A_1913, %or3A_1924 : vector<128x128xi32>
    %max3A_1927 = arith.maxsi %min3A_1915, %max3A_1925 : vector<128x128xi32>
    %min3A_1928 = arith.minsi %min3A_1915, %max3A_1925 : vector<128x128xi32>
    %min3A_1929 = arith.minsi %min3A_1916, %max3A_1927 : vector<128x128xi32>
    %slice3A_1930 = vector.extract_strided_slice %add3A_22 {offsets = [256, 2432], sizes = [128, 128], strides = [1, 1]} : vector<512x8192xf32> to vector<128x128xf32>
    %bitcast_convert_type3A_1931 = tpu.bitcast %slice3A_1930 : vector<128x128xf32> -> vector<128x128xi32>
    %and3A_1932 = arith.constant -64 : i32
    %and3A_1933 = vector.broadcast %and3A_1932 : i32 to vector<128x128xi32>
    %and3A_1934 = arith.andi %bitcast_convert_type3A_1931, %and3A_1933 : vector<128x128xi32>
    %or3A_1935 = arith.constant 19 : i32
    %or3A_1936 = vector.broadcast %or3A_1935 : i32 to vector<128x128xi32>
    %or3A_1937 = arith.ori %and3A_1934, %or3A_1936 : vector<128x128xi32>
    %max3A_1938 = arith.maxsi %min3A_1926, %or3A_1937 : vector<128x128xi32>
    %min3A_1939 = arith.minsi %min3A_1926, %or3A_1937 : vector<128x128xi32>
    %max3A_1940 = arith.maxsi %min3A_1928, %max3A_1938 : vector<128x128xi32>
    %min3A_1941 = arith.minsi %min3A_1928, %max3A_1938 : vector<128x128xi32>
    %min3A_1942 = arith.minsi %min3A_1929, %max3A_1940 : vector<128x128xi32>
    %slice3A_1943 = vector.extract_strided_slice %add3A_22 {offsets = [256, 2560], sizes = [128, 128], strides = [1, 1]} : vector<512x8192xf32> to vector<128x128xf32>
    %bitcast_convert_type3A_1944 = tpu.bitcast %slice3A_1943 : vector<128x128xf32> -> vector<128x128xi32>
    %and3A_1945 = arith.constant -64 : i32
    %and3A_1946 = vector.broadcast %and3A_1945 : i32 to vector<128x128xi32>
    %and3A_1947 = arith.andi %bitcast_convert_type3A_1944, %and3A_1946 : vector<128x128xi32>
    %or3A_1948 = arith.constant 20 : i32
    %or3A_1949 = vector.broadcast %or3A_1948 : i32 to vector<128x128xi32>
    %or3A_1950 = arith.ori %and3A_1947, %or3A_1949 : vector<128x128xi32>
    %max3A_1951 = arith.maxsi %min3A_1939, %or3A_1950 : vector<128x128xi32>
    %min3A_1952 = arith.minsi %min3A_1939, %or3A_1950 : vector<128x128xi32>
    %max3A_1953 = arith.maxsi %min3A_1941, %max3A_1951 : vector<128x128xi32>
    %min3A_1954 = arith.minsi %min3A_1941, %max3A_1951 : vector<128x128xi32>
    %min3A_1955 = arith.minsi %min3A_1942, %max3A_1953 : vector<128x128xi32>
    %slice3A_1956 = vector.extract_strided_slice %add3A_22 {offsets = [256, 2688], sizes = [128, 128], strides = [1, 1]} : vector<512x8192xf32> to vector<128x128xf32>
    %bitcast_convert_type3A_1957 = tpu.bitcast %slice3A_1956 : vector<128x128xf32> -> vector<128x128xi32>
    %and3A_1958 = arith.constant -64 : i32
    %and3A_1959 = vector.broadcast %and3A_1958 : i32 to vector<128x128xi32>
    %and3A_1960 = arith.andi %bitcast_convert_type3A_1957, %and3A_1959 : vector<128x128xi32>
    %or3A_1961 = arith.constant 21 : i32
    %or3A_1962 = vector.broadcast %or3A_1961 : i32 to vector<128x128xi32>
    %or3A_1963 = arith.ori %and3A_1960, %or3A_1962 : vector<128x128xi32>
    %max3A_1964 = arith.maxsi %min3A_1952, %or3A_1963 : vector<128x128xi32>
    %min3A_1965 = arith.minsi %min3A_1952, %or3A_1963 : vector<128x128xi32>
    %max3A_1966 = arith.maxsi %min3A_1954, %max3A_1964 : vector<128x128xi32>
    %min3A_1967 = arith.minsi %min3A_1954, %max3A_1964 : vector<128x128xi32>
    %min3A_1968 = arith.minsi %min3A_1955, %max3A_1966 : vector<128x128xi32>
    %slice3A_1969 = vector.extract_strided_slice %add3A_22 {offsets = [256, 2816], sizes = [128, 128], strides = [1, 1]} : vector<512x8192xf32> to vector<128x128xf32>
    %bitcast_convert_type3A_1970 = tpu.bitcast %slice3A_1969 : vector<128x128xf32> -> vector<128x128xi32>
    %and3A_1971 = arith.constant -64 : i32
    %and3A_1972 = vector.broadcast %and3A_1971 : i32 to vector<128x128xi32>
    %and3A_1973 = arith.andi %bitcast_convert_type3A_1970, %and3A_1972 : vector<128x128xi32>
    %or3A_1974 = arith.constant 22 : i32
    %or3A_1975 = vector.broadcast %or3A_1974 : i32 to vector<128x128xi32>
    %or3A_1976 = arith.ori %and3A_1973, %or3A_1975 : vector<128x128xi32>
    %max3A_1977 = arith.maxsi %min3A_1965, %or3A_1976 : vector<128x128xi32>
    %min3A_1978 = arith.minsi %min3A_1965, %or3A_1976 : vector<128x128xi32>
    %max3A_1979 = arith.maxsi %min3A_1967, %max3A_1977 : vector<128x128xi32>
    %min3A_1980 = arith.minsi %min3A_1967, %max3A_1977 : vector<128x128xi32>
    %min3A_1981 = arith.minsi %min3A_1968, %max3A_1979 : vector<128x128xi32>
    %slice3A_1982 = vector.extract_strided_slice %add3A_22 {offsets = [256, 2944], sizes = [128, 128], strides = [1, 1]} : vector<512x8192xf32> to vector<128x128xf32>
    %bitcast_convert_type3A_1983 = tpu.bitcast %slice3A_1982 : vector<128x128xf32> -> vector<128x128xi32>
    %and3A_1984 = arith.constant -64 : i32
    %and3A_1985 = vector.broadcast %and3A_1984 : i32 to vector<128x128xi32>
    %and3A_1986 = arith.andi %bitcast_convert_type3A_1983, %and3A_1985 : vector<128x128xi32>
    %or3A_1987 = arith.constant 23 : i32
    %or3A_1988 = vector.broadcast %or3A_1987 : i32 to vector<128x128xi32>
    %or3A_1989 = arith.ori %and3A_1986, %or3A_1988 : vector<128x128xi32>
    %max3A_1990 = arith.maxsi %min3A_1978, %or3A_1989 : vector<128x128xi32>
    %min3A_1991 = arith.minsi %min3A_1978, %or3A_1989 : vector<128x128xi32>
    %max3A_1992 = arith.maxsi %min3A_1980, %max3A_1990 : vector<128x128xi32>
    %min3A_1993 = arith.minsi %min3A_1980, %max3A_1990 : vector<128x128xi32>
    %min3A_1994 = arith.minsi %min3A_1981, %max3A_1992 : vector<128x128xi32>
    %slice3A_1995 = vector.extract_strided_slice %add3A_22 {offsets = [256, 3072], sizes = [128, 128], strides = [1, 1]} : vector<512x8192xf32> to vector<128x128xf32>
    %bitcast_convert_type3A_1996 = tpu.bitcast %slice3A_1995 : vector<128x128xf32> -> vector<128x128xi32>
    %and3A_1997 = arith.constant -64 : i32
    %and3A_1998 = vector.broadcast %and3A_1997 : i32 to vector<128x128xi32>
    %and3A_1999 = arith.andi %bitcast_convert_type3A_1996, %and3A_1998 : vector<128x128xi32>
    %or3A_2000 = arith.constant 24 : i32
    %or3A_2001 = vector.broadcast %or3A_2000 : i32 to vector<128x128xi32>
    %or3A_2002 = arith.ori %and3A_1999, %or3A_2001 : vector<128x128xi32>
    %max3A_2003 = arith.maxsi %min3A_1991, %or3A_2002 : vector<128x128xi32>
    %min3A_2004 = arith.minsi %min3A_1991, %or3A_2002 : vector<128x128xi32>
    %max3A_2005 = arith.maxsi %min3A_1993, %max3A_2003 : vector<128x128xi32>
    %min3A_2006 = arith.minsi %min3A_1993, %max3A_2003 : vector<128x128xi32>
    %min3A_2007 = arith.minsi %min3A_1994, %max3A_2005 : vector<128x128xi32>
    %slice3A_2008 = vector.extract_strided_slice %add3A_22 {offsets = [256, 3200], sizes = [128, 128], strides = [1, 1]} : vector<512x8192xf32> to vector<128x128xf32>
    %bitcast_convert_type3A_2009 = tpu.bitcast %slice3A_2008 : vector<128x128xf32> -> vector<128x128xi32>
    %and3A_2010 = arith.constant -64 : i32
    %and3A_2011 = vector.broadcast %and3A_2010 : i32 to vector<128x128xi32>
    %and3A_2012 = arith.andi %bitcast_convert_type3A_2009, %and3A_2011 : vector<128x128xi32>
    %or3A_2013 = arith.constant 25 : i32
    %or3A_2014 = vector.broadcast %or3A_2013 : i32 to vector<128x128xi32>
    %or3A_2015 = arith.ori %and3A_2012, %or3A_2014 : vector<128x128xi32>
    %max3A_2016 = arith.maxsi %min3A_2004, %or3A_2015 : vector<128x128xi32>
    %min3A_2017 = arith.minsi %min3A_2004, %or3A_2015 : vector<128x128xi32>
    %max3A_2018 = arith.maxsi %min3A_2006, %max3A_2016 : vector<128x128xi32>
    %min3A_2019 = arith.minsi %min3A_2006, %max3A_2016 : vector<128x128xi32>
    %min3A_2020 = arith.minsi %min3A_2007, %max3A_2018 : vector<128x128xi32>
    %slice3A_2021 = vector.extract_strided_slice %add3A_22 {offsets = [256, 3328], sizes = [128, 128], strides = [1, 1]} : vector<512x8192xf32> to vector<128x128xf32>
    %bitcast_convert_type3A_2022 = tpu.bitcast %slice3A_2021 : vector<128x128xf32> -> vector<128x128xi32>
    %and3A_2023 = arith.constant -64 : i32
    %and3A_2024 = vector.broadcast %and3A_2023 : i32 to vector<128x128xi32>
    %and3A_2025 = arith.andi %bitcast_convert_type3A_2022, %and3A_2024 : vector<128x128xi32>
    %or3A_2026 = arith.constant 26 : i32
    %or3A_2027 = vector.broadcast %or3A_2026 : i32 to vector<128x128xi32>
    %or3A_2028 = arith.ori %and3A_2025, %or3A_2027 : vector<128x128xi32>
    %max3A_2029 = arith.maxsi %min3A_2017, %or3A_2028 : vector<128x128xi32>
    %min3A_2030 = arith.minsi %min3A_2017, %or3A_2028 : vector<128x128xi32>
    %max3A_2031 = arith.maxsi %min3A_2019, %max3A_2029 : vector<128x128xi32>
    %min3A_2032 = arith.minsi %min3A_2019, %max3A_2029 : vector<128x128xi32>
    %min3A_2033 = arith.minsi %min3A_2020, %max3A_2031 : vector<128x128xi32>
    %slice3A_2034 = vector.extract_strided_slice %add3A_22 {offsets = [256, 3456], sizes = [128, 128], strides = [1, 1]} : vector<512x8192xf32> to vector<128x128xf32>
    %bitcast_convert_type3A_2035 = tpu.bitcast %slice3A_2034 : vector<128x128xf32> -> vector<128x128xi32>
    %and3A_2036 = arith.constant -64 : i32
    %and3A_2037 = vector.broadcast %and3A_2036 : i32 to vector<128x128xi32>
    %and3A_2038 = arith.andi %bitcast_convert_type3A_2035, %and3A_2037 : vector<128x128xi32>
    %or3A_2039 = arith.constant 27 : i32
    %or3A_2040 = vector.broadcast %or3A_2039 : i32 to vector<128x128xi32>
    %or3A_2041 = arith.ori %and3A_2038, %or3A_2040 : vector<128x128xi32>
    %max3A_2042 = arith.maxsi %min3A_2030, %or3A_2041 : vector<128x128xi32>
    %min3A_2043 = arith.minsi %min3A_2030, %or3A_2041 : vector<128x128xi32>
    %max3A_2044 = arith.maxsi %min3A_2032, %max3A_2042 : vector<128x128xi32>
    %min3A_2045 = arith.minsi %min3A_2032, %max3A_2042 : vector<128x128xi32>
    %min3A_2046 = arith.minsi %min3A_2033, %max3A_2044 : vector<128x128xi32>
    %slice3A_2047 = vector.extract_strided_slice %add3A_22 {offsets = [256, 3584], sizes = [128, 128], strides = [1, 1]} : vector<512x8192xf32> to vector<128x128xf32>
    %bitcast_convert_type3A_2048 = tpu.bitcast %slice3A_2047 : vector<128x128xf32> -> vector<128x128xi32>
    %and3A_2049 = arith.constant -64 : i32
    %and3A_2050 = vector.broadcast %and3A_2049 : i32 to vector<128x128xi32>
    %and3A_2051 = arith.andi %bitcast_convert_type3A_2048, %and3A_2050 : vector<128x128xi32>
    %or3A_2052 = arith.constant 28 : i32
    %or3A_2053 = vector.broadcast %or3A_2052 : i32 to vector<128x128xi32>
    %or3A_2054 = arith.ori %and3A_2051, %or3A_2053 : vector<128x128xi32>
    %max3A_2055 = arith.maxsi %min3A_2043, %or3A_2054 : vector<128x128xi32>
    %min3A_2056 = arith.minsi %min3A_2043, %or3A_2054 : vector<128x128xi32>
    %max3A_2057 = arith.maxsi %min3A_2045, %max3A_2055 : vector<128x128xi32>
    %min3A_2058 = arith.minsi %min3A_2045, %max3A_2055 : vector<128x128xi32>
    %min3A_2059 = arith.minsi %min3A_2046, %max3A_2057 : vector<128x128xi32>
    %slice3A_2060 = vector.extract_strided_slice %add3A_22 {offsets = [256, 3712], sizes = [128, 128], strides = [1, 1]} : vector<512x8192xf32> to vector<128x128xf32>
    %bitcast_convert_type3A_2061 = tpu.bitcast %slice3A_2060 : vector<128x128xf32> -> vector<128x128xi32>
    %and3A_2062 = arith.constant -64 : i32
    %and3A_2063 = vector.broadcast %and3A_2062 : i32 to vector<128x128xi32>
    %and3A_2064 = arith.andi %bitcast_convert_type3A_2061, %and3A_2063 : vector<128x128xi32>
    %or3A_2065 = arith.constant 29 : i32
    %or3A_2066 = vector.broadcast %or3A_2065 : i32 to vector<128x128xi32>
    %or3A_2067 = arith.ori %and3A_2064, %or3A_2066 : vector<128x128xi32>
    %max3A_2068 = arith.maxsi %min3A_2056, %or3A_2067 : vector<128x128xi32>
    %min3A_2069 = arith.minsi %min3A_2056, %or3A_2067 : vector<128x128xi32>
    %max3A_2070 = arith.maxsi %min3A_2058, %max3A_2068 : vector<128x128xi32>
    %min3A_2071 = arith.minsi %min3A_2058, %max3A_2068 : vector<128x128xi32>
    %min3A_2072 = arith.minsi %min3A_2059, %max3A_2070 : vector<128x128xi32>
    %slice3A_2073 = vector.extract_strided_slice %add3A_22 {offsets = [256, 3840], sizes = [128, 128], strides = [1, 1]} : vector<512x8192xf32> to vector<128x128xf32>
    %bitcast_convert_type3A_2074 = tpu.bitcast %slice3A_2073 : vector<128x128xf32> -> vector<128x128xi32>
    %and3A_2075 = arith.constant -64 : i32
    %and3A_2076 = vector.broadcast %and3A_2075 : i32 to vector<128x128xi32>
    %and3A_2077 = arith.andi %bitcast_convert_type3A_2074, %and3A_2076 : vector<128x128xi32>
    %or3A_2078 = arith.constant 30 : i32
    %or3A_2079 = vector.broadcast %or3A_2078 : i32 to vector<128x128xi32>
    %or3A_2080 = arith.ori %and3A_2077, %or3A_2079 : vector<128x128xi32>
    %max3A_2081 = arith.maxsi %min3A_2069, %or3A_2080 : vector<128x128xi32>
    %min3A_2082 = arith.minsi %min3A_2069, %or3A_2080 : vector<128x128xi32>
    %max3A_2083 = arith.maxsi %min3A_2071, %max3A_2081 : vector<128x128xi32>
    %min3A_2084 = arith.minsi %min3A_2071, %max3A_2081 : vector<128x128xi32>
    %min3A_2085 = arith.minsi %min3A_2072, %max3A_2083 : vector<128x128xi32>
    %slice3A_2086 = vector.extract_strided_slice %add3A_22 {offsets = [256, 3968], sizes = [128, 128], strides = [1, 1]} : vector<512x8192xf32> to vector<128x128xf32>
    %bitcast_convert_type3A_2087 = tpu.bitcast %slice3A_2086 : vector<128x128xf32> -> vector<128x128xi32>
    %and3A_2088 = arith.constant -64 : i32
    %and3A_2089 = vector.broadcast %and3A_2088 : i32 to vector<128x128xi32>
    %and3A_2090 = arith.andi %bitcast_convert_type3A_2087, %and3A_2089 : vector<128x128xi32>
    %or3A_2091 = arith.constant 31 : i32
    %or3A_2092 = vector.broadcast %or3A_2091 : i32 to vector<128x128xi32>
    %or3A_2093 = arith.ori %and3A_2090, %or3A_2092 : vector<128x128xi32>
    %max3A_2094 = arith.maxsi %min3A_2082, %or3A_2093 : vector<128x128xi32>
    %min3A_2095 = arith.minsi %min3A_2082, %or3A_2093 : vector<128x128xi32>
    %max3A_2096 = arith.maxsi %min3A_2084, %max3A_2094 : vector<128x128xi32>
    %min3A_2097 = arith.minsi %min3A_2084, %max3A_2094 : vector<128x128xi32>
    %min3A_2098 = arith.minsi %min3A_2085, %max3A_2096 : vector<128x128xi32>
    %slice3A_2099 = vector.extract_strided_slice %add3A_22 {offsets = [256, 4096], sizes = [128, 128], strides = [1, 1]} : vector<512x8192xf32> to vector<128x128xf32>
    %bitcast_convert_type3A_2100 = tpu.bitcast %slice3A_2099 : vector<128x128xf32> -> vector<128x128xi32>
    %and3A_2101 = arith.constant -64 : i32
    %and3A_2102 = vector.broadcast %and3A_2101 : i32 to vector<128x128xi32>
    %and3A_2103 = arith.andi %bitcast_convert_type3A_2100, %and3A_2102 : vector<128x128xi32>
    %or3A_2104 = arith.constant 32 : i32
    %or3A_2105 = vector.broadcast %or3A_2104 : i32 to vector<128x128xi32>
    %or3A_2106 = arith.ori %and3A_2103, %or3A_2105 : vector<128x128xi32>
    %max3A_2107 = arith.maxsi %min3A_2095, %or3A_2106 : vector<128x128xi32>
    %min3A_2108 = arith.minsi %min3A_2095, %or3A_2106 : vector<128x128xi32>
    %max3A_2109 = arith.maxsi %min3A_2097, %max3A_2107 : vector<128x128xi32>
    %min3A_2110 = arith.minsi %min3A_2097, %max3A_2107 : vector<128x128xi32>
    %min3A_2111 = arith.minsi %min3A_2098, %max3A_2109 : vector<128x128xi32>
    %slice3A_2112 = vector.extract_strided_slice %add3A_22 {offsets = [256, 4224], sizes = [128, 128], strides = [1, 1]} : vector<512x8192xf32> to vector<128x128xf32>
    %bitcast_convert_type3A_2113 = tpu.bitcast %slice3A_2112 : vector<128x128xf32> -> vector<128x128xi32>
    %and3A_2114 = arith.constant -64 : i32
    %and3A_2115 = vector.broadcast %and3A_2114 : i32 to vector<128x128xi32>
    %and3A_2116 = arith.andi %bitcast_convert_type3A_2113, %and3A_2115 : vector<128x128xi32>
    %or3A_2117 = arith.constant 33 : i32
    %or3A_2118 = vector.broadcast %or3A_2117 : i32 to vector<128x128xi32>
    %or3A_2119 = arith.ori %and3A_2116, %or3A_2118 : vector<128x128xi32>
    %max3A_2120 = arith.maxsi %min3A_2108, %or3A_2119 : vector<128x128xi32>
    %min3A_2121 = arith.minsi %min3A_2108, %or3A_2119 : vector<128x128xi32>
    %max3A_2122 = arith.maxsi %min3A_2110, %max3A_2120 : vector<128x128xi32>
    %min3A_2123 = arith.minsi %min3A_2110, %max3A_2120 : vector<128x128xi32>
    %min3A_2124 = arith.minsi %min3A_2111, %max3A_2122 : vector<128x128xi32>
    %slice3A_2125 = vector.extract_strided_slice %add3A_22 {offsets = [256, 4352], sizes = [128, 128], strides = [1, 1]} : vector<512x8192xf32> to vector<128x128xf32>
    %bitcast_convert_type3A_2126 = tpu.bitcast %slice3A_2125 : vector<128x128xf32> -> vector<128x128xi32>
    %and3A_2127 = arith.constant -64 : i32
    %and3A_2128 = vector.broadcast %and3A_2127 : i32 to vector<128x128xi32>
    %and3A_2129 = arith.andi %bitcast_convert_type3A_2126, %and3A_2128 : vector<128x128xi32>
    %or3A_2130 = arith.constant 34 : i32
    %or3A_2131 = vector.broadcast %or3A_2130 : i32 to vector<128x128xi32>
    %or3A_2132 = arith.ori %and3A_2129, %or3A_2131 : vector<128x128xi32>
    %max3A_2133 = arith.maxsi %min3A_2121, %or3A_2132 : vector<128x128xi32>
    %min3A_2134 = arith.minsi %min3A_2121, %or3A_2132 : vector<128x128xi32>
    %max3A_2135 = arith.maxsi %min3A_2123, %max3A_2133 : vector<128x128xi32>
    %min3A_2136 = arith.minsi %min3A_2123, %max3A_2133 : vector<128x128xi32>
    %min3A_2137 = arith.minsi %min3A_2124, %max3A_2135 : vector<128x128xi32>
    %slice3A_2138 = vector.extract_strided_slice %add3A_22 {offsets = [256, 4480], sizes = [128, 128], strides = [1, 1]} : vector<512x8192xf32> to vector<128x128xf32>
    %bitcast_convert_type3A_2139 = tpu.bitcast %slice3A_2138 : vector<128x128xf32> -> vector<128x128xi32>
    %and3A_2140 = arith.constant -64 : i32
    %and3A_2141 = vector.broadcast %and3A_2140 : i32 to vector<128x128xi32>
    %and3A_2142 = arith.andi %bitcast_convert_type3A_2139, %and3A_2141 : vector<128x128xi32>
    %or3A_2143 = arith.constant 35 : i32
    %or3A_2144 = vector.broadcast %or3A_2143 : i32 to vector<128x128xi32>
    %or3A_2145 = arith.ori %and3A_2142, %or3A_2144 : vector<128x128xi32>
    %max3A_2146 = arith.maxsi %min3A_2134, %or3A_2145 : vector<128x128xi32>
    %min3A_2147 = arith.minsi %min3A_2134, %or3A_2145 : vector<128x128xi32>
    %max3A_2148 = arith.maxsi %min3A_2136, %max3A_2146 : vector<128x128xi32>
    %min3A_2149 = arith.minsi %min3A_2136, %max3A_2146 : vector<128x128xi32>
    %min3A_2150 = arith.minsi %min3A_2137, %max3A_2148 : vector<128x128xi32>
    %slice3A_2151 = vector.extract_strided_slice %add3A_22 {offsets = [256, 4608], sizes = [128, 128], strides = [1, 1]} : vector<512x8192xf32> to vector<128x128xf32>
    %bitcast_convert_type3A_2152 = tpu.bitcast %slice3A_2151 : vector<128x128xf32> -> vector<128x128xi32>
    %and3A_2153 = arith.constant -64 : i32
    %and3A_2154 = vector.broadcast %and3A_2153 : i32 to vector<128x128xi32>
    %and3A_2155 = arith.andi %bitcast_convert_type3A_2152, %and3A_2154 : vector<128x128xi32>
    %or3A_2156 = arith.constant 36 : i32
    %or3A_2157 = vector.broadcast %or3A_2156 : i32 to vector<128x128xi32>
    %or3A_2158 = arith.ori %and3A_2155, %or3A_2157 : vector<128x128xi32>
    %max3A_2159 = arith.maxsi %min3A_2147, %or3A_2158 : vector<128x128xi32>
    %min3A_2160 = arith.minsi %min3A_2147, %or3A_2158 : vector<128x128xi32>
    %max3A_2161 = arith.maxsi %min3A_2149, %max3A_2159 : vector<128x128xi32>
    %min3A_2162 = arith.minsi %min3A_2149, %max3A_2159 : vector<128x128xi32>
    %min3A_2163 = arith.minsi %min3A_2150, %max3A_2161 : vector<128x128xi32>
    %slice3A_2164 = vector.extract_strided_slice %add3A_22 {offsets = [256, 4736], sizes = [128, 128], strides = [1, 1]} : vector<512x8192xf32> to vector<128x128xf32>
    %bitcast_convert_type3A_2165 = tpu.bitcast %slice3A_2164 : vector<128x128xf32> -> vector<128x128xi32>
    %and3A_2166 = arith.constant -64 : i32
    %and3A_2167 = vector.broadcast %and3A_2166 : i32 to vector<128x128xi32>
    %and3A_2168 = arith.andi %bitcast_convert_type3A_2165, %and3A_2167 : vector<128x128xi32>
    %or3A_2169 = arith.constant 37 : i32
    %or3A_2170 = vector.broadcast %or3A_2169 : i32 to vector<128x128xi32>
    %or3A_2171 = arith.ori %and3A_2168, %or3A_2170 : vector<128x128xi32>
    %max3A_2172 = arith.maxsi %min3A_2160, %or3A_2171 : vector<128x128xi32>
    %min3A_2173 = arith.minsi %min3A_2160, %or3A_2171 : vector<128x128xi32>
    %max3A_2174 = arith.maxsi %min3A_2162, %max3A_2172 : vector<128x128xi32>
    %min3A_2175 = arith.minsi %min3A_2162, %max3A_2172 : vector<128x128xi32>
    %min3A_2176 = arith.minsi %min3A_2163, %max3A_2174 : vector<128x128xi32>
    %slice3A_2177 = vector.extract_strided_slice %add3A_22 {offsets = [256, 4864], sizes = [128, 128], strides = [1, 1]} : vector<512x8192xf32> to vector<128x128xf32>
    %bitcast_convert_type3A_2178 = tpu.bitcast %slice3A_2177 : vector<128x128xf32> -> vector<128x128xi32>
    %and3A_2179 = arith.constant -64 : i32
    %and3A_2180 = vector.broadcast %and3A_2179 : i32 to vector<128x128xi32>
    %and3A_2181 = arith.andi %bitcast_convert_type3A_2178, %and3A_2180 : vector<128x128xi32>
    %or3A_2182 = arith.constant 38 : i32
    %or3A_2183 = vector.broadcast %or3A_2182 : i32 to vector<128x128xi32>
    %or3A_2184 = arith.ori %and3A_2181, %or3A_2183 : vector<128x128xi32>
    %max3A_2185 = arith.maxsi %min3A_2173, %or3A_2184 : vector<128x128xi32>
    %min3A_2186 = arith.minsi %min3A_2173, %or3A_2184 : vector<128x128xi32>
    %max3A_2187 = arith.maxsi %min3A_2175, %max3A_2185 : vector<128x128xi32>
    %min3A_2188 = arith.minsi %min3A_2175, %max3A_2185 : vector<128x128xi32>
    %min3A_2189 = arith.minsi %min3A_2176, %max3A_2187 : vector<128x128xi32>
    %slice3A_2190 = vector.extract_strided_slice %add3A_22 {offsets = [256, 4992], sizes = [128, 128], strides = [1, 1]} : vector<512x8192xf32> to vector<128x128xf32>
    %bitcast_convert_type3A_2191 = tpu.bitcast %slice3A_2190 : vector<128x128xf32> -> vector<128x128xi32>
    %and3A_2192 = arith.constant -64 : i32
    %and3A_2193 = vector.broadcast %and3A_2192 : i32 to vector<128x128xi32>
    %and3A_2194 = arith.andi %bitcast_convert_type3A_2191, %and3A_2193 : vector<128x128xi32>
    %or3A_2195 = arith.constant 39 : i32
    %or3A_2196 = vector.broadcast %or3A_2195 : i32 to vector<128x128xi32>
    %or3A_2197 = arith.ori %and3A_2194, %or3A_2196 : vector<128x128xi32>
    %max3A_2198 = arith.maxsi %min3A_2186, %or3A_2197 : vector<128x128xi32>
    %min3A_2199 = arith.minsi %min3A_2186, %or3A_2197 : vector<128x128xi32>
    %max3A_2200 = arith.maxsi %min3A_2188, %max3A_2198 : vector<128x128xi32>
    %min3A_2201 = arith.minsi %min3A_2188, %max3A_2198 : vector<128x128xi32>
    %min3A_2202 = arith.minsi %min3A_2189, %max3A_2200 : vector<128x128xi32>
    %slice3A_2203 = vector.extract_strided_slice %add3A_22 {offsets = [256, 5120], sizes = [128, 128], strides = [1, 1]} : vector<512x8192xf32> to vector<128x128xf32>
    %bitcast_convert_type3A_2204 = tpu.bitcast %slice3A_2203 : vector<128x128xf32> -> vector<128x128xi32>
    %and3A_2205 = arith.constant -64 : i32
    %and3A_2206 = vector.broadcast %and3A_2205 : i32 to vector<128x128xi32>
    %and3A_2207 = arith.andi %bitcast_convert_type3A_2204, %and3A_2206 : vector<128x128xi32>
    %or3A_2208 = arith.constant 40 : i32
    %or3A_2209 = vector.broadcast %or3A_2208 : i32 to vector<128x128xi32>
    %or3A_2210 = arith.ori %and3A_2207, %or3A_2209 : vector<128x128xi32>
    %max3A_2211 = arith.maxsi %min3A_2199, %or3A_2210 : vector<128x128xi32>
    %min3A_2212 = arith.minsi %min3A_2199, %or3A_2210 : vector<128x128xi32>
    %max3A_2213 = arith.maxsi %min3A_2201, %max3A_2211 : vector<128x128xi32>
    %min3A_2214 = arith.minsi %min3A_2201, %max3A_2211 : vector<128x128xi32>
    %min3A_2215 = arith.minsi %min3A_2202, %max3A_2213 : vector<128x128xi32>
    %slice3A_2216 = vector.extract_strided_slice %add3A_22 {offsets = [256, 5248], sizes = [128, 128], strides = [1, 1]} : vector<512x8192xf32> to vector<128x128xf32>
    %bitcast_convert_type3A_2217 = tpu.bitcast %slice3A_2216 : vector<128x128xf32> -> vector<128x128xi32>
    %and3A_2218 = arith.constant -64 : i32
    %and3A_2219 = vector.broadcast %and3A_2218 : i32 to vector<128x128xi32>
    %and3A_2220 = arith.andi %bitcast_convert_type3A_2217, %and3A_2219 : vector<128x128xi32>
    %or3A_2221 = arith.constant 41 : i32
    %or3A_2222 = vector.broadcast %or3A_2221 : i32 to vector<128x128xi32>
    %or3A_2223 = arith.ori %and3A_2220, %or3A_2222 : vector<128x128xi32>
    %max3A_2224 = arith.maxsi %min3A_2212, %or3A_2223 : vector<128x128xi32>
    %min3A_2225 = arith.minsi %min3A_2212, %or3A_2223 : vector<128x128xi32>
    %max3A_2226 = arith.maxsi %min3A_2214, %max3A_2224 : vector<128x128xi32>
    %min3A_2227 = arith.minsi %min3A_2214, %max3A_2224 : vector<128x128xi32>
    %min3A_2228 = arith.minsi %min3A_2215, %max3A_2226 : vector<128x128xi32>
    %slice3A_2229 = vector.extract_strided_slice %add3A_22 {offsets = [256, 5376], sizes = [128, 128], strides = [1, 1]} : vector<512x8192xf32> to vector<128x128xf32>
    %bitcast_convert_type3A_2230 = tpu.bitcast %slice3A_2229 : vector<128x128xf32> -> vector<128x128xi32>
    %and3A_2231 = arith.constant -64 : i32
    %and3A_2232 = vector.broadcast %and3A_2231 : i32 to vector<128x128xi32>
    %and3A_2233 = arith.andi %bitcast_convert_type3A_2230, %and3A_2232 : vector<128x128xi32>
    %or3A_2234 = arith.constant 42 : i32
    %or3A_2235 = vector.broadcast %or3A_2234 : i32 to vector<128x128xi32>
    %or3A_2236 = arith.ori %and3A_2233, %or3A_2235 : vector<128x128xi32>
    %max3A_2237 = arith.maxsi %min3A_2225, %or3A_2236 : vector<128x128xi32>
    %min3A_2238 = arith.minsi %min3A_2225, %or3A_2236 : vector<128x128xi32>
    %max3A_2239 = arith.maxsi %min3A_2227, %max3A_2237 : vector<128x128xi32>
    %min3A_2240 = arith.minsi %min3A_2227, %max3A_2237 : vector<128x128xi32>
    %min3A_2241 = arith.minsi %min3A_2228, %max3A_2239 : vector<128x128xi32>
    %slice3A_2242 = vector.extract_strided_slice %add3A_22 {offsets = [256, 5504], sizes = [128, 128], strides = [1, 1]} : vector<512x8192xf32> to vector<128x128xf32>
    %bitcast_convert_type3A_2243 = tpu.bitcast %slice3A_2242 : vector<128x128xf32> -> vector<128x128xi32>
    %and3A_2244 = arith.constant -64 : i32
    %and3A_2245 = vector.broadcast %and3A_2244 : i32 to vector<128x128xi32>
    %and3A_2246 = arith.andi %bitcast_convert_type3A_2243, %and3A_2245 : vector<128x128xi32>
    %or3A_2247 = arith.constant 43 : i32
    %or3A_2248 = vector.broadcast %or3A_2247 : i32 to vector<128x128xi32>
    %or3A_2249 = arith.ori %and3A_2246, %or3A_2248 : vector<128x128xi32>
    %max3A_2250 = arith.maxsi %min3A_2238, %or3A_2249 : vector<128x128xi32>
    %min3A_2251 = arith.minsi %min3A_2238, %or3A_2249 : vector<128x128xi32>
    %max3A_2252 = arith.maxsi %min3A_2240, %max3A_2250 : vector<128x128xi32>
    %min3A_2253 = arith.minsi %min3A_2240, %max3A_2250 : vector<128x128xi32>
    %min3A_2254 = arith.minsi %min3A_2241, %max3A_2252 : vector<128x128xi32>
    %slice3A_2255 = vector.extract_strided_slice %add3A_22 {offsets = [256, 5632], sizes = [128, 128], strides = [1, 1]} : vector<512x8192xf32> to vector<128x128xf32>
    %bitcast_convert_type3A_2256 = tpu.bitcast %slice3A_2255 : vector<128x128xf32> -> vector<128x128xi32>
    %and3A_2257 = arith.constant -64 : i32
    %and3A_2258 = vector.broadcast %and3A_2257 : i32 to vector<128x128xi32>
    %and3A_2259 = arith.andi %bitcast_convert_type3A_2256, %and3A_2258 : vector<128x128xi32>
    %or3A_2260 = arith.constant 44 : i32
    %or3A_2261 = vector.broadcast %or3A_2260 : i32 to vector<128x128xi32>
    %or3A_2262 = arith.ori %and3A_2259, %or3A_2261 : vector<128x128xi32>
    %max3A_2263 = arith.maxsi %min3A_2251, %or3A_2262 : vector<128x128xi32>
    %min3A_2264 = arith.minsi %min3A_2251, %or3A_2262 : vector<128x128xi32>
    %max3A_2265 = arith.maxsi %min3A_2253, %max3A_2263 : vector<128x128xi32>
    %min3A_2266 = arith.minsi %min3A_2253, %max3A_2263 : vector<128x128xi32>
    %min3A_2267 = arith.minsi %min3A_2254, %max3A_2265 : vector<128x128xi32>
    %slice3A_2268 = vector.extract_strided_slice %add3A_22 {offsets = [256, 5760], sizes = [128, 128], strides = [1, 1]} : vector<512x8192xf32> to vector<128x128xf32>
    %bitcast_convert_type3A_2269 = tpu.bitcast %slice3A_2268 : vector<128x128xf32> -> vector<128x128xi32>
    %and3A_2270 = arith.constant -64 : i32
    %and3A_2271 = vector.broadcast %and3A_2270 : i32 to vector<128x128xi32>
    %and3A_2272 = arith.andi %bitcast_convert_type3A_2269, %and3A_2271 : vector<128x128xi32>
    %or3A_2273 = arith.constant 45 : i32
    %or3A_2274 = vector.broadcast %or3A_2273 : i32 to vector<128x128xi32>
    %or3A_2275 = arith.ori %and3A_2272, %or3A_2274 : vector<128x128xi32>
    %max3A_2276 = arith.maxsi %min3A_2264, %or3A_2275 : vector<128x128xi32>
    %min3A_2277 = arith.minsi %min3A_2264, %or3A_2275 : vector<128x128xi32>
    %max3A_2278 = arith.maxsi %min3A_2266, %max3A_2276 : vector<128x128xi32>
    %min3A_2279 = arith.minsi %min3A_2266, %max3A_2276 : vector<128x128xi32>
    %min3A_2280 = arith.minsi %min3A_2267, %max3A_2278 : vector<128x128xi32>
    %slice3A_2281 = vector.extract_strided_slice %add3A_22 {offsets = [256, 5888], sizes = [128, 128], strides = [1, 1]} : vector<512x8192xf32> to vector<128x128xf32>
    %bitcast_convert_type3A_2282 = tpu.bitcast %slice3A_2281 : vector<128x128xf32> -> vector<128x128xi32>
    %and3A_2283 = arith.constant -64 : i32
    %and3A_2284 = vector.broadcast %and3A_2283 : i32 to vector<128x128xi32>
    %and3A_2285 = arith.andi %bitcast_convert_type3A_2282, %and3A_2284 : vector<128x128xi32>
    %or3A_2286 = arith.constant 46 : i32
    %or3A_2287 = vector.broadcast %or3A_2286 : i32 to vector<128x128xi32>
    %or3A_2288 = arith.ori %and3A_2285, %or3A_2287 : vector<128x128xi32>
    %max3A_2289 = arith.maxsi %min3A_2277, %or3A_2288 : vector<128x128xi32>
    %min3A_2290 = arith.minsi %min3A_2277, %or3A_2288 : vector<128x128xi32>
    %max3A_2291 = arith.maxsi %min3A_2279, %max3A_2289 : vector<128x128xi32>
    %min3A_2292 = arith.minsi %min3A_2279, %max3A_2289 : vector<128x128xi32>
    %min3A_2293 = arith.minsi %min3A_2280, %max3A_2291 : vector<128x128xi32>
    %slice3A_2294 = vector.extract_strided_slice %add3A_22 {offsets = [256, 6016], sizes = [128, 128], strides = [1, 1]} : vector<512x8192xf32> to vector<128x128xf32>
    %bitcast_convert_type3A_2295 = tpu.bitcast %slice3A_2294 : vector<128x128xf32> -> vector<128x128xi32>
    %and3A_2296 = arith.constant -64 : i32
    %and3A_2297 = vector.broadcast %and3A_2296 : i32 to vector<128x128xi32>
    %and3A_2298 = arith.andi %bitcast_convert_type3A_2295, %and3A_2297 : vector<128x128xi32>
    %or3A_2299 = arith.constant 47 : i32
    %or3A_2300 = vector.broadcast %or3A_2299 : i32 to vector<128x128xi32>
    %or3A_2301 = arith.ori %and3A_2298, %or3A_2300 : vector<128x128xi32>
    %max3A_2302 = arith.maxsi %min3A_2290, %or3A_2301 : vector<128x128xi32>
    %min3A_2303 = arith.minsi %min3A_2290, %or3A_2301 : vector<128x128xi32>
    %max3A_2304 = arith.maxsi %min3A_2292, %max3A_2302 : vector<128x128xi32>
    %min3A_2305 = arith.minsi %min3A_2292, %max3A_2302 : vector<128x128xi32>
    %min3A_2306 = arith.minsi %min3A_2293, %max3A_2304 : vector<128x128xi32>
    %slice3A_2307 = vector.extract_strided_slice %add3A_22 {offsets = [256, 6144], sizes = [128, 128], strides = [1, 1]} : vector<512x8192xf32> to vector<128x128xf32>
    %bitcast_convert_type3A_2308 = tpu.bitcast %slice3A_2307 : vector<128x128xf32> -> vector<128x128xi32>
    %and3A_2309 = arith.constant -64 : i32
    %and3A_2310 = vector.broadcast %and3A_2309 : i32 to vector<128x128xi32>
    %and3A_2311 = arith.andi %bitcast_convert_type3A_2308, %and3A_2310 : vector<128x128xi32>
    %or3A_2312 = arith.constant 48 : i32
    %or3A_2313 = vector.broadcast %or3A_2312 : i32 to vector<128x128xi32>
    %or3A_2314 = arith.ori %and3A_2311, %or3A_2313 : vector<128x128xi32>
    %max3A_2315 = arith.maxsi %min3A_2303, %or3A_2314 : vector<128x128xi32>
    %min3A_2316 = arith.minsi %min3A_2303, %or3A_2314 : vector<128x128xi32>
    %max3A_2317 = arith.maxsi %min3A_2305, %max3A_2315 : vector<128x128xi32>
    %min3A_2318 = arith.minsi %min3A_2305, %max3A_2315 : vector<128x128xi32>
    %min3A_2319 = arith.minsi %min3A_2306, %max3A_2317 : vector<128x128xi32>
    %slice3A_2320 = vector.extract_strided_slice %add3A_22 {offsets = [256, 6272], sizes = [128, 128], strides = [1, 1]} : vector<512x8192xf32> to vector<128x128xf32>
    %bitcast_convert_type3A_2321 = tpu.bitcast %slice3A_2320 : vector<128x128xf32> -> vector<128x128xi32>
    %and3A_2322 = arith.constant -64 : i32
    %and3A_2323 = vector.broadcast %and3A_2322 : i32 to vector<128x128xi32>
    %and3A_2324 = arith.andi %bitcast_convert_type3A_2321, %and3A_2323 : vector<128x128xi32>
    %or3A_2325 = arith.constant 49 : i32
    %or3A_2326 = vector.broadcast %or3A_2325 : i32 to vector<128x128xi32>
    %or3A_2327 = arith.ori %and3A_2324, %or3A_2326 : vector<128x128xi32>
    %max3A_2328 = arith.maxsi %min3A_2316, %or3A_2327 : vector<128x128xi32>
    %min3A_2329 = arith.minsi %min3A_2316, %or3A_2327 : vector<128x128xi32>
    %max3A_2330 = arith.maxsi %min3A_2318, %max3A_2328 : vector<128x128xi32>
    %min3A_2331 = arith.minsi %min3A_2318, %max3A_2328 : vector<128x128xi32>
    %min3A_2332 = arith.minsi %min3A_2319, %max3A_2330 : vector<128x128xi32>
    %slice3A_2333 = vector.extract_strided_slice %add3A_22 {offsets = [256, 6400], sizes = [128, 128], strides = [1, 1]} : vector<512x8192xf32> to vector<128x128xf32>
    %bitcast_convert_type3A_2334 = tpu.bitcast %slice3A_2333 : vector<128x128xf32> -> vector<128x128xi32>
    %and3A_2335 = arith.constant -64 : i32
    %and3A_2336 = vector.broadcast %and3A_2335 : i32 to vector<128x128xi32>
    %and3A_2337 = arith.andi %bitcast_convert_type3A_2334, %and3A_2336 : vector<128x128xi32>
    %or3A_2338 = arith.constant 50 : i32
    %or3A_2339 = vector.broadcast %or3A_2338 : i32 to vector<128x128xi32>
    %or3A_2340 = arith.ori %and3A_2337, %or3A_2339 : vector<128x128xi32>
    %max3A_2341 = arith.maxsi %min3A_2329, %or3A_2340 : vector<128x128xi32>
    %min3A_2342 = arith.minsi %min3A_2329, %or3A_2340 : vector<128x128xi32>
    %max3A_2343 = arith.maxsi %min3A_2331, %max3A_2341 : vector<128x128xi32>
    %min3A_2344 = arith.minsi %min3A_2331, %max3A_2341 : vector<128x128xi32>
    %min3A_2345 = arith.minsi %min3A_2332, %max3A_2343 : vector<128x128xi32>
    %slice3A_2346 = vector.extract_strided_slice %add3A_22 {offsets = [256, 6528], sizes = [128, 128], strides = [1, 1]} : vector<512x8192xf32> to vector<128x128xf32>
    %bitcast_convert_type3A_2347 = tpu.bitcast %slice3A_2346 : vector<128x128xf32> -> vector<128x128xi32>
    %and3A_2348 = arith.constant -64 : i32
    %and3A_2349 = vector.broadcast %and3A_2348 : i32 to vector<128x128xi32>
    %and3A_2350 = arith.andi %bitcast_convert_type3A_2347, %and3A_2349 : vector<128x128xi32>
    %or3A_2351 = arith.constant 51 : i32
    %or3A_2352 = vector.broadcast %or3A_2351 : i32 to vector<128x128xi32>
    %or3A_2353 = arith.ori %and3A_2350, %or3A_2352 : vector<128x128xi32>
    %max3A_2354 = arith.maxsi %min3A_2342, %or3A_2353 : vector<128x128xi32>
    %min3A_2355 = arith.minsi %min3A_2342, %or3A_2353 : vector<128x128xi32>
    %max3A_2356 = arith.maxsi %min3A_2344, %max3A_2354 : vector<128x128xi32>
    %min3A_2357 = arith.minsi %min3A_2344, %max3A_2354 : vector<128x128xi32>
    %min3A_2358 = arith.minsi %min3A_2345, %max3A_2356 : vector<128x128xi32>
    %slice3A_2359 = vector.extract_strided_slice %add3A_22 {offsets = [256, 6656], sizes = [128, 128], strides = [1, 1]} : vector<512x8192xf32> to vector<128x128xf32>
    %bitcast_convert_type3A_2360 = tpu.bitcast %slice3A_2359 : vector<128x128xf32> -> vector<128x128xi32>
    %and3A_2361 = arith.constant -64 : i32
    %and3A_2362 = vector.broadcast %and3A_2361 : i32 to vector<128x128xi32>
    %and3A_2363 = arith.andi %bitcast_convert_type3A_2360, %and3A_2362 : vector<128x128xi32>
    %or3A_2364 = arith.constant 52 : i32
    %or3A_2365 = vector.broadcast %or3A_2364 : i32 to vector<128x128xi32>
    %or3A_2366 = arith.ori %and3A_2363, %or3A_2365 : vector<128x128xi32>
    %max3A_2367 = arith.maxsi %min3A_2355, %or3A_2366 : vector<128x128xi32>
    %min3A_2368 = arith.minsi %min3A_2355, %or3A_2366 : vector<128x128xi32>
    %max3A_2369 = arith.maxsi %min3A_2357, %max3A_2367 : vector<128x128xi32>
    %min3A_2370 = arith.minsi %min3A_2357, %max3A_2367 : vector<128x128xi32>
    %min3A_2371 = arith.minsi %min3A_2358, %max3A_2369 : vector<128x128xi32>
    %slice3A_2372 = vector.extract_strided_slice %add3A_22 {offsets = [256, 6784], sizes = [128, 128], strides = [1, 1]} : vector<512x8192xf32> to vector<128x128xf32>
    %bitcast_convert_type3A_2373 = tpu.bitcast %slice3A_2372 : vector<128x128xf32> -> vector<128x128xi32>
    %and3A_2374 = arith.constant -64 : i32
    %and3A_2375 = vector.broadcast %and3A_2374 : i32 to vector<128x128xi32>
    %and3A_2376 = arith.andi %bitcast_convert_type3A_2373, %and3A_2375 : vector<128x128xi32>
    %or3A_2377 = arith.constant 53 : i32
    %or3A_2378 = vector.broadcast %or3A_2377 : i32 to vector<128x128xi32>
    %or3A_2379 = arith.ori %and3A_2376, %or3A_2378 : vector<128x128xi32>
    %max3A_2380 = arith.maxsi %min3A_2368, %or3A_2379 : vector<128x128xi32>
    %min3A_2381 = arith.minsi %min3A_2368, %or3A_2379 : vector<128x128xi32>
    %max3A_2382 = arith.maxsi %min3A_2370, %max3A_2380 : vector<128x128xi32>
    %min3A_2383 = arith.minsi %min3A_2370, %max3A_2380 : vector<128x128xi32>
    %min3A_2384 = arith.minsi %min3A_2371, %max3A_2382 : vector<128x128xi32>
    %slice3A_2385 = vector.extract_strided_slice %add3A_22 {offsets = [256, 6912], sizes = [128, 128], strides = [1, 1]} : vector<512x8192xf32> to vector<128x128xf32>
    %bitcast_convert_type3A_2386 = tpu.bitcast %slice3A_2385 : vector<128x128xf32> -> vector<128x128xi32>
    %and3A_2387 = arith.constant -64 : i32
    %and3A_2388 = vector.broadcast %and3A_2387 : i32 to vector<128x128xi32>
    %and3A_2389 = arith.andi %bitcast_convert_type3A_2386, %and3A_2388 : vector<128x128xi32>
    %or3A_2390 = arith.constant 54 : i32
    %or3A_2391 = vector.broadcast %or3A_2390 : i32 to vector<128x128xi32>
    %or3A_2392 = arith.ori %and3A_2389, %or3A_2391 : vector<128x128xi32>
    %max3A_2393 = arith.maxsi %min3A_2381, %or3A_2392 : vector<128x128xi32>
    %min3A_2394 = arith.minsi %min3A_2381, %or3A_2392 : vector<128x128xi32>
    %max3A_2395 = arith.maxsi %min3A_2383, %max3A_2393 : vector<128x128xi32>
    %min3A_2396 = arith.minsi %min3A_2383, %max3A_2393 : vector<128x128xi32>
    %min3A_2397 = arith.minsi %min3A_2384, %max3A_2395 : vector<128x128xi32>
    %slice3A_2398 = vector.extract_strided_slice %add3A_22 {offsets = [256, 7040], sizes = [128, 128], strides = [1, 1]} : vector<512x8192xf32> to vector<128x128xf32>
    %bitcast_convert_type3A_2399 = tpu.bitcast %slice3A_2398 : vector<128x128xf32> -> vector<128x128xi32>
    %and3A_2400 = arith.constant -64 : i32
    %and3A_2401 = vector.broadcast %and3A_2400 : i32 to vector<128x128xi32>
    %and3A_2402 = arith.andi %bitcast_convert_type3A_2399, %and3A_2401 : vector<128x128xi32>
    %or3A_2403 = arith.constant 55 : i32
    %or3A_2404 = vector.broadcast %or3A_2403 : i32 to vector<128x128xi32>
    %or3A_2405 = arith.ori %and3A_2402, %or3A_2404 : vector<128x128xi32>
    %max3A_2406 = arith.maxsi %min3A_2394, %or3A_2405 : vector<128x128xi32>
    %min3A_2407 = arith.minsi %min3A_2394, %or3A_2405 : vector<128x128xi32>
    %max3A_2408 = arith.maxsi %min3A_2396, %max3A_2406 : vector<128x128xi32>
    %min3A_2409 = arith.minsi %min3A_2396, %max3A_2406 : vector<128x128xi32>
    %min3A_2410 = arith.minsi %min3A_2397, %max3A_2408 : vector<128x128xi32>
    %slice3A_2411 = vector.extract_strided_slice %add3A_22 {offsets = [256, 7168], sizes = [128, 128], strides = [1, 1]} : vector<512x8192xf32> to vector<128x128xf32>
    %bitcast_convert_type3A_2412 = tpu.bitcast %slice3A_2411 : vector<128x128xf32> -> vector<128x128xi32>
    %and3A_2413 = arith.constant -64 : i32
    %and3A_2414 = vector.broadcast %and3A_2413 : i32 to vector<128x128xi32>
    %and3A_2415 = arith.andi %bitcast_convert_type3A_2412, %and3A_2414 : vector<128x128xi32>
    %or3A_2416 = arith.constant 56 : i32
    %or3A_2417 = vector.broadcast %or3A_2416 : i32 to vector<128x128xi32>
    %or3A_2418 = arith.ori %and3A_2415, %or3A_2417 : vector<128x128xi32>
    %max3A_2419 = arith.maxsi %min3A_2407, %or3A_2418 : vector<128x128xi32>
    %min3A_2420 = arith.minsi %min3A_2407, %or3A_2418 : vector<128x128xi32>
    %max3A_2421 = arith.maxsi %min3A_2409, %max3A_2419 : vector<128x128xi32>
    %min3A_2422 = arith.minsi %min3A_2409, %max3A_2419 : vector<128x128xi32>
    %min3A_2423 = arith.minsi %min3A_2410, %max3A_2421 : vector<128x128xi32>
    %slice3A_2424 = vector.extract_strided_slice %add3A_22 {offsets = [256, 7296], sizes = [128, 128], strides = [1, 1]} : vector<512x8192xf32> to vector<128x128xf32>
    %bitcast_convert_type3A_2425 = tpu.bitcast %slice3A_2424 : vector<128x128xf32> -> vector<128x128xi32>
    %and3A_2426 = arith.constant -64 : i32
    %and3A_2427 = vector.broadcast %and3A_2426 : i32 to vector<128x128xi32>
    %and3A_2428 = arith.andi %bitcast_convert_type3A_2425, %and3A_2427 : vector<128x128xi32>
    %or3A_2429 = arith.constant 57 : i32
    %or3A_2430 = vector.broadcast %or3A_2429 : i32 to vector<128x128xi32>
    %or3A_2431 = arith.ori %and3A_2428, %or3A_2430 : vector<128x128xi32>
    %max3A_2432 = arith.maxsi %min3A_2420, %or3A_2431 : vector<128x128xi32>
    %min3A_2433 = arith.minsi %min3A_2420, %or3A_2431 : vector<128x128xi32>
    %max3A_2434 = arith.maxsi %min3A_2422, %max3A_2432 : vector<128x128xi32>
    %min3A_2435 = arith.minsi %min3A_2422, %max3A_2432 : vector<128x128xi32>
    %min3A_2436 = arith.minsi %min3A_2423, %max3A_2434 : vector<128x128xi32>
    %slice3A_2437 = vector.extract_strided_slice %add3A_22 {offsets = [256, 7424], sizes = [128, 128], strides = [1, 1]} : vector<512x8192xf32> to vector<128x128xf32>
    %bitcast_convert_type3A_2438 = tpu.bitcast %slice3A_2437 : vector<128x128xf32> -> vector<128x128xi32>
    %and3A_2439 = arith.constant -64 : i32
    %and3A_2440 = vector.broadcast %and3A_2439 : i32 to vector<128x128xi32>
    %and3A_2441 = arith.andi %bitcast_convert_type3A_2438, %and3A_2440 : vector<128x128xi32>
    %or3A_2442 = arith.constant 58 : i32
    %or3A_2443 = vector.broadcast %or3A_2442 : i32 to vector<128x128xi32>
    %or3A_2444 = arith.ori %and3A_2441, %or3A_2443 : vector<128x128xi32>
    %max3A_2445 = arith.maxsi %min3A_2433, %or3A_2444 : vector<128x128xi32>
    %min3A_2446 = arith.minsi %min3A_2433, %or3A_2444 : vector<128x128xi32>
    %max3A_2447 = arith.maxsi %min3A_2435, %max3A_2445 : vector<128x128xi32>
    %min3A_2448 = arith.minsi %min3A_2435, %max3A_2445 : vector<128x128xi32>
    %min3A_2449 = arith.minsi %min3A_2436, %max3A_2447 : vector<128x128xi32>
    %slice3A_2450 = vector.extract_strided_slice %add3A_22 {offsets = [256, 7552], sizes = [128, 128], strides = [1, 1]} : vector<512x8192xf32> to vector<128x128xf32>
    %bitcast_convert_type3A_2451 = tpu.bitcast %slice3A_2450 : vector<128x128xf32> -> vector<128x128xi32>
    %and3A_2452 = arith.constant -64 : i32
    %and3A_2453 = vector.broadcast %and3A_2452 : i32 to vector<128x128xi32>
    %and3A_2454 = arith.andi %bitcast_convert_type3A_2451, %and3A_2453 : vector<128x128xi32>
    %or3A_2455 = arith.constant 59 : i32
    %or3A_2456 = vector.broadcast %or3A_2455 : i32 to vector<128x128xi32>
    %or3A_2457 = arith.ori %and3A_2454, %or3A_2456 : vector<128x128xi32>
    %max3A_2458 = arith.maxsi %min3A_2446, %or3A_2457 : vector<128x128xi32>
    %min3A_2459 = arith.minsi %min3A_2446, %or3A_2457 : vector<128x128xi32>
    %max3A_2460 = arith.maxsi %min3A_2448, %max3A_2458 : vector<128x128xi32>
    %min3A_2461 = arith.minsi %min3A_2448, %max3A_2458 : vector<128x128xi32>
    %min3A_2462 = arith.minsi %min3A_2449, %max3A_2460 : vector<128x128xi32>
    %slice3A_2463 = vector.extract_strided_slice %add3A_22 {offsets = [256, 7680], sizes = [128, 128], strides = [1, 1]} : vector<512x8192xf32> to vector<128x128xf32>
    %bitcast_convert_type3A_2464 = tpu.bitcast %slice3A_2463 : vector<128x128xf32> -> vector<128x128xi32>
    %and3A_2465 = arith.constant -64 : i32
    %and3A_2466 = vector.broadcast %and3A_2465 : i32 to vector<128x128xi32>
    %and3A_2467 = arith.andi %bitcast_convert_type3A_2464, %and3A_2466 : vector<128x128xi32>
    %or3A_2468 = arith.constant 60 : i32
    %or3A_2469 = vector.broadcast %or3A_2468 : i32 to vector<128x128xi32>
    %or3A_2470 = arith.ori %and3A_2467, %or3A_2469 : vector<128x128xi32>
    %max3A_2471 = arith.maxsi %min3A_2459, %or3A_2470 : vector<128x128xi32>
    %min3A_2472 = arith.minsi %min3A_2459, %or3A_2470 : vector<128x128xi32>
    %max3A_2473 = arith.maxsi %min3A_2461, %max3A_2471 : vector<128x128xi32>
    %min3A_2474 = arith.minsi %min3A_2461, %max3A_2471 : vector<128x128xi32>
    %min3A_2475 = arith.minsi %min3A_2462, %max3A_2473 : vector<128x128xi32>
    %slice3A_2476 = vector.extract_strided_slice %add3A_22 {offsets = [256, 7808], sizes = [128, 128], strides = [1, 1]} : vector<512x8192xf32> to vector<128x128xf32>
    %bitcast_convert_type3A_2477 = tpu.bitcast %slice3A_2476 : vector<128x128xf32> -> vector<128x128xi32>
    %and3A_2478 = arith.constant -64 : i32
    %and3A_2479 = vector.broadcast %and3A_2478 : i32 to vector<128x128xi32>
    %and3A_2480 = arith.andi %bitcast_convert_type3A_2477, %and3A_2479 : vector<128x128xi32>
    %or3A_2481 = arith.constant 61 : i32
    %or3A_2482 = vector.broadcast %or3A_2481 : i32 to vector<128x128xi32>
    %or3A_2483 = arith.ori %and3A_2480, %or3A_2482 : vector<128x128xi32>
    %max3A_2484 = arith.maxsi %min3A_2472, %or3A_2483 : vector<128x128xi32>
    %min3A_2485 = arith.minsi %min3A_2472, %or3A_2483 : vector<128x128xi32>
    %max3A_2486 = arith.maxsi %min3A_2474, %max3A_2484 : vector<128x128xi32>
    %min3A_2487 = arith.minsi %min3A_2474, %max3A_2484 : vector<128x128xi32>
    %min3A_2488 = arith.minsi %min3A_2475, %max3A_2486 : vector<128x128xi32>
    %slice3A_2489 = vector.extract_strided_slice %add3A_22 {offsets = [256, 7936], sizes = [128, 128], strides = [1, 1]} : vector<512x8192xf32> to vector<128x128xf32>
    %bitcast_convert_type3A_2490 = tpu.bitcast %slice3A_2489 : vector<128x128xf32> -> vector<128x128xi32>
    %and3A_2491 = arith.constant -64 : i32
    %and3A_2492 = vector.broadcast %and3A_2491 : i32 to vector<128x128xi32>
    %and3A_2493 = arith.andi %bitcast_convert_type3A_2490, %and3A_2492 : vector<128x128xi32>
    %or3A_2494 = arith.constant 62 : i32
    %or3A_2495 = vector.broadcast %or3A_2494 : i32 to vector<128x128xi32>
    %or3A_2496 = arith.ori %and3A_2493, %or3A_2495 : vector<128x128xi32>
    %max3A_2497 = arith.maxsi %min3A_2485, %or3A_2496 : vector<128x128xi32>
    %min3A_2498 = arith.minsi %min3A_2485, %or3A_2496 : vector<128x128xi32>
    %max3A_2499 = arith.maxsi %min3A_2487, %max3A_2497 : vector<128x128xi32>
    %min3A_2500 = arith.minsi %min3A_2487, %max3A_2497 : vector<128x128xi32>
    %min3A_2501 = arith.minsi %min3A_2488, %max3A_2499 : vector<128x128xi32>
    %slice3A_2502 = vector.extract_strided_slice %add3A_22 {offsets = [256, 8064], sizes = [128, 128], strides = [1, 1]} : vector<512x8192xf32> to vector<128x128xf32>
    %bitcast_convert_type3A_2503 = tpu.bitcast %slice3A_2502 : vector<128x128xf32> -> vector<128x128xi32>
    %and3A_2504 = arith.constant -64 : i32
    %and3A_2505 = vector.broadcast %and3A_2504 : i32 to vector<128x128xi32>
    %and3A_2506 = arith.andi %bitcast_convert_type3A_2503, %and3A_2505 : vector<128x128xi32>
    %or3A_2507 = arith.constant 63 : i32
    %or3A_2508 = vector.broadcast %or3A_2507 : i32 to vector<128x128xi32>
    %or3A_2509 = arith.ori %and3A_2506, %or3A_2508 : vector<128x128xi32>
    %max3A_2510 = arith.maxsi %min3A_2498, %or3A_2509 : vector<128x128xi32>
    %min3A_2511 = arith.minsi %min3A_2498, %or3A_2509 : vector<128x128xi32>
    %max3A_2512 = arith.maxsi %min3A_2500, %max3A_2510 : vector<128x128xi32>
    %min3A_2513 = arith.minsi %min3A_2500, %max3A_2510 : vector<128x128xi32>
    %min3A_2514 = arith.minsi %min3A_2501, %max3A_2512 : vector<128x128xi32>
    %slice3A_2515 = vector.extract_strided_slice %add3A_22 {offsets = [384, 0], sizes = [128, 128], strides = [1, 1]} : vector<512x8192xf32> to vector<128x128xf32>
    %bitcast_convert_type3A_2516 = tpu.bitcast %slice3A_2515 : vector<128x128xf32> -> vector<128x128xi32>
    %and3A_2517 = arith.constant -64 : i32
    %and3A_2518 = vector.broadcast %and3A_2517 : i32 to vector<128x128xi32>
    %and3A_2519 = arith.andi %bitcast_convert_type3A_2516, %and3A_2518 : vector<128x128xi32>
    %or3A_2520 = arith.constant 0 : i32
    %or3A_2521 = vector.broadcast %or3A_2520 : i32 to vector<128x128xi32>
    %or3A_2522 = arith.ori %and3A_2519, %or3A_2521 : vector<128x128xi32>
    %max3A_2523 = arith.maxsi %broadcast_in_dim3A_24, %or3A_2522 : vector<128x128xi32>
    %min3A_2524 = arith.minsi %broadcast_in_dim3A_24, %or3A_2522 : vector<128x128xi32>
    %max3A_2525 = arith.maxsi %broadcast_in_dim3A_24, %max3A_2523 : vector<128x128xi32>
    %min3A_2526 = arith.minsi %broadcast_in_dim3A_24, %max3A_2523 : vector<128x128xi32>
    %min3A_2527 = arith.minsi %broadcast_in_dim3A_24, %max3A_2525 : vector<128x128xi32>
    %slice3A_2528 = vector.extract_strided_slice %add3A_22 {offsets = [384, 128], sizes = [128, 128], strides = [1, 1]} : vector<512x8192xf32> to vector<128x128xf32>
    %bitcast_convert_type3A_2529 = tpu.bitcast %slice3A_2528 : vector<128x128xf32> -> vector<128x128xi32>
    %and3A_2530 = arith.constant -64 : i32
    %and3A_2531 = vector.broadcast %and3A_2530 : i32 to vector<128x128xi32>
    %and3A_2532 = arith.andi %bitcast_convert_type3A_2529, %and3A_2531 : vector<128x128xi32>
    %or3A_2533 = arith.constant 1 : i32
    %or3A_2534 = vector.broadcast %or3A_2533 : i32 to vector<128x128xi32>
    %or3A_2535 = arith.ori %and3A_2532, %or3A_2534 : vector<128x128xi32>
    %max3A_2536 = arith.maxsi %min3A_2524, %or3A_2535 : vector<128x128xi32>
    %min3A_2537 = arith.minsi %min3A_2524, %or3A_2535 : vector<128x128xi32>
    %max3A_2538 = arith.maxsi %min3A_2526, %max3A_2536 : vector<128x128xi32>
    %min3A_2539 = arith.minsi %min3A_2526, %max3A_2536 : vector<128x128xi32>
    %min3A_2540 = arith.minsi %min3A_2527, %max3A_2538 : vector<128x128xi32>
    %slice3A_2541 = vector.extract_strided_slice %add3A_22 {offsets = [384, 256], sizes = [128, 128], strides = [1, 1]} : vector<512x8192xf32> to vector<128x128xf32>
    %bitcast_convert_type3A_2542 = tpu.bitcast %slice3A_2541 : vector<128x128xf32> -> vector<128x128xi32>
    %and3A_2543 = arith.constant -64 : i32
    %and3A_2544 = vector.broadcast %and3A_2543 : i32 to vector<128x128xi32>
    %and3A_2545 = arith.andi %bitcast_convert_type3A_2542, %and3A_2544 : vector<128x128xi32>
    %or3A_2546 = arith.constant 2 : i32
    %or3A_2547 = vector.broadcast %or3A_2546 : i32 to vector<128x128xi32>
    %or3A_2548 = arith.ori %and3A_2545, %or3A_2547 : vector<128x128xi32>
    %max3A_2549 = arith.maxsi %min3A_2537, %or3A_2548 : vector<128x128xi32>
    %min3A_2550 = arith.minsi %min3A_2537, %or3A_2548 : vector<128x128xi32>
    %max3A_2551 = arith.maxsi %min3A_2539, %max3A_2549 : vector<128x128xi32>
    %min3A_2552 = arith.minsi %min3A_2539, %max3A_2549 : vector<128x128xi32>
    %min3A_2553 = arith.minsi %min3A_2540, %max3A_2551 : vector<128x128xi32>
    %slice3A_2554 = vector.extract_strided_slice %add3A_22 {offsets = [384, 384], sizes = [128, 128], strides = [1, 1]} : vector<512x8192xf32> to vector<128x128xf32>
    %bitcast_convert_type3A_2555 = tpu.bitcast %slice3A_2554 : vector<128x128xf32> -> vector<128x128xi32>
    %and3A_2556 = arith.constant -64 : i32
    %and3A_2557 = vector.broadcast %and3A_2556 : i32 to vector<128x128xi32>
    %and3A_2558 = arith.andi %bitcast_convert_type3A_2555, %and3A_2557 : vector<128x128xi32>
    %or3A_2559 = arith.constant 3 : i32
    %or3A_2560 = vector.broadcast %or3A_2559 : i32 to vector<128x128xi32>
    %or3A_2561 = arith.ori %and3A_2558, %or3A_2560 : vector<128x128xi32>
    %max3A_2562 = arith.maxsi %min3A_2550, %or3A_2561 : vector<128x128xi32>
    %min3A_2563 = arith.minsi %min3A_2550, %or3A_2561 : vector<128x128xi32>
    %max3A_2564 = arith.maxsi %min3A_2552, %max3A_2562 : vector<128x128xi32>
    %min3A_2565 = arith.minsi %min3A_2552, %max3A_2562 : vector<128x128xi32>
    %min3A_2566 = arith.minsi %min3A_2553, %max3A_2564 : vector<128x128xi32>
    %slice3A_2567 = vector.extract_strided_slice %add3A_22 {offsets = [384, 512], sizes = [128, 128], strides = [1, 1]} : vector<512x8192xf32> to vector<128x128xf32>
    %bitcast_convert_type3A_2568 = tpu.bitcast %slice3A_2567 : vector<128x128xf32> -> vector<128x128xi32>
    %and3A_2569 = arith.constant -64 : i32
    %and3A_2570 = vector.broadcast %and3A_2569 : i32 to vector<128x128xi32>
    %and3A_2571 = arith.andi %bitcast_convert_type3A_2568, %and3A_2570 : vector<128x128xi32>
    %or3A_2572 = arith.constant 4 : i32
    %or3A_2573 = vector.broadcast %or3A_2572 : i32 to vector<128x128xi32>
    %or3A_2574 = arith.ori %and3A_2571, %or3A_2573 : vector<128x128xi32>
    %max3A_2575 = arith.maxsi %min3A_2563, %or3A_2574 : vector<128x128xi32>
    %min3A_2576 = arith.minsi %min3A_2563, %or3A_2574 : vector<128x128xi32>
    %max3A_2577 = arith.maxsi %min3A_2565, %max3A_2575 : vector<128x128xi32>
    %min3A_2578 = arith.minsi %min3A_2565, %max3A_2575 : vector<128x128xi32>
    %min3A_2579 = arith.minsi %min3A_2566, %max3A_2577 : vector<128x128xi32>
    %slice3A_2580 = vector.extract_strided_slice %add3A_22 {offsets = [384, 640], sizes = [128, 128], strides = [1, 1]} : vector<512x8192xf32> to vector<128x128xf32>
    %bitcast_convert_type3A_2581 = tpu.bitcast %slice3A_2580 : vector<128x128xf32> -> vector<128x128xi32>
    %and3A_2582 = arith.constant -64 : i32
    %and3A_2583 = vector.broadcast %and3A_2582 : i32 to vector<128x128xi32>
    %and3A_2584 = arith.andi %bitcast_convert_type3A_2581, %and3A_2583 : vector<128x128xi32>
    %or3A_2585 = arith.constant 5 : i32
    %or3A_2586 = vector.broadcast %or3A_2585 : i32 to vector<128x128xi32>
    %or3A_2587 = arith.ori %and3A_2584, %or3A_2586 : vector<128x128xi32>
    %max3A_2588 = arith.maxsi %min3A_2576, %or3A_2587 : vector<128x128xi32>
    %min3A_2589 = arith.minsi %min3A_2576, %or3A_2587 : vector<128x128xi32>
    %max3A_2590 = arith.maxsi %min3A_2578, %max3A_2588 : vector<128x128xi32>
    %min3A_2591 = arith.minsi %min3A_2578, %max3A_2588 : vector<128x128xi32>
    %min3A_2592 = arith.minsi %min3A_2579, %max3A_2590 : vector<128x128xi32>
    %slice3A_2593 = vector.extract_strided_slice %add3A_22 {offsets = [384, 768], sizes = [128, 128], strides = [1, 1]} : vector<512x8192xf32> to vector<128x128xf32>
    %bitcast_convert_type3A_2594 = tpu.bitcast %slice3A_2593 : vector<128x128xf32> -> vector<128x128xi32>
    %and3A_2595 = arith.constant -64 : i32
    %and3A_2596 = vector.broadcast %and3A_2595 : i32 to vector<128x128xi32>
    %and3A_2597 = arith.andi %bitcast_convert_type3A_2594, %and3A_2596 : vector<128x128xi32>
    %or3A_2598 = arith.constant 6 : i32
    %or3A_2599 = vector.broadcast %or3A_2598 : i32 to vector<128x128xi32>
    %or3A_2600 = arith.ori %and3A_2597, %or3A_2599 : vector<128x128xi32>
    %max3A_2601 = arith.maxsi %min3A_2589, %or3A_2600 : vector<128x128xi32>
    %min3A_2602 = arith.minsi %min3A_2589, %or3A_2600 : vector<128x128xi32>
    %max3A_2603 = arith.maxsi %min3A_2591, %max3A_2601 : vector<128x128xi32>
    %min3A_2604 = arith.minsi %min3A_2591, %max3A_2601 : vector<128x128xi32>
    %min3A_2605 = arith.minsi %min3A_2592, %max3A_2603 : vector<128x128xi32>
    %slice3A_2606 = vector.extract_strided_slice %add3A_22 {offsets = [384, 896], sizes = [128, 128], strides = [1, 1]} : vector<512x8192xf32> to vector<128x128xf32>
    %bitcast_convert_type3A_2607 = tpu.bitcast %slice3A_2606 : vector<128x128xf32> -> vector<128x128xi32>
    %and3A_2608 = arith.constant -64 : i32
    %and3A_2609 = vector.broadcast %and3A_2608 : i32 to vector<128x128xi32>
    %and3A_2610 = arith.andi %bitcast_convert_type3A_2607, %and3A_2609 : vector<128x128xi32>
    %or3A_2611 = arith.constant 7 : i32
    %or3A_2612 = vector.broadcast %or3A_2611 : i32 to vector<128x128xi32>
    %or3A_2613 = arith.ori %and3A_2610, %or3A_2612 : vector<128x128xi32>
    %max3A_2614 = arith.maxsi %min3A_2602, %or3A_2613 : vector<128x128xi32>
    %min3A_2615 = arith.minsi %min3A_2602, %or3A_2613 : vector<128x128xi32>
    %max3A_2616 = arith.maxsi %min3A_2604, %max3A_2614 : vector<128x128xi32>
    %min3A_2617 = arith.minsi %min3A_2604, %max3A_2614 : vector<128x128xi32>
    %min3A_2618 = arith.minsi %min3A_2605, %max3A_2616 : vector<128x128xi32>
    %slice3A_2619 = vector.extract_strided_slice %add3A_22 {offsets = [384, 1024], sizes = [128, 128], strides = [1, 1]} : vector<512x8192xf32> to vector<128x128xf32>
    %bitcast_convert_type3A_2620 = tpu.bitcast %slice3A_2619 : vector<128x128xf32> -> vector<128x128xi32>
    %and3A_2621 = arith.constant -64 : i32
    %and3A_2622 = vector.broadcast %and3A_2621 : i32 to vector<128x128xi32>
    %and3A_2623 = arith.andi %bitcast_convert_type3A_2620, %and3A_2622 : vector<128x128xi32>
    %or3A_2624 = arith.constant 8 : i32
    %or3A_2625 = vector.broadcast %or3A_2624 : i32 to vector<128x128xi32>
    %or3A_2626 = arith.ori %and3A_2623, %or3A_2625 : vector<128x128xi32>
    %max3A_2627 = arith.maxsi %min3A_2615, %or3A_2626 : vector<128x128xi32>
    %min3A_2628 = arith.minsi %min3A_2615, %or3A_2626 : vector<128x128xi32>
    %max3A_2629 = arith.maxsi %min3A_2617, %max3A_2627 : vector<128x128xi32>
    %min3A_2630 = arith.minsi %min3A_2617, %max3A_2627 : vector<128x128xi32>
    %min3A_2631 = arith.minsi %min3A_2618, %max3A_2629 : vector<128x128xi32>
    %slice3A_2632 = vector.extract_strided_slice %add3A_22 {offsets = [384, 1152], sizes = [128, 128], strides = [1, 1]} : vector<512x8192xf32> to vector<128x128xf32>
    %bitcast_convert_type3A_2633 = tpu.bitcast %slice3A_2632 : vector<128x128xf32> -> vector<128x128xi32>
    %and3A_2634 = arith.constant -64 : i32
    %and3A_2635 = vector.broadcast %and3A_2634 : i32 to vector<128x128xi32>
    %and3A_2636 = arith.andi %bitcast_convert_type3A_2633, %and3A_2635 : vector<128x128xi32>
    %or3A_2637 = arith.constant 9 : i32
    %or3A_2638 = vector.broadcast %or3A_2637 : i32 to vector<128x128xi32>
    %or3A_2639 = arith.ori %and3A_2636, %or3A_2638 : vector<128x128xi32>
    %max3A_2640 = arith.maxsi %min3A_2628, %or3A_2639 : vector<128x128xi32>
    %min3A_2641 = arith.minsi %min3A_2628, %or3A_2639 : vector<128x128xi32>
    %max3A_2642 = arith.maxsi %min3A_2630, %max3A_2640 : vector<128x128xi32>
    %min3A_2643 = arith.minsi %min3A_2630, %max3A_2640 : vector<128x128xi32>
    %min3A_2644 = arith.minsi %min3A_2631, %max3A_2642 : vector<128x128xi32>
    %slice3A_2645 = vector.extract_strided_slice %add3A_22 {offsets = [384, 1280], sizes = [128, 128], strides = [1, 1]} : vector<512x8192xf32> to vector<128x128xf32>
    %bitcast_convert_type3A_2646 = tpu.bitcast %slice3A_2645 : vector<128x128xf32> -> vector<128x128xi32>
    %and3A_2647 = arith.constant -64 : i32
    %and3A_2648 = vector.broadcast %and3A_2647 : i32 to vector<128x128xi32>
    %and3A_2649 = arith.andi %bitcast_convert_type3A_2646, %and3A_2648 : vector<128x128xi32>
    %or3A_2650 = arith.constant 10 : i32
    %or3A_2651 = vector.broadcast %or3A_2650 : i32 to vector<128x128xi32>
    %or3A_2652 = arith.ori %and3A_2649, %or3A_2651 : vector<128x128xi32>
    %max3A_2653 = arith.maxsi %min3A_2641, %or3A_2652 : vector<128x128xi32>
    %min3A_2654 = arith.minsi %min3A_2641, %or3A_2652 : vector<128x128xi32>
    %max3A_2655 = arith.maxsi %min3A_2643, %max3A_2653 : vector<128x128xi32>
    %min3A_2656 = arith.minsi %min3A_2643, %max3A_2653 : vector<128x128xi32>
    %min3A_2657 = arith.minsi %min3A_2644, %max3A_2655 : vector<128x128xi32>
    %slice3A_2658 = vector.extract_strided_slice %add3A_22 {offsets = [384, 1408], sizes = [128, 128], strides = [1, 1]} : vector<512x8192xf32> to vector<128x128xf32>
    %bitcast_convert_type3A_2659 = tpu.bitcast %slice3A_2658 : vector<128x128xf32> -> vector<128x128xi32>
    %and3A_2660 = arith.constant -64 : i32
    %and3A_2661 = vector.broadcast %and3A_2660 : i32 to vector<128x128xi32>
    %and3A_2662 = arith.andi %bitcast_convert_type3A_2659, %and3A_2661 : vector<128x128xi32>
    %or3A_2663 = arith.constant 11 : i32
    %or3A_2664 = vector.broadcast %or3A_2663 : i32 to vector<128x128xi32>
    %or3A_2665 = arith.ori %and3A_2662, %or3A_2664 : vector<128x128xi32>
    %max3A_2666 = arith.maxsi %min3A_2654, %or3A_2665 : vector<128x128xi32>
    %min3A_2667 = arith.minsi %min3A_2654, %or3A_2665 : vector<128x128xi32>
    %max3A_2668 = arith.maxsi %min3A_2656, %max3A_2666 : vector<128x128xi32>
    %min3A_2669 = arith.minsi %min3A_2656, %max3A_2666 : vector<128x128xi32>
    %min3A_2670 = arith.minsi %min3A_2657, %max3A_2668 : vector<128x128xi32>
    %slice3A_2671 = vector.extract_strided_slice %add3A_22 {offsets = [384, 1536], sizes = [128, 128], strides = [1, 1]} : vector<512x8192xf32> to vector<128x128xf32>
    %bitcast_convert_type3A_2672 = tpu.bitcast %slice3A_2671 : vector<128x128xf32> -> vector<128x128xi32>
    %and3A_2673 = arith.constant -64 : i32
    %and3A_2674 = vector.broadcast %and3A_2673 : i32 to vector<128x128xi32>
    %and3A_2675 = arith.andi %bitcast_convert_type3A_2672, %and3A_2674 : vector<128x128xi32>
    %or3A_2676 = arith.constant 12 : i32
    %or3A_2677 = vector.broadcast %or3A_2676 : i32 to vector<128x128xi32>
    %or3A_2678 = arith.ori %and3A_2675, %or3A_2677 : vector<128x128xi32>
    %max3A_2679 = arith.maxsi %min3A_2667, %or3A_2678 : vector<128x128xi32>
    %min3A_2680 = arith.minsi %min3A_2667, %or3A_2678 : vector<128x128xi32>
    %max3A_2681 = arith.maxsi %min3A_2669, %max3A_2679 : vector<128x128xi32>
    %min3A_2682 = arith.minsi %min3A_2669, %max3A_2679 : vector<128x128xi32>
    %min3A_2683 = arith.minsi %min3A_2670, %max3A_2681 : vector<128x128xi32>
    %slice3A_2684 = vector.extract_strided_slice %add3A_22 {offsets = [384, 1664], sizes = [128, 128], strides = [1, 1]} : vector<512x8192xf32> to vector<128x128xf32>
    %bitcast_convert_type3A_2685 = tpu.bitcast %slice3A_2684 : vector<128x128xf32> -> vector<128x128xi32>
    %and3A_2686 = arith.constant -64 : i32
    %and3A_2687 = vector.broadcast %and3A_2686 : i32 to vector<128x128xi32>
    %and3A_2688 = arith.andi %bitcast_convert_type3A_2685, %and3A_2687 : vector<128x128xi32>
    %or3A_2689 = arith.constant 13 : i32
    %or3A_2690 = vector.broadcast %or3A_2689 : i32 to vector<128x128xi32>
    %or3A_2691 = arith.ori %and3A_2688, %or3A_2690 : vector<128x128xi32>
    %max3A_2692 = arith.maxsi %min3A_2680, %or3A_2691 : vector<128x128xi32>
    %min3A_2693 = arith.minsi %min3A_2680, %or3A_2691 : vector<128x128xi32>
    %max3A_2694 = arith.maxsi %min3A_2682, %max3A_2692 : vector<128x128xi32>
    %min3A_2695 = arith.minsi %min3A_2682, %max3A_2692 : vector<128x128xi32>
    %min3A_2696 = arith.minsi %min3A_2683, %max3A_2694 : vector<128x128xi32>
    %slice3A_2697 = vector.extract_strided_slice %add3A_22 {offsets = [384, 1792], sizes = [128, 128], strides = [1, 1]} : vector<512x8192xf32> to vector<128x128xf32>
    %bitcast_convert_type3A_2698 = tpu.bitcast %slice3A_2697 : vector<128x128xf32> -> vector<128x128xi32>
    %and3A_2699 = arith.constant -64 : i32
    %and3A_2700 = vector.broadcast %and3A_2699 : i32 to vector<128x128xi32>
    %and3A_2701 = arith.andi %bitcast_convert_type3A_2698, %and3A_2700 : vector<128x128xi32>
    %or3A_2702 = arith.constant 14 : i32
    %or3A_2703 = vector.broadcast %or3A_2702 : i32 to vector<128x128xi32>
    %or3A_2704 = arith.ori %and3A_2701, %or3A_2703 : vector<128x128xi32>
    %max3A_2705 = arith.maxsi %min3A_2693, %or3A_2704 : vector<128x128xi32>
    %min3A_2706 = arith.minsi %min3A_2693, %or3A_2704 : vector<128x128xi32>
    %max3A_2707 = arith.maxsi %min3A_2695, %max3A_2705 : vector<128x128xi32>
    %min3A_2708 = arith.minsi %min3A_2695, %max3A_2705 : vector<128x128xi32>
    %min3A_2709 = arith.minsi %min3A_2696, %max3A_2707 : vector<128x128xi32>
    %slice3A_2710 = vector.extract_strided_slice %add3A_22 {offsets = [384, 1920], sizes = [128, 128], strides = [1, 1]} : vector<512x8192xf32> to vector<128x128xf32>
    %bitcast_convert_type3A_2711 = tpu.bitcast %slice3A_2710 : vector<128x128xf32> -> vector<128x128xi32>
    %and3A_2712 = arith.constant -64 : i32
    %and3A_2713 = vector.broadcast %and3A_2712 : i32 to vector<128x128xi32>
    %and3A_2714 = arith.andi %bitcast_convert_type3A_2711, %and3A_2713 : vector<128x128xi32>
    %or3A_2715 = arith.constant 15 : i32
    %or3A_2716 = vector.broadcast %or3A_2715 : i32 to vector<128x128xi32>
    %or3A_2717 = arith.ori %and3A_2714, %or3A_2716 : vector<128x128xi32>
    %max3A_2718 = arith.maxsi %min3A_2706, %or3A_2717 : vector<128x128xi32>
    %min3A_2719 = arith.minsi %min3A_2706, %or3A_2717 : vector<128x128xi32>
    %max3A_2720 = arith.maxsi %min3A_2708, %max3A_2718 : vector<128x128xi32>
    %min3A_2721 = arith.minsi %min3A_2708, %max3A_2718 : vector<128x128xi32>
    %min3A_2722 = arith.minsi %min3A_2709, %max3A_2720 : vector<128x128xi32>
    %slice3A_2723 = vector.extract_strided_slice %add3A_22 {offsets = [384, 2048], sizes = [128, 128], strides = [1, 1]} : vector<512x8192xf32> to vector<128x128xf32>
    %bitcast_convert_type3A_2724 = tpu.bitcast %slice3A_2723 : vector<128x128xf32> -> vector<128x128xi32>
    %and3A_2725 = arith.constant -64 : i32
    %and3A_2726 = vector.broadcast %and3A_2725 : i32 to vector<128x128xi32>
    %and3A_2727 = arith.andi %bitcast_convert_type3A_2724, %and3A_2726 : vector<128x128xi32>
    %or3A_2728 = arith.constant 16 : i32
    %or3A_2729 = vector.broadcast %or3A_2728 : i32 to vector<128x128xi32>
    %or3A_2730 = arith.ori %and3A_2727, %or3A_2729 : vector<128x128xi32>
    %max3A_2731 = arith.maxsi %min3A_2719, %or3A_2730 : vector<128x128xi32>
    %min3A_2732 = arith.minsi %min3A_2719, %or3A_2730 : vector<128x128xi32>
    %max3A_2733 = arith.maxsi %min3A_2721, %max3A_2731 : vector<128x128xi32>
    %min3A_2734 = arith.minsi %min3A_2721, %max3A_2731 : vector<128x128xi32>
    %min3A_2735 = arith.minsi %min3A_2722, %max3A_2733 : vector<128x128xi32>
    %slice3A_2736 = vector.extract_strided_slice %add3A_22 {offsets = [384, 2176], sizes = [128, 128], strides = [1, 1]} : vector<512x8192xf32> to vector<128x128xf32>
    %bitcast_convert_type3A_2737 = tpu.bitcast %slice3A_2736 : vector<128x128xf32> -> vector<128x128xi32>
    %and3A_2738 = arith.constant -64 : i32
    %and3A_2739 = vector.broadcast %and3A_2738 : i32 to vector<128x128xi32>
    %and3A_2740 = arith.andi %bitcast_convert_type3A_2737, %and3A_2739 : vector<128x128xi32>
    %or3A_2741 = arith.constant 17 : i32
    %or3A_2742 = vector.broadcast %or3A_2741 : i32 to vector<128x128xi32>
    %or3A_2743 = arith.ori %and3A_2740, %or3A_2742 : vector<128x128xi32>
    %max3A_2744 = arith.maxsi %min3A_2732, %or3A_2743 : vector<128x128xi32>
    %min3A_2745 = arith.minsi %min3A_2732, %or3A_2743 : vector<128x128xi32>
    %max3A_2746 = arith.maxsi %min3A_2734, %max3A_2744 : vector<128x128xi32>
    %min3A_2747 = arith.minsi %min3A_2734, %max3A_2744 : vector<128x128xi32>
    %min3A_2748 = arith.minsi %min3A_2735, %max3A_2746 : vector<128x128xi32>
    %slice3A_2749 = vector.extract_strided_slice %add3A_22 {offsets = [384, 2304], sizes = [128, 128], strides = [1, 1]} : vector<512x8192xf32> to vector<128x128xf32>
    %bitcast_convert_type3A_2750 = tpu.bitcast %slice3A_2749 : vector<128x128xf32> -> vector<128x128xi32>
    %and3A_2751 = arith.constant -64 : i32
    %and3A_2752 = vector.broadcast %and3A_2751 : i32 to vector<128x128xi32>
    %and3A_2753 = arith.andi %bitcast_convert_type3A_2750, %and3A_2752 : vector<128x128xi32>
    %or3A_2754 = arith.constant 18 : i32
    %or3A_2755 = vector.broadcast %or3A_2754 : i32 to vector<128x128xi32>
    %or3A_2756 = arith.ori %and3A_2753, %or3A_2755 : vector<128x128xi32>
    %max3A_2757 = arith.maxsi %min3A_2745, %or3A_2756 : vector<128x128xi32>
    %min3A_2758 = arith.minsi %min3A_2745, %or3A_2756 : vector<128x128xi32>
    %max3A_2759 = arith.maxsi %min3A_2747, %max3A_2757 : vector<128x128xi32>
    %min3A_2760 = arith.minsi %min3A_2747, %max3A_2757 : vector<128x128xi32>
    %min3A_2761 = arith.minsi %min3A_2748, %max3A_2759 : vector<128x128xi32>
    %slice3A_2762 = vector.extract_strided_slice %add3A_22 {offsets = [384, 2432], sizes = [128, 128], strides = [1, 1]} : vector<512x8192xf32> to vector<128x128xf32>
    %bitcast_convert_type3A_2763 = tpu.bitcast %slice3A_2762 : vector<128x128xf32> -> vector<128x128xi32>
    %and3A_2764 = arith.constant -64 : i32
    %and3A_2765 = vector.broadcast %and3A_2764 : i32 to vector<128x128xi32>
    %and3A_2766 = arith.andi %bitcast_convert_type3A_2763, %and3A_2765 : vector<128x128xi32>
    %or3A_2767 = arith.constant 19 : i32
    %or3A_2768 = vector.broadcast %or3A_2767 : i32 to vector<128x128xi32>
    %or3A_2769 = arith.ori %and3A_2766, %or3A_2768 : vector<128x128xi32>
    %max3A_2770 = arith.maxsi %min3A_2758, %or3A_2769 : vector<128x128xi32>
    %min3A_2771 = arith.minsi %min3A_2758, %or3A_2769 : vector<128x128xi32>
    %max3A_2772 = arith.maxsi %min3A_2760, %max3A_2770 : vector<128x128xi32>
    %min3A_2773 = arith.minsi %min3A_2760, %max3A_2770 : vector<128x128xi32>
    %min3A_2774 = arith.minsi %min3A_2761, %max3A_2772 : vector<128x128xi32>
    %slice3A_2775 = vector.extract_strided_slice %add3A_22 {offsets = [384, 2560], sizes = [128, 128], strides = [1, 1]} : vector<512x8192xf32> to vector<128x128xf32>
    %bitcast_convert_type3A_2776 = tpu.bitcast %slice3A_2775 : vector<128x128xf32> -> vector<128x128xi32>
    %and3A_2777 = arith.constant -64 : i32
    %and3A_2778 = vector.broadcast %and3A_2777 : i32 to vector<128x128xi32>
    %and3A_2779 = arith.andi %bitcast_convert_type3A_2776, %and3A_2778 : vector<128x128xi32>
    %or3A_2780 = arith.constant 20 : i32
    %or3A_2781 = vector.broadcast %or3A_2780 : i32 to vector<128x128xi32>
    %or3A_2782 = arith.ori %and3A_2779, %or3A_2781 : vector<128x128xi32>
    %max3A_2783 = arith.maxsi %min3A_2771, %or3A_2782 : vector<128x128xi32>
    %min3A_2784 = arith.minsi %min3A_2771, %or3A_2782 : vector<128x128xi32>
    %max3A_2785 = arith.maxsi %min3A_2773, %max3A_2783 : vector<128x128xi32>
    %min3A_2786 = arith.minsi %min3A_2773, %max3A_2783 : vector<128x128xi32>
    %min3A_2787 = arith.minsi %min3A_2774, %max3A_2785 : vector<128x128xi32>
    %slice3A_2788 = vector.extract_strided_slice %add3A_22 {offsets = [384, 2688], sizes = [128, 128], strides = [1, 1]} : vector<512x8192xf32> to vector<128x128xf32>
    %bitcast_convert_type3A_2789 = tpu.bitcast %slice3A_2788 : vector<128x128xf32> -> vector<128x128xi32>
    %and3A_2790 = arith.constant -64 : i32
    %and3A_2791 = vector.broadcast %and3A_2790 : i32 to vector<128x128xi32>
    %and3A_2792 = arith.andi %bitcast_convert_type3A_2789, %and3A_2791 : vector<128x128xi32>
    %or3A_2793 = arith.constant 21 : i32
    %or3A_2794 = vector.broadcast %or3A_2793 : i32 to vector<128x128xi32>
    %or3A_2795 = arith.ori %and3A_2792, %or3A_2794 : vector<128x128xi32>
    %max3A_2796 = arith.maxsi %min3A_2784, %or3A_2795 : vector<128x128xi32>
    %min3A_2797 = arith.minsi %min3A_2784, %or3A_2795 : vector<128x128xi32>
    %max3A_2798 = arith.maxsi %min3A_2786, %max3A_2796 : vector<128x128xi32>
    %min3A_2799 = arith.minsi %min3A_2786, %max3A_2796 : vector<128x128xi32>
    %min3A_2800 = arith.minsi %min3A_2787, %max3A_2798 : vector<128x128xi32>
    %slice3A_2801 = vector.extract_strided_slice %add3A_22 {offsets = [384, 2816], sizes = [128, 128], strides = [1, 1]} : vector<512x8192xf32> to vector<128x128xf32>
    %bitcast_convert_type3A_2802 = tpu.bitcast %slice3A_2801 : vector<128x128xf32> -> vector<128x128xi32>
    %and3A_2803 = arith.constant -64 : i32
    %and3A_2804 = vector.broadcast %and3A_2803 : i32 to vector<128x128xi32>
    %and3A_2805 = arith.andi %bitcast_convert_type3A_2802, %and3A_2804 : vector<128x128xi32>
    %or3A_2806 = arith.constant 22 : i32
    %or3A_2807 = vector.broadcast %or3A_2806 : i32 to vector<128x128xi32>
    %or3A_2808 = arith.ori %and3A_2805, %or3A_2807 : vector<128x128xi32>
    %max3A_2809 = arith.maxsi %min3A_2797, %or3A_2808 : vector<128x128xi32>
    %min3A_2810 = arith.minsi %min3A_2797, %or3A_2808 : vector<128x128xi32>
    %max3A_2811 = arith.maxsi %min3A_2799, %max3A_2809 : vector<128x128xi32>
    %min3A_2812 = arith.minsi %min3A_2799, %max3A_2809 : vector<128x128xi32>
    %min3A_2813 = arith.minsi %min3A_2800, %max3A_2811 : vector<128x128xi32>
    %slice3A_2814 = vector.extract_strided_slice %add3A_22 {offsets = [384, 2944], sizes = [128, 128], strides = [1, 1]} : vector<512x8192xf32> to vector<128x128xf32>
    %bitcast_convert_type3A_2815 = tpu.bitcast %slice3A_2814 : vector<128x128xf32> -> vector<128x128xi32>
    %and3A_2816 = arith.constant -64 : i32
    %and3A_2817 = vector.broadcast %and3A_2816 : i32 to vector<128x128xi32>
    %and3A_2818 = arith.andi %bitcast_convert_type3A_2815, %and3A_2817 : vector<128x128xi32>
    %or3A_2819 = arith.constant 23 : i32
    %or3A_2820 = vector.broadcast %or3A_2819 : i32 to vector<128x128xi32>
    %or3A_2821 = arith.ori %and3A_2818, %or3A_2820 : vector<128x128xi32>
    %max3A_2822 = arith.maxsi %min3A_2810, %or3A_2821 : vector<128x128xi32>
    %min3A_2823 = arith.minsi %min3A_2810, %or3A_2821 : vector<128x128xi32>
    %max3A_2824 = arith.maxsi %min3A_2812, %max3A_2822 : vector<128x128xi32>
    %min3A_2825 = arith.minsi %min3A_2812, %max3A_2822 : vector<128x128xi32>
    %min3A_2826 = arith.minsi %min3A_2813, %max3A_2824 : vector<128x128xi32>
    %slice3A_2827 = vector.extract_strided_slice %add3A_22 {offsets = [384, 3072], sizes = [128, 128], strides = [1, 1]} : vector<512x8192xf32> to vector<128x128xf32>
    %bitcast_convert_type3A_2828 = tpu.bitcast %slice3A_2827 : vector<128x128xf32> -> vector<128x128xi32>
    %and3A_2829 = arith.constant -64 : i32
    %and3A_2830 = vector.broadcast %and3A_2829 : i32 to vector<128x128xi32>
    %and3A_2831 = arith.andi %bitcast_convert_type3A_2828, %and3A_2830 : vector<128x128xi32>
    %or3A_2832 = arith.constant 24 : i32
    %or3A_2833 = vector.broadcast %or3A_2832 : i32 to vector<128x128xi32>
    %or3A_2834 = arith.ori %and3A_2831, %or3A_2833 : vector<128x128xi32>
    %max3A_2835 = arith.maxsi %min3A_2823, %or3A_2834 : vector<128x128xi32>
    %min3A_2836 = arith.minsi %min3A_2823, %or3A_2834 : vector<128x128xi32>
    %max3A_2837 = arith.maxsi %min3A_2825, %max3A_2835 : vector<128x128xi32>
    %min3A_2838 = arith.minsi %min3A_2825, %max3A_2835 : vector<128x128xi32>
    %min3A_2839 = arith.minsi %min3A_2826, %max3A_2837 : vector<128x128xi32>
    %slice3A_2840 = vector.extract_strided_slice %add3A_22 {offsets = [384, 3200], sizes = [128, 128], strides = [1, 1]} : vector<512x8192xf32> to vector<128x128xf32>
    %bitcast_convert_type3A_2841 = tpu.bitcast %slice3A_2840 : vector<128x128xf32> -> vector<128x128xi32>
    %and3A_2842 = arith.constant -64 : i32
    %and3A_2843 = vector.broadcast %and3A_2842 : i32 to vector<128x128xi32>
    %and3A_2844 = arith.andi %bitcast_convert_type3A_2841, %and3A_2843 : vector<128x128xi32>
    %or3A_2845 = arith.constant 25 : i32
    %or3A_2846 = vector.broadcast %or3A_2845 : i32 to vector<128x128xi32>
    %or3A_2847 = arith.ori %and3A_2844, %or3A_2846 : vector<128x128xi32>
    %max3A_2848 = arith.maxsi %min3A_2836, %or3A_2847 : vector<128x128xi32>
    %min3A_2849 = arith.minsi %min3A_2836, %or3A_2847 : vector<128x128xi32>
    %max3A_2850 = arith.maxsi %min3A_2838, %max3A_2848 : vector<128x128xi32>
    %min3A_2851 = arith.minsi %min3A_2838, %max3A_2848 : vector<128x128xi32>
    %min3A_2852 = arith.minsi %min3A_2839, %max3A_2850 : vector<128x128xi32>
    %slice3A_2853 = vector.extract_strided_slice %add3A_22 {offsets = [384, 3328], sizes = [128, 128], strides = [1, 1]} : vector<512x8192xf32> to vector<128x128xf32>
    %bitcast_convert_type3A_2854 = tpu.bitcast %slice3A_2853 : vector<128x128xf32> -> vector<128x128xi32>
    %and3A_2855 = arith.constant -64 : i32
    %and3A_2856 = vector.broadcast %and3A_2855 : i32 to vector<128x128xi32>
    %and3A_2857 = arith.andi %bitcast_convert_type3A_2854, %and3A_2856 : vector<128x128xi32>
    %or3A_2858 = arith.constant 26 : i32
    %or3A_2859 = vector.broadcast %or3A_2858 : i32 to vector<128x128xi32>
    %or3A_2860 = arith.ori %and3A_2857, %or3A_2859 : vector<128x128xi32>
    %max3A_2861 = arith.maxsi %min3A_2849, %or3A_2860 : vector<128x128xi32>
    %min3A_2862 = arith.minsi %min3A_2849, %or3A_2860 : vector<128x128xi32>
    %max3A_2863 = arith.maxsi %min3A_2851, %max3A_2861 : vector<128x128xi32>
    %min3A_2864 = arith.minsi %min3A_2851, %max3A_2861 : vector<128x128xi32>
    %min3A_2865 = arith.minsi %min3A_2852, %max3A_2863 : vector<128x128xi32>
    %slice3A_2866 = vector.extract_strided_slice %add3A_22 {offsets = [384, 3456], sizes = [128, 128], strides = [1, 1]} : vector<512x8192xf32> to vector<128x128xf32>
    %bitcast_convert_type3A_2867 = tpu.bitcast %slice3A_2866 : vector<128x128xf32> -> vector<128x128xi32>
    %and3A_2868 = arith.constant -64 : i32
    %and3A_2869 = vector.broadcast %and3A_2868 : i32 to vector<128x128xi32>
    %and3A_2870 = arith.andi %bitcast_convert_type3A_2867, %and3A_2869 : vector<128x128xi32>
    %or3A_2871 = arith.constant 27 : i32
    %or3A_2872 = vector.broadcast %or3A_2871 : i32 to vector<128x128xi32>
    %or3A_2873 = arith.ori %and3A_2870, %or3A_2872 : vector<128x128xi32>
    %max3A_2874 = arith.maxsi %min3A_2862, %or3A_2873 : vector<128x128xi32>
    %min3A_2875 = arith.minsi %min3A_2862, %or3A_2873 : vector<128x128xi32>
    %max3A_2876 = arith.maxsi %min3A_2864, %max3A_2874 : vector<128x128xi32>
    %min3A_2877 = arith.minsi %min3A_2864, %max3A_2874 : vector<128x128xi32>
    %min3A_2878 = arith.minsi %min3A_2865, %max3A_2876 : vector<128x128xi32>
    %slice3A_2879 = vector.extract_strided_slice %add3A_22 {offsets = [384, 3584], sizes = [128, 128], strides = [1, 1]} : vector<512x8192xf32> to vector<128x128xf32>
    %bitcast_convert_type3A_2880 = tpu.bitcast %slice3A_2879 : vector<128x128xf32> -> vector<128x128xi32>
    %and3A_2881 = arith.constant -64 : i32
    %and3A_2882 = vector.broadcast %and3A_2881 : i32 to vector<128x128xi32>
    %and3A_2883 = arith.andi %bitcast_convert_type3A_2880, %and3A_2882 : vector<128x128xi32>
    %or3A_2884 = arith.constant 28 : i32
    %or3A_2885 = vector.broadcast %or3A_2884 : i32 to vector<128x128xi32>
    %or3A_2886 = arith.ori %and3A_2883, %or3A_2885 : vector<128x128xi32>
    %max3A_2887 = arith.maxsi %min3A_2875, %or3A_2886 : vector<128x128xi32>
    %min3A_2888 = arith.minsi %min3A_2875, %or3A_2886 : vector<128x128xi32>
    %max3A_2889 = arith.maxsi %min3A_2877, %max3A_2887 : vector<128x128xi32>
    %min3A_2890 = arith.minsi %min3A_2877, %max3A_2887 : vector<128x128xi32>
    %min3A_2891 = arith.minsi %min3A_2878, %max3A_2889 : vector<128x128xi32>
    %slice3A_2892 = vector.extract_strided_slice %add3A_22 {offsets = [384, 3712], sizes = [128, 128], strides = [1, 1]} : vector<512x8192xf32> to vector<128x128xf32>
    %bitcast_convert_type3A_2893 = tpu.bitcast %slice3A_2892 : vector<128x128xf32> -> vector<128x128xi32>
    %and3A_2894 = arith.constant -64 : i32
    %and3A_2895 = vector.broadcast %and3A_2894 : i32 to vector<128x128xi32>
    %and3A_2896 = arith.andi %bitcast_convert_type3A_2893, %and3A_2895 : vector<128x128xi32>
    %or3A_2897 = arith.constant 29 : i32
    %or3A_2898 = vector.broadcast %or3A_2897 : i32 to vector<128x128xi32>
    %or3A_2899 = arith.ori %and3A_2896, %or3A_2898 : vector<128x128xi32>
    %max3A_2900 = arith.maxsi %min3A_2888, %or3A_2899 : vector<128x128xi32>
    %min3A_2901 = arith.minsi %min3A_2888, %or3A_2899 : vector<128x128xi32>
    %max3A_2902 = arith.maxsi %min3A_2890, %max3A_2900 : vector<128x128xi32>
    %min3A_2903 = arith.minsi %min3A_2890, %max3A_2900 : vector<128x128xi32>
    %min3A_2904 = arith.minsi %min3A_2891, %max3A_2902 : vector<128x128xi32>
    %slice3A_2905 = vector.extract_strided_slice %add3A_22 {offsets = [384, 3840], sizes = [128, 128], strides = [1, 1]} : vector<512x8192xf32> to vector<128x128xf32>
    %bitcast_convert_type3A_2906 = tpu.bitcast %slice3A_2905 : vector<128x128xf32> -> vector<128x128xi32>
    %and3A_2907 = arith.constant -64 : i32
    %and3A_2908 = vector.broadcast %and3A_2907 : i32 to vector<128x128xi32>
    %and3A_2909 = arith.andi %bitcast_convert_type3A_2906, %and3A_2908 : vector<128x128xi32>
    %or3A_2910 = arith.constant 30 : i32
    %or3A_2911 = vector.broadcast %or3A_2910 : i32 to vector<128x128xi32>
    %or3A_2912 = arith.ori %and3A_2909, %or3A_2911 : vector<128x128xi32>
    %max3A_2913 = arith.maxsi %min3A_2901, %or3A_2912 : vector<128x128xi32>
    %min3A_2914 = arith.minsi %min3A_2901, %or3A_2912 : vector<128x128xi32>
    %max3A_2915 = arith.maxsi %min3A_2903, %max3A_2913 : vector<128x128xi32>
    %min3A_2916 = arith.minsi %min3A_2903, %max3A_2913 : vector<128x128xi32>
    %min3A_2917 = arith.minsi %min3A_2904, %max3A_2915 : vector<128x128xi32>
    %slice3A_2918 = vector.extract_strided_slice %add3A_22 {offsets = [384, 3968], sizes = [128, 128], strides = [1, 1]} : vector<512x8192xf32> to vector<128x128xf32>
    %bitcast_convert_type3A_2919 = tpu.bitcast %slice3A_2918 : vector<128x128xf32> -> vector<128x128xi32>
    %and3A_2920 = arith.constant -64 : i32
    %and3A_2921 = vector.broadcast %and3A_2920 : i32 to vector<128x128xi32>
    %and3A_2922 = arith.andi %bitcast_convert_type3A_2919, %and3A_2921 : vector<128x128xi32>
    %or3A_2923 = arith.constant 31 : i32
    %or3A_2924 = vector.broadcast %or3A_2923 : i32 to vector<128x128xi32>
    %or3A_2925 = arith.ori %and3A_2922, %or3A_2924 : vector<128x128xi32>
    %max3A_2926 = arith.maxsi %min3A_2914, %or3A_2925 : vector<128x128xi32>
    %min3A_2927 = arith.minsi %min3A_2914, %or3A_2925 : vector<128x128xi32>
    %max3A_2928 = arith.maxsi %min3A_2916, %max3A_2926 : vector<128x128xi32>
    %min3A_2929 = arith.minsi %min3A_2916, %max3A_2926 : vector<128x128xi32>
    %min3A_2930 = arith.minsi %min3A_2917, %max3A_2928 : vector<128x128xi32>
    %slice3A_2931 = vector.extract_strided_slice %add3A_22 {offsets = [384, 4096], sizes = [128, 128], strides = [1, 1]} : vector<512x8192xf32> to vector<128x128xf32>
    %bitcast_convert_type3A_2932 = tpu.bitcast %slice3A_2931 : vector<128x128xf32> -> vector<128x128xi32>
    %and3A_2933 = arith.constant -64 : i32
    %and3A_2934 = vector.broadcast %and3A_2933 : i32 to vector<128x128xi32>
    %and3A_2935 = arith.andi %bitcast_convert_type3A_2932, %and3A_2934 : vector<128x128xi32>
    %or3A_2936 = arith.constant 32 : i32
    %or3A_2937 = vector.broadcast %or3A_2936 : i32 to vector<128x128xi32>
    %or3A_2938 = arith.ori %and3A_2935, %or3A_2937 : vector<128x128xi32>
    %max3A_2939 = arith.maxsi %min3A_2927, %or3A_2938 : vector<128x128xi32>
    %min3A_2940 = arith.minsi %min3A_2927, %or3A_2938 : vector<128x128xi32>
    %max3A_2941 = arith.maxsi %min3A_2929, %max3A_2939 : vector<128x128xi32>
    %min3A_2942 = arith.minsi %min3A_2929, %max3A_2939 : vector<128x128xi32>
    %min3A_2943 = arith.minsi %min3A_2930, %max3A_2941 : vector<128x128xi32>
    %slice3A_2944 = vector.extract_strided_slice %add3A_22 {offsets = [384, 4224], sizes = [128, 128], strides = [1, 1]} : vector<512x8192xf32> to vector<128x128xf32>
    %bitcast_convert_type3A_2945 = tpu.bitcast %slice3A_2944 : vector<128x128xf32> -> vector<128x128xi32>
    %and3A_2946 = arith.constant -64 : i32
    %and3A_2947 = vector.broadcast %and3A_2946 : i32 to vector<128x128xi32>
    %and3A_2948 = arith.andi %bitcast_convert_type3A_2945, %and3A_2947 : vector<128x128xi32>
    %or3A_2949 = arith.constant 33 : i32
    %or3A_2950 = vector.broadcast %or3A_2949 : i32 to vector<128x128xi32>
    %or3A_2951 = arith.ori %and3A_2948, %or3A_2950 : vector<128x128xi32>
    %max3A_2952 = arith.maxsi %min3A_2940, %or3A_2951 : vector<128x128xi32>
    %min3A_2953 = arith.minsi %min3A_2940, %or3A_2951 : vector<128x128xi32>
    %max3A_2954 = arith.maxsi %min3A_2942, %max3A_2952 : vector<128x128xi32>
    %min3A_2955 = arith.minsi %min3A_2942, %max3A_2952 : vector<128x128xi32>
    %min3A_2956 = arith.minsi %min3A_2943, %max3A_2954 : vector<128x128xi32>
    %slice3A_2957 = vector.extract_strided_slice %add3A_22 {offsets = [384, 4352], sizes = [128, 128], strides = [1, 1]} : vector<512x8192xf32> to vector<128x128xf32>
    %bitcast_convert_type3A_2958 = tpu.bitcast %slice3A_2957 : vector<128x128xf32> -> vector<128x128xi32>
    %and3A_2959 = arith.constant -64 : i32
    %and3A_2960 = vector.broadcast %and3A_2959 : i32 to vector<128x128xi32>
    %and3A_2961 = arith.andi %bitcast_convert_type3A_2958, %and3A_2960 : vector<128x128xi32>
    %or3A_2962 = arith.constant 34 : i32
    %or3A_2963 = vector.broadcast %or3A_2962 : i32 to vector<128x128xi32>
    %or3A_2964 = arith.ori %and3A_2961, %or3A_2963 : vector<128x128xi32>
    %max3A_2965 = arith.maxsi %min3A_2953, %or3A_2964 : vector<128x128xi32>
    %min3A_2966 = arith.minsi %min3A_2953, %or3A_2964 : vector<128x128xi32>
    %max3A_2967 = arith.maxsi %min3A_2955, %max3A_2965 : vector<128x128xi32>
    %min3A_2968 = arith.minsi %min3A_2955, %max3A_2965 : vector<128x128xi32>
    %min3A_2969 = arith.minsi %min3A_2956, %max3A_2967 : vector<128x128xi32>
    %slice3A_2970 = vector.extract_strided_slice %add3A_22 {offsets = [384, 4480], sizes = [128, 128], strides = [1, 1]} : vector<512x8192xf32> to vector<128x128xf32>
    %bitcast_convert_type3A_2971 = tpu.bitcast %slice3A_2970 : vector<128x128xf32> -> vector<128x128xi32>
    %and3A_2972 = arith.constant -64 : i32
    %and3A_2973 = vector.broadcast %and3A_2972 : i32 to vector<128x128xi32>
    %and3A_2974 = arith.andi %bitcast_convert_type3A_2971, %and3A_2973 : vector<128x128xi32>
    %or3A_2975 = arith.constant 35 : i32
    %or3A_2976 = vector.broadcast %or3A_2975 : i32 to vector<128x128xi32>
    %or3A_2977 = arith.ori %and3A_2974, %or3A_2976 : vector<128x128xi32>
    %max3A_2978 = arith.maxsi %min3A_2966, %or3A_2977 : vector<128x128xi32>
    %min3A_2979 = arith.minsi %min3A_2966, %or3A_2977 : vector<128x128xi32>
    %max3A_2980 = arith.maxsi %min3A_2968, %max3A_2978 : vector<128x128xi32>
    %min3A_2981 = arith.minsi %min3A_2968, %max3A_2978 : vector<128x128xi32>
    %min3A_2982 = arith.minsi %min3A_2969, %max3A_2980 : vector<128x128xi32>
    %slice3A_2983 = vector.extract_strided_slice %add3A_22 {offsets = [384, 4608], sizes = [128, 128], strides = [1, 1]} : vector<512x8192xf32> to vector<128x128xf32>
    %bitcast_convert_type3A_2984 = tpu.bitcast %slice3A_2983 : vector<128x128xf32> -> vector<128x128xi32>
    %and3A_2985 = arith.constant -64 : i32
    %and3A_2986 = vector.broadcast %and3A_2985 : i32 to vector<128x128xi32>
    %and3A_2987 = arith.andi %bitcast_convert_type3A_2984, %and3A_2986 : vector<128x128xi32>
    %or3A_2988 = arith.constant 36 : i32
    %or3A_2989 = vector.broadcast %or3A_2988 : i32 to vector<128x128xi32>
    %or3A_2990 = arith.ori %and3A_2987, %or3A_2989 : vector<128x128xi32>
    %max3A_2991 = arith.maxsi %min3A_2979, %or3A_2990 : vector<128x128xi32>
    %min3A_2992 = arith.minsi %min3A_2979, %or3A_2990 : vector<128x128xi32>
    %max3A_2993 = arith.maxsi %min3A_2981, %max3A_2991 : vector<128x128xi32>
    %min3A_2994 = arith.minsi %min3A_2981, %max3A_2991 : vector<128x128xi32>
    %min3A_2995 = arith.minsi %min3A_2982, %max3A_2993 : vector<128x128xi32>
    %slice3A_2996 = vector.extract_strided_slice %add3A_22 {offsets = [384, 4736], sizes = [128, 128], strides = [1, 1]} : vector<512x8192xf32> to vector<128x128xf32>
    %bitcast_convert_type3A_2997 = tpu.bitcast %slice3A_2996 : vector<128x128xf32> -> vector<128x128xi32>
    %and3A_2998 = arith.constant -64 : i32
    %and3A_2999 = vector.broadcast %and3A_2998 : i32 to vector<128x128xi32>
    %and3A_3000 = arith.andi %bitcast_convert_type3A_2997, %and3A_2999 : vector<128x128xi32>
    %or3A_3001 = arith.constant 37 : i32
    %or3A_3002 = vector.broadcast %or3A_3001 : i32 to vector<128x128xi32>
    %or3A_3003 = arith.ori %and3A_3000, %or3A_3002 : vector<128x128xi32>
    %max3A_3004 = arith.maxsi %min3A_2992, %or3A_3003 : vector<128x128xi32>
    %min3A_3005 = arith.minsi %min3A_2992, %or3A_3003 : vector<128x128xi32>
    %max3A_3006 = arith.maxsi %min3A_2994, %max3A_3004 : vector<128x128xi32>
    %min3A_3007 = arith.minsi %min3A_2994, %max3A_3004 : vector<128x128xi32>
    %min3A_3008 = arith.minsi %min3A_2995, %max3A_3006 : vector<128x128xi32>
    %slice3A_3009 = vector.extract_strided_slice %add3A_22 {offsets = [384, 4864], sizes = [128, 128], strides = [1, 1]} : vector<512x8192xf32> to vector<128x128xf32>
    %bitcast_convert_type3A_3010 = tpu.bitcast %slice3A_3009 : vector<128x128xf32> -> vector<128x128xi32>
    %and3A_3011 = arith.constant -64 : i32
    %and3A_3012 = vector.broadcast %and3A_3011 : i32 to vector<128x128xi32>
    %and3A_3013 = arith.andi %bitcast_convert_type3A_3010, %and3A_3012 : vector<128x128xi32>
    %or3A_3014 = arith.constant 38 : i32
    %or3A_3015 = vector.broadcast %or3A_3014 : i32 to vector<128x128xi32>
    %or3A_3016 = arith.ori %and3A_3013, %or3A_3015 : vector<128x128xi32>
    %max3A_3017 = arith.maxsi %min3A_3005, %or3A_3016 : vector<128x128xi32>
    %min3A_3018 = arith.minsi %min3A_3005, %or3A_3016 : vector<128x128xi32>
    %max3A_3019 = arith.maxsi %min3A_3007, %max3A_3017 : vector<128x128xi32>
    %min3A_3020 = arith.minsi %min3A_3007, %max3A_3017 : vector<128x128xi32>
    %min3A_3021 = arith.minsi %min3A_3008, %max3A_3019 : vector<128x128xi32>
    %slice3A_3022 = vector.extract_strided_slice %add3A_22 {offsets = [384, 4992], sizes = [128, 128], strides = [1, 1]} : vector<512x8192xf32> to vector<128x128xf32>
    %bitcast_convert_type3A_3023 = tpu.bitcast %slice3A_3022 : vector<128x128xf32> -> vector<128x128xi32>
    %and3A_3024 = arith.constant -64 : i32
    %and3A_3025 = vector.broadcast %and3A_3024 : i32 to vector<128x128xi32>
    %and3A_3026 = arith.andi %bitcast_convert_type3A_3023, %and3A_3025 : vector<128x128xi32>
    %or3A_3027 = arith.constant 39 : i32
    %or3A_3028 = vector.broadcast %or3A_3027 : i32 to vector<128x128xi32>
    %or3A_3029 = arith.ori %and3A_3026, %or3A_3028 : vector<128x128xi32>
    %max3A_3030 = arith.maxsi %min3A_3018, %or3A_3029 : vector<128x128xi32>
    %min3A_3031 = arith.minsi %min3A_3018, %or3A_3029 : vector<128x128xi32>
    %max3A_3032 = arith.maxsi %min3A_3020, %max3A_3030 : vector<128x128xi32>
    %min3A_3033 = arith.minsi %min3A_3020, %max3A_3030 : vector<128x128xi32>
    %min3A_3034 = arith.minsi %min3A_3021, %max3A_3032 : vector<128x128xi32>
    %slice3A_3035 = vector.extract_strided_slice %add3A_22 {offsets = [384, 5120], sizes = [128, 128], strides = [1, 1]} : vector<512x8192xf32> to vector<128x128xf32>
    %bitcast_convert_type3A_3036 = tpu.bitcast %slice3A_3035 : vector<128x128xf32> -> vector<128x128xi32>
    %and3A_3037 = arith.constant -64 : i32
    %and3A_3038 = vector.broadcast %and3A_3037 : i32 to vector<128x128xi32>
    %and3A_3039 = arith.andi %bitcast_convert_type3A_3036, %and3A_3038 : vector<128x128xi32>
    %or3A_3040 = arith.constant 40 : i32
    %or3A_3041 = vector.broadcast %or3A_3040 : i32 to vector<128x128xi32>
    %or3A_3042 = arith.ori %and3A_3039, %or3A_3041 : vector<128x128xi32>
    %max3A_3043 = arith.maxsi %min3A_3031, %or3A_3042 : vector<128x128xi32>
    %min3A_3044 = arith.minsi %min3A_3031, %or3A_3042 : vector<128x128xi32>
    %max3A_3045 = arith.maxsi %min3A_3033, %max3A_3043 : vector<128x128xi32>
    %min3A_3046 = arith.minsi %min3A_3033, %max3A_3043 : vector<128x128xi32>
    %min3A_3047 = arith.minsi %min3A_3034, %max3A_3045 : vector<128x128xi32>
    %slice3A_3048 = vector.extract_strided_slice %add3A_22 {offsets = [384, 5248], sizes = [128, 128], strides = [1, 1]} : vector<512x8192xf32> to vector<128x128xf32>
    %bitcast_convert_type3A_3049 = tpu.bitcast %slice3A_3048 : vector<128x128xf32> -> vector<128x128xi32>
    %and3A_3050 = arith.constant -64 : i32
    %and3A_3051 = vector.broadcast %and3A_3050 : i32 to vector<128x128xi32>
    %and3A_3052 = arith.andi %bitcast_convert_type3A_3049, %and3A_3051 : vector<128x128xi32>
    %or3A_3053 = arith.constant 41 : i32
    %or3A_3054 = vector.broadcast %or3A_3053 : i32 to vector<128x128xi32>
    %or3A_3055 = arith.ori %and3A_3052, %or3A_3054 : vector<128x128xi32>
    %max3A_3056 = arith.maxsi %min3A_3044, %or3A_3055 : vector<128x128xi32>
    %min3A_3057 = arith.minsi %min3A_3044, %or3A_3055 : vector<128x128xi32>
    %max3A_3058 = arith.maxsi %min3A_3046, %max3A_3056 : vector<128x128xi32>
    %min3A_3059 = arith.minsi %min3A_3046, %max3A_3056 : vector<128x128xi32>
    %min3A_3060 = arith.minsi %min3A_3047, %max3A_3058 : vector<128x128xi32>
    %slice3A_3061 = vector.extract_strided_slice %add3A_22 {offsets = [384, 5376], sizes = [128, 128], strides = [1, 1]} : vector<512x8192xf32> to vector<128x128xf32>
    %bitcast_convert_type3A_3062 = tpu.bitcast %slice3A_3061 : vector<128x128xf32> -> vector<128x128xi32>
    %and3A_3063 = arith.constant -64 : i32
    %and3A_3064 = vector.broadcast %and3A_3063 : i32 to vector<128x128xi32>
    %and3A_3065 = arith.andi %bitcast_convert_type3A_3062, %and3A_3064 : vector<128x128xi32>
    %or3A_3066 = arith.constant 42 : i32
    %or3A_3067 = vector.broadcast %or3A_3066 : i32 to vector<128x128xi32>
    %or3A_3068 = arith.ori %and3A_3065, %or3A_3067 : vector<128x128xi32>
    %max3A_3069 = arith.maxsi %min3A_3057, %or3A_3068 : vector<128x128xi32>
    %min3A_3070 = arith.minsi %min3A_3057, %or3A_3068 : vector<128x128xi32>
    %max3A_3071 = arith.maxsi %min3A_3059, %max3A_3069 : vector<128x128xi32>
    %min3A_3072 = arith.minsi %min3A_3059, %max3A_3069 : vector<128x128xi32>
    %min3A_3073 = arith.minsi %min3A_3060, %max3A_3071 : vector<128x128xi32>
    %slice3A_3074 = vector.extract_strided_slice %add3A_22 {offsets = [384, 5504], sizes = [128, 128], strides = [1, 1]} : vector<512x8192xf32> to vector<128x128xf32>
    %bitcast_convert_type3A_3075 = tpu.bitcast %slice3A_3074 : vector<128x128xf32> -> vector<128x128xi32>
    %and3A_3076 = arith.constant -64 : i32
    %and3A_3077 = vector.broadcast %and3A_3076 : i32 to vector<128x128xi32>
    %and3A_3078 = arith.andi %bitcast_convert_type3A_3075, %and3A_3077 : vector<128x128xi32>
    %or3A_3079 = arith.constant 43 : i32
    %or3A_3080 = vector.broadcast %or3A_3079 : i32 to vector<128x128xi32>
    %or3A_3081 = arith.ori %and3A_3078, %or3A_3080 : vector<128x128xi32>
    %max3A_3082 = arith.maxsi %min3A_3070, %or3A_3081 : vector<128x128xi32>
    %min3A_3083 = arith.minsi %min3A_3070, %or3A_3081 : vector<128x128xi32>
    %max3A_3084 = arith.maxsi %min3A_3072, %max3A_3082 : vector<128x128xi32>
    %min3A_3085 = arith.minsi %min3A_3072, %max3A_3082 : vector<128x128xi32>
    %min3A_3086 = arith.minsi %min3A_3073, %max3A_3084 : vector<128x128xi32>
    %slice3A_3087 = vector.extract_strided_slice %add3A_22 {offsets = [384, 5632], sizes = [128, 128], strides = [1, 1]} : vector<512x8192xf32> to vector<128x128xf32>
    %bitcast_convert_type3A_3088 = tpu.bitcast %slice3A_3087 : vector<128x128xf32> -> vector<128x128xi32>
    %and3A_3089 = arith.constant -64 : i32
    %and3A_3090 = vector.broadcast %and3A_3089 : i32 to vector<128x128xi32>
    %and3A_3091 = arith.andi %bitcast_convert_type3A_3088, %and3A_3090 : vector<128x128xi32>
    %or3A_3092 = arith.constant 44 : i32
    %or3A_3093 = vector.broadcast %or3A_3092 : i32 to vector<128x128xi32>
    %or3A_3094 = arith.ori %and3A_3091, %or3A_3093 : vector<128x128xi32>
    %max3A_3095 = arith.maxsi %min3A_3083, %or3A_3094 : vector<128x128xi32>
    %min3A_3096 = arith.minsi %min3A_3083, %or3A_3094 : vector<128x128xi32>
    %max3A_3097 = arith.maxsi %min3A_3085, %max3A_3095 : vector<128x128xi32>
    %min3A_3098 = arith.minsi %min3A_3085, %max3A_3095 : vector<128x128xi32>
    %min3A_3099 = arith.minsi %min3A_3086, %max3A_3097 : vector<128x128xi32>
    %slice3A_3100 = vector.extract_strided_slice %add3A_22 {offsets = [384, 5760], sizes = [128, 128], strides = [1, 1]} : vector<512x8192xf32> to vector<128x128xf32>
    %bitcast_convert_type3A_3101 = tpu.bitcast %slice3A_3100 : vector<128x128xf32> -> vector<128x128xi32>
    %and3A_3102 = arith.constant -64 : i32
    %and3A_3103 = vector.broadcast %and3A_3102 : i32 to vector<128x128xi32>
    %and3A_3104 = arith.andi %bitcast_convert_type3A_3101, %and3A_3103 : vector<128x128xi32>
    %or3A_3105 = arith.constant 45 : i32
    %or3A_3106 = vector.broadcast %or3A_3105 : i32 to vector<128x128xi32>
    %or3A_3107 = arith.ori %and3A_3104, %or3A_3106 : vector<128x128xi32>
    %max3A_3108 = arith.maxsi %min3A_3096, %or3A_3107 : vector<128x128xi32>
    %min3A_3109 = arith.minsi %min3A_3096, %or3A_3107 : vector<128x128xi32>
    %max3A_3110 = arith.maxsi %min3A_3098, %max3A_3108 : vector<128x128xi32>
    %min3A_3111 = arith.minsi %min3A_3098, %max3A_3108 : vector<128x128xi32>
    %min3A_3112 = arith.minsi %min3A_3099, %max3A_3110 : vector<128x128xi32>
    %slice3A_3113 = vector.extract_strided_slice %add3A_22 {offsets = [384, 5888], sizes = [128, 128], strides = [1, 1]} : vector<512x8192xf32> to vector<128x128xf32>
    %bitcast_convert_type3A_3114 = tpu.bitcast %slice3A_3113 : vector<128x128xf32> -> vector<128x128xi32>
    %and3A_3115 = arith.constant -64 : i32
    %and3A_3116 = vector.broadcast %and3A_3115 : i32 to vector<128x128xi32>
    %and3A_3117 = arith.andi %bitcast_convert_type3A_3114, %and3A_3116 : vector<128x128xi32>
    %or3A_3118 = arith.constant 46 : i32
    %or3A_3119 = vector.broadcast %or3A_3118 : i32 to vector<128x128xi32>
    %or3A_3120 = arith.ori %and3A_3117, %or3A_3119 : vector<128x128xi32>
    %max3A_3121 = arith.maxsi %min3A_3109, %or3A_3120 : vector<128x128xi32>
    %min3A_3122 = arith.minsi %min3A_3109, %or3A_3120 : vector<128x128xi32>
    %max3A_3123 = arith.maxsi %min3A_3111, %max3A_3121 : vector<128x128xi32>
    %min3A_3124 = arith.minsi %min3A_3111, %max3A_3121 : vector<128x128xi32>
    %min3A_3125 = arith.minsi %min3A_3112, %max3A_3123 : vector<128x128xi32>
    %slice3A_3126 = vector.extract_strided_slice %add3A_22 {offsets = [384, 6016], sizes = [128, 128], strides = [1, 1]} : vector<512x8192xf32> to vector<128x128xf32>
    %bitcast_convert_type3A_3127 = tpu.bitcast %slice3A_3126 : vector<128x128xf32> -> vector<128x128xi32>
    %and3A_3128 = arith.constant -64 : i32
    %and3A_3129 = vector.broadcast %and3A_3128 : i32 to vector<128x128xi32>
    %and3A_3130 = arith.andi %bitcast_convert_type3A_3127, %and3A_3129 : vector<128x128xi32>
    %or3A_3131 = arith.constant 47 : i32
    %or3A_3132 = vector.broadcast %or3A_3131 : i32 to vector<128x128xi32>
    %or3A_3133 = arith.ori %and3A_3130, %or3A_3132 : vector<128x128xi32>
    %max3A_3134 = arith.maxsi %min3A_3122, %or3A_3133 : vector<128x128xi32>
    %min3A_3135 = arith.minsi %min3A_3122, %or3A_3133 : vector<128x128xi32>
    %max3A_3136 = arith.maxsi %min3A_3124, %max3A_3134 : vector<128x128xi32>
    %min3A_3137 = arith.minsi %min3A_3124, %max3A_3134 : vector<128x128xi32>
    %min3A_3138 = arith.minsi %min3A_3125, %max3A_3136 : vector<128x128xi32>
    %slice3A_3139 = vector.extract_strided_slice %add3A_22 {offsets = [384, 6144], sizes = [128, 128], strides = [1, 1]} : vector<512x8192xf32> to vector<128x128xf32>
    %bitcast_convert_type3A_3140 = tpu.bitcast %slice3A_3139 : vector<128x128xf32> -> vector<128x128xi32>
    %and3A_3141 = arith.constant -64 : i32
    %and3A_3142 = vector.broadcast %and3A_3141 : i32 to vector<128x128xi32>
    %and3A_3143 = arith.andi %bitcast_convert_type3A_3140, %and3A_3142 : vector<128x128xi32>
    %or3A_3144 = arith.constant 48 : i32
    %or3A_3145 = vector.broadcast %or3A_3144 : i32 to vector<128x128xi32>
    %or3A_3146 = arith.ori %and3A_3143, %or3A_3145 : vector<128x128xi32>
    %max3A_3147 = arith.maxsi %min3A_3135, %or3A_3146 : vector<128x128xi32>
    %min3A_3148 = arith.minsi %min3A_3135, %or3A_3146 : vector<128x128xi32>
    %max3A_3149 = arith.maxsi %min3A_3137, %max3A_3147 : vector<128x128xi32>
    %min3A_3150 = arith.minsi %min3A_3137, %max3A_3147 : vector<128x128xi32>
    %min3A_3151 = arith.minsi %min3A_3138, %max3A_3149 : vector<128x128xi32>
    %slice3A_3152 = vector.extract_strided_slice %add3A_22 {offsets = [384, 6272], sizes = [128, 128], strides = [1, 1]} : vector<512x8192xf32> to vector<128x128xf32>
    %bitcast_convert_type3A_3153 = tpu.bitcast %slice3A_3152 : vector<128x128xf32> -> vector<128x128xi32>
    %and3A_3154 = arith.constant -64 : i32
    %and3A_3155 = vector.broadcast %and3A_3154 : i32 to vector<128x128xi32>
    %and3A_3156 = arith.andi %bitcast_convert_type3A_3153, %and3A_3155 : vector<128x128xi32>
    %or3A_3157 = arith.constant 49 : i32
    %or3A_3158 = vector.broadcast %or3A_3157 : i32 to vector<128x128xi32>
    %or3A_3159 = arith.ori %and3A_3156, %or3A_3158 : vector<128x128xi32>
    %max3A_3160 = arith.maxsi %min3A_3148, %or3A_3159 : vector<128x128xi32>
    %min3A_3161 = arith.minsi %min3A_3148, %or3A_3159 : vector<128x128xi32>
    %max3A_3162 = arith.maxsi %min3A_3150, %max3A_3160 : vector<128x128xi32>
    %min3A_3163 = arith.minsi %min3A_3150, %max3A_3160 : vector<128x128xi32>
    %min3A_3164 = arith.minsi %min3A_3151, %max3A_3162 : vector<128x128xi32>
    %slice3A_3165 = vector.extract_strided_slice %add3A_22 {offsets = [384, 6400], sizes = [128, 128], strides = [1, 1]} : vector<512x8192xf32> to vector<128x128xf32>
    %bitcast_convert_type3A_3166 = tpu.bitcast %slice3A_3165 : vector<128x128xf32> -> vector<128x128xi32>
    %and3A_3167 = arith.constant -64 : i32
    %and3A_3168 = vector.broadcast %and3A_3167 : i32 to vector<128x128xi32>
    %and3A_3169 = arith.andi %bitcast_convert_type3A_3166, %and3A_3168 : vector<128x128xi32>
    %or3A_3170 = arith.constant 50 : i32
    %or3A_3171 = vector.broadcast %or3A_3170 : i32 to vector<128x128xi32>
    %or3A_3172 = arith.ori %and3A_3169, %or3A_3171 : vector<128x128xi32>
    %max3A_3173 = arith.maxsi %min3A_3161, %or3A_3172 : vector<128x128xi32>
    %min3A_3174 = arith.minsi %min3A_3161, %or3A_3172 : vector<128x128xi32>
    %max3A_3175 = arith.maxsi %min3A_3163, %max3A_3173 : vector<128x128xi32>
    %min3A_3176 = arith.minsi %min3A_3163, %max3A_3173 : vector<128x128xi32>
    %min3A_3177 = arith.minsi %min3A_3164, %max3A_3175 : vector<128x128xi32>
    %slice3A_3178 = vector.extract_strided_slice %add3A_22 {offsets = [384, 6528], sizes = [128, 128], strides = [1, 1]} : vector<512x8192xf32> to vector<128x128xf32>
    %bitcast_convert_type3A_3179 = tpu.bitcast %slice3A_3178 : vector<128x128xf32> -> vector<128x128xi32>
    %and3A_3180 = arith.constant -64 : i32
    %and3A_3181 = vector.broadcast %and3A_3180 : i32 to vector<128x128xi32>
    %and3A_3182 = arith.andi %bitcast_convert_type3A_3179, %and3A_3181 : vector<128x128xi32>
    %or3A_3183 = arith.constant 51 : i32
    %or3A_3184 = vector.broadcast %or3A_3183 : i32 to vector<128x128xi32>
    %or3A_3185 = arith.ori %and3A_3182, %or3A_3184 : vector<128x128xi32>
    %max3A_3186 = arith.maxsi %min3A_3174, %or3A_3185 : vector<128x128xi32>
    %min3A_3187 = arith.minsi %min3A_3174, %or3A_3185 : vector<128x128xi32>
    %max3A_3188 = arith.maxsi %min3A_3176, %max3A_3186 : vector<128x128xi32>
    %min3A_3189 = arith.minsi %min3A_3176, %max3A_3186 : vector<128x128xi32>
    %min3A_3190 = arith.minsi %min3A_3177, %max3A_3188 : vector<128x128xi32>
    %slice3A_3191 = vector.extract_strided_slice %add3A_22 {offsets = [384, 6656], sizes = [128, 128], strides = [1, 1]} : vector<512x8192xf32> to vector<128x128xf32>
    %bitcast_convert_type3A_3192 = tpu.bitcast %slice3A_3191 : vector<128x128xf32> -> vector<128x128xi32>
    %and3A_3193 = arith.constant -64 : i32
    %and3A_3194 = vector.broadcast %and3A_3193 : i32 to vector<128x128xi32>
    %and3A_3195 = arith.andi %bitcast_convert_type3A_3192, %and3A_3194 : vector<128x128xi32>
    %or3A_3196 = arith.constant 52 : i32
    %or3A_3197 = vector.broadcast %or3A_3196 : i32 to vector<128x128xi32>
    %or3A_3198 = arith.ori %and3A_3195, %or3A_3197 : vector<128x128xi32>
    %max3A_3199 = arith.maxsi %min3A_3187, %or3A_3198 : vector<128x128xi32>
    %min3A_3200 = arith.minsi %min3A_3187, %or3A_3198 : vector<128x128xi32>
    %max3A_3201 = arith.maxsi %min3A_3189, %max3A_3199 : vector<128x128xi32>
    %min3A_3202 = arith.minsi %min3A_3189, %max3A_3199 : vector<128x128xi32>
    %min3A_3203 = arith.minsi %min3A_3190, %max3A_3201 : vector<128x128xi32>
    %slice3A_3204 = vector.extract_strided_slice %add3A_22 {offsets = [384, 6784], sizes = [128, 128], strides = [1, 1]} : vector<512x8192xf32> to vector<128x128xf32>
    %bitcast_convert_type3A_3205 = tpu.bitcast %slice3A_3204 : vector<128x128xf32> -> vector<128x128xi32>
    %and3A_3206 = arith.constant -64 : i32
    %and3A_3207 = vector.broadcast %and3A_3206 : i32 to vector<128x128xi32>
    %and3A_3208 = arith.andi %bitcast_convert_type3A_3205, %and3A_3207 : vector<128x128xi32>
    %or3A_3209 = arith.constant 53 : i32
    %or3A_3210 = vector.broadcast %or3A_3209 : i32 to vector<128x128xi32>
    %or3A_3211 = arith.ori %and3A_3208, %or3A_3210 : vector<128x128xi32>
    %max3A_3212 = arith.maxsi %min3A_3200, %or3A_3211 : vector<128x128xi32>
    %min3A_3213 = arith.minsi %min3A_3200, %or3A_3211 : vector<128x128xi32>
    %max3A_3214 = arith.maxsi %min3A_3202, %max3A_3212 : vector<128x128xi32>
    %min3A_3215 = arith.minsi %min3A_3202, %max3A_3212 : vector<128x128xi32>
    %min3A_3216 = arith.minsi %min3A_3203, %max3A_3214 : vector<128x128xi32>
    %slice3A_3217 = vector.extract_strided_slice %add3A_22 {offsets = [384, 6912], sizes = [128, 128], strides = [1, 1]} : vector<512x8192xf32> to vector<128x128xf32>
    %bitcast_convert_type3A_3218 = tpu.bitcast %slice3A_3217 : vector<128x128xf32> -> vector<128x128xi32>
    %and3A_3219 = arith.constant -64 : i32
    %and3A_3220 = vector.broadcast %and3A_3219 : i32 to vector<128x128xi32>
    %and3A_3221 = arith.andi %bitcast_convert_type3A_3218, %and3A_3220 : vector<128x128xi32>
    %or3A_3222 = arith.constant 54 : i32
    %or3A_3223 = vector.broadcast %or3A_3222 : i32 to vector<128x128xi32>
    %or3A_3224 = arith.ori %and3A_3221, %or3A_3223 : vector<128x128xi32>
    %max3A_3225 = arith.maxsi %min3A_3213, %or3A_3224 : vector<128x128xi32>
    %min3A_3226 = arith.minsi %min3A_3213, %or3A_3224 : vector<128x128xi32>
    %max3A_3227 = arith.maxsi %min3A_3215, %max3A_3225 : vector<128x128xi32>
    %min3A_3228 = arith.minsi %min3A_3215, %max3A_3225 : vector<128x128xi32>
    %min3A_3229 = arith.minsi %min3A_3216, %max3A_3227 : vector<128x128xi32>
    %slice3A_3230 = vector.extract_strided_slice %add3A_22 {offsets = [384, 7040], sizes = [128, 128], strides = [1, 1]} : vector<512x8192xf32> to vector<128x128xf32>
    %bitcast_convert_type3A_3231 = tpu.bitcast %slice3A_3230 : vector<128x128xf32> -> vector<128x128xi32>
    %and3A_3232 = arith.constant -64 : i32
    %and3A_3233 = vector.broadcast %and3A_3232 : i32 to vector<128x128xi32>
    %and3A_3234 = arith.andi %bitcast_convert_type3A_3231, %and3A_3233 : vector<128x128xi32>
    %or3A_3235 = arith.constant 55 : i32
    %or3A_3236 = vector.broadcast %or3A_3235 : i32 to vector<128x128xi32>
    %or3A_3237 = arith.ori %and3A_3234, %or3A_3236 : vector<128x128xi32>
    %max3A_3238 = arith.maxsi %min3A_3226, %or3A_3237 : vector<128x128xi32>
    %min3A_3239 = arith.minsi %min3A_3226, %or3A_3237 : vector<128x128xi32>
    %max3A_3240 = arith.maxsi %min3A_3228, %max3A_3238 : vector<128x128xi32>
    %min3A_3241 = arith.minsi %min3A_3228, %max3A_3238 : vector<128x128xi32>
    %min3A_3242 = arith.minsi %min3A_3229, %max3A_3240 : vector<128x128xi32>
    %slice3A_3243 = vector.extract_strided_slice %add3A_22 {offsets = [384, 7168], sizes = [128, 128], strides = [1, 1]} : vector<512x8192xf32> to vector<128x128xf32>
    %bitcast_convert_type3A_3244 = tpu.bitcast %slice3A_3243 : vector<128x128xf32> -> vector<128x128xi32>
    %and3A_3245 = arith.constant -64 : i32
    %and3A_3246 = vector.broadcast %and3A_3245 : i32 to vector<128x128xi32>
    %and3A_3247 = arith.andi %bitcast_convert_type3A_3244, %and3A_3246 : vector<128x128xi32>
    %or3A_3248 = arith.constant 56 : i32
    %or3A_3249 = vector.broadcast %or3A_3248 : i32 to vector<128x128xi32>
    %or3A_3250 = arith.ori %and3A_3247, %or3A_3249 : vector<128x128xi32>
    %max3A_3251 = arith.maxsi %min3A_3239, %or3A_3250 : vector<128x128xi32>
    %min3A_3252 = arith.minsi %min3A_3239, %or3A_3250 : vector<128x128xi32>
    %max3A_3253 = arith.maxsi %min3A_3241, %max3A_3251 : vector<128x128xi32>
    %min3A_3254 = arith.minsi %min3A_3241, %max3A_3251 : vector<128x128xi32>
    %min3A_3255 = arith.minsi %min3A_3242, %max3A_3253 : vector<128x128xi32>
    %slice3A_3256 = vector.extract_strided_slice %add3A_22 {offsets = [384, 7296], sizes = [128, 128], strides = [1, 1]} : vector<512x8192xf32> to vector<128x128xf32>
    %bitcast_convert_type3A_3257 = tpu.bitcast %slice3A_3256 : vector<128x128xf32> -> vector<128x128xi32>
    %and3A_3258 = arith.constant -64 : i32
    %and3A_3259 = vector.broadcast %and3A_3258 : i32 to vector<128x128xi32>
    %and3A_3260 = arith.andi %bitcast_convert_type3A_3257, %and3A_3259 : vector<128x128xi32>
    %or3A_3261 = arith.constant 57 : i32
    %or3A_3262 = vector.broadcast %or3A_3261 : i32 to vector<128x128xi32>
    %or3A_3263 = arith.ori %and3A_3260, %or3A_3262 : vector<128x128xi32>
    %max3A_3264 = arith.maxsi %min3A_3252, %or3A_3263 : vector<128x128xi32>
    %min3A_3265 = arith.minsi %min3A_3252, %or3A_3263 : vector<128x128xi32>
    %max3A_3266 = arith.maxsi %min3A_3254, %max3A_3264 : vector<128x128xi32>
    %min3A_3267 = arith.minsi %min3A_3254, %max3A_3264 : vector<128x128xi32>
    %min3A_3268 = arith.minsi %min3A_3255, %max3A_3266 : vector<128x128xi32>
    %slice3A_3269 = vector.extract_strided_slice %add3A_22 {offsets = [384, 7424], sizes = [128, 128], strides = [1, 1]} : vector<512x8192xf32> to vector<128x128xf32>
    %bitcast_convert_type3A_3270 = tpu.bitcast %slice3A_3269 : vector<128x128xf32> -> vector<128x128xi32>
    %and3A_3271 = arith.constant -64 : i32
    %and3A_3272 = vector.broadcast %and3A_3271 : i32 to vector<128x128xi32>
    %and3A_3273 = arith.andi %bitcast_convert_type3A_3270, %and3A_3272 : vector<128x128xi32>
    %or3A_3274 = arith.constant 58 : i32
    %or3A_3275 = vector.broadcast %or3A_3274 : i32 to vector<128x128xi32>
    %or3A_3276 = arith.ori %and3A_3273, %or3A_3275 : vector<128x128xi32>
    %max3A_3277 = arith.maxsi %min3A_3265, %or3A_3276 : vector<128x128xi32>
    %min3A_3278 = arith.minsi %min3A_3265, %or3A_3276 : vector<128x128xi32>
    %max3A_3279 = arith.maxsi %min3A_3267, %max3A_3277 : vector<128x128xi32>
    %min3A_3280 = arith.minsi %min3A_3267, %max3A_3277 : vector<128x128xi32>
    %min3A_3281 = arith.minsi %min3A_3268, %max3A_3279 : vector<128x128xi32>
    %slice3A_3282 = vector.extract_strided_slice %add3A_22 {offsets = [384, 7552], sizes = [128, 128], strides = [1, 1]} : vector<512x8192xf32> to vector<128x128xf32>
    %bitcast_convert_type3A_3283 = tpu.bitcast %slice3A_3282 : vector<128x128xf32> -> vector<128x128xi32>
    %and3A_3284 = arith.constant -64 : i32
    %and3A_3285 = vector.broadcast %and3A_3284 : i32 to vector<128x128xi32>
    %and3A_3286 = arith.andi %bitcast_convert_type3A_3283, %and3A_3285 : vector<128x128xi32>
    %or3A_3287 = arith.constant 59 : i32
    %or3A_3288 = vector.broadcast %or3A_3287 : i32 to vector<128x128xi32>
    %or3A_3289 = arith.ori %and3A_3286, %or3A_3288 : vector<128x128xi32>
    %max3A_3290 = arith.maxsi %min3A_3278, %or3A_3289 : vector<128x128xi32>
    %min3A_3291 = arith.minsi %min3A_3278, %or3A_3289 : vector<128x128xi32>
    %max3A_3292 = arith.maxsi %min3A_3280, %max3A_3290 : vector<128x128xi32>
    %min3A_3293 = arith.minsi %min3A_3280, %max3A_3290 : vector<128x128xi32>
    %min3A_3294 = arith.minsi %min3A_3281, %max3A_3292 : vector<128x128xi32>
    %slice3A_3295 = vector.extract_strided_slice %add3A_22 {offsets = [384, 7680], sizes = [128, 128], strides = [1, 1]} : vector<512x8192xf32> to vector<128x128xf32>
    %bitcast_convert_type3A_3296 = tpu.bitcast %slice3A_3295 : vector<128x128xf32> -> vector<128x128xi32>
    %and3A_3297 = arith.constant -64 : i32
    %and3A_3298 = vector.broadcast %and3A_3297 : i32 to vector<128x128xi32>
    %and3A_3299 = arith.andi %bitcast_convert_type3A_3296, %and3A_3298 : vector<128x128xi32>
    %or3A_3300 = arith.constant 60 : i32
    %or3A_3301 = vector.broadcast %or3A_3300 : i32 to vector<128x128xi32>
    %or3A_3302 = arith.ori %and3A_3299, %or3A_3301 : vector<128x128xi32>
    %max3A_3303 = arith.maxsi %min3A_3291, %or3A_3302 : vector<128x128xi32>
    %min3A_3304 = arith.minsi %min3A_3291, %or3A_3302 : vector<128x128xi32>
    %max3A_3305 = arith.maxsi %min3A_3293, %max3A_3303 : vector<128x128xi32>
    %min3A_3306 = arith.minsi %min3A_3293, %max3A_3303 : vector<128x128xi32>
    %min3A_3307 = arith.minsi %min3A_3294, %max3A_3305 : vector<128x128xi32>
    %slice3A_3308 = vector.extract_strided_slice %add3A_22 {offsets = [384, 7808], sizes = [128, 128], strides = [1, 1]} : vector<512x8192xf32> to vector<128x128xf32>
    %bitcast_convert_type3A_3309 = tpu.bitcast %slice3A_3308 : vector<128x128xf32> -> vector<128x128xi32>
    %and3A_3310 = arith.constant -64 : i32
    %and3A_3311 = vector.broadcast %and3A_3310 : i32 to vector<128x128xi32>
    %and3A_3312 = arith.andi %bitcast_convert_type3A_3309, %and3A_3311 : vector<128x128xi32>
    %or3A_3313 = arith.constant 61 : i32
    %or3A_3314 = vector.broadcast %or3A_3313 : i32 to vector<128x128xi32>
    %or3A_3315 = arith.ori %and3A_3312, %or3A_3314 : vector<128x128xi32>
    %max3A_3316 = arith.maxsi %min3A_3304, %or3A_3315 : vector<128x128xi32>
    %min3A_3317 = arith.minsi %min3A_3304, %or3A_3315 : vector<128x128xi32>
    %max3A_3318 = arith.maxsi %min3A_3306, %max3A_3316 : vector<128x128xi32>
    %min3A_3319 = arith.minsi %min3A_3306, %max3A_3316 : vector<128x128xi32>
    %min3A_3320 = arith.minsi %min3A_3307, %max3A_3318 : vector<128x128xi32>
    %slice3A_3321 = vector.extract_strided_slice %add3A_22 {offsets = [384, 7936], sizes = [128, 128], strides = [1, 1]} : vector<512x8192xf32> to vector<128x128xf32>
    %bitcast_convert_type3A_3322 = tpu.bitcast %slice3A_3321 : vector<128x128xf32> -> vector<128x128xi32>
    %and3A_3323 = arith.constant -64 : i32
    %and3A_3324 = vector.broadcast %and3A_3323 : i32 to vector<128x128xi32>
    %and3A_3325 = arith.andi %bitcast_convert_type3A_3322, %and3A_3324 : vector<128x128xi32>
    %or3A_3326 = arith.constant 62 : i32
    %or3A_3327 = vector.broadcast %or3A_3326 : i32 to vector<128x128xi32>
    %or3A_3328 = arith.ori %and3A_3325, %or3A_3327 : vector<128x128xi32>
    %max3A_3329 = arith.maxsi %min3A_3317, %or3A_3328 : vector<128x128xi32>
    %min3A_3330 = arith.minsi %min3A_3317, %or3A_3328 : vector<128x128xi32>
    %max3A_3331 = arith.maxsi %min3A_3319, %max3A_3329 : vector<128x128xi32>
    %min3A_3332 = arith.minsi %min3A_3319, %max3A_3329 : vector<128x128xi32>
    %min3A_3333 = arith.minsi %min3A_3320, %max3A_3331 : vector<128x128xi32>
    %slice3A_3334 = vector.extract_strided_slice %add3A_22 {offsets = [384, 8064], sizes = [128, 128], strides = [1, 1]} : vector<512x8192xf32> to vector<128x128xf32>
    %bitcast_convert_type3A_3335 = tpu.bitcast %slice3A_3334 : vector<128x128xf32> -> vector<128x128xi32>
    %and3A_3336 = arith.constant -64 : i32
    %and3A_3337 = vector.broadcast %and3A_3336 : i32 to vector<128x128xi32>
    %and3A_3338 = arith.andi %bitcast_convert_type3A_3335, %and3A_3337 : vector<128x128xi32>
    %or3A_3339 = arith.constant 63 : i32
    %or3A_3340 = vector.broadcast %or3A_3339 : i32 to vector<128x128xi32>
    %or3A_3341 = arith.ori %and3A_3338, %or3A_3340 : vector<128x128xi32>
    %max3A_3342 = arith.maxsi %min3A_3330, %or3A_3341 : vector<128x128xi32>
    %min3A_3343 = arith.minsi %min3A_3330, %or3A_3341 : vector<128x128xi32>
    %max3A_3344 = arith.maxsi %min3A_3332, %max3A_3342 : vector<128x128xi32>
    %min3A_3345 = arith.minsi %min3A_3332, %max3A_3342 : vector<128x128xi32>
    %min3A_3346 = arith.minsi %min3A_3333, %max3A_3344 : vector<128x128xi32>
    %concatenate3A = tpu.concatenate %min3A_847, %min3A_1679, %min3A_2511, %min3A_3343 in 0 : vector<128x128xi32>, vector<128x128xi32>, vector<128x128xi32>, vector<128x128xi32> -> vector<512x128xi32>
    %concatenate3A_3347 = tpu.concatenate %min3A_849, %min3A_1681, %min3A_2513, %min3A_3345 in 0 : vector<128x128xi32>, vector<128x128xi32>, vector<128x128xi32>, vector<128x128xi32> -> vector<512x128xi32>
    %concatenate3A_3348 = tpu.concatenate %min3A_850, %min3A_1682, %min3A_2514, %min3A_3346 in 0 : vector<128x128xi32>, vector<128x128xi32>, vector<128x128xi32>, vector<128x128xi32> -> vector<512x128xi32>
    %iota3A = tpu.iota {dimensions = array<i32: 1>} : vector<512x128xi32>
    %reduce_min3A = arith.constant dense<2147483647> : vector<512xi32>
    %reduce_min3A_3349 = vector.multi_reduction <minsi>, %concatenate3A, %reduce_min3A [1] : vector<512x128xi32> to vector<512xi32>
    %broadcast_in_dim3A_3350 = vector.shape_cast %reduce_min3A_3349 : vector<512xi32> to vector<512x1xi32>
    %eq3A = vector.broadcast %broadcast_in_dim3A_3350 : vector<512x1xi32> to vector<512x128xi32>
    %eq3A_3351 = arith.cmpi eq, %concatenate3A, %eq3A : vector<512x128xi32>
    %jit3A = arith.constant 128 : i32
    %broadcast_in_dim3A_3352 = vector.broadcast %jit3A : i32 to vector<512x128xi32>
    %select_n3A = arith.select %eq3A_3351, %iota3A, %broadcast_in_dim3A_3352 : vector<512x128xi1>, vector<512x128xi32>
    %reduce_min3A_3353 = arith.constant dense<2147483647> : vector<512xi32>
    %reduce_min3A_3354 = vector.multi_reduction <minsi>, %select_n3A, %reduce_min3A_3353 [1] : vector<512x128xi32> to vector<512xi32>
    %broadcast_in_dim3A_3355 = vector.shape_cast %reduce_min3A_3354 : vector<512xi32> to vector<512x1xi32>
    %and3A_3356 = arith.constant 63 : i32
    %and3A_3357 = vector.broadcast %and3A_3356 : i32 to vector<512x1xi32>
    %and3A_3358 = arith.andi %broadcast_in_dim3A_3350, %and3A_3357 : vector<512x1xi32>
    %mul3A_3359 = arith.constant 128 : i32
    %mul3A_3360 = vector.broadcast %mul3A_3359 : i32 to vector<512x1xi32>
    %mul3A_3361 = arith.muli %and3A_3358, %mul3A_3360 : vector<512x1xi32>
    %add3A_3362 = arith.addi %mul3A_3361, %broadcast_in_dim3A_3355 : vector<512x1xi32>
    %add3A_3363 = vector.broadcast %mul3A_23 : i32 to vector<512x1xi32>
    %add3A_3364 = arith.addi %add3A_3362, %add3A_3363 : vector<512x1xi32>
    %eq3A_3365 = vector.broadcast %broadcast_in_dim3A_3355 : vector<512x1xi32> to vector<512x128xi32>
    %eq3A_3366 = arith.cmpi eq, %iota3A, %eq3A_3365 : vector<512x128xi32>
    %select_n3A_3367 = arith.select %eq3A_3366, %concatenate3A_3347, %concatenate3A : vector<512x128xi1>, vector<512x128xi32>
    %select_n3A_3368 = arith.select %eq3A_3366, %concatenate3A_3348, %concatenate3A_3347 : vector<512x128xi1>, vector<512x128xi32>
    %jit3A_3369 = arith.constant 2139095040 : i32
    %broadcast_in_dim3A_3370 = vector.broadcast %jit3A_3369 : i32 to vector<512x128xi32>
    %select_n3A_3371 = arith.select %eq3A_3366, %broadcast_in_dim3A_3370, %concatenate3A_3348 : vector<512x128xi1>, vector<512x128xi32>
    %reduce_min3A_3372 = arith.constant dense<2147483647> : vector<512xi32>
    %reduce_min3A_3373 = vector.multi_reduction <minsi>, %select_n3A_3367, %reduce_min3A_3372 [1] : vector<512x128xi32> to vector<512xi32>
    %broadcast_in_dim3A_3374 = vector.shape_cast %reduce_min3A_3373 : vector<512xi32> to vector<512x1xi32>
    %eq3A_3375 = vector.broadcast %broadcast_in_dim3A_3374 : vector<512x1xi32> to vector<512x128xi32>
    %eq3A_3376 = arith.cmpi eq, %select_n3A_3367, %eq3A_3375 : vector<512x128xi32>
    %jit3A_3377 = arith.constant 128 : i32
    %broadcast_in_dim3A_3378 = vector.broadcast %jit3A_3377 : i32 to vector<512x128xi32>
    %select_n3A_3379 = arith.select %eq3A_3376, %iota3A, %broadcast_in_dim3A_3378 : vector<512x128xi1>, vector<512x128xi32>
    %reduce_min3A_3380 = arith.constant dense<2147483647> : vector<512xi32>
    %reduce_min3A_3381 = vector.multi_reduction <minsi>, %select_n3A_3379, %reduce_min3A_3380 [1] : vector<512x128xi32> to vector<512xi32>
    %broadcast_in_dim3A_3382 = vector.shape_cast %reduce_min3A_3381 : vector<512xi32> to vector<512x1xi32>
    %and3A_3383 = arith.constant 63 : i32
    %and3A_3384 = vector.broadcast %and3A_3383 : i32 to vector<512x1xi32>
    %and3A_3385 = arith.andi %broadcast_in_dim3A_3374, %and3A_3384 : vector<512x1xi32>
    %mul3A_3386 = arith.constant 128 : i32
    %mul3A_3387 = vector.broadcast %mul3A_3386 : i32 to vector<512x1xi32>
    %mul3A_3388 = arith.muli %and3A_3385, %mul3A_3387 : vector<512x1xi32>
    %add3A_3389 = arith.addi %mul3A_3388, %broadcast_in_dim3A_3382 : vector<512x1xi32>
    %add3A_3390 = vector.broadcast %mul3A_23 : i32 to vector<512x1xi32>
    %add3A_3391 = arith.addi %add3A_3389, %add3A_3390 : vector<512x1xi32>
    %eq3A_3392 = vector.broadcast %broadcast_in_dim3A_3382 : vector<512x1xi32> to vector<512x128xi32>
    %eq3A_3393 = arith.cmpi eq, %iota3A, %eq3A_3392 : vector<512x128xi32>
    %select_n3A_3394 = arith.select %eq3A_3393, %select_n3A_3368, %select_n3A_3367 : vector<512x128xi1>, vector<512x128xi32>
    %select_n3A_3395 = arith.select %eq3A_3393, %select_n3A_3371, %select_n3A_3368 : vector<512x128xi1>, vector<512x128xi32>
    %jit3A_3396 = arith.constant 2139095040 : i32
    %broadcast_in_dim3A_3397 = vector.broadcast %jit3A_3396 : i32 to vector<512x128xi32>
    %select_n3A_3398 = arith.select %eq3A_3393, %broadcast_in_dim3A_3397, %select_n3A_3371 : vector<512x128xi1>, vector<512x128xi32>
    %reduce_min3A_3399 = arith.constant dense<2147483647> : vector<512xi32>
    %reduce_min3A_3400 = vector.multi_reduction <minsi>, %select_n3A_3394, %reduce_min3A_3399 [1] : vector<512x128xi32> to vector<512xi32>
    %broadcast_in_dim3A_3401 = vector.shape_cast %reduce_min3A_3400 : vector<512xi32> to vector<512x1xi32>
    %eq3A_3402 = vector.broadcast %broadcast_in_dim3A_3401 : vector<512x1xi32> to vector<512x128xi32>
    %eq3A_3403 = arith.cmpi eq, %select_n3A_3394, %eq3A_3402 : vector<512x128xi32>
    %jit3A_3404 = arith.constant 128 : i32
    %broadcast_in_dim3A_3405 = vector.broadcast %jit3A_3404 : i32 to vector<512x128xi32>
    %select_n3A_3406 = arith.select %eq3A_3403, %iota3A, %broadcast_in_dim3A_3405 : vector<512x128xi1>, vector<512x128xi32>
    %reduce_min3A_3407 = arith.constant dense<2147483647> : vector<512xi32>
    %reduce_min3A_3408 = vector.multi_reduction <minsi>, %select_n3A_3406, %reduce_min3A_3407 [1] : vector<512x128xi32> to vector<512xi32>
    %broadcast_in_dim3A_3409 = vector.shape_cast %reduce_min3A_3408 : vector<512xi32> to vector<512x1xi32>
    %and3A_3410 = arith.constant 63 : i32
    %and3A_3411 = vector.broadcast %and3A_3410 : i32 to vector<512x1xi32>
    %and3A_3412 = arith.andi %broadcast_in_dim3A_3401, %and3A_3411 : vector<512x1xi32>
    %mul3A_3413 = arith.constant 128 : i32
    %mul3A_3414 = vector.broadcast %mul3A_3413 : i32 to vector<512x1xi32>
    %mul3A_3415 = arith.muli %and3A_3412, %mul3A_3414 : vector<512x1xi32>
    %add3A_3416 = arith.addi %mul3A_3415, %broadcast_in_dim3A_3409 : vector<512x1xi32>
    %add3A_3417 = vector.broadcast %mul3A_23 : i32 to vector<512x1xi32>
    %add3A_3418 = arith.addi %add3A_3416, %add3A_3417 : vector<512x1xi32>
    %eq3A_3419 = vector.broadcast %broadcast_in_dim3A_3409 : vector<512x1xi32> to vector<512x128xi32>
    %eq3A_3420 = arith.cmpi eq, %iota3A, %eq3A_3419 : vector<512x128xi32>
    %select_n3A_3421 = arith.select %eq3A_3420, %select_n3A_3395, %select_n3A_3394 : vector<512x128xi1>, vector<512x128xi32>
    %select_n3A_3422 = arith.select %eq3A_3420, %select_n3A_3398, %select_n3A_3395 : vector<512x128xi1>, vector<512x128xi32>
    %jit3A_3423 = arith.constant 2139095040 : i32
    %broadcast_in_dim3A_3424 = vector.broadcast %jit3A_3423 : i32 to vector<512x128xi32>
    %select_n3A_3425 = arith.select %eq3A_3420, %broadcast_in_dim3A_3424, %select_n3A_3398 : vector<512x128xi1>, vector<512x128xi32>
    %reduce_min3A_3426 = arith.constant dense<2147483647> : vector<512xi32>
    %reduce_min3A_3427 = vector.multi_reduction <minsi>, %select_n3A_3421, %reduce_min3A_3426 [1] : vector<512x128xi32> to vector<512xi32>
    %broadcast_in_dim3A_3428 = vector.shape_cast %reduce_min3A_3427 : vector<512xi32> to vector<512x1xi32>
    %eq3A_3429 = vector.broadcast %broadcast_in_dim3A_3428 : vector<512x1xi32> to vector<512x128xi32>
    %eq3A_3430 = arith.cmpi eq, %select_n3A_3421, %eq3A_3429 : vector<512x128xi32>
    %jit3A_3431 = arith.constant 128 : i32
    %broadcast_in_dim3A_3432 = vector.broadcast %jit3A_3431 : i32 to vector<512x128xi32>
    %select_n3A_3433 = arith.select %eq3A_3430, %iota3A, %broadcast_in_dim3A_3432 : vector<512x128xi1>, vector<512x128xi32>
    %reduce_min3A_3434 = arith.constant dense<2147483647> : vector<512xi32>
    %reduce_min3A_3435 = vector.multi_reduction <minsi>, %select_n3A_3433, %reduce_min3A_3434 [1] : vector<512x128xi32> to vector<512xi32>
    %broadcast_in_dim3A_3436 = vector.shape_cast %reduce_min3A_3435 : vector<512xi32> to vector<512x1xi32>
    %and3A_3437 = arith.constant 63 : i32
    %and3A_3438 = vector.broadcast %and3A_3437 : i32 to vector<512x1xi32>
    %and3A_3439 = arith.andi %broadcast_in_dim3A_3428, %and3A_3438 : vector<512x1xi32>
    %mul3A_3440 = arith.constant 128 : i32
    %mul3A_3441 = vector.broadcast %mul3A_3440 : i32 to vector<512x1xi32>
    %mul3A_3442 = arith.muli %and3A_3439, %mul3A_3441 : vector<512x1xi32>
    %add3A_3443 = arith.addi %mul3A_3442, %broadcast_in_dim3A_3436 : vector<512x1xi32>
    %add3A_3444 = vector.broadcast %mul3A_23 : i32 to vector<512x1xi32>
    %add3A_3445 = arith.addi %add3A_3443, %add3A_3444 : vector<512x1xi32>
    %eq3A_3446 = vector.broadcast %broadcast_in_dim3A_3436 : vector<512x1xi32> to vector<512x128xi32>
    %eq3A_3447 = arith.cmpi eq, %iota3A, %eq3A_3446 : vector<512x128xi32>
    %select_n3A_3448 = arith.select %eq3A_3447, %select_n3A_3422, %select_n3A_3421 : vector<512x128xi1>, vector<512x128xi32>
    %select_n3A_3449 = arith.select %eq3A_3447, %select_n3A_3425, %select_n3A_3422 : vector<512x128xi1>, vector<512x128xi32>
    %jit3A_3450 = arith.constant 2139095040 : i32
    %broadcast_in_dim3A_3451 = vector.broadcast %jit3A_3450 : i32 to vector<512x128xi32>
    %select_n3A_3452 = arith.select %eq3A_3447, %broadcast_in_dim3A_3451, %select_n3A_3425 : vector<512x128xi1>, vector<512x128xi32>
    %reduce_min3A_3453 = arith.constant dense<2147483647> : vector<512xi32>
    %reduce_min3A_3454 = vector.multi_reduction <minsi>, %select_n3A_3448, %reduce_min3A_3453 [1] : vector<512x128xi32> to vector<512xi32>
    %broadcast_in_dim3A_3455 = vector.shape_cast %reduce_min3A_3454 : vector<512xi32> to vector<512x1xi32>
    %eq3A_3456 = vector.broadcast %broadcast_in_dim3A_3455 : vector<512x1xi32> to vector<512x128xi32>
    %eq3A_3457 = arith.cmpi eq, %select_n3A_3448, %eq3A_3456 : vector<512x128xi32>
    %jit3A_3458 = arith.constant 128 : i32
    %broadcast_in_dim3A_3459 = vector.broadcast %jit3A_3458 : i32 to vector<512x128xi32>
    %select_n3A_3460 = arith.select %eq3A_3457, %iota3A, %broadcast_in_dim3A_3459 : vector<512x128xi1>, vector<512x128xi32>
    %reduce_min3A_3461 = arith.constant dense<2147483647> : vector<512xi32>
    %reduce_min3A_3462 = vector.multi_reduction <minsi>, %select_n3A_3460, %reduce_min3A_3461 [1] : vector<512x128xi32> to vector<512xi32>
    %broadcast_in_dim3A_3463 = vector.shape_cast %reduce_min3A_3462 : vector<512xi32> to vector<512x1xi32>
    %and3A_3464 = arith.constant 63 : i32
    %and3A_3465 = vector.broadcast %and3A_3464 : i32 to vector<512x1xi32>
    %and3A_3466 = arith.andi %broadcast_in_dim3A_3455, %and3A_3465 : vector<512x1xi32>
    %mul3A_3467 = arith.constant 128 : i32
    %mul3A_3468 = vector.broadcast %mul3A_3467 : i32 to vector<512x1xi32>
    %mul3A_3469 = arith.muli %and3A_3466, %mul3A_3468 : vector<512x1xi32>
    %add3A_3470 = arith.addi %mul3A_3469, %broadcast_in_dim3A_3463 : vector<512x1xi32>
    %add3A_3471 = vector.broadcast %mul3A_23 : i32 to vector<512x1xi32>
    %add3A_3472 = arith.addi %add3A_3470, %add3A_3471 : vector<512x1xi32>
    %eq3A_3473 = vector.broadcast %broadcast_in_dim3A_3463 : vector<512x1xi32> to vector<512x128xi32>
    %eq3A_3474 = arith.cmpi eq, %iota3A, %eq3A_3473 : vector<512x128xi32>
    %select_n3A_3475 = arith.select %eq3A_3474, %select_n3A_3449, %select_n3A_3448 : vector<512x128xi1>, vector<512x128xi32>
    %select_n3A_3476 = arith.select %eq3A_3474, %select_n3A_3452, %select_n3A_3449 : vector<512x128xi1>, vector<512x128xi32>
    %jit3A_3477 = arith.constant 2139095040 : i32
    %broadcast_in_dim3A_3478 = vector.broadcast %jit3A_3477 : i32 to vector<512x128xi32>
    %select_n3A_3479 = arith.select %eq3A_3474, %broadcast_in_dim3A_3478, %select_n3A_3452 : vector<512x128xi1>, vector<512x128xi32>
    %reduce_min3A_3480 = arith.constant dense<2147483647> : vector<512xi32>
    %reduce_min3A_3481 = vector.multi_reduction <minsi>, %select_n3A_3475, %reduce_min3A_3480 [1] : vector<512x128xi32> to vector<512xi32>
    %broadcast_in_dim3A_3482 = vector.shape_cast %reduce_min3A_3481 : vector<512xi32> to vector<512x1xi32>
    %eq3A_3483 = vector.broadcast %broadcast_in_dim3A_3482 : vector<512x1xi32> to vector<512x128xi32>
    %eq3A_3484 = arith.cmpi eq, %select_n3A_3475, %eq3A_3483 : vector<512x128xi32>
    %jit3A_3485 = arith.constant 128 : i32
    %broadcast_in_dim3A_3486 = vector.broadcast %jit3A_3485 : i32 to vector<512x128xi32>
    %select_n3A_3487 = arith.select %eq3A_3484, %iota3A, %broadcast_in_dim3A_3486 : vector<512x128xi1>, vector<512x128xi32>
    %reduce_min3A_3488 = arith.constant dense<2147483647> : vector<512xi32>
    %reduce_min3A_3489 = vector.multi_reduction <minsi>, %select_n3A_3487, %reduce_min3A_3488 [1] : vector<512x128xi32> to vector<512xi32>
    %broadcast_in_dim3A_3490 = vector.shape_cast %reduce_min3A_3489 : vector<512xi32> to vector<512x1xi32>
    %and3A_3491 = arith.constant 63 : i32
    %and3A_3492 = vector.broadcast %and3A_3491 : i32 to vector<512x1xi32>
    %and3A_3493 = arith.andi %broadcast_in_dim3A_3482, %and3A_3492 : vector<512x1xi32>
    %mul3A_3494 = arith.constant 128 : i32
    %mul3A_3495 = vector.broadcast %mul3A_3494 : i32 to vector<512x1xi32>
    %mul3A_3496 = arith.muli %and3A_3493, %mul3A_3495 : vector<512x1xi32>
    %add3A_3497 = arith.addi %mul3A_3496, %broadcast_in_dim3A_3490 : vector<512x1xi32>
    %add3A_3498 = vector.broadcast %mul3A_23 : i32 to vector<512x1xi32>
    %add3A_3499 = arith.addi %add3A_3497, %add3A_3498 : vector<512x1xi32>
    %eq3A_3500 = vector.broadcast %broadcast_in_dim3A_3490 : vector<512x1xi32> to vector<512x128xi32>
    %eq3A_3501 = arith.cmpi eq, %iota3A, %eq3A_3500 : vector<512x128xi32>
    %select_n3A_3502 = arith.select %eq3A_3501, %select_n3A_3476, %select_n3A_3475 : vector<512x128xi1>, vector<512x128xi32>
    %select_n3A_3503 = arith.select %eq3A_3501, %select_n3A_3479, %select_n3A_3476 : vector<512x128xi1>, vector<512x128xi32>
    %jit3A_3504 = arith.constant 2139095040 : i32
    %broadcast_in_dim3A_3505 = vector.broadcast %jit3A_3504 : i32 to vector<512x128xi32>
    %select_n3A_3506 = arith.select %eq3A_3501, %broadcast_in_dim3A_3505, %select_n3A_3479 : vector<512x128xi1>, vector<512x128xi32>
    %reduce_min3A_3507 = arith.constant dense<2147483647> : vector<512xi32>
    %reduce_min3A_3508 = vector.multi_reduction <minsi>, %select_n3A_3502, %reduce_min3A_3507 [1] : vector<512x128xi32> to vector<512xi32>
    %broadcast_in_dim3A_3509 = vector.shape_cast %reduce_min3A_3508 : vector<512xi32> to vector<512x1xi32>
    %eq3A_3510 = vector.broadcast %broadcast_in_dim3A_3509 : vector<512x1xi32> to vector<512x128xi32>
    %eq3A_3511 = arith.cmpi eq, %select_n3A_3502, %eq3A_3510 : vector<512x128xi32>
    %jit3A_3512 = arith.constant 128 : i32
    %broadcast_in_dim3A_3513 = vector.broadcast %jit3A_3512 : i32 to vector<512x128xi32>
    %select_n3A_3514 = arith.select %eq3A_3511, %iota3A, %broadcast_in_dim3A_3513 : vector<512x128xi1>, vector<512x128xi32>
    %reduce_min3A_3515 = arith.constant dense<2147483647> : vector<512xi32>
    %reduce_min3A_3516 = vector.multi_reduction <minsi>, %select_n3A_3514, %reduce_min3A_3515 [1] : vector<512x128xi32> to vector<512xi32>
    %broadcast_in_dim3A_3517 = vector.shape_cast %reduce_min3A_3516 : vector<512xi32> to vector<512x1xi32>
    %and3A_3518 = arith.constant 63 : i32
    %and3A_3519 = vector.broadcast %and3A_3518 : i32 to vector<512x1xi32>
    %and3A_3520 = arith.andi %broadcast_in_dim3A_3509, %and3A_3519 : vector<512x1xi32>
    %mul3A_3521 = arith.constant 128 : i32
    %mul3A_3522 = vector.broadcast %mul3A_3521 : i32 to vector<512x1xi32>
    %mul3A_3523 = arith.muli %and3A_3520, %mul3A_3522 : vector<512x1xi32>
    %add3A_3524 = arith.addi %mul3A_3523, %broadcast_in_dim3A_3517 : vector<512x1xi32>
    %add3A_3525 = vector.broadcast %mul3A_23 : i32 to vector<512x1xi32>
    %add3A_3526 = arith.addi %add3A_3524, %add3A_3525 : vector<512x1xi32>
    %eq3A_3527 = vector.broadcast %broadcast_in_dim3A_3517 : vector<512x1xi32> to vector<512x128xi32>
    %eq3A_3528 = arith.cmpi eq, %iota3A, %eq3A_3527 : vector<512x128xi32>
    %select_n3A_3529 = arith.select %eq3A_3528, %select_n3A_3503, %select_n3A_3502 : vector<512x128xi1>, vector<512x128xi32>
    %select_n3A_3530 = arith.select %eq3A_3528, %select_n3A_3506, %select_n3A_3503 : vector<512x128xi1>, vector<512x128xi32>
    %reduce_min3A_3531 = arith.constant dense<2147483647> : vector<512xi32>
    %reduce_min3A_3532 = vector.multi_reduction <minsi>, %select_n3A_3529, %reduce_min3A_3531 [1] : vector<512x128xi32> to vector<512xi32>
    %broadcast_in_dim3A_3533 = vector.shape_cast %reduce_min3A_3532 : vector<512xi32> to vector<512x1xi32>
    %eq3A_3534 = vector.broadcast %broadcast_in_dim3A_3533 : vector<512x1xi32> to vector<512x128xi32>
    %eq3A_3535 = arith.cmpi eq, %select_n3A_3529, %eq3A_3534 : vector<512x128xi32>
    %jit3A_3536 = arith.constant 128 : i32
    %broadcast_in_dim3A_3537 = vector.broadcast %jit3A_3536 : i32 to vector<512x128xi32>
    %select_n3A_3538 = arith.select %eq3A_3535, %iota3A, %broadcast_in_dim3A_3537 : vector<512x128xi1>, vector<512x128xi32>
    %reduce_min3A_3539 = arith.constant dense<2147483647> : vector<512xi32>
    %reduce_min3A_3540 = vector.multi_reduction <minsi>, %select_n3A_3538, %reduce_min3A_3539 [1] : vector<512x128xi32> to vector<512xi32>
    %broadcast_in_dim3A_3541 = vector.shape_cast %reduce_min3A_3540 : vector<512xi32> to vector<512x1xi32>
    %and3A_3542 = arith.constant 63 : i32
    %and3A_3543 = vector.broadcast %and3A_3542 : i32 to vector<512x1xi32>
    %and3A_3544 = arith.andi %broadcast_in_dim3A_3533, %and3A_3543 : vector<512x1xi32>
    %mul3A_3545 = arith.constant 128 : i32
    %mul3A_3546 = vector.broadcast %mul3A_3545 : i32 to vector<512x1xi32>
    %mul3A_3547 = arith.muli %and3A_3544, %mul3A_3546 : vector<512x1xi32>
    %add3A_3548 = arith.addi %mul3A_3547, %broadcast_in_dim3A_3541 : vector<512x1xi32>
    %add3A_3549 = vector.broadcast %mul3A_23 : i32 to vector<512x1xi32>
    %add3A_3550 = arith.addi %add3A_3548, %add3A_3549 : vector<512x1xi32>
    %eq3A_3551 = vector.broadcast %broadcast_in_dim3A_3541 : vector<512x1xi32> to vector<512x128xi32>
    %eq3A_3552 = arith.cmpi eq, %iota3A, %eq3A_3551 : vector<512x128xi32>
    %select_n3A_3553 = arith.select %eq3A_3552, %select_n3A_3530, %select_n3A_3529 : vector<512x128xi1>, vector<512x128xi32>
    %reduce_min3A_3554 = arith.constant dense<2147483647> : vector<512xi32>
    %reduce_min3A_3555 = vector.multi_reduction <minsi>, %select_n3A_3553, %reduce_min3A_3554 [1] : vector<512x128xi32> to vector<512xi32>
    %broadcast_in_dim3A_3556 = vector.shape_cast %reduce_min3A_3555 : vector<512xi32> to vector<512x1xi32>
    %eq3A_3557 = vector.broadcast %broadcast_in_dim3A_3556 : vector<512x1xi32> to vector<512x128xi32>
    %eq3A_3558 = arith.cmpi eq, %select_n3A_3553, %eq3A_3557 : vector<512x128xi32>
    %jit3A_3559 = arith.constant 128 : i32
    %broadcast_in_dim3A_3560 = vector.broadcast %jit3A_3559 : i32 to vector<512x128xi32>
    %select_n3A_3561 = arith.select %eq3A_3558, %iota3A, %broadcast_in_dim3A_3560 : vector<512x128xi1>, vector<512x128xi32>
    %reduce_min3A_3562 = arith.constant dense<2147483647> : vector<512xi32>
    %reduce_min3A_3563 = vector.multi_reduction <minsi>, %select_n3A_3561, %reduce_min3A_3562 [1] : vector<512x128xi32> to vector<512xi32>
    %broadcast_in_dim3A_3564 = vector.shape_cast %reduce_min3A_3563 : vector<512xi32> to vector<512x1xi32>
    %and3A_3565 = arith.constant 63 : i32
    %and3A_3566 = vector.broadcast %and3A_3565 : i32 to vector<512x1xi32>
    %and3A_3567 = arith.andi %broadcast_in_dim3A_3556, %and3A_3566 : vector<512x1xi32>
    %mul3A_3568 = arith.constant 128 : i32
    %mul3A_3569 = vector.broadcast %mul3A_3568 : i32 to vector<512x1xi32>
    %mul3A_3570 = arith.muli %and3A_3567, %mul3A_3569 : vector<512x1xi32>
    %add3A_3571 = arith.addi %mul3A_3570, %broadcast_in_dim3A_3564 : vector<512x1xi32>
    %add3A_3572 = vector.broadcast %mul3A_23 : i32 to vector<512x1xi32>
    %add3A_3573 = arith.addi %add3A_3571, %add3A_3572 : vector<512x1xi32>
    %broadcast_in_dim3A_3574 = arith.constant 0 : i32
    %broadcast_in_dim3A_3575 = vector.broadcast %broadcast_in_dim3A_3574 : i32 to vector<512x7xi32>
    %concatenate3A_3576 = tpu.concatenate %add3A_3364, %add3A_3391, %add3A_3418, %add3A_3445, %add3A_3472, %add3A_3499, %add3A_3526, %add3A_3550, %add3A_3573, %broadcast_in_dim3A_3575 in 1 : vector<512x1xi32>, vector<512x1xi32>, vector<512x1xi32>, vector<512x1xi32>, vector<512x1xi32>, vector<512x1xi32>, vector<512x1xi32>, vector<512x1xi32>, vector<512x1xi32>, vector<512x7xi32> -> vector<512x16xi32>
    %swap3A = arith.constant 0 : index
    %swap3A_3577 = arith.constant 0 : index
    %swap3A_3578 = arith.constant 0 : index
    %swap3A_3579 = vector.load %arg6[%swap3A, %swap3A_3577, %swap3A_3578] : memref<1x512x16xi32, #tpu.memory_space<vmem>>, vector<1x512x16xi32>
    %swap3A_3580 = vector.shape_cast %swap3A_3579 : vector<1x512x16xi32> to vector<512x16xi32>
    %swap3A_3581 = vector.shape_cast %concatenate3A_3576 : vector<512x16xi32> to vector<1x512x16xi32>
    tpu.vector_store %arg6[%swap3A, %swap3A_3577, %swap3A_3578], %swap3A_3581 {strides = array<i32>} : memref<1x512x16xi32, #tpu.memory_space<vmem>>, vector<1x512x16xi32>,
    return
  }
  func.func @transform_0(%arg0: i32, %arg1: i32) -> (i32, i32, i32) {
    %c0_i32 = arith.constant 0 : i32
    %c0_i32_0 = arith.constant 0 : i32
    return %arg0, %arg1, %c0_i32 : i32, i32, i32
  }
  func.func @transform_1(%arg0: i32, %arg1: i32) -> (i32, i32, i32) {
    %c0_i32 = arith.constant 0 : i32
    %c0_i32_0 = arith.constant 0 : i32
    %c0_i32_1 = arith.constant 0 : i32
    return %arg0, %c0_i32, %c0_i32_0 : i32, i32, i32
  }
  func.func @transform_2(%arg0: i32, %arg1: i32) -> (i32, i32, i32) {
    %c0_i32 = arith.constant 0 : i32
    %c0_i32_0 = arith.constant 0 : i32
    return %arg0, %arg1, %c0_i32 : i32, i32, i32
  }
  func.func @transform_3(%arg0: i32, %arg1: i32) -> (i32, i32, i32) {
    %c0_i32 = arith.constant 0 : i32
    %c0_i32_0 = arith.constant 0 : i32
    %c0_i32_1 = arith.constant 0 : i32
    return %arg0, %c0_i32, %c0_i32_0 : i32, i32, i32
  }
  func.func @transform_4(%arg0: i32, %arg1: i32) -> (i32, i32, i32) {
    %c0_i32 = arith.constant 0 : i32
    %c0_i32_0 = arith.constant 0 : i32
    return %arg0, %arg1, %c0_i32 : i32, i32, i32
  }
}

module attributes {stable_mosaic.version = 14 : i64} {
  func.func @_conv_body(%arg0: i32, %arg1: memref<9x512x128xf32, #tpu.memory_space<vmem>>, %arg2: memref<512x128xf32, #tpu.memory_space<vmem>>, %arg3: memref<3x128x64xf32, #tpu.memory_space<vmem>>, %arg4: memref<3x128x64xf32, #tpu.memory_space<vmem>>, %arg5: memref<4x64x64xf32, #tpu.memory_space<vmem>>, %arg6: memref<64x3xf32, #tpu.memory_space<vmem>>, %arg7: memref<3x64xf32, #tpu.memory_space<vmem>>, %arg8: memref<1x3xf32, #tpu.memory_space<vmem>>, %arg9: memref<64x512xf32, #tpu.memory_space<vmem>>, %arg10: memref<3x512xf32, #tpu.memory_space<vmem>>) attributes {dimension_semantics = [#tpu.dimension_semantics<arbitrary>], iteration_bounds = array<i64: 16>, scalar_prefetch = 0 : i64, scratch_operands = 0 : i64, tpu.core_type = #tpu.core_type<tc>, window_params = [{transform_indices = @transform_0, window_bounds = array<i64: 9, 512, 128>}, {transform_indices = @transform_1, window_bounds = array<i64: 512, 128>}, {pipeline_mode = #tpu.pipeline_mode<synchronous>, transform_indices = @transform_2, window_bounds = array<i64: 3, 128, 64>}, {pipeline_mode = #tpu.pipeline_mode<synchronous>, transform_indices = @transform_3, window_bounds = array<i64: 3, 128, 64>}, {pipeline_mode = #tpu.pipeline_mode<synchronous>, transform_indices = @transform_4, window_bounds = array<i64: 4, 64, 64>}, {pipeline_mode = #tpu.pipeline_mode<synchronous>, transform_indices = @transform_5, window_bounds = array<i64: 64, 3>}, {pipeline_mode = #tpu.pipeline_mode<synchronous>, transform_indices = @transform_6, window_bounds = array<i64: 3, 64>}, {pipeline_mode = #tpu.pipeline_mode<synchronous>, transform_indices = @transform_7, window_bounds = array<i64: 1, 3>}, {transform_indices = @transform_8, window_bounds = array<i64: 64, 512>}, {transform_indices = @transform_9, window_bounds = array<i64: 3, 512>}]} {
    %get3A = arith.constant 0 : index
    %get3A_0 = arith.constant 0 : index
    %get3A_1 = vector.load %arg2[%get3A, %get3A_0] : memref<512x128xf32, #tpu.memory_space<vmem>>, vector<512x128xf32>
    %slice3A = vector.extract_strided_slice %get3A_1 {offsets = [0, 0], sizes = [512, 64], strides = [1, 1]} : vector<512x128xf32> to vector<512x64xf32>
    %get3A_2 = arith.constant 0 : index
    %get3A_3 = arith.constant 0 : index
    %get3A_4 = arith.constant 0 : index
    %get3A_5 = vector.load %arg3[%get3A_2, %get3A_3, %get3A_4] : memref<3x128x64xf32, #tpu.memory_space<vmem>>, vector<1x128x64xf32>
    %get3A_6 = vector.shape_cast %get3A_5 : vector<1x128x64xf32> to vector<128x64xf32>
    %get3A_7 = arith.constant 1 : index
    %get3A_8 = arith.constant 0 : index
    %get3A_9 = arith.constant 0 : index
    %get3A_10 = vector.load %arg3[%get3A_7, %get3A_8, %get3A_9] : memref<3x128x64xf32, #tpu.memory_space<vmem>>, vector<1x128x64xf32>
    %get3A_11 = vector.shape_cast %get3A_10 : vector<1x128x64xf32> to vector<128x64xf32>
    %get3A_12 = arith.constant 2 : index
    %get3A_13 = arith.constant 0 : index
    %get3A_14 = arith.constant 0 : index
    %get3A_15 = vector.load %arg3[%get3A_12, %get3A_13, %get3A_14] : memref<3x128x64xf32, #tpu.memory_space<vmem>>, vector<1x128x64xf32>
    %get3A_16 = vector.shape_cast %get3A_15 : vector<1x128x64xf32> to vector<128x64xf32>
    %get3A_17 = arith.constant 0 : index
    %get3A_18 = arith.constant 0 : index
    %get3A_19 = arith.constant 0 : index
    %get3A_20 = vector.load %arg4[%get3A_17, %get3A_18, %get3A_19] : memref<3x128x64xf32, #tpu.memory_space<vmem>>, vector<1x128x64xf32>
    %get3A_21 = vector.shape_cast %get3A_20 : vector<1x128x64xf32> to vector<128x64xf32>
    %dot_general3A = arith.constant dense<0.000000e+00> : vector<512x64xf32>
    %dot_general3A_22 = tpu.matmul %get3A_1, %get3A_21, %dot_general3A {dimension_numbers = #tpu.dot_dimension_numbers<[1], [0], [0], [1], [0, 0, 1, 1], [], []>, transpose_lhs_hint = false} : vector<512x128xf32>, vector<128x64xf32>, vector<512x64xf32> -> vector<512x64xf32>
    %get3A_23 = arith.constant 1 : index
    %get3A_24 = arith.constant 0 : index
    %get3A_25 = arith.constant 0 : index
    %get3A_26 = vector.load %arg4[%get3A_23, %get3A_24, %get3A_25] : memref<3x128x64xf32, #tpu.memory_space<vmem>>, vector<1x128x64xf32>
    %get3A_27 = vector.shape_cast %get3A_26 : vector<1x128x64xf32> to vector<128x64xf32>
    %dot_general3A_28 = arith.constant dense<0.000000e+00> : vector<512x64xf32>
    %dot_general3A_29 = tpu.matmul %get3A_1, %get3A_27, %dot_general3A_28 {dimension_numbers = #tpu.dot_dimension_numbers<[1], [0], [0], [1], [0, 0, 1, 1], [], []>, transpose_lhs_hint = false} : vector<512x128xf32>, vector<128x64xf32>, vector<512x64xf32> -> vector<512x64xf32>
    %get3A_30 = arith.constant 2 : index
    %get3A_31 = arith.constant 0 : index
    %get3A_32 = arith.constant 0 : index
    %get3A_33 = vector.load %arg4[%get3A_30, %get3A_31, %get3A_32] : memref<3x128x64xf32, #tpu.memory_space<vmem>>, vector<1x128x64xf32>
    %get3A_34 = vector.shape_cast %get3A_33 : vector<1x128x64xf32> to vector<128x64xf32>
    %dot_general3A_35 = arith.constant dense<0.000000e+00> : vector<512x64xf32>
    %dot_general3A_36 = tpu.matmul %get3A_1, %get3A_34, %dot_general3A_35 {dimension_numbers = #tpu.dot_dimension_numbers<[1], [0], [0], [1], [0, 0, 1, 1], [], []>, transpose_lhs_hint = false} : vector<512x128xf32>, vector<128x64xf32>, vector<512x64xf32> -> vector<512x64xf32>
    %get3A_37 = arith.constant 0 : index
    %get3A_38 = arith.constant 0 : index
    %get3A_39 = arith.constant 0 : index
    %get3A_40 = vector.load %arg5[%get3A_37, %get3A_38, %get3A_39] : memref<4x64x64xf32, #tpu.memory_space<vmem>>, vector<1x64x64xf32>
    %get3A_41 = vector.shape_cast %get3A_40 : vector<1x64x64xf32> to vector<64x64xf32>
    %get3A_42 = arith.constant 1 : index
    %get3A_43 = arith.constant 0 : index
    %get3A_44 = arith.constant 0 : index
    %get3A_45 = vector.load %arg5[%get3A_42, %get3A_43, %get3A_44] : memref<4x64x64xf32, #tpu.memory_space<vmem>>, vector<1x64x64xf32>
    %get3A_46 = vector.shape_cast %get3A_45 : vector<1x64x64xf32> to vector<64x64xf32>
    %get3A_47 = arith.constant 2 : index
    %get3A_48 = arith.constant 0 : index
    %get3A_49 = arith.constant 0 : index
    %get3A_50 = vector.load %arg5[%get3A_47, %get3A_48, %get3A_49] : memref<4x64x64xf32, #tpu.memory_space<vmem>>, vector<1x64x64xf32>
    %get3A_51 = vector.shape_cast %get3A_50 : vector<1x64x64xf32> to vector<64x64xf32>
    %get3A_52 = arith.constant 3 : index
    %get3A_53 = arith.constant 0 : index
    %get3A_54 = arith.constant 0 : index
    %get3A_55 = vector.load %arg5[%get3A_52, %get3A_53, %get3A_54] : memref<4x64x64xf32, #tpu.memory_space<vmem>>, vector<1x64x64xf32>
    %get3A_56 = vector.shape_cast %get3A_55 : vector<1x64x64xf32> to vector<64x64xf32>
    %get3A_57 = arith.constant 0 : index
    %get3A_58 = arith.constant 0 : index
    %get3A_59 = arith.constant 0 : index
    %get3A_60 = vector.load %arg1[%get3A_57, %get3A_58, %get3A_59] : memref<9x512x128xf32, #tpu.memory_space<vmem>>, vector<9x512x128xf32>
    %reshape3A = vector.shape_cast %get3A_60 : vector<9x512x128xf32> to vector<4608x128xf32>
    %dot_general3A_61 = arith.constant dense<0.000000e+00> : vector<4608x64xf32>
    %dot_general3A_62 = tpu.matmul %reshape3A, %get3A_6, %dot_general3A_61 {dimension_numbers = #tpu.dot_dimension_numbers<[1], [0], [0], [1], [0, 0, 1, 1], [], []>, transpose_lhs_hint = false} : vector<4608x128xf32>, vector<128x64xf32>, vector<4608x64xf32> -> vector<4608x64xf32>
    %dot_general3A_63 = arith.constant dense<0.000000e+00> : vector<4608x64xf32>
    %dot_general3A_64 = tpu.matmul %reshape3A, %get3A_11, %dot_general3A_63 {dimension_numbers = #tpu.dot_dimension_numbers<[1], [0], [0], [1], [0, 0, 1, 1], [], []>, transpose_lhs_hint = false} : vector<4608x128xf32>, vector<128x64xf32>, vector<4608x64xf32> -> vector<4608x64xf32>
    %dot_general3A_65 = arith.constant dense<0.000000e+00> : vector<4608x64xf32>
    %dot_general3A_66 = tpu.matmul %reshape3A, %get3A_16, %dot_general3A_65 {dimension_numbers = #tpu.dot_dimension_numbers<[1], [0], [0], [1], [0, 0, 1, 1], [], []>, transpose_lhs_hint = false} : vector<4608x128xf32>, vector<128x64xf32>, vector<4608x64xf32> -> vector<4608x64xf32>
    %slice3A_67 = vector.extract_strided_slice %dot_general3A_62 {offsets = [0, 0], sizes = [512, 64], strides = [1, 1]} : vector<4608x64xf32> to vector<512x64xf32>
    %add3A = arith.addf %slice3A_67, %dot_general3A_22 : vector<512x64xf32>
    %ge3A = arith.constant 0.000000e+00 : f32
    %ge3A_68 = vector.broadcast %ge3A : f32 to vector<512x64xf32>
    %ge3A_69 = arith.cmpf oge, %add3A, %ge3A_68 : vector<512x64xf32>
    %mul3A = arith.constant 1.000000e-01 : f32
    %mul3A_70 = vector.broadcast %mul3A : f32 to vector<512x64xf32>
    %mul3A_71 = arith.mulf %mul3A_70, %add3A : vector<512x64xf32>
    %select_n3A = arith.select %ge3A_69, %add3A, %mul3A_71 : vector<512x64xi1>, vector<512x64xf32>
    %slice3A_72 = vector.extract_strided_slice %dot_general3A_64 {offsets = [0, 0], sizes = [512, 64], strides = [1, 1]} : vector<4608x64xf32> to vector<512x64xf32>
    %add3A_73 = arith.addf %slice3A_72, %dot_general3A_29 : vector<512x64xf32>
    %ge3A_74 = arith.constant 0.000000e+00 : f32
    %ge3A_75 = vector.broadcast %ge3A_74 : f32 to vector<512x64xf32>
    %ge3A_76 = arith.cmpf oge, %add3A_73, %ge3A_75 : vector<512x64xf32>
    %mul3A_77 = arith.constant 1.000000e-01 : f32
    %mul3A_78 = vector.broadcast %mul3A_77 : f32 to vector<512x64xf32>
    %mul3A_79 = arith.mulf %mul3A_78, %add3A_73 : vector<512x64xf32>
    %select_n3A_80 = arith.select %ge3A_76, %add3A_73, %mul3A_79 : vector<512x64xi1>, vector<512x64xf32>
    %slice3A_81 = vector.extract_strided_slice %dot_general3A_62 {offsets = [512, 0], sizes = [512, 64], strides = [1, 1]} : vector<4608x64xf32> to vector<512x64xf32>
    %add3A_82 = arith.addf %slice3A_81, %dot_general3A_22 : vector<512x64xf32>
    %ge3A_83 = arith.constant 0.000000e+00 : f32
    %ge3A_84 = vector.broadcast %ge3A_83 : f32 to vector<512x64xf32>
    %ge3A_85 = arith.cmpf oge, %add3A_82, %ge3A_84 : vector<512x64xf32>
    %mul3A_86 = arith.constant 1.000000e-01 : f32
    %mul3A_87 = vector.broadcast %mul3A_86 : f32 to vector<512x64xf32>
    %mul3A_88 = arith.mulf %mul3A_87, %add3A_82 : vector<512x64xf32>
    %select_n3A_89 = arith.select %ge3A_85, %add3A_82, %mul3A_88 : vector<512x64xi1>, vector<512x64xf32>
    %slice3A_90 = vector.extract_strided_slice %dot_general3A_64 {offsets = [512, 0], sizes = [512, 64], strides = [1, 1]} : vector<4608x64xf32> to vector<512x64xf32>
    %add3A_91 = arith.addf %slice3A_90, %dot_general3A_29 : vector<512x64xf32>
    %ge3A_92 = arith.constant 0.000000e+00 : f32
    %ge3A_93 = vector.broadcast %ge3A_92 : f32 to vector<512x64xf32>
    %ge3A_94 = arith.cmpf oge, %add3A_91, %ge3A_93 : vector<512x64xf32>
    %mul3A_95 = arith.constant 1.000000e-01 : f32
    %mul3A_96 = vector.broadcast %mul3A_95 : f32 to vector<512x64xf32>
    %mul3A_97 = arith.mulf %mul3A_96, %add3A_91 : vector<512x64xf32>
    %select_n3A_98 = arith.select %ge3A_94, %add3A_91, %mul3A_97 : vector<512x64xi1>, vector<512x64xf32>
    %max3A = arith.maximumf %select_n3A_80, %select_n3A_98 : vector<512x64xf32>
    %slice3A_99 = vector.extract_strided_slice %dot_general3A_62 {offsets = [1024, 0], sizes = [512, 64], strides = [1, 1]} : vector<4608x64xf32> to vector<512x64xf32>
    %add3A_100 = arith.addf %slice3A_99, %dot_general3A_22 : vector<512x64xf32>
    %ge3A_101 = arith.constant 0.000000e+00 : f32
    %ge3A_102 = vector.broadcast %ge3A_101 : f32 to vector<512x64xf32>
    %ge3A_103 = arith.cmpf oge, %add3A_100, %ge3A_102 : vector<512x64xf32>
    %mul3A_104 = arith.constant 1.000000e-01 : f32
    %mul3A_105 = vector.broadcast %mul3A_104 : f32 to vector<512x64xf32>
    %mul3A_106 = arith.mulf %mul3A_105, %add3A_100 : vector<512x64xf32>
    %select_n3A_107 = arith.select %ge3A_103, %add3A_100, %mul3A_106 : vector<512x64xi1>, vector<512x64xf32>
    %slice3A_108 = vector.extract_strided_slice %dot_general3A_64 {offsets = [1024, 0], sizes = [512, 64], strides = [1, 1]} : vector<4608x64xf32> to vector<512x64xf32>
    %add3A_109 = arith.addf %slice3A_108, %dot_general3A_29 : vector<512x64xf32>
    %ge3A_110 = arith.constant 0.000000e+00 : f32
    %ge3A_111 = vector.broadcast %ge3A_110 : f32 to vector<512x64xf32>
    %ge3A_112 = arith.cmpf oge, %add3A_109, %ge3A_111 : vector<512x64xf32>
    %mul3A_113 = arith.constant 1.000000e-01 : f32
    %mul3A_114 = vector.broadcast %mul3A_113 : f32 to vector<512x64xf32>
    %mul3A_115 = arith.mulf %mul3A_114, %add3A_109 : vector<512x64xf32>
    %select_n3A_116 = arith.select %ge3A_112, %add3A_109, %mul3A_115 : vector<512x64xi1>, vector<512x64xf32>
    %max3A_117 = arith.maximumf %max3A, %select_n3A_116 : vector<512x64xf32>
    %slice3A_118 = vector.extract_strided_slice %dot_general3A_62 {offsets = [1536, 0], sizes = [512, 64], strides = [1, 1]} : vector<4608x64xf32> to vector<512x64xf32>
    %add3A_119 = arith.addf %slice3A_118, %dot_general3A_22 : vector<512x64xf32>
    %ge3A_120 = arith.constant 0.000000e+00 : f32
    %ge3A_121 = vector.broadcast %ge3A_120 : f32 to vector<512x64xf32>
    %ge3A_122 = arith.cmpf oge, %add3A_119, %ge3A_121 : vector<512x64xf32>
    %mul3A_123 = arith.constant 1.000000e-01 : f32
    %mul3A_124 = vector.broadcast %mul3A_123 : f32 to vector<512x64xf32>
    %mul3A_125 = arith.mulf %mul3A_124, %add3A_119 : vector<512x64xf32>
    %select_n3A_126 = arith.select %ge3A_122, %add3A_119, %mul3A_125 : vector<512x64xi1>, vector<512x64xf32>
    %slice3A_127 = vector.extract_strided_slice %dot_general3A_64 {offsets = [1536, 0], sizes = [512, 64], strides = [1, 1]} : vector<4608x64xf32> to vector<512x64xf32>
    %add3A_128 = arith.addf %slice3A_127, %dot_general3A_29 : vector<512x64xf32>
    %ge3A_129 = arith.constant 0.000000e+00 : f32
    %ge3A_130 = vector.broadcast %ge3A_129 : f32 to vector<512x64xf32>
    %ge3A_131 = arith.cmpf oge, %add3A_128, %ge3A_130 : vector<512x64xf32>
    %mul3A_132 = arith.constant 1.000000e-01 : f32
    %mul3A_133 = vector.broadcast %mul3A_132 : f32 to vector<512x64xf32>
    %mul3A_134 = arith.mulf %mul3A_133, %add3A_128 : vector<512x64xf32>
    %select_n3A_135 = arith.select %ge3A_131, %add3A_128, %mul3A_134 : vector<512x64xi1>, vector<512x64xf32>
    %max3A_136 = arith.maximumf %max3A_117, %select_n3A_135 : vector<512x64xf32>
    %slice3A_137 = vector.extract_strided_slice %dot_general3A_62 {offsets = [2048, 0], sizes = [512, 64], strides = [1, 1]} : vector<4608x64xf32> to vector<512x64xf32>
    %add3A_138 = arith.addf %slice3A_137, %dot_general3A_22 : vector<512x64xf32>
    %ge3A_139 = arith.constant 0.000000e+00 : f32
    %ge3A_140 = vector.broadcast %ge3A_139 : f32 to vector<512x64xf32>
    %ge3A_141 = arith.cmpf oge, %add3A_138, %ge3A_140 : vector<512x64xf32>
    %mul3A_142 = arith.constant 1.000000e-01 : f32
    %mul3A_143 = vector.broadcast %mul3A_142 : f32 to vector<512x64xf32>
    %mul3A_144 = arith.mulf %mul3A_143, %add3A_138 : vector<512x64xf32>
    %select_n3A_145 = arith.select %ge3A_141, %add3A_138, %mul3A_144 : vector<512x64xi1>, vector<512x64xf32>
    %slice3A_146 = vector.extract_strided_slice %dot_general3A_64 {offsets = [2048, 0], sizes = [512, 64], strides = [1, 1]} : vector<4608x64xf32> to vector<512x64xf32>
    %add3A_147 = arith.addf %slice3A_146, %dot_general3A_29 : vector<512x64xf32>
    %ge3A_148 = arith.constant 0.000000e+00 : f32
    %ge3A_149 = vector.broadcast %ge3A_148 : f32 to vector<512x64xf32>
    %ge3A_150 = arith.cmpf oge, %add3A_147, %ge3A_149 : vector<512x64xf32>
    %mul3A_151 = arith.constant 1.000000e-01 : f32
    %mul3A_152 = vector.broadcast %mul3A_151 : f32 to vector<512x64xf32>
    %mul3A_153 = arith.mulf %mul3A_152, %add3A_147 : vector<512x64xf32>
    %select_n3A_154 = arith.select %ge3A_150, %add3A_147, %mul3A_153 : vector<512x64xi1>, vector<512x64xf32>
    %max3A_155 = arith.maximumf %max3A_136, %select_n3A_154 : vector<512x64xf32>
    %slice3A_156 = vector.extract_strided_slice %dot_general3A_62 {offsets = [2560, 0], sizes = [512, 64], strides = [1, 1]} : vector<4608x64xf32> to vector<512x64xf32>
    %add3A_157 = arith.addf %slice3A_156, %dot_general3A_22 : vector<512x64xf32>
    %ge3A_158 = arith.constant 0.000000e+00 : f32
    %ge3A_159 = vector.broadcast %ge3A_158 : f32 to vector<512x64xf32>
    %ge3A_160 = arith.cmpf oge, %add3A_157, %ge3A_159 : vector<512x64xf32>
    %mul3A_161 = arith.constant 1.000000e-01 : f32
    %mul3A_162 = vector.broadcast %mul3A_161 : f32 to vector<512x64xf32>
    %mul3A_163 = arith.mulf %mul3A_162, %add3A_157 : vector<512x64xf32>
    %select_n3A_164 = arith.select %ge3A_160, %add3A_157, %mul3A_163 : vector<512x64xi1>, vector<512x64xf32>
    %slice3A_165 = vector.extract_strided_slice %dot_general3A_64 {offsets = [2560, 0], sizes = [512, 64], strides = [1, 1]} : vector<4608x64xf32> to vector<512x64xf32>
    %add3A_166 = arith.addf %slice3A_165, %dot_general3A_29 : vector<512x64xf32>
    %ge3A_167 = arith.constant 0.000000e+00 : f32
    %ge3A_168 = vector.broadcast %ge3A_167 : f32 to vector<512x64xf32>
    %ge3A_169 = arith.cmpf oge, %add3A_166, %ge3A_168 : vector<512x64xf32>
    %mul3A_170 = arith.constant 1.000000e-01 : f32
    %mul3A_171 = vector.broadcast %mul3A_170 : f32 to vector<512x64xf32>
    %mul3A_172 = arith.mulf %mul3A_171, %add3A_166 : vector<512x64xf32>
    %select_n3A_173 = arith.select %ge3A_169, %add3A_166, %mul3A_172 : vector<512x64xi1>, vector<512x64xf32>
    %max3A_174 = arith.maximumf %max3A_155, %select_n3A_173 : vector<512x64xf32>
    %slice3A_175 = vector.extract_strided_slice %dot_general3A_62 {offsets = [3072, 0], sizes = [512, 64], strides = [1, 1]} : vector<4608x64xf32> to vector<512x64xf32>
    %add3A_176 = arith.addf %slice3A_175, %dot_general3A_22 : vector<512x64xf32>
    %ge3A_177 = arith.constant 0.000000e+00 : f32
    %ge3A_178 = vector.broadcast %ge3A_177 : f32 to vector<512x64xf32>
    %ge3A_179 = arith.cmpf oge, %add3A_176, %ge3A_178 : vector<512x64xf32>
    %mul3A_180 = arith.constant 1.000000e-01 : f32
    %mul3A_181 = vector.broadcast %mul3A_180 : f32 to vector<512x64xf32>
    %mul3A_182 = arith.mulf %mul3A_181, %add3A_176 : vector<512x64xf32>
    %select_n3A_183 = arith.select %ge3A_179, %add3A_176, %mul3A_182 : vector<512x64xi1>, vector<512x64xf32>
    %slice3A_184 = vector.extract_strided_slice %dot_general3A_64 {offsets = [3072, 0], sizes = [512, 64], strides = [1, 1]} : vector<4608x64xf32> to vector<512x64xf32>
    %add3A_185 = arith.addf %slice3A_184, %dot_general3A_29 : vector<512x64xf32>
    %ge3A_186 = arith.constant 0.000000e+00 : f32
    %ge3A_187 = vector.broadcast %ge3A_186 : f32 to vector<512x64xf32>
    %ge3A_188 = arith.cmpf oge, %add3A_185, %ge3A_187 : vector<512x64xf32>
    %mul3A_189 = arith.constant 1.000000e-01 : f32
    %mul3A_190 = vector.broadcast %mul3A_189 : f32 to vector<512x64xf32>
    %mul3A_191 = arith.mulf %mul3A_190, %add3A_185 : vector<512x64xf32>
    %select_n3A_192 = arith.select %ge3A_188, %add3A_185, %mul3A_191 : vector<512x64xi1>, vector<512x64xf32>
    %max3A_193 = arith.maximumf %max3A_174, %select_n3A_192 : vector<512x64xf32>
    %slice3A_194 = vector.extract_strided_slice %dot_general3A_62 {offsets = [3584, 0], sizes = [512, 64], strides = [1, 1]} : vector<4608x64xf32> to vector<512x64xf32>
    %add3A_195 = arith.addf %slice3A_194, %dot_general3A_22 : vector<512x64xf32>
    %ge3A_196 = arith.constant 0.000000e+00 : f32
    %ge3A_197 = vector.broadcast %ge3A_196 : f32 to vector<512x64xf32>
    %ge3A_198 = arith.cmpf oge, %add3A_195, %ge3A_197 : vector<512x64xf32>
    %mul3A_199 = arith.constant 1.000000e-01 : f32
    %mul3A_200 = vector.broadcast %mul3A_199 : f32 to vector<512x64xf32>
    %mul3A_201 = arith.mulf %mul3A_200, %add3A_195 : vector<512x64xf32>
    %select_n3A_202 = arith.select %ge3A_198, %add3A_195, %mul3A_201 : vector<512x64xi1>, vector<512x64xf32>
    %slice3A_203 = vector.extract_strided_slice %dot_general3A_64 {offsets = [3584, 0], sizes = [512, 64], strides = [1, 1]} : vector<4608x64xf32> to vector<512x64xf32>
    %add3A_204 = arith.addf %slice3A_203, %dot_general3A_29 : vector<512x64xf32>
    %ge3A_205 = arith.constant 0.000000e+00 : f32
    %ge3A_206 = vector.broadcast %ge3A_205 : f32 to vector<512x64xf32>
    %ge3A_207 = arith.cmpf oge, %add3A_204, %ge3A_206 : vector<512x64xf32>
    %mul3A_208 = arith.constant 1.000000e-01 : f32
    %mul3A_209 = vector.broadcast %mul3A_208 : f32 to vector<512x64xf32>
    %mul3A_210 = arith.mulf %mul3A_209, %add3A_204 : vector<512x64xf32>
    %select_n3A_211 = arith.select %ge3A_207, %add3A_204, %mul3A_210 : vector<512x64xi1>, vector<512x64xf32>
    %max3A_212 = arith.maximumf %max3A_193, %select_n3A_211 : vector<512x64xf32>
    %slice3A_213 = vector.extract_strided_slice %dot_general3A_62 {offsets = [4096, 0], sizes = [512, 64], strides = [1, 1]} : vector<4608x64xf32> to vector<512x64xf32>
    %add3A_214 = arith.addf %slice3A_213, %dot_general3A_22 : vector<512x64xf32>
    %ge3A_215 = arith.constant 0.000000e+00 : f32
    %ge3A_216 = vector.broadcast %ge3A_215 : f32 to vector<512x64xf32>
    %ge3A_217 = arith.cmpf oge, %add3A_214, %ge3A_216 : vector<512x64xf32>
    %mul3A_218 = arith.constant 1.000000e-01 : f32
    %mul3A_219 = vector.broadcast %mul3A_218 : f32 to vector<512x64xf32>
    %mul3A_220 = arith.mulf %mul3A_219, %add3A_214 : vector<512x64xf32>
    %select_n3A_221 = arith.select %ge3A_217, %add3A_214, %mul3A_220 : vector<512x64xi1>, vector<512x64xf32>
    %slice3A_222 = vector.extract_strided_slice %dot_general3A_64 {offsets = [4096, 0], sizes = [512, 64], strides = [1, 1]} : vector<4608x64xf32> to vector<512x64xf32>
    %add3A_223 = arith.addf %slice3A_222, %dot_general3A_29 : vector<512x64xf32>
    %ge3A_224 = arith.constant 0.000000e+00 : f32
    %ge3A_225 = vector.broadcast %ge3A_224 : f32 to vector<512x64xf32>
    %ge3A_226 = arith.cmpf oge, %add3A_223, %ge3A_225 : vector<512x64xf32>
    %mul3A_227 = arith.constant 1.000000e-01 : f32
    %mul3A_228 = vector.broadcast %mul3A_227 : f32 to vector<512x64xf32>
    %mul3A_229 = arith.mulf %mul3A_228, %add3A_223 : vector<512x64xf32>
    %select_n3A_230 = arith.select %ge3A_226, %add3A_223, %mul3A_229 : vector<512x64xi1>, vector<512x64xf32>
    %max3A_231 = arith.maximumf %max3A_212, %select_n3A_230 : vector<512x64xf32>
    %dot_general3A_232 = arith.constant dense<0.000000e+00> : vector<512x64xf32>
    %dot_general3A_233 = tpu.matmul %max3A_231, %get3A_46, %dot_general3A_232 {dimension_numbers = #tpu.dot_dimension_numbers<[1], [0], [0], [1], [0, 0, 1, 1], [], []>, transpose_lhs_hint = false} : vector<512x64xf32>, vector<64x64xf32>, vector<512x64xf32> -> vector<512x64xf32>
    %get3A_234 = arith.constant 1 : index
    %get3A_235 = arith.constant 0 : index
    %get3A_236 = vector.load %arg7[%get3A_234, %get3A_235] : memref<3x64xf32, #tpu.memory_space<vmem>>, vector<1x64xf32>
    %add3A_237 = vector.broadcast %get3A_236 : vector<1x64xf32> to vector<512x64xf32>
    %add3A_238 = arith.addf %dot_general3A_233, %add3A_237 : vector<512x64xf32>
    %logistic3A = arith.negf %add3A_238 : vector<512x64xf32>
    %logistic3A_239 = math.exp %logistic3A : vector<512x64xf32>
    %logistic3A_240 = arith.constant 1.000000e+00 : f32
    %logistic3A_241 = vector.broadcast %logistic3A_240 : f32 to vector<512x64xf32>
    %logistic3A_242 = arith.addf %logistic3A_241, %logistic3A_239 : vector<512x64xf32>
    %logistic3A_243 = arith.divf %logistic3A_241, %logistic3A_242 : vector<512x64xf32>
    %concatenate3A = tpu.concatenate %select_n3A, %select_n3A_89, %select_n3A_107, %select_n3A_126, %select_n3A_145, %select_n3A_164, %select_n3A_183, %select_n3A_202, %select_n3A_221 in 0 : vector<512x64xf32>, vector<512x64xf32>, vector<512x64xf32>, vector<512x64xf32>, vector<512x64xf32>, vector<512x64xf32>, vector<512x64xf32>, vector<512x64xf32>, vector<512x64xf32> -> vector<4608x64xf32>
    %dot_general3A_244 = arith.constant dense<0.000000e+00> : vector<4608x64xf32>
    %dot_general3A_245 = tpu.matmul %concatenate3A, %get3A_41, %dot_general3A_244 {dimension_numbers = #tpu.dot_dimension_numbers<[1], [0], [0], [1], [0, 0, 1, 1], [], []>, transpose_lhs_hint = false} : vector<4608x64xf32>, vector<64x64xf32>, vector<4608x64xf32> -> vector<4608x64xf32>
    %get3A_246 = arith.constant 0 : index
    %get3A_247 = arith.constant 0 : index
    %get3A_248 = vector.load %arg7[%get3A_246, %get3A_247] : memref<3x64xf32, #tpu.memory_space<vmem>>, vector<1x64xf32>
    %add3A_249 = vector.broadcast %get3A_248 : vector<1x64xf32> to vector<4608x64xf32>
    %add3A_250 = arith.addf %dot_general3A_245, %add3A_249 : vector<4608x64xf32>
    %logistic3A_251 = arith.negf %add3A_250 : vector<4608x64xf32>
    %logistic3A_252 = math.exp %logistic3A_251 : vector<4608x64xf32>
    %logistic3A_253 = arith.constant 1.000000e+00 : f32
    %logistic3A_254 = vector.broadcast %logistic3A_253 : f32 to vector<4608x64xf32>
    %logistic3A_255 = arith.addf %logistic3A_254, %logistic3A_252 : vector<4608x64xf32>
    %logistic3A_256 = arith.divf %logistic3A_254, %logistic3A_255 : vector<4608x64xf32>
    %slice3A_257 = vector.extract_strided_slice %logistic3A_256 {offsets = [0, 0], sizes = [512, 64], strides = [1, 1]} : vector<4608x64xf32> to vector<512x64xf32>
    %mul3A_258 = arith.mulf %slice3A, %slice3A_257 : vector<512x64xf32>
    %slice3A_259 = vector.extract_strided_slice %logistic3A_256 {offsets = [512, 0], sizes = [512, 64], strides = [1, 1]} : vector<4608x64xf32> to vector<512x64xf32>
    %mul3A_260 = arith.mulf %slice3A, %slice3A_259 : vector<512x64xf32>
    %slice3A_261 = vector.extract_strided_slice %logistic3A_256 {offsets = [1024, 0], sizes = [512, 64], strides = [1, 1]} : vector<4608x64xf32> to vector<512x64xf32>
    %mul3A_262 = arith.mulf %slice3A, %slice3A_261 : vector<512x64xf32>
    %slice3A_263 = vector.extract_strided_slice %logistic3A_256 {offsets = [1536, 0], sizes = [512, 64], strides = [1, 1]} : vector<4608x64xf32> to vector<512x64xf32>
    %mul3A_264 = arith.mulf %slice3A, %slice3A_263 : vector<512x64xf32>
    %slice3A_265 = vector.extract_strided_slice %logistic3A_256 {offsets = [2048, 0], sizes = [512, 64], strides = [1, 1]} : vector<4608x64xf32> to vector<512x64xf32>
    %mul3A_266 = arith.mulf %slice3A, %slice3A_265 : vector<512x64xf32>
    %slice3A_267 = vector.extract_strided_slice %logistic3A_256 {offsets = [2560, 0], sizes = [512, 64], strides = [1, 1]} : vector<4608x64xf32> to vector<512x64xf32>
    %mul3A_268 = arith.mulf %slice3A, %slice3A_267 : vector<512x64xf32>
    %slice3A_269 = vector.extract_strided_slice %logistic3A_256 {offsets = [3072, 0], sizes = [512, 64], strides = [1, 1]} : vector<4608x64xf32> to vector<512x64xf32>
    %mul3A_270 = arith.mulf %slice3A, %slice3A_269 : vector<512x64xf32>
    %slice3A_271 = vector.extract_strided_slice %logistic3A_256 {offsets = [3584, 0], sizes = [512, 64], strides = [1, 1]} : vector<4608x64xf32> to vector<512x64xf32>
    %mul3A_272 = arith.mulf %slice3A, %slice3A_271 : vector<512x64xf32>
    %slice3A_273 = vector.extract_strided_slice %logistic3A_256 {offsets = [4096, 0], sizes = [512, 64], strides = [1, 1]} : vector<4608x64xf32> to vector<512x64xf32>
    %mul3A_274 = arith.mulf %slice3A, %slice3A_273 : vector<512x64xf32>
    %concatenate3A_275 = tpu.concatenate %mul3A_258, %mul3A_260, %mul3A_262, %mul3A_264, %mul3A_266, %mul3A_268, %mul3A_270, %mul3A_272, %mul3A_274 in 0 : vector<512x64xf32>, vector<512x64xf32>, vector<512x64xf32>, vector<512x64xf32>, vector<512x64xf32>, vector<512x64xf32>, vector<512x64xf32>, vector<512x64xf32>, vector<512x64xf32> -> vector<4608x64xf32>
    %dot_general3A_276 = arith.constant dense<0.000000e+00> : vector<4608x64xf32>
    %dot_general3A_277 = tpu.matmul %concatenate3A_275, %get3A_56, %dot_general3A_276 {dimension_numbers = #tpu.dot_dimension_numbers<[1], [0], [0], [1], [0, 0, 1, 1], [], []>, transpose_lhs_hint = false} : vector<4608x64xf32>, vector<64x64xf32>, vector<4608x64xf32> -> vector<4608x64xf32>
    %slice3A_278 = vector.extract_strided_slice %dot_general3A_66 {offsets = [0, 0], sizes = [512, 64], strides = [1, 1]} : vector<4608x64xf32> to vector<512x64xf32>
    %add3A_279 = arith.addf %slice3A_278, %dot_general3A_36 : vector<512x64xf32>
    %slice3A_280 = vector.extract_strided_slice %dot_general3A_277 {offsets = [0, 0], sizes = [512, 64], strides = [1, 1]} : vector<4608x64xf32> to vector<512x64xf32>
    %add3A_281 = arith.addf %add3A_279, %slice3A_280 : vector<512x64xf32>
    %ge3A_282 = arith.constant 0.000000e+00 : f32
    %ge3A_283 = vector.broadcast %ge3A_282 : f32 to vector<512x64xf32>
    %ge3A_284 = arith.cmpf oge, %add3A_281, %ge3A_283 : vector<512x64xf32>
    %mul3A_285 = arith.constant 1.000000e-01 : f32
    %mul3A_286 = vector.broadcast %mul3A_285 : f32 to vector<512x64xf32>
    %mul3A_287 = arith.mulf %mul3A_286, %add3A_281 : vector<512x64xf32>
    %select_n3A_288 = arith.select %ge3A_284, %add3A_281, %mul3A_287 : vector<512x64xi1>, vector<512x64xf32>
    %slice3A_289 = vector.extract_strided_slice %dot_general3A_66 {offsets = [512, 0], sizes = [512, 64], strides = [1, 1]} : vector<4608x64xf32> to vector<512x64xf32>
    %add3A_290 = arith.addf %slice3A_289, %dot_general3A_36 : vector<512x64xf32>
    %slice3A_291 = vector.extract_strided_slice %dot_general3A_277 {offsets = [512, 0], sizes = [512, 64], strides = [1, 1]} : vector<4608x64xf32> to vector<512x64xf32>
    %add3A_292 = arith.addf %add3A_290, %slice3A_291 : vector<512x64xf32>
    %ge3A_293 = arith.constant 0.000000e+00 : f32
    %ge3A_294 = vector.broadcast %ge3A_293 : f32 to vector<512x64xf32>
    %ge3A_295 = arith.cmpf oge, %add3A_292, %ge3A_294 : vector<512x64xf32>
    %mul3A_296 = arith.constant 1.000000e-01 : f32
    %mul3A_297 = vector.broadcast %mul3A_296 : f32 to vector<512x64xf32>
    %mul3A_298 = arith.mulf %mul3A_297, %add3A_292 : vector<512x64xf32>
    %select_n3A_299 = arith.select %ge3A_295, %add3A_292, %mul3A_298 : vector<512x64xi1>, vector<512x64xf32>
    %max3A_300 = arith.maximumf %select_n3A_288, %select_n3A_299 : vector<512x64xf32>
    %slice3A_301 = vector.extract_strided_slice %dot_general3A_66 {offsets = [1024, 0], sizes = [512, 64], strides = [1, 1]} : vector<4608x64xf32> to vector<512x64xf32>
    %add3A_302 = arith.addf %slice3A_301, %dot_general3A_36 : vector<512x64xf32>
    %slice3A_303 = vector.extract_strided_slice %dot_general3A_277 {offsets = [1024, 0], sizes = [512, 64], strides = [1, 1]} : vector<4608x64xf32> to vector<512x64xf32>
    %add3A_304 = arith.addf %add3A_302, %slice3A_303 : vector<512x64xf32>
    %ge3A_305 = arith.constant 0.000000e+00 : f32
    %ge3A_306 = vector.broadcast %ge3A_305 : f32 to vector<512x64xf32>
    %ge3A_307 = arith.cmpf oge, %add3A_304, %ge3A_306 : vector<512x64xf32>
    %mul3A_308 = arith.constant 1.000000e-01 : f32
    %mul3A_309 = vector.broadcast %mul3A_308 : f32 to vector<512x64xf32>
    %mul3A_310 = arith.mulf %mul3A_309, %add3A_304 : vector<512x64xf32>
    %select_n3A_311 = arith.select %ge3A_307, %add3A_304, %mul3A_310 : vector<512x64xi1>, vector<512x64xf32>
    %max3A_312 = arith.maximumf %max3A_300, %select_n3A_311 : vector<512x64xf32>
    %slice3A_313 = vector.extract_strided_slice %dot_general3A_66 {offsets = [1536, 0], sizes = [512, 64], strides = [1, 1]} : vector<4608x64xf32> to vector<512x64xf32>
    %add3A_314 = arith.addf %slice3A_313, %dot_general3A_36 : vector<512x64xf32>
    %slice3A_315 = vector.extract_strided_slice %dot_general3A_277 {offsets = [1536, 0], sizes = [512, 64], strides = [1, 1]} : vector<4608x64xf32> to vector<512x64xf32>
    %add3A_316 = arith.addf %add3A_314, %slice3A_315 : vector<512x64xf32>
    %ge3A_317 = arith.constant 0.000000e+00 : f32
    %ge3A_318 = vector.broadcast %ge3A_317 : f32 to vector<512x64xf32>
    %ge3A_319 = arith.cmpf oge, %add3A_316, %ge3A_318 : vector<512x64xf32>
    %mul3A_320 = arith.constant 1.000000e-01 : f32
    %mul3A_321 = vector.broadcast %mul3A_320 : f32 to vector<512x64xf32>
    %mul3A_322 = arith.mulf %mul3A_321, %add3A_316 : vector<512x64xf32>
    %select_n3A_323 = arith.select %ge3A_319, %add3A_316, %mul3A_322 : vector<512x64xi1>, vector<512x64xf32>
    %max3A_324 = arith.maximumf %max3A_312, %select_n3A_323 : vector<512x64xf32>
    %slice3A_325 = vector.extract_strided_slice %dot_general3A_66 {offsets = [2048, 0], sizes = [512, 64], strides = [1, 1]} : vector<4608x64xf32> to vector<512x64xf32>
    %add3A_326 = arith.addf %slice3A_325, %dot_general3A_36 : vector<512x64xf32>
    %slice3A_327 = vector.extract_strided_slice %dot_general3A_277 {offsets = [2048, 0], sizes = [512, 64], strides = [1, 1]} : vector<4608x64xf32> to vector<512x64xf32>
    %add3A_328 = arith.addf %add3A_326, %slice3A_327 : vector<512x64xf32>
    %ge3A_329 = arith.constant 0.000000e+00 : f32
    %ge3A_330 = vector.broadcast %ge3A_329 : f32 to vector<512x64xf32>
    %ge3A_331 = arith.cmpf oge, %add3A_328, %ge3A_330 : vector<512x64xf32>
    %mul3A_332 = arith.constant 1.000000e-01 : f32
    %mul3A_333 = vector.broadcast %mul3A_332 : f32 to vector<512x64xf32>
    %mul3A_334 = arith.mulf %mul3A_333, %add3A_328 : vector<512x64xf32>
    %select_n3A_335 = arith.select %ge3A_331, %add3A_328, %mul3A_334 : vector<512x64xi1>, vector<512x64xf32>
    %max3A_336 = arith.maximumf %max3A_324, %select_n3A_335 : vector<512x64xf32>
    %slice3A_337 = vector.extract_strided_slice %dot_general3A_66 {offsets = [2560, 0], sizes = [512, 64], strides = [1, 1]} : vector<4608x64xf32> to vector<512x64xf32>
    %add3A_338 = arith.addf %slice3A_337, %dot_general3A_36 : vector<512x64xf32>
    %slice3A_339 = vector.extract_strided_slice %dot_general3A_277 {offsets = [2560, 0], sizes = [512, 64], strides = [1, 1]} : vector<4608x64xf32> to vector<512x64xf32>
    %add3A_340 = arith.addf %add3A_338, %slice3A_339 : vector<512x64xf32>
    %ge3A_341 = arith.constant 0.000000e+00 : f32
    %ge3A_342 = vector.broadcast %ge3A_341 : f32 to vector<512x64xf32>
    %ge3A_343 = arith.cmpf oge, %add3A_340, %ge3A_342 : vector<512x64xf32>
    %mul3A_344 = arith.constant 1.000000e-01 : f32
    %mul3A_345 = vector.broadcast %mul3A_344 : f32 to vector<512x64xf32>
    %mul3A_346 = arith.mulf %mul3A_345, %add3A_340 : vector<512x64xf32>
    %select_n3A_347 = arith.select %ge3A_343, %add3A_340, %mul3A_346 : vector<512x64xi1>, vector<512x64xf32>
    %max3A_348 = arith.maximumf %max3A_336, %select_n3A_347 : vector<512x64xf32>
    %slice3A_349 = vector.extract_strided_slice %dot_general3A_66 {offsets = [3072, 0], sizes = [512, 64], strides = [1, 1]} : vector<4608x64xf32> to vector<512x64xf32>
    %add3A_350 = arith.addf %slice3A_349, %dot_general3A_36 : vector<512x64xf32>
    %slice3A_351 = vector.extract_strided_slice %dot_general3A_277 {offsets = [3072, 0], sizes = [512, 64], strides = [1, 1]} : vector<4608x64xf32> to vector<512x64xf32>
    %add3A_352 = arith.addf %add3A_350, %slice3A_351 : vector<512x64xf32>
    %ge3A_353 = arith.constant 0.000000e+00 : f32
    %ge3A_354 = vector.broadcast %ge3A_353 : f32 to vector<512x64xf32>
    %ge3A_355 = arith.cmpf oge, %add3A_352, %ge3A_354 : vector<512x64xf32>
    %mul3A_356 = arith.constant 1.000000e-01 : f32
    %mul3A_357 = vector.broadcast %mul3A_356 : f32 to vector<512x64xf32>
    %mul3A_358 = arith.mulf %mul3A_357, %add3A_352 : vector<512x64xf32>
    %select_n3A_359 = arith.select %ge3A_355, %add3A_352, %mul3A_358 : vector<512x64xi1>, vector<512x64xf32>
    %max3A_360 = arith.maximumf %max3A_348, %select_n3A_359 : vector<512x64xf32>
    %slice3A_361 = vector.extract_strided_slice %dot_general3A_66 {offsets = [3584, 0], sizes = [512, 64], strides = [1, 1]} : vector<4608x64xf32> to vector<512x64xf32>
    %add3A_362 = arith.addf %slice3A_361, %dot_general3A_36 : vector<512x64xf32>
    %slice3A_363 = vector.extract_strided_slice %dot_general3A_277 {offsets = [3584, 0], sizes = [512, 64], strides = [1, 1]} : vector<4608x64xf32> to vector<512x64xf32>
    %add3A_364 = arith.addf %add3A_362, %slice3A_363 : vector<512x64xf32>
    %ge3A_365 = arith.constant 0.000000e+00 : f32
    %ge3A_366 = vector.broadcast %ge3A_365 : f32 to vector<512x64xf32>
    %ge3A_367 = arith.cmpf oge, %add3A_364, %ge3A_366 : vector<512x64xf32>
    %mul3A_368 = arith.constant 1.000000e-01 : f32
    %mul3A_369 = vector.broadcast %mul3A_368 : f32 to vector<512x64xf32>
    %mul3A_370 = arith.mulf %mul3A_369, %add3A_364 : vector<512x64xf32>
    %select_n3A_371 = arith.select %ge3A_367, %add3A_364, %mul3A_370 : vector<512x64xi1>, vector<512x64xf32>
    %max3A_372 = arith.maximumf %max3A_360, %select_n3A_371 : vector<512x64xf32>
    %slice3A_373 = vector.extract_strided_slice %dot_general3A_66 {offsets = [4096, 0], sizes = [512, 64], strides = [1, 1]} : vector<4608x64xf32> to vector<512x64xf32>
    %add3A_374 = arith.addf %slice3A_373, %dot_general3A_36 : vector<512x64xf32>
    %slice3A_375 = vector.extract_strided_slice %dot_general3A_277 {offsets = [4096, 0], sizes = [512, 64], strides = [1, 1]} : vector<4608x64xf32> to vector<512x64xf32>
    %add3A_376 = arith.addf %add3A_374, %slice3A_375 : vector<512x64xf32>
    %ge3A_377 = arith.constant 0.000000e+00 : f32
    %ge3A_378 = vector.broadcast %ge3A_377 : f32 to vector<512x64xf32>
    %ge3A_379 = arith.cmpf oge, %add3A_376, %ge3A_378 : vector<512x64xf32>
    %mul3A_380 = arith.constant 1.000000e-01 : f32
    %mul3A_381 = vector.broadcast %mul3A_380 : f32 to vector<512x64xf32>
    %mul3A_382 = arith.mulf %mul3A_381, %add3A_376 : vector<512x64xf32>
    %select_n3A_383 = arith.select %ge3A_379, %add3A_376, %mul3A_382 : vector<512x64xi1>, vector<512x64xf32>
    %max3A_384 = arith.maximumf %max3A_372, %select_n3A_383 : vector<512x64xf32>
    %dot_general3A_385 = arith.constant dense<0.000000e+00> : vector<512x64xf32>
    %dot_general3A_386 = tpu.matmul %max3A_384, %get3A_51, %dot_general3A_385 {dimension_numbers = #tpu.dot_dimension_numbers<[1], [0], [0], [1], [0, 0, 1, 1], [], []>, transpose_lhs_hint = false} : vector<512x64xf32>, vector<64x64xf32>, vector<512x64xf32> -> vector<512x64xf32>
    %get3A_387 = arith.constant 2 : index
    %get3A_388 = arith.constant 0 : index
    %get3A_389 = vector.load %arg7[%get3A_387, %get3A_388] : memref<3x64xf32, #tpu.memory_space<vmem>>, vector<1x64xf32>
    %add3A_390 = vector.broadcast %get3A_389 : vector<1x64xf32> to vector<512x64xf32>
    %add3A_391 = arith.addf %dot_general3A_386, %add3A_390 : vector<512x64xf32>
    %tanh3A = math.tanh %add3A_391 : vector<512x64xf32>
    %sub3A = arith.constant 1.000000e+00 : f32
    %sub3A_392 = vector.broadcast %sub3A : f32 to vector<512x64xf32>
    %sub3A_393 = arith.subf %sub3A_392, %logistic3A_243 : vector<512x64xf32>
    %mul3A_394 = arith.mulf %sub3A_393, %slice3A : vector<512x64xf32>
    %mul3A_395 = arith.mulf %logistic3A_243, %tanh3A : vector<512x64xf32>
    %add3A_396 = arith.addf %mul3A_394, %mul3A_395 : vector<512x64xf32>
    %sub3A_397 = arith.subf %add3A_396, %slice3A : vector<512x64xf32>
    %get3A_398 = arith.constant 0 : index
    %get3A_399 = arith.constant 0 : index
    %get3A_400 = vector.load %arg6[%get3A_398, %get3A_399] : memref<64x3xf32, #tpu.memory_space<vmem>>, vector<64x3xf32>
    %dot_general3A_401 = arith.constant dense<0.000000e+00> : vector<512x3xf32>
    %dot_general3A_402 = tpu.matmul %sub3A_397, %get3A_400, %dot_general3A_401 {dimension_numbers = #tpu.dot_dimension_numbers<[1], [0], [0], [1], [0, 0, 1, 1], [], []>, transpose_lhs_hint = false} : vector<512x64xf32>, vector<64x3xf32>, vector<512x3xf32> -> vector<512x3xf32>
    %get3A_403 = arith.constant 0 : index
    %get3A_404 = arith.constant 0 : index
    %get3A_405 = vector.load %arg8[%get3A_403, %get3A_404] : memref<1x3xf32, #tpu.memory_space<vmem>>, vector<1x3xf32>
    %add3A_406 = vector.broadcast %get3A_405 : vector<1x3xf32> to vector<512x3xf32>
    %add3A_407 = arith.addf %dot_general3A_402, %add3A_406 : vector<512x3xf32>
    %jit3A = arith.constant -2.000000e+02 : f32
    %jit3A_408 = arith.constant 2.000000e+02 : f32
    %max3A_409 = vector.broadcast %jit3A : f32 to vector<512x3xf32>
    %max3A_410 = arith.maximumf %max3A_409, %add3A_407 : vector<512x3xf32>
    %min3A = vector.broadcast %jit3A_408 : f32 to vector<512x3xf32>
    %min3A_411 = arith.minimumf %min3A, %max3A_410 : vector<512x3xf32>
    %transpose3A = tpu.transpose %add3A_396, [1, 0] : vector<512x64xf32> -> vector<64x512xf32>
    %swap3A = arith.constant 0 : index
    %swap3A_412 = arith.constant 0 : index
    %swap3A_413 = vector.load %arg9[%swap3A, %swap3A_412] : memref<64x512xf32, #tpu.memory_space<vmem>>, vector<64x512xf32>
    tpu.vector_store %arg9[%swap3A, %swap3A_412], %transpose3A {strides = array<i32>} : memref<64x512xf32, #tpu.memory_space<vmem>>, vector<64x512xf32>,
    %transpose3A_414 = tpu.transpose %min3A_411, [1, 0] : vector<512x3xf32> -> vector<3x512xf32>
    %swap3A_415 = arith.constant 0 : index
    %swap3A_416 = arith.constant 0 : index
    %swap3A_417 = vector.load %arg10[%swap3A_415, %swap3A_416] : memref<3x512xf32, #tpu.memory_space<vmem>>, vector<3x512xf32>
    tpu.vector_store %arg10[%swap3A_415, %swap3A_416], %transpose3A_414 {strides = array<i32>} : memref<3x512xf32, #tpu.memory_space<vmem>>, vector<3x512xf32>,
    return
  }
  func.func @transform_0(%arg0: i32) -> (i32, i32, i32) {
    %c0_i32 = arith.constant 0 : i32
    %c0_i32_0 = arith.constant 0 : i32
    %c0_i32_1 = arith.constant 0 : i32
    return %c0_i32, %arg0, %c0_i32_0 : i32, i32, i32
  }
  func.func @transform_1(%arg0: i32) -> (i32, i32) {
    %c0_i32 = arith.constant 0 : i32
    %c0_i32_0 = arith.constant 0 : i32
    return %arg0, %c0_i32 : i32, i32
  }
  func.func @transform_2(%arg0: i32) -> (i32, i32, i32) {
    %c0_i32 = arith.constant 0 : i32
    %c0_i32_0 = arith.constant 0 : i32
    %c0_i32_1 = arith.constant 0 : i32
    %c0_i32_2 = arith.constant 0 : i32
    return %c0_i32, %c0_i32_0, %c0_i32_1 : i32, i32, i32
  }
  func.func @transform_3(%arg0: i32) -> (i32, i32, i32) {
    %c0_i32 = arith.constant 0 : i32
    %c0_i32_0 = arith.constant 0 : i32
    %c0_i32_1 = arith.constant 0 : i32
    %c0_i32_2 = arith.constant 0 : i32
    return %c0_i32, %c0_i32_0, %c0_i32_1 : i32, i32, i32
  }
  func.func @transform_4(%arg0: i32) -> (i32, i32, i32) {
    %c0_i32 = arith.constant 0 : i32
    %c0_i32_0 = arith.constant 0 : i32
    %c0_i32_1 = arith.constant 0 : i32
    %c0_i32_2 = arith.constant 0 : i32
    return %c0_i32, %c0_i32_0, %c0_i32_1 : i32, i32, i32
  }
  func.func @transform_5(%arg0: i32) -> (i32, i32) {
    %c0_i32 = arith.constant 0 : i32
    %c0_i32_0 = arith.constant 0 : i32
    %c0_i32_1 = arith.constant 0 : i32
    return %c0_i32, %c0_i32_0 : i32, i32
  }
  func.func @transform_6(%arg0: i32) -> (i32, i32) {
    %c0_i32 = arith.constant 0 : i32
    %c0_i32_0 = arith.constant 0 : i32
    %c0_i32_1 = arith.constant 0 : i32
    return %c0_i32, %c0_i32_0 : i32, i32
  }
  func.func @transform_7(%arg0: i32) -> (i32, i32) {
    %c0_i32 = arith.constant 0 : i32
    %c0_i32_0 = arith.constant 0 : i32
    %c0_i32_1 = arith.constant 0 : i32
    return %c0_i32, %c0_i32_0 : i32, i32
  }
  func.func @transform_8(%arg0: i32) -> (i32, i32) {
    %c0_i32 = arith.constant 0 : i32
    %c0_i32_0 = arith.constant 0 : i32
    return %c0_i32, %arg0 : i32, i32
  }
  func.func @transform_9(%arg0: i32) -> (i32, i32) {
    %c0_i32 = arith.constant 0 : i32
    %c0_i32_0 = arith.constant 0 : i32
    return %c0_i32, %arg0 : i32, i32
  }
}

</mosaic_0001>

<sc_bundles>
// kernel: kernel.11.cloned.1.call-start
scs
__scs_entry_jumppad:
0x0: {  	(pc) =	sbr.rel $0x88, $3  }
0x1: {  	(tag) =	ssettag $0x0;
	lr =	simm.s32 $0x1  }
0x2: {  	[smem:$0x3F8D] =	sst lr;
	_ =	strace $0xD0000000  }
0x3: {  	_ = 	snop  }
0x4: {  	_ = 	snop  }
0x5: {  	_ = 	snop  }
0x6: {  	_ = 	snop  }
0x7: {  	_ = 	snop  }
__scs_overlays_trampoline_lowered:
0x8: {  	[smem:$0x3F9C] =	sst s0  }
0x9: {  	[smem:$0x3F9D] =	sst s1  }
0xa: {  	[smem:$0x3F9E] =	sst s2  }
0xb: {  	[smem:$0x3F9F] =	sst s3  }
0xc: {  	[smem:$0x3FA0] =	sst s4  }
0xd: {  	[smem:$0x3FA1] =	sst s5  }
0xe: {  	[smem:$0x3FA2] =	sst s6  }
0xf: {  	[smem:$0x3FA3] =	sst s7  }
0x10: {  	[smem:$0x3FA4] =	sst s8  }
0x11: {  	[smem:$0x3FA5] =	sst s9;
	s0 =	simm.s32 @!p0 $0x0  }
0x12: {  	s1 =	sld [smem:$0x3F8B];
	s0 =	simm.s32 @p0 $0x1  }
0x13: {  	[smem:$0x3FA6] =	sst s0;
	s0 =	simm.s32 @!p1 $0x0  }
0x14: {  	s2 =	sld [smem:$0x3F8A];
	s0 =	simm.s32 @p1 $0x1  }
0x15: {  	[smem:$0x3FA7] =	sst s0;
	s0 =	simm.s32 @!p2 $0x0  }
0x16: {  	s3 =	sld [smem:$0x3FDB];
	s0 =	simm.s32 @p2 $0x1  }
0x17: {  	s4 =	simm.s32 $0x1BF5;
	[smem:$0x3FA9] =	sst s0  }
0x18: {  	s0 =	sld [smem:$0x3F8C];
	_ =	swait.ge [sflag:s4], $0x0  }
0x19: {  	s7 =	sld [smem:$0x3F8D]  }
0x1a: {  	s8 =	sadd.s32 $0xFFFFE003, lr  }
0x1b: {  	s9 =	sadd.s32 $0xFFFFFEF7, lr;
	s5 =	simm.s32 $0xFFFFFFFF;
	p2 =	slt.u32 s8, $0xFFFFF086  }
0x1c: {  	p1 =	slt.u32 s9, $0xF7A;
	s5 =	simm.s32 @!p2 $0x0  }
0x1d: {  	s5 =	simm.s32 @p1 $0x1;
	p0 =	seq.s32 s7, s2  }
0x1e: {  	s7 =	smul.u32 @!p0 $0xF7A, s2;
	p2 =	seq.s32 @!p0 s5, $0x0  }
0x1f: {  	s9 =	smul.u32 $0xF7A, s1;
	s8 =	simm.s32 @!p0 $0x1BF5;
	p2 =	por !p2, p0  }
0x20: {  	[sflag:s8] =	ssyncset.s32 @!p0 $0xFFFFF086;
	s6 =	sadd.s32 @!p0 s3, s7;
	s7 =	simm.s32 @!p0 $0x108  }
0x21: {  	s3 =	sadd.s32 s3, s9;
	s6 =	sadd.s32 @!p0 $0x88, s6;
	s7 =	simm.s32 @p2 $0x1082  }
0x22: {  	[simem:s7], [sflag:s8] =	dma.local @!p0 [hbm:s6], $0xF7A  }
0x23: {  	s9 =	sor.u32 $0xD0000000, s2;
	s6 =	simm.s32 $0x108;
	_ =	swait.ge @!p0 [sflag:s8], $0x0  }
0x24: {  	s3 =	sadd.s32 $0x88, s3;
	s6 =	simm.s32 @!p1 $0x1082;
	[sflag:s4] =	ssyncset.s32 $0xFFFFF086  }
0x25: {  	[simem:s6], [sflag:s4] =	dma.local [hbm:s3], $0xF7A  }
0x26: {  	[smem:$0x3F8D] =	sst s1;
	(tag) =	ssettag s2;
	_ =	strace s9  }
0x27: {  	s1 =	sld [smem:$0x3F9D]  }
0x28: {  	s2 =	sld [smem:$0x3F9E]  }
0x29: {  	s4 =	sld [smem:$0x3FA0]  }
0x2a: {  	p0 =	seq.s32 s5, $0x0;
	s5 =	sld [smem:$0x3FA1]  }
0x2b: {  	s6 =	sld [smem:$0x3FA2]  }
0x2c: {  	s7 =	sld [smem:$0x3FA3]  }
0x2d: {  	s3 =	simm.s32 $0x108;
	s8 =	sld [smem:$0x3FA4]  }
0x2e: {  	s3 =	simm.s32 @!p0 $0x1082;
	s9 =	sld [smem:$0x3FA5]  }
0x2f: {  	lr =	sadd.s32 s0, s3;
	s0 =	sld [smem:$0x3F9C]  }
0x30: {  	s3 =	sld [smem:$0x3F9F]  }
0x31: {  	[smem:$0x3FA8] =	sst s10  }
0x32: {  	s10 =	sld [smem:$0x3FA6];
	_ =	sdelay $0x3  }
0x33: {  	p0 =	seq.s32 s10, $0x1;
	s10 =	sld [smem:$0x3FA8];
	_ =	sdelay $0x3  }
0x34: {  	[smem:$0x3FA8] =	sst s10  }
0x35: {  	s10 =	sld [smem:$0x3FA7];
	_ =	sdelay $0x3  }
0x36: {  	p1 =	seq.s32 s10, $0x1;
	s10 =	sld [smem:$0x3FA8];
	_ =	sdelay $0x3  }
0x37: {  	[smem:$0x3FA8] =	sst s10  }
0x38: {  	s10 =	sld [smem:$0x3FA9]  }
0x39: {  	_ = 	snop;
	(pc) =	sbr.ind lr, $3  }
0x3a: {  	_ = 	snop  }
0x3b: {  	_ = 	snop  }
0x3c: {  	p2 =	seq.s32 s10, $0x1;
	s10 =	sld [smem:$0x3FA8]  }
0x3d: {  	_ =	shalt  }
0x3e: {  	_ =	shalt  }
0x3f: {  	_ =	shalt  }
0x40: {  	_ =	shalt  }
0x41: {  	_ =	shalt  }
0x42: {  	_ =	shalt  }
0x43: {  	_ =	shalt  }
0x44: {  	_ =	shalt  }
0x45: {  	_ =	shalt  }
0x46: {  	_ =	shalt  }
0x47: {  	_ =	shalt  }
0x48: {  	_ =	shalt  }
0x49: {  	_ =	shalt  }
0x4a: {  	_ =	shalt  }
0x4b: {  	_ =	shalt  }
0x4c: {  	_ =	shalt  }
0x4d: {  	_ =	shalt  }
0x4e: {  	_ =	shalt  }
0x4f: {  	_ =	shalt  }
0x50: {  	_ =	shalt  }
0x51: {  	_ =	shalt  }
0x52: {  	_ =	shalt  }
0x53: {  	_ =	shalt  }
0x54: {  	_ =	shalt  }
0x55: {  	_ =	shalt  }
0x56: {  	_ =	shalt  }
0x57: {  	_ =	shalt  }
0x58: {  	_ =	shalt  }
0x59: {  	_ =	shalt  }
0x5a: {  	_ =	shalt  }
0x5b: {  	_ =	shalt  }
0x5c: {  	_ =	shalt  }
0x5d: {  	_ =	shalt  }
0x5e: {  	_ =	shalt  }
0x5f: {  	_ =	shalt  }
0x60: {  	_ =	shalt  }
0x61: {  	_ =	shalt  }
0x62: {  	_ =	shalt  }
0x63: {  	_ =	shalt  }
0x64: {  	_ =	shalt  }
0x65: {  	_ =	shalt  }
0x66: {  	_ =	shalt  }
0x67: {  	_ =	shalt  }
0x68: {  	_ =	shalt  }
0x69: {  	_ =	shalt  }
0x6a: {  	_ =	shalt  }
0x6b: {  	_ =	shalt  }
0x6c: {  	_ =	shalt  }
0x6d: {  	_ =	shalt  }
0x6e: {  	_ =	shalt  }
0x6f: {  	_ =	shalt  }
0x70: {  	_ =	shalt  }
0x71: {  	_ =	shalt  }
0x72: {  	_ =	shalt  }
0x73: {  	_ =	shalt  }
0x74: {  	_ =	shalt  }
0x75: {  	_ =	shalt  }
0x76: {  	_ =	shalt  }
0x77: {  	_ =	shalt  }
0x78: {  	_ =	shalt  }
0x79: {  	_ =	shalt  }
0x7a: {  	_ =	shalt  }
0x7b: {  	_ =	shalt  }
0x7c: {  	_ =	shalt  }
0x7d: {  	_ =	shalt  }
0x7e: {  	_ =	shalt  }
0x7f: {  	_ =	shalt  }
0x80: {  	_ =	shalt  }
0x81: {  	_ =	shalt  }
0x82: {  	_ =	shalt  }
0x83: {  	_ =	shalt  }
0x84: {  	_ =	shalt  }
0x85: {  	_ =	shalt  }
0x86: {  	_ =	shalt  }
0x87: {  	_ =	shalt  }
.Lfunc_end0:
.L_simem_size_0:
called_computation.1_lowered:
.L_overlay_start_0:
0x88: {  	s2 =	sld [smem:$0x3FD9]  }
0x89: {  	s3 =	sld [smem:$0x3FFE];
	_ =	sdelay $0x1  }
0x8a: {  	s1 =	srdreg.scid  }
0x8b: {  	s0 =	sand.u32 $0x1, s1  }
0x8c: {  	s15 =	sshll.u32 s0, $0xA;
	s2 =	sadd.s32 s3, s2  }
0x8d: {  	s2 =	sadd.s32 s2, s15  }
0x8e: {  	[smem:$0x3FB4] =	sst s2  }
0x8f: {  	_ = 	snop  }
0x90: {  	s2 =	sld [smem:$0x3FD0];
	_ =	sdelay $0x2  }
0x91: {  	s16 =	simm.s32 $0xB;
	s4 =	simm.s32 $0x10  }
0x92: {  	[smem:s4], [sflag:s16] =	dma.local [hbm:s2], $0x1  }
0x93: {  	_ =	swait.eq [sflag:s16], $0x1  }
0x94: {  	[sflag:s16] =	ssyncset.done $0x0  }
0x95: {  	[sflag:s16] =	ssyncadd.s32 $0xFFFFFFFF  }
0x96: {  	s17 =	sld [smem:$0x10];
	(tm) =	ssettm $0x1  }
0x97: {  	s18 =	sld [smem:$0x3FFB];
	_ =	sdelay $0x3  }
0x98: {  	_ =	strace s18  }
0x99: {  	s2 =	sld [smem:$0x3FFC];
	_ =	sdelay $0x3  }
0x9a: {  	_ =	strace s2  }
0x9b: {  	s2 =	sld [smem:$0x3FFD];
	_ =	sdelay $0x3  }
0x9c: {  	_ =	strace s2  }
0x9d: {  	_ =	strace $0x8FFFFFFF  }
0x9e: {  	s19 =	sld [smem:$0x3FDB];
	_ =	sdelay $0x1  }
0x9f: {  	s20 =	simm.s32 $_scs_section_size  }
0xa0: {  	s5 =	simm.s32 $_size__tile_overlayer_lowered;
	s6 =	simm.s32 $_tile_overlayer_lowered  }
0xa1: {  	s7 =	simm.s32 $0x1BFF;
	s21 =	sshll.u32 s6, $0x1;
	s4 =	sadd.s32 s20, s19  }
0xa2: {  	s22 =	simm.s32 $0x0;
	s5 =	sshll.u32 s5, $0x1;
	s6 =	sadd.s32 s21, s4  }
0xa3: {  	[timem:s22], [sflag:s7] =	dma.local [hbm:s6], s5  }
0xa4: {  	_ =	swait.ge [sflag:s7], s5  }
0xa5: {  	s5 =	ssub.s32 $0x0, s5;
	[sflag:s7] =	ssyncset.done $0x0  }
0xa6: {  	[sflag:s7] =	ssyncadd.s32 s5;
	_ =	sdelay $0x1  }
0xa7: {  	s23 =	simm.s32 $0x1B8B  }
0xa8: {  	_ =	swait.ge [sflag:s23], $0x1  }
0xa9: {  	[sflag:s23] =	ssyncset.done $0x0  }
0xaa: {  	[sflag:s23] =	ssyncadd.s32 $0xFFFFFFFF  }
0xab: {  	s5 =	sld [smem:$0x0]  }
0xac: {  	s6 =	sand.u32 $0xFFFFFFFE, s1  }
0xad: {  	p0 =	sne.s32 s1, s6  }
0xae: {  	s6 =	sshll.u32 @p0 s6, $0xE  }
0xaf: {  	s6 =	sadd.s32 @p0 $0x11B8D, s6;
	s7 =	sshll.u32 @p0 s5, $0x11  }
0xb0: {  	s6 =	sor.u32 @p0 s7, s6  }
0xb1: {  	[sflag:s6] =	ssyncadd.remote.s32 @p0 $0x1;
	_ =	sdelay $0x1  }
0xb2: {  	s6 =	simm.s32 @p0 $0x1B8D  }
0xb3: {  	_ =	swait.eq @p0 [sflag:s6], $0x1  }
0xb4: {  	[sflag:s6] =	ssyncadd.s32 @p0 $0xFFFFFFFF  }
0xb5: {  	s7 =	sshll.u32 @!p0 s1, $0xE  }
0xb6: {  	s7 =	sor.u32 @!p0 $0x4000, s7;
	s6 =	simm.s32 @!p0 $0x1B8D  }
0xb7: {  	s5 =	sshll.u32 @!p0 s5, $0x11;
	s7 =	sadd.s32 @!p0 $0x11B8D, s7;
	_ =	swait.eq @!p0 [sflag:s6], $0x1  }
0xb8: {  	s5 =	sor.u32 @!p0 s5, s7;
	[sflag:s6] =	ssyncadd.s32 @!p0 $0xFFFFFFFF  }
0xb9: {  	s25 =	simm.s32 $0x1B8E;
	s24 =	sld [smem:$0x3FFE];
	[sflag:s5] =	ssyncadd.remote.s32 @!p0 $0x1  }
0xba: {  	s26 =	simm.s32 $execute0_lowered;
	[smem:$0x3FD2] =	sst s25  }
0xbb: {  	s6 =	sshll.u32 s26, $0x1;
	_ =	strace $0x80000049;
	[dreg:$0x1] =	wrdreg $0xFFFFFFFF  }
0xbc: {  	s28 =	simm.s32 $_size_execute0_lowered;
	s4 =	sadd.s32 s4, s6;
	[dreg:$0x0] =	wrdreg $0x0  }
0xbd: {  	s6 =	sshll.u32 s28, $0x1;
	[dreg:$0x2] =	wrdreg s4  }
0xbe: {  	[dreg:$0x3] =	wrdreg s6  }
0xbf: {  	[dreg:$0x4] =	wrdreg $0xC0  }
0xc0: {  	_ =	task [dreg:s22], $0x5FFFF  }
0xc1: {  	[dreg:$0x1] =	wrdreg $0xFFFFFFFF  }
0xc2: {  	[dreg:$0x0] =	wrdreg $0x60  }
0xc3: {  	[dreg:$0x2] =	wrdreg s17  }
0xc4: {  	[dreg:$0x3] =	wrdreg s24  }
0xc5: {  	[dreg:$0x4] =	wrdreg $0xA  }
0xc6: {  	_ =	task.clear_ibuf [dreg:s22], $0x5FFFF;
	_ =	strace $0x90000049  }
0xc7: {  	s29 =	simm.s32 $0xA;
	_ =	strace $0x8000004B  }
0xc8: {  	_ =	swait.ge [sflag:s29], $0x1  }
0xc9: {  	[sflag:s29] =	ssyncadd.s32 $0xFFFFFFFF  }
0xca: {  	_ =	strace $0x9000004B  }
0xcb: {  	_ =	sfence  }
0xcc: {  	s30 =	sld [smem:$0x0];
	_ =	sdelay $0x2  }
0xcd: {  	s31 =	sshll.u32 s1, $0xD;
	s1 =	sshrl.u32 s1, $0x2  }
0xce: {  	s4 =	sand.u32 $0x4000, s31;
	s1 =	sadd.s32 s1, s30  }
0xcf: {  	s0 =	sor.u32 s4, s0;
	s1 =	sshll.u32 s1, $0x11  }
0xd0: {  	s0 =	sor.u32 s1, s0  }
0xd1: {  	s0 =	sadd.s32 $0x8F2B, s0  }
0xd2: {  	[sflag:s0] =	ssyncadd.remote.s32 $0x1  }
0xd3: {  	_ =	sfence.sel $0xFFFF  }
0xd4: {  	[dreg:$0x0] =	wrdreg $0xFFFFFFFF;
	(pc) =	sbr.abs _section_cstart, $3  }
0xd5: {  	[dreg:$0x1] =	wrdreg $0xFFFFFFFF  }
0xd6: {  	_ =	task.clear_ibuf [dreg:s22], $0x2FFFF;
	_ =	strace $0x9FFFFFFF  }
0xd7: {  	(tm) =	ssettm $0x7FFFFFFF  }
tec
execute0_lowered:
.L_overlay_start_1:
0x0: {  	(tag) =	ssettag $0x1  }
0x1: {  	s1 =	srdreg.scid;
	s0 =	stileid.u32  }
0x2: {  	s25 =	sand.u32 $0x1, s1;
	s31 =	sshll.u32 s0, $0x1  }
0x3: {  	s2 =	rddreg [dreg:$0x0];
	s8 =	sor.u32 s25, s31  }
0x4: {  	s10 =	rddreg [dreg:$0x1];
	s4 =	smul.u32 $0x120, s8  }
0x5: {  	s3 =	simm.s32 $0x0;
	s1 =	rddreg [dreg:$0x2]  }
0x6: {  	[smem:$0x7FF] =	sst s3;
	s4 =	sadd.s32 s4, s10  }
0x7: {  	_ =	strace $0x8000004A;
	s5 =	sadd.s32 $0x64200, s4;
	s4 =	simm.s32 $0x2  }
0x8: {  	[tilespmem:s3], [sflag:$0x2] =	stream.linear.gather [hbm4b:s5+s3], $0x900, $0x38;
	[tilespmem:$0x10900] =	vst v63  }
0x9: {  	_ =	swait.ge [sflag:s4], $0x900  }
0xa: {  	[sflag:s4] =	ssyncset.done $0x0  }
0xb: {  	s6 =	simm.s32 $0x100;
	s7 =	simm.s32 $0x900;
	[sflag:s4] =	ssyncadd.s32 $0xFFFFF700  }
0xc: {  	[tilespmem:s7], [sflag:$0x1] =	stream.indirect.gather [hbm4b:s2+s6], $0x80, s3, s6, $0xb8;
	[tilespmem:$0x10900] =	vst v63  }
0xd: {  	s9 =	simm.s32 $0x1;
	s11 =	smul.u32 $0x48000, s8;
	s8 =	simm.s32 $0x8900  }
0xe: {  	[tilespmem:s8], [sflag:$0x1] =	stream.indirect.gather [hbm4b:s2+s6], $0x80, s6, s6, $0xb8;
	[tilespmem:$0x10900] =	vst v63  }
0xf: {  	s11 =	sshrl.u32 s11, $0x3;
	_ =	swait.ge [sflag:s9], $0x8000  }
0x10: {  	s26 =	sadd.s32 s11, s10;
	[sflag:s9] =	ssyncset.done $0x0  }
0x11: {  	s10 =	sadd.s32 $0x1A6600, s26;
	[sflag:s9] =	ssyncadd.s32 $0xFFFF8000  }
0x12: {  	[hbm4b:s10+s3] =	stream.linear.scatter [tilespmem:s7], [sflag:$0x2], $0x8000, $0x38;
	[tilespmem:$0x10900] =	vst v63  }
0x13: {  	_ =	swait.ge [sflag:s4], $0x8000  }
0x14: {  	[sflag:s4] =	ssyncset.done $0x0  }
0x15: {  	s11 =	simm.s32 $0x200;
	[sflag:s4] =	ssyncadd.s32 $0xFFFF8000  }
0x16: {  	[tilespmem:s7], [sflag:$0x1] =	stream.indirect.gather [hbm4b:s2+s6], $0x80, s11, s6, $0xb8;
	[tilespmem:$0x10900] =	vst v63  }
0x17: {  	_ =	swait.ge [sflag:s9], $0x8000  }
0x18: {  	[sflag:s9] =	ssyncset.done $0x0  }
0x19: {  	s12 =	sadd.s32 $0x1A7600, s26;
	[sflag:s9] =	ssyncadd.s32 $0xFFFF8000  }
0x1a: {  	[hbm4b:s12+s3] =	stream.linear.scatter [tilespmem:s8], [sflag:$0x2], $0x8000, $0x38;
	[tilespmem:$0x10900] =	vst v63  }
0x1b: {  	_ =	swait.ge [sflag:s4], $0x8000  }
0x1c: {  	[sflag:s4] =	ssyncset.done $0x0  }
0x1d: {  	s13 =	simm.s32 $0x300;
	[sflag:s4] =	ssyncadd.s32 $0xFFFF8000  }
0x1e: {  	[tilespmem:s8], [sflag:$0x1] =	stream.indirect.gather [hbm4b:s2+s6], $0x80, s13, s6, $0xb8;
	[tilespmem:$0x10900] =	vst v63  }
0x1f: {  	_ =	swait.ge [sflag:s9], $0x8000  }
0x20: {  	[sflag:s9] =	ssyncset.done $0x0  }
0x21: {  	s14 =	sadd.s32 $0x1A8600, s26;
	[sflag:s9] =	ssyncadd.s32 $0xFFFF8000  }
0x22: {  	[hbm4b:s14+s3] =	stream.linear.scatter [tilespmem:s7], [sflag:$0x2], $0x8000, $0x38;
	[tilespmem:$0x10900] =	vst v63  }
0x23: {  	_ =	swait.ge [sflag:s4], $0x8000  }
0x24: {  	[sflag:s4] =	ssyncset.done $0x0  }
0x25: {  	s15 =	simm.s32 $0x400;
	[sflag:s4] =	ssyncadd.s32 $0xFFFF8000  }
0x26: {  	[tilespmem:s7], [sflag:$0x1] =	stream.indirect.gather [hbm4b:s2+s6], $0x80, s15, s6, $0xb8;
	[tilespmem:$0x10900] =	vst v63  }
0x27: {  	_ =	swait.ge [sflag:s9], $0x8000  }
0x28: {  	[sflag:s9] =	ssyncset.done $0x0  }
0x29: {  	s16 =	sadd.s32 $0x1A9600, s26;
	[sflag:s9] =	ssyncadd.s32 $0xFFFF8000  }
0x2a: {  	[hbm4b:s16+s3] =	stream.linear.scatter [tilespmem:s8], [sflag:$0x2], $0x8000, $0x38;
	[tilespmem:$0x10900] =	vst v63  }
0x2b: {  	_ =	swait.ge [sflag:s4], $0x8000  }
0x2c: {  	[sflag:s4] =	ssyncset.done $0x0  }
0x2d: {  	s17 =	simm.s32 $0x500;
	[sflag:s4] =	ssyncadd.s32 $0xFFFF8000  }
0x2e: {  	[tilespmem:s8], [sflag:$0x1] =	stream.indirect.gather [hbm4b:s2+s6], $0x80, s17, s6, $0xb8;
	[tilespmem:$0x10900] =	vst v63  }
0x2f: {  	_ =	swait.ge [sflag:s9], $0x8000  }
0x30: {  	[sflag:s9] =	ssyncset.done $0x0  }
0x31: {  	s18 =	sadd.s32 $0x1AA600, s26;
	[sflag:s9] =	ssyncadd.s32 $0xFFFF8000  }
0x32: {  	[hbm4b:s18+s3] =	stream.linear.scatter [tilespmem:s7], [sflag:$0x2], $0x8000, $0x38;
	[tilespmem:$0x10900] =	vst v63  }
0x33: {  	_ =	swait.ge [sflag:s4], $0x8000  }
0x34: {  	[sflag:s4] =	ssyncset.done $0x0  }
0x35: {  	s19 =	simm.s32 $0x600;
	[sflag:s4] =	ssyncadd.s32 $0xFFFF8000  }
0x36: {  	[tilespmem:s7], [sflag:$0x1] =	stream.indirect.gather [hbm4b:s2+s6], $0x80, s19, s6, $0xb8;
	[tilespmem:$0x10900] =	vst v63  }
0x37: {  	_ =	swait.ge [sflag:s9], $0x8000  }
0x38: {  	[sflag:s9] =	ssyncset.done $0x0  }
0x39: {  	s20 =	sadd.s32 $0x1AB600, s26;
	[sflag:s9] =	ssyncadd.s32 $0xFFFF8000  }
0x3a: {  	[hbm4b:s20+s3] =	stream.linear.scatter [tilespmem:s8], [sflag:$0x2], $0x8000, $0x38;
	[tilespmem:$0x10900] =	vst v63  }
0x3b: {  	_ =	swait.ge [sflag:s4], $0x8000  }
0x3c: {  	[sflag:s4] =	ssyncset.done $0x0  }
0x3d: {  	s21 =	simm.s32 $0x700;
	[sflag:s4] =	ssyncadd.s32 $0xFFFF8000  }
0x3e: {  	[tilespmem:s8], [sflag:$0x1] =	stream.indirect.gather [hbm4b:s2+s6], $0x80, s21, s6, $0xb8;
	[tilespmem:$0x10900] =	vst v63  }
0x3f: {  	_ =	swait.ge [sflag:s9], $0x8000  }
0x40: {  	[sflag:s9] =	ssyncset.done $0x0  }
0x41: {  	s22 =	sadd.s32 $0x1AC600, s26;
	[sflag:s9] =	ssyncadd.s32 $0xFFFF8000  }
0x42: {  	[hbm4b:s22+s3] =	stream.linear.scatter [tilespmem:s7], [sflag:$0x2], $0x8000, $0x38;
	[tilespmem:$0x10900] =	vst v63  }
0x43: {  	_ =	swait.ge [sflag:s4], $0x8000  }
0x44: {  	[sflag:s4] =	ssyncset.done $0x0  }
0x45: {  	s23 =	simm.s32 $0x800;
	[sflag:s4] =	ssyncadd.s32 $0xFFFF8000  }
0x46: {  	[tilespmem:s7], [sflag:$0x1] =	stream.indirect.gather [hbm4b:s2+s6], $0x80, s23, s6, $0xb8;
	[tilespmem:$0x10900] =	vst v63  }
0x47: {  	_ =	swait.ge [sflag:s9], $0x8000  }
0x48: {  	[sflag:s9] =	ssyncset.done $0x0  }
0x49: {  	s25 =	ssub.s32 $0x2, s25;
	s24 =	sadd.s32 $0x1AD600, s26;
	[sflag:s9] =	ssyncadd.s32 $0xFFFF8000  }
0x4a: {  	[hbm4b:s24+s3] =	stream.linear.scatter [tilespmem:s8], [sflag:$0x2], $0x8000, $0x38;
	[tilespmem:$0x10900] =	vst v63  }
0x4b: {  	s28 =	sshrl.u32 s25, $0x1;
	_ =	swait.ge [sflag:s4], $0x8000  }
0x4c: {  	s25 =	ssub.s32 s25, s28;
	[sflag:s4] =	ssyncset.done $0x0  }
0x4d: {  	s28 =	smax.u32 s25, $0x1;
	[sflag:s4] =	ssyncadd.s32 $0xFFFF8000  }
0x4e: {  	p0 =	sne.s32 s28, $0x1;
	_ =	swait.ge [sflag:s9], $0x8000  }
.Ltmp0:
0x4f: {  	[sflag:s9] =	ssyncset.done $0x0;
	(pc) =	sbr.rel @!p0 .LBB2_2-.Ltmp0, $4  }
0x50: {  	s25 =	sadd.s32 $0x1AE600, s26;
	[sflag:s9] =	ssyncadd.s32 $0xFFFF8000  }
0x51: {  	[hbm4b:s25+s3] =	stream.linear.scatter [tilespmem:s7], [sflag:$0x2], $0x8000, $0x38;
	[tilespmem:$0x10900] =	vst v63  }
0x52: {  	_ =	swait.ge [sflag:s4], $0x8000  }
0x53: {  	s26 =	sadd.s32 $0xFFFFFFFF, s28;
	[sflag:s4] =	ssyncset.done $0x0  }
.LBB2_1:
0x54: {  	p0 =	sne.s32 s26, $0x1;
	s26 =	sadd.s32 $0xFFFFFFFF, s26;
	[sflag:s4] =	ssyncadd.s32 $0xFFFF8000  }
0x55: {  	[tilespmem:s3], [sflag:$0x2] =	stream.linear.gather [hbm4b:s5+s3], $0x900, $0x38;
	[tilespmem:$0x10900] =	vst v63  }
0x56: {  	_ =	swait.ge [sflag:s4], $0x900  }
0x57: {  	[sflag:s4] =	ssyncset.done $0x0  }
0x58: {  	[sflag:s4] =	ssyncadd.s32 $0xFFFFF700  }
0x59: {  	[tilespmem:s7], [sflag:$0x1] =	stream.indirect.gather [hbm4b:s2+s6], $0x80, s3, s6, $0xb8;
	[tilespmem:$0x10900] =	vst v63  }
0x5a: {  	_ = 	snop  }
0x5b: {  	[tilespmem:s8], [sflag:$0x1] =	stream.indirect.gather [hbm4b:s2+s6], $0x80, s6, s6, $0xb8;
	[tilespmem:$0x10900] =	vst v63  }
0x5c: {  	_ =	swait.ge [sflag:s9], $0x8000  }
0x5d: {  	[sflag:s9] =	ssyncset.done $0x0  }
0x5e: {  	[sflag:s9] =	ssyncadd.s32 $0xFFFF8000  }
0x5f: {  	[hbm4b:s10+s3] =	stream.linear.scatter [tilespmem:s7], [sflag:$0x2], $0x8000, $0x38;
	[tilespmem:$0x10900] =	vst v63  }
0x60: {  	_ =	swait.ge [sflag:s4], $0x8000  }
0x61: {  	[sflag:s4] =	ssyncset.done $0x0  }
0x62: {  	[sflag:s4] =	ssyncadd.s32 $0xFFFF8000  }
0x63: {  	[tilespmem:s7], [sflag:$0x1] =	stream.indirect.gather [hbm4b:s2+s6], $0x80, s11, s6, $0xb8;
	[tilespmem:$0x10900] =	vst v63  }
0x64: {  	_ =	swait.ge [sflag:s9], $0x8000  }
0x65: {  	[sflag:s9] =	ssyncset.done $0x0  }
0x66: {  	[sflag:s9] =	ssyncadd.s32 $0xFFFF8000  }
0x67: {  	[hbm4b:s12+s3] =	stream.linear.scatter [tilespmem:s8], [sflag:$0x2], $0x8000, $0x38;
	[tilespmem:$0x10900] =	vst v63  }
0x68: {  	_ =	swait.ge [sflag:s4], $0x8000  }
0x69: {  	[sflag:s4] =	ssyncset.done $0x0  }
0x6a: {  	[sflag:s4] =	ssyncadd.s32 $0xFFFF8000  }
0x6b: {  	[tilespmem:s8], [sflag:$0x1] =	stream.indirect.gather [hbm4b:s2+s6], $0x80, s13, s6, $0xb8;
	[tilespmem:$0x10900] =	vst v63  }
0x6c: {  	_ =	swait.ge [sflag:s9], $0x8000  }
0x6d: {  	[sflag:s9] =	ssyncset.done $0x0  }
0x6e: {  	[sflag:s9] =	ssyncadd.s32 $0xFFFF8000  }
0x6f: {  	[hbm4b:s14+s3] =	stream.linear.scatter [tilespmem:s7], [sflag:$0x2], $0x8000, $0x38;
	[tilespmem:$0x10900] =	vst v63  }
0x70: {  	_ =	swait.ge [sflag:s4], $0x8000  }
0x71: {  	[sflag:s4] =	ssyncset.done $0x0  }
0x72: {  	[sflag:s4] =	ssyncadd.s32 $0xFFFF8000  }
0x73: {  	[tilespmem:s7], [sflag:$0x1] =	stream.indirect.gather [hbm4b:s2+s6], $0x80, s15, s6, $0xb8;
	[tilespmem:$0x10900] =	vst v63  }
0x74: {  	_ =	swait.ge [sflag:s9], $0x8000  }
0x75: {  	[sflag:s9] =	ssyncset.done $0x0  }
0x76: {  	[sflag:s9] =	ssyncadd.s32 $0xFFFF8000  }
0x77: {  	[hbm4b:s16+s3] =	stream.linear.scatter [tilespmem:s8], [sflag:$0x2], $0x8000, $0x38;
	[tilespmem:$0x10900] =	vst v63  }
0x78: {  	_ =	swait.ge [sflag:s4], $0x8000  }
0x79: {  	[sflag:s4] =	ssyncset.done $0x0  }
0x7a: {  	[sflag:s4] =	ssyncadd.s32 $0xFFFF8000  }
0x7b: {  	[tilespmem:s8], [sflag:$0x1] =	stream.indirect.gather [hbm4b:s2+s6], $0x80, s17, s6, $0xb8;
	[tilespmem:$0x10900] =	vst v63  }
0x7c: {  	_ =	swait.ge [sflag:s9], $0x8000  }
0x7d: {  	[sflag:s9] =	ssyncset.done $0x0  }
0x7e: {  	[sflag:s9] =	ssyncadd.s32 $0xFFFF8000  }
0x7f: {  	[hbm4b:s18+s3] =	stream.linear.scatter [tilespmem:s7], [sflag:$0x2], $0x8000, $0x38;
	[tilespmem:$0x10900] =	vst v63  }
0x80: {  	_ =	swait.ge [sflag:s4], $0x8000  }
0x81: {  	[sflag:s4] =	ssyncset.done $0x0  }
0x82: {  	[sflag:s4] =	ssyncadd.s32 $0xFFFF8000  }
0x83: {  	[tilespmem:s7], [sflag:$0x1] =	stream.indirect.gather [hbm4b:s2+s6], $0x80, s19, s6, $0xb8;
	[tilespmem:$0x10900] =	vst v63  }
0x84: {  	_ =	swait.ge [sflag:s9], $0x8000  }
0x85: {  	[sflag:s9] =	ssyncset.done $0x0  }
0x86: {  	[sflag:s9] =	ssyncadd.s32 $0xFFFF8000  }
0x87: {  	[hbm4b:s20+s3] =	stream.linear.scatter [tilespmem:s8], [sflag:$0x2], $0x8000, $0x38;
	[tilespmem:$0x10900] =	vst v63  }
0x88: {  	_ =	swait.ge [sflag:s4], $0x8000  }
0x89: {  	[sflag:s4] =	ssyncset.done $0x0  }
0x8a: {  	[sflag:s4] =	ssyncadd.s32 $0xFFFF8000  }
0x8b: {  	[tilespmem:s8], [sflag:$0x1] =	stream.indirect.gather [hbm4b:s2+s6], $0x80, s21, s6, $0xb8;
	[tilespmem:$0x10900] =	vst v63  }
0x8c: {  	_ =	swait.ge [sflag:s9], $0x8000  }
0x8d: {  	[sflag:s9] =	ssyncset.done $0x0  }
0x8e: {  	[sflag:s9] =	ssyncadd.s32 $0xFFFF8000  }
0x8f: {  	[hbm4b:s22+s3] =	stream.linear.scatter [tilespmem:s7], [sflag:$0x2], $0x8000, $0x38;
	[tilespmem:$0x10900] =	vst v63  }
0x90: {  	_ =	swait.ge [sflag:s4], $0x8000  }
0x91: {  	[sflag:s4] =	ssyncset.done $0x0  }
0x92: {  	[sflag:s4] =	ssyncadd.s32 $0xFFFF8000  }
0x93: {  	[tilespmem:s7], [sflag:$0x1] =	stream.indirect.gather [hbm4b:s2+s6], $0x80, s23, s6, $0xb8;
	[tilespmem:$0x10900] =	vst v63  }
0x94: {  	_ =	swait.ge [sflag:s9], $0x8000  }
0x95: {  	[sflag:s9] =	ssyncset.done $0x0  }
0x96: {  	[sflag:s9] =	ssyncadd.s32 $0xFFFF8000  }
0x97: {  	[hbm4b:s24+s3] =	stream.linear.scatter [tilespmem:s8], [sflag:$0x2], $0x8000, $0x38;
	[tilespmem:$0x10900] =	vst v63  }
0x98: {  	_ =	swait.ge [sflag:s4], $0x8000  }
0x99: {  	[sflag:s4] =	ssyncset.done $0x0  }
0x9a: {  	[sflag:s4] =	ssyncadd.s32 $0xFFFF8000  }
0x9b: {  	_ =	swait.ge [sflag:s9], $0x8000  }
.Ltmp1:
0x9c: {  	[sflag:s9] =	ssyncset.done $0x0;
	(pc) =	sbr.rel @p0 .LBB2_1-.Ltmp1, $4  }
0x9d: {  	[sflag:s9] =	ssyncadd.s32 $0xFFFF8000  }
0x9e: {  	[hbm4b:s25+s3] =	stream.linear.scatter [tilespmem:s7], [sflag:$0x2], $0x8000, $0x38;
	[tilespmem:$0x10900] =	vst v63  }
0x9f: {  	_ =	swait.ge [sflag:s4], $0x8000  }
0xa0: {  	[sflag:s4] =	ssyncset.done $0x0  }
.LBB2_2:
0xa1: {  	[sflag:s4] =	ssyncadd.s32 $0xFFFF8000  }
0xa2: {  	_ =	sfence.sel $0x180000  }
0xa3: {  	[bflag:$0x0] =	sbarrier.arrive $0xFFFF  }
0xa4: {  	p0 =	sne.s32 s0, $0x0;
	_ =	strace $0x9000004A  }
0xa5: {  	s0 =	sadd.s32 @!p0 $0x100000, s1;
	[bflag:$0x2] =	sbarrier.arrive $0xFFFF  }
0xa6: {  	[sflag:s0] =	ssyncadd.tile.s32 @!p0 $0x1;
	_ =	shalt  }
.Lfunc_end2:
_tile_overlayer_lowered:
.L_overlay_start_2:
0xa7: {  	(tag) =	ssettag $0x2  }
0xa8: {  	s0 =	rddreg [dreg:$0x0];
	s2 =	stileid.u32  }
0xa9: {  	s1 =	rddreg [dreg:$0x1];
	p0 =	sne.s32 s2, $0x0  }
0xaa: {  	s3 =	rddreg [dreg:$0x2];
	[bflag:$0x3] =	sbarrier.arrive $0xFFFF;
	s2 =	simm.s32 @!p0 $0x1C02  }
0xab: {  	[timem:s3], [sflag:s2] =	dma.local @!p0 [hbm:s0], s1  }
0xac: {  	s0 =	simm.s32 @!p0 $0x2  }
0xad: {  	_ =	swait.ge @!p0 [sflag:s0], s1  }
0xae: {  	s1 =	ssub.s32 @!p0 $0x0, s1;
	[sflag:s0] =	ssyncset.done @!p0 $0x0  }
0xaf: {  	[sflag:s0] =	ssyncadd.s32 @!p0 s1  }
0xb0: {  	[bflag:$0x3] =	sbarrier.arrive $0xFFFF  }
0xb1: {  	_ =	shalt  }

// kernel: kernel.8.cloned.1.call-start
scs
__scs_entry_jumppad:
0x0: {  	(pc) =	sbr.rel $0x88, $3  }
0x1: {  	(tag) =	ssettag $0x0;
	lr =	simm.s32 $0x1  }
0x2: {  	[smem:$0x3F8D] =	sst lr;
	_ =	strace $0xD0000000  }
0x3: {  	_ = 	snop  }
0x4: {  	_ = 	snop  }
0x5: {  	_ = 	snop  }
0x6: {  	_ = 	snop  }
0x7: {  	_ = 	snop  }
__scs_overlays_trampoline_lowered:
0x8: {  	[smem:$0x3F9C] =	sst s0  }
0x9: {  	[smem:$0x3F9D] =	sst s1  }
0xa: {  	[smem:$0x3F9E] =	sst s2  }
0xb: {  	[smem:$0x3F9F] =	sst s3  }
0xc: {  	[smem:$0x3FA0] =	sst s4  }
0xd: {  	[smem:$0x3FA1] =	sst s5  }
0xe: {  	[smem:$0x3FA2] =	sst s6  }
0xf: {  	[smem:$0x3FA3] =	sst s7  }
0x10: {  	[smem:$0x3FA4] =	sst s8  }
0x11: {  	[smem:$0x3FA5] =	sst s9;
	s0 =	simm.s32 @!p0 $0x0  }
0x12: {  	s1 =	sld [smem:$0x3F8B];
	s0 =	simm.s32 @p0 $0x1  }
0x13: {  	[smem:$0x3FA6] =	sst s0;
	s0 =	simm.s32 @!p1 $0x0  }
0x14: {  	s2 =	sld [smem:$0x3F8A];
	s0 =	simm.s32 @p1 $0x1  }
0x15: {  	[smem:$0x3FA7] =	sst s0;
	s0 =	simm.s32 @!p2 $0x0  }
0x16: {  	s3 =	sld [smem:$0x3FDB];
	s0 =	simm.s32 @p2 $0x1  }
0x17: {  	s4 =	simm.s32 $0x1BF5;
	[smem:$0x3FA9] =	sst s0  }
0x18: {  	s0 =	sld [smem:$0x3F8C];
	_ =	swait.ge [sflag:s4], $0x0  }
0x19: {  	s7 =	sld [smem:$0x3F8D]  }
0x1a: {  	s8 =	sadd.s32 $0xFFFFE003, lr  }
0x1b: {  	s9 =	sadd.s32 $0xFFFFFEF7, lr;
	s5 =	simm.s32 $0xFFFFFFFF;
	p2 =	slt.u32 s8, $0xFFFFF086  }
0x1c: {  	p1 =	slt.u32 s9, $0xF7A;
	s5 =	simm.s32 @!p2 $0x0  }
0x1d: {  	s5 =	simm.s32 @p1 $0x1;
	p0 =	seq.s32 s7, s2  }
0x1e: {  	s7 =	smul.u32 @!p0 $0xF7A, s2;
	p2 =	seq.s32 @!p0 s5, $0x0  }
0x1f: {  	s9 =	smul.u32 $0xF7A, s1;
	s8 =	simm.s32 @!p0 $0x1BF5;
	p2 =	por !p2, p0  }
0x20: {  	[sflag:s8] =	ssyncset.s32 @!p0 $0xFFFFF086;
	s6 =	sadd.s32 @!p0 s3, s7;
	s7 =	simm.s32 @!p0 $0x108  }
0x21: {  	s3 =	sadd.s32 s3, s9;
	s6 =	sadd.s32 @!p0 $0x88, s6;
	s7 =	simm.s32 @p2 $0x1082  }
0x22: {  	[simem:s7], [sflag:s8] =	dma.local @!p0 [hbm:s6], $0xF7A  }
0x23: {  	s9 =	sor.u32 $0xD0000000, s2;
	s6 =	simm.s32 $0x108;
	_ =	swait.ge @!p0 [sflag:s8], $0x0  }
0x24: {  	s3 =	sadd.s32 $0x88, s3;
	s6 =	simm.s32 @!p1 $0x1082;
	[sflag:s4] =	ssyncset.s32 $0xFFFFF086  }
0x25: {  	[simem:s6], [sflag:s4] =	dma.local [hbm:s3], $0xF7A  }
0x26: {  	[smem:$0x3F8D] =	sst s1;
	(tag) =	ssettag s2;
	_ =	strace s9  }
0x27: {  	s1 =	sld [smem:$0x3F9D]  }
0x28: {  	s2 =	sld [smem:$0x3F9E]  }
0x29: {  	s4 =	sld [smem:$0x3FA0]  }
0x2a: {  	p0 =	seq.s32 s5, $0x0;
	s5 =	sld [smem:$0x3FA1]  }
0x2b: {  	s6 =	sld [smem:$0x3FA2]  }
0x2c: {  	s7 =	sld [smem:$0x3FA3]  }
0x2d: {  	s3 =	simm.s32 $0x108;
	s8 =	sld [smem:$0x3FA4]  }
0x2e: {  	s3 =	simm.s32 @!p0 $0x1082;
	s9 =	sld [smem:$0x3FA5]  }
0x2f: {  	lr =	sadd.s32 s0, s3;
	s0 =	sld [smem:$0x3F9C]  }
0x30: {  	s3 =	sld [smem:$0x3F9F]  }
0x31: {  	[smem:$0x3FA8] =	sst s10  }
0x32: {  	s10 =	sld [smem:$0x3FA6];
	_ =	sdelay $0x3  }
0x33: {  	p0 =	seq.s32 s10, $0x1;
	s10 =	sld [smem:$0x3FA8];
	_ =	sdelay $0x3  }
0x34: {  	[smem:$0x3FA8] =	sst s10  }
0x35: {  	s10 =	sld [smem:$0x3FA7];
	_ =	sdelay $0x3  }
0x36: {  	p1 =	seq.s32 s10, $0x1;
	s10 =	sld [smem:$0x3FA8];
	_ =	sdelay $0x3  }
0x37: {  	[smem:$0x3FA8] =	sst s10  }
0x38: {  	s10 =	sld [smem:$0x3FA9]  }
0x39: {  	_ = 	snop;
	(pc) =	sbr.ind lr, $3  }
0x3a: {  	_ = 	snop  }
0x3b: {  	_ = 	snop  }
0x3c: {  	p2 =	seq.s32 s10, $0x1;
	s10 =	sld [smem:$0x3FA8]  }
0x3d: {  	_ =	shalt  }
0x3e: {  	_ =	shalt  }
0x3f: {  	_ =	shalt  }
0x40: {  	_ =	shalt  }
0x41: {  	_ =	shalt  }
0x42: {  	_ =	shalt  }
0x43: {  	_ =	shalt  }
0x44: {  	_ =	shalt  }
0x45: {  	_ =	shalt  }
0x46: {  	_ =	shalt  }
0x47: {  	_ =	shalt  }
0x48: {  	_ =	shalt  }
0x49: {  	_ =	shalt  }
0x4a: {  	_ =	shalt  }
0x4b: {  	_ =	shalt  }
0x4c: {  	_ =	shalt  }
0x4d: {  	_ =	shalt  }
0x4e: {  	_ =	shalt  }
0x4f: {  	_ =	shalt  }
0x50: {  	_ =	shalt  }
0x51: {  	_ =	shalt  }
0x52: {  	_ =	shalt  }
0x53: {  	_ =	shalt  }
0x54: {  	_ =	shalt  }
0x55: {  	_ =	shalt  }
0x56: {  	_ =	shalt  }
0x57: {  	_ =	shalt  }
0x58: {  	_ =	shalt  }
0x59: {  	_ =	shalt  }
0x5a: {  	_ =	shalt  }
0x5b: {  	_ =	shalt  }
0x5c: {  	_ =	shalt  }
0x5d: {  	_ =	shalt  }
0x5e: {  	_ =	shalt  }
0x5f: {  	_ =	shalt  }
0x60: {  	_ =	shalt  }
0x61: {  	_ =	shalt  }
0x62: {  	_ =	shalt  }
0x63: {  	_ =	shalt  }
0x64: {  	_ =	shalt  }
0x65: {  	_ =	shalt  }
0x66: {  	_ =	shalt  }
0x67: {  	_ =	shalt  }
0x68: {  	_ =	shalt  }
0x69: {  	_ =	shalt  }
0x6a: {  	_ =	shalt  }
0x6b: {  	_ =	shalt  }
0x6c: {  	_ =	shalt  }
0x6d: {  	_ =	shalt  }
0x6e: {  	_ =	shalt  }
0x6f: {  	_ =	shalt  }
0x70: {  	_ =	shalt  }
0x71: {  	_ =	shalt  }
0x72: {  	_ =	shalt  }
0x73: {  	_ =	shalt  }
0x74: {  	_ =	shalt  }
0x75: {  	_ =	shalt  }
0x76: {  	_ =	shalt  }
0x77: {  	_ =	shalt  }
0x78: {  	_ =	shalt  }
0x79: {  	_ =	shalt  }
0x7a: {  	_ =	shalt  }
0x7b: {  	_ =	shalt  }
0x7c: {  	_ =	shalt  }
0x7d: {  	_ =	shalt  }
0x7e: {  	_ =	shalt  }
0x7f: {  	_ =	shalt  }
0x80: {  	_ =	shalt  }
0x81: {  	_ =	shalt  }
0x82: {  	_ =	shalt  }
0x83: {  	_ =	shalt  }
0x84: {  	_ =	shalt  }
0x85: {  	_ =	shalt  }
0x86: {  	_ =	shalt  }
0x87: {  	_ =	shalt  }
.Lfunc_end0:
.L_simem_size_0:
called_computation_lowered:
.L_overlay_start_0:
0x88: {  	s2 =	sld [smem:$0x3FD9]  }
0x89: {  	s3 =	sld [smem:$0x3FFE];
	_ =	sdelay $0x1  }
0x8a: {  	s1 =	srdreg.scid  }
0x8b: {  	s0 =	sand.u32 $0x1, s1  }
0x8c: {  	s16 =	sshll.u32 s0, $0xA;
	s2 =	sadd.s32 s3, s2  }
0x8d: {  	s2 =	sadd.s32 s2, s16  }
0x8e: {  	[smem:$0x3FB4] =	sst s2  }
0x8f: {  	_ = 	snop  }
0x90: {  	(tm) =	ssettm $0x1  }
0x91: {  	s17 =	sld [smem:$0x3FFB];
	_ =	sdelay $0x3  }
0x92: {  	_ =	strace s17  }
0x93: {  	s2 =	sld [smem:$0x3FFC];
	_ =	sdelay $0x3  }
0x94: {  	_ =	strace s2  }
0x95: {  	s2 =	sld [smem:$0x3FFD];
	_ =	sdelay $0x3  }
0x96: {  	_ =	strace s2  }
0x97: {  	_ =	strace $0x8FFFFFFF  }
0x98: {  	s18 =	sld [smem:$0x3FDB];
	_ =	sdelay $0x1  }
0x99: {  	s19 =	simm.s32 $_scs_section_size  }
0x9a: {  	s4 =	simm.s32 $_size__tile_overlayer_lowered;
	s5 =	simm.s32 $_tile_overlayer_lowered  }
0x9b: {  	s22 =	simm.s32 $0x1BFF;
	s21 =	sshll.u32 s5, $0x1;
	s2 =	sadd.s32 s19, s18  }
0x9c: {  	s6 =	simm.s32 $0x0;
	s20 =	sshll.u32 s4, $0x1;
	s4 =	sadd.s32 s21, s2  }
0x9d: {  	[timem:s6], [sflag:s22] =	dma.local [hbm:s4], s20  }
0x9e: {  	_ =	swait.ge [sflag:s22], s20  }
0x9f: {  	s3 =	ssub.s32 $0x0, s20;
	[sflag:s22] =	ssyncset.done $0x0  }
0xa0: {  	[sflag:s22] =	ssyncadd.s32 s3;
	_ =	sdelay $0x1  }
0xa1: {  	s23 =	simm.s32 $0x1B8B  }
0xa2: {  	_ =	swait.ge [sflag:s23], $0x1  }
0xa3: {  	[sflag:s23] =	ssyncset.done $0x0  }
0xa4: {  	s25 =	simm.s32 $0x1B8E;
	s24 =	sld [smem:$0x3FFE];
	[sflag:s23] =	ssyncadd.s32 $0xFFFFFFFF  }
0xa5: {  	s26 =	simm.s32 $execute0_lowered;
	[smem:$0x3FD2] =	sst s25  }
0xa6: {  	s4 =	sshll.u32 s26, $0x1;
	_ =	strace $0x80000046;
	[dreg:$0x1] =	wrdreg $0xFFFFFFFF  }
0xa7: {  	s28 =	simm.s32 $_size_execute0_lowered;
	s2 =	sadd.s32 s2, s4;
	[dreg:$0x0] =	wrdreg $0x0  }
0xa8: {  	s4 =	sshll.u32 s28, $0x1;
	[dreg:$0x2] =	wrdreg s2  }
0xa9: {  	[dreg:$0x3] =	wrdreg s4  }
0xaa: {  	[dreg:$0x4] =	wrdreg $0xC0  }
0xab: {  	_ =	task [dreg:s6], $0x5FFFF  }
0xac: {  	[dreg:$0x1] =	wrdreg $0xFFFFFFFF  }
0xad: {  	[dreg:$0x0] =	wrdreg $0x60  }
0xae: {  	[dreg:$0x2] =	wrdreg s24  }
0xaf: {  	[dreg:$0x3] =	wrdreg $0x9  }
0xb0: {  	_ =	task.clear_ibuf [dreg:s6], $0x4FFFF;
	_ =	strace $0x90000046  }
0xb1: {  	s29 =	simm.s32 $0x9;
	_ =	strace $0x80000048  }
0xb2: {  	_ =	swait.ge [sflag:s29], $0x1  }
0xb3: {  	[sflag:s29] =	ssyncadd.s32 $0xFFFFFFFF  }
0xb4: {  	_ =	strace $0x90000048  }
0xb5: {  	_ =	sfence  }
0xb6: {  	s30 =	sld [smem:$0x0];
	_ =	sdelay $0x2  }
0xb7: {  	s31 =	sshll.u32 s1, $0xD;
	s1 =	sshrl.u32 s1, $0x2  }
0xb8: {  	s3 =	sand.u32 $0x4000, s31;
	s1 =	sadd.s32 s1, s30  }
0xb9: {  	s0 =	sor.u32 s3, s0;
	s1 =	sshll.u32 s1, $0x11  }
0xba: {  	s0 =	sor.u32 s1, s0  }
0xbb: {  	s0 =	sadd.s32 $0x8F2B, s0  }
0xbc: {  	[sflag:s0] =	ssyncadd.remote.s32 $0x1  }
0xbd: {  	_ =	sfence.sel $0xFFFF  }
0xbe: {  	[dreg:$0x0] =	wrdreg $0xFFFFFFFF;
	(pc) =	sbr.abs _section_cstart, $3  }
0xbf: {  	[dreg:$0x1] =	wrdreg $0xFFFFFFFF  }
0xc0: {  	_ =	task.clear_ibuf [dreg:s6], $0x2FFFF;
	_ =	strace $0x9FFFFFFF  }
0xc1: {  	(tm) =	ssettm $0x7FFFFFFF  }
tec
execute0_lowered:
.L_overlay_start_1:
0x0: {  	(tag) =	ssettag $0x1  }
0x1: {  	s1 =	srdreg.scid;
	s0 =	stileid.u32  }
0x2: {  	s25 =	sand.u32 $0x1, s1;
	s31 =	sshll.u32 s0, $0x1  }
0x3: {  	s8 =	sor.u32 s25, s31  }
0x4: {  	s10 =	rddreg [dreg:$0x0];
	s3 =	smul.u32 $0x120, s8  }
0x5: {  	s2 =	simm.s32 $0x0;
	s1 =	rddreg [dreg:$0x1]  }
0x6: {  	[smem:$0x7FF] =	sst s2;
	s3 =	sadd.s32 s3, s10  }
0x7: {  	_ =	strace $0x80000047;
	s4 =	sadd.s32 $0x84200, s3;
	s3 =	simm.s32 $0x2  }
0x8: {  	[tilespmem:s2], [sflag:$0x2] =	stream.linear.gather [hbm4b:s4+s2], $0x900, $0x38;
	[tilespmem:$0x10900] =	vst v63  }
0x9: {  	_ =	swait.ge [sflag:s3], $0x900  }
0xa: {  	s6 =	simm.s32 $0x100;
	[sflag:s3] =	ssyncset.done $0x0  }
0xb: {  	s7 =	simm.s32 $0x900;
	s5 =	sadd.s32 $0x44200, s10;
	[sflag:s3] =	ssyncadd.s32 $0xFFFFF700  }
0xc: {  	[tilespmem:s7], [sflag:$0x1] =	stream.indirect.gather [hbm4b:s5+s6], $0x80, s2, s6, $0xb8;
	[tilespmem:$0x10900] =	vst v63  }
0xd: {  	s9 =	simm.s32 $0x1;
	s11 =	smul.u32 $0x48000, s8;
	s8 =	simm.s32 $0x8900  }
0xe: {  	[tilespmem:s8], [sflag:$0x1] =	stream.indirect.gather [hbm4b:s5+s6], $0x80, s6, s6, $0xb8;
	[tilespmem:$0x10900] =	vst v63  }
0xf: {  	s11 =	sshrl.u32 s11, $0x3;
	_ =	swait.ge [sflag:s9], $0x8000  }
0x10: {  	s26 =	sadd.s32 s11, s10;
	[sflag:s9] =	ssyncset.done $0x0  }
0x11: {  	s10 =	sadd.s32 $0x86600, s26;
	[sflag:s9] =	ssyncadd.s32 $0xFFFF8000  }
0x12: {  	[hbm4b:s10+s2] =	stream.linear.scatter [tilespmem:s7], [sflag:$0x2], $0x8000, $0x38;
	[tilespmem:$0x10900] =	vst v63  }
0x13: {  	_ =	swait.ge [sflag:s3], $0x8000  }
0x14: {  	[sflag:s3] =	ssyncset.done $0x0  }
0x15: {  	s11 =	simm.s32 $0x200;
	[sflag:s3] =	ssyncadd.s32 $0xFFFF8000  }
0x16: {  	[tilespmem:s7], [sflag:$0x1] =	stream.indirect.gather [hbm4b:s5+s6], $0x80, s11, s6, $0xb8;
	[tilespmem:$0x10900] =	vst v63  }
0x17: {  	_ =	swait.ge [sflag:s9], $0x8000  }
0x18: {  	[sflag:s9] =	ssyncset.done $0x0  }
0x19: {  	s12 =	sadd.s32 $0x87600, s26;
	[sflag:s9] =	ssyncadd.s32 $0xFFFF8000  }
0x1a: {  	[hbm4b:s12+s2] =	stream.linear.scatter [tilespmem:s8], [sflag:$0x2], $0x8000, $0x38;
	[tilespmem:$0x10900] =	vst v63  }
0x1b: {  	_ =	swait.ge [sflag:s3], $0x8000  }
0x1c: {  	[sflag:s3] =	ssyncset.done $0x0  }
0x1d: {  	s13 =	simm.s32 $0x300;
	[sflag:s3] =	ssyncadd.s32 $0xFFFF8000  }
0x1e: {  	[tilespmem:s8], [sflag:$0x1] =	stream.indirect.gather [hbm4b:s5+s6], $0x80, s13, s6, $0xb8;
	[tilespmem:$0x10900] =	vst v63  }
0x1f: {  	_ =	swait.ge [sflag:s9], $0x8000  }
0x20: {  	[sflag:s9] =	ssyncset.done $0x0  }
0x21: {  	s14 =	sadd.s32 $0x88600, s26;
	[sflag:s9] =	ssyncadd.s32 $0xFFFF8000  }
0x22: {  	[hbm4b:s14+s2] =	stream.linear.scatter [tilespmem:s7], [sflag:$0x2], $0x8000, $0x38;
	[tilespmem:$0x10900] =	vst v63  }
0x23: {  	_ =	swait.ge [sflag:s3], $0x8000  }
0x24: {  	[sflag:s3] =	ssyncset.done $0x0  }
0x25: {  	s15 =	simm.s32 $0x400;
	[sflag:s3] =	ssyncadd.s32 $0xFFFF8000  }
0x26: {  	[tilespmem:s7], [sflag:$0x1] =	stream.indirect.gather [hbm4b:s5+s6], $0x80, s15, s6, $0xb8;
	[tilespmem:$0x10900] =	vst v63  }
0x27: {  	_ =	swait.ge [sflag:s9], $0x8000  }
0x28: {  	[sflag:s9] =	ssyncset.done $0x0  }
0x29: {  	s16 =	sadd.s32 $0x89600, s26;
	[sflag:s9] =	ssyncadd.s32 $0xFFFF8000  }
0x2a: {  	[hbm4b:s16+s2] =	stream.linear.scatter [tilespmem:s8], [sflag:$0x2], $0x8000, $0x38;
	[tilespmem:$0x10900] =	vst v63  }
0x2b: {  	_ =	swait.ge [sflag:s3], $0x8000  }
0x2c: {  	[sflag:s3] =	ssyncset.done $0x0  }
0x2d: {  	s17 =	simm.s32 $0x500;
	[sflag:s3] =	ssyncadd.s32 $0xFFFF8000  }
0x2e: {  	[tilespmem:s8], [sflag:$0x1] =	stream.indirect.gather [hbm4b:s5+s6], $0x80, s17, s6, $0xb8;
	[tilespmem:$0x10900] =	vst v63  }
0x2f: {  	_ =	swait.ge [sflag:s9], $0x8000  }
0x30: {  	[sflag:s9] =	ssyncset.done $0x0  }
0x31: {  	s18 =	sadd.s32 $0x8A600, s26;
	[sflag:s9] =	ssyncadd.s32 $0xFFFF8000  }
0x32: {  	[hbm4b:s18+s2] =	stream.linear.scatter [tilespmem:s7], [sflag:$0x2], $0x8000, $0x38;
	[tilespmem:$0x10900] =	vst v63  }
0x33: {  	_ =	swait.ge [sflag:s3], $0x8000  }
0x34: {  	[sflag:s3] =	ssyncset.done $0x0  }
0x35: {  	s19 =	simm.s32 $0x600;
	[sflag:s3] =	ssyncadd.s32 $0xFFFF8000  }
0x36: {  	[tilespmem:s7], [sflag:$0x1] =	stream.indirect.gather [hbm4b:s5+s6], $0x80, s19, s6, $0xb8;
	[tilespmem:$0x10900] =	vst v63  }
0x37: {  	_ =	swait.ge [sflag:s9], $0x8000  }
0x38: {  	[sflag:s9] =	ssyncset.done $0x0  }
0x39: {  	s20 =	sadd.s32 $0x8B600, s26;
	[sflag:s9] =	ssyncadd.s32 $0xFFFF8000  }
0x3a: {  	[hbm4b:s20+s2] =	stream.linear.scatter [tilespmem:s8], [sflag:$0x2], $0x8000, $0x38;
	[tilespmem:$0x10900] =	vst v63  }
0x3b: {  	_ =	swait.ge [sflag:s3], $0x8000  }
0x3c: {  	[sflag:s3] =	ssyncset.done $0x0  }
0x3d: {  	s21 =	simm.s32 $0x700;
	[sflag:s3] =	ssyncadd.s32 $0xFFFF8000  }
0x3e: {  	[tilespmem:s8], [sflag:$0x1] =	stream.indirect.gather [hbm4b:s5+s6], $0x80, s21, s6, $0xb8;
	[tilespmem:$0x10900] =	vst v63  }
0x3f: {  	_ =	swait.ge [sflag:s9], $0x8000  }
0x40: {  	[sflag:s9] =	ssyncset.done $0x0  }
0x41: {  	s22 =	sadd.s32 $0x8C600, s26;
	[sflag:s9] =	ssyncadd.s32 $0xFFFF8000  }
0x42: {  	[hbm4b:s22+s2] =	stream.linear.scatter [tilespmem:s7], [sflag:$0x2], $0x8000, $0x38;
	[tilespmem:$0x10900] =	vst v63  }
0x43: {  	_ =	swait.ge [sflag:s3], $0x8000  }
0x44: {  	[sflag:s3] =	ssyncset.done $0x0  }
0x45: {  	s23 =	simm.s32 $0x800;
	[sflag:s3] =	ssyncadd.s32 $0xFFFF8000  }
0x46: {  	[tilespmem:s7], [sflag:$0x1] =	stream.indirect.gather [hbm4b:s5+s6], $0x80, s23, s6, $0xb8;
	[tilespmem:$0x10900] =	vst v63  }
0x47: {  	_ =	swait.ge [sflag:s9], $0x8000  }
0x48: {  	[sflag:s9] =	ssyncset.done $0x0  }
0x49: {  	s25 =	ssub.s32 $0x2, s25;
	s24 =	sadd.s32 $0x8D600, s26;
	[sflag:s9] =	ssyncadd.s32 $0xFFFF8000  }
0x4a: {  	[hbm4b:s24+s2] =	stream.linear.scatter [tilespmem:s8], [sflag:$0x2], $0x8000, $0x38;
	[tilespmem:$0x10900] =	vst v63  }
0x4b: {  	s28 =	sshrl.u32 s25, $0x1;
	_ =	swait.ge [sflag:s3], $0x8000  }
0x4c: {  	s25 =	ssub.s32 s25, s28;
	[sflag:s3] =	ssyncset.done $0x0  }
0x4d: {  	s28 =	smax.u32 s25, $0x1;
	[sflag:s3] =	ssyncadd.s32 $0xFFFF8000  }
0x4e: {  	p0 =	sne.s32 s28, $0x1;
	_ =	swait.ge [sflag:s9], $0x8000  }
.Ltmp0:
0x4f: {  	[sflag:s9] =	ssyncset.done $0x0;
	(pc) =	sbr.rel @!p0 .LBB2_2-.Ltmp0, $4  }
0x50: {  	s25 =	sadd.s32 $0x8E600, s26;
	[sflag:s9] =	ssyncadd.s32 $0xFFFF8000  }
0x51: {  	[hbm4b:s25+s2] =	stream.linear.scatter [tilespmem:s7], [sflag:$0x2], $0x8000, $0x38;
	[tilespmem:$0x10900] =	vst v63  }
0x52: {  	_ =	swait.ge [sflag:s3], $0x8000  }
0x53: {  	s26 =	sadd.s32 $0xFFFFFFFF, s28;
	[sflag:s3] =	ssyncset.done $0x0  }
.LBB2_1:
0x54: {  	p0 =	sne.s32 s26, $0x1;
	s26 =	sadd.s32 $0xFFFFFFFF, s26;
	[sflag:s3] =	ssyncadd.s32 $0xFFFF8000  }
0x55: {  	[tilespmem:s2], [sflag:$0x2] =	stream.linear.gather [hbm4b:s4+s2], $0x900, $0x38;
	[tilespmem:$0x10900] =	vst v63  }
0x56: {  	_ =	swait.ge [sflag:s3], $0x900  }
0x57: {  	[sflag:s3] =	ssyncset.done $0x0  }
0x58: {  	[sflag:s3] =	ssyncadd.s32 $0xFFFFF700  }
0x59: {  	[tilespmem:s7], [sflag:$0x1] =	stream.indirect.gather [hbm4b:s5+s6], $0x80, s2, s6, $0xb8;
	[tilespmem:$0x10900] =	vst v63  }
0x5a: {  	_ = 	snop  }
0x5b: {  	[tilespmem:s8], [sflag:$0x1] =	stream.indirect.gather [hbm4b:s5+s6], $0x80, s6, s6, $0xb8;
	[tilespmem:$0x10900] =	vst v63  }
0x5c: {  	_ =	swait.ge [sflag:s9], $0x8000  }
0x5d: {  	[sflag:s9] =	ssyncset.done $0x0  }
0x5e: {  	[sflag:s9] =	ssyncadd.s32 $0xFFFF8000  }
0x5f: {  	[hbm4b:s10+s2] =	stream.linear.scatter [tilespmem:s7], [sflag:$0x2], $0x8000, $0x38;
	[tilespmem:$0x10900] =	vst v63  }
0x60: {  	_ =	swait.ge [sflag:s3], $0x8000  }
0x61: {  	[sflag:s3] =	ssyncset.done $0x0  }
0x62: {  	[sflag:s3] =	ssyncadd.s32 $0xFFFF8000  }
0x63: {  	[tilespmem:s7], [sflag:$0x1] =	stream.indirect.gather [hbm4b:s5+s6], $0x80, s11, s6, $0xb8;
	[tilespmem:$0x10900] =	vst v63  }
0x64: {  	_ =	swait.ge [sflag:s9], $0x8000  }
0x65: {  	[sflag:s9] =	ssyncset.done $0x0  }
0x66: {  	[sflag:s9] =	ssyncadd.s32 $0xFFFF8000  }
0x67: {  	[hbm4b:s12+s2] =	stream.linear.scatter [tilespmem:s8], [sflag:$0x2], $0x8000, $0x38;
	[tilespmem:$0x10900] =	vst v63  }
0x68: {  	_ =	swait.ge [sflag:s3], $0x8000  }
0x69: {  	[sflag:s3] =	ssyncset.done $0x0  }
0x6a: {  	[sflag:s3] =	ssyncadd.s32 $0xFFFF8000  }
0x6b: {  	[tilespmem:s8], [sflag:$0x1] =	stream.indirect.gather [hbm4b:s5+s6], $0x80, s13, s6, $0xb8;
	[tilespmem:$0x10900] =	vst v63  }
0x6c: {  	_ =	swait.ge [sflag:s9], $0x8000  }
0x6d: {  	[sflag:s9] =	ssyncset.done $0x0  }
0x6e: {  	[sflag:s9] =	ssyncadd.s32 $0xFFFF8000  }
0x6f: {  	[hbm4b:s14+s2] =	stream.linear.scatter [tilespmem:s7], [sflag:$0x2], $0x8000, $0x38;
	[tilespmem:$0x10900] =	vst v63  }
0x70: {  	_ =	swait.ge [sflag:s3], $0x8000  }
0x71: {  	[sflag:s3] =	ssyncset.done $0x0  }
0x72: {  	[sflag:s3] =	ssyncadd.s32 $0xFFFF8000  }
0x73: {  	[tilespmem:s7], [sflag:$0x1] =	stream.indirect.gather [hbm4b:s5+s6], $0x80, s15, s6, $0xb8;
	[tilespmem:$0x10900] =	vst v63  }
0x74: {  	_ =	swait.ge [sflag:s9], $0x8000  }
0x75: {  	[sflag:s9] =	ssyncset.done $0x0  }
0x76: {  	[sflag:s9] =	ssyncadd.s32 $0xFFFF8000  }
0x77: {  	[hbm4b:s16+s2] =	stream.linear.scatter [tilespmem:s8], [sflag:$0x2], $0x8000, $0x38;
	[tilespmem:$0x10900] =	vst v63  }
0x78: {  	_ =	swait.ge [sflag:s3], $0x8000  }
0x79: {  	[sflag:s3] =	ssyncset.done $0x0  }
0x7a: {  	[sflag:s3] =	ssyncadd.s32 $0xFFFF8000  }
0x7b: {  	[tilespmem:s8], [sflag:$0x1] =	stream.indirect.gather [hbm4b:s5+s6], $0x80, s17, s6, $0xb8;
	[tilespmem:$0x10900] =	vst v63  }
0x7c: {  	_ =	swait.ge [sflag:s9], $0x8000  }
0x7d: {  	[sflag:s9] =	ssyncset.done $0x0  }
0x7e: {  	[sflag:s9] =	ssyncadd.s32 $0xFFFF8000  }
0x7f: {  	[hbm4b:s18+s2] =	stream.linear.scatter [tilespmem:s7], [sflag:$0x2], $0x8000, $0x38;
	[tilespmem:$0x10900] =	vst v63  }
0x80: {  	_ =	swait.ge [sflag:s3], $0x8000  }
0x81: {  	[sflag:s3] =	ssyncset.done $0x0  }
0x82: {  	[sflag:s3] =	ssyncadd.s32 $0xFFFF8000  }
0x83: {  	[tilespmem:s7], [sflag:$0x1] =	stream.indirect.gather [hbm4b:s5+s6], $0x80, s19, s6, $0xb8;
	[tilespmem:$0x10900] =	vst v63  }
0x84: {  	_ =	swait.ge [sflag:s9], $0x8000  }
0x85: {  	[sflag:s9] =	ssyncset.done $0x0  }
0x86: {  	[sflag:s9] =	ssyncadd.s32 $0xFFFF8000  }
0x87: {  	[hbm4b:s20+s2] =	stream.linear.scatter [tilespmem:s8], [sflag:$0x2], $0x8000, $0x38;
	[tilespmem:$0x10900] =	vst v63  }
0x88: {  	_ =	swait.ge [sflag:s3], $0x8000  }
0x89: {  	[sflag:s3] =	ssyncset.done $0x0  }
0x8a: {  	[sflag:s3] =	ssyncadd.s32 $0xFFFF8000  }
0x8b: {  	[tilespmem:s8], [sflag:$0x1] =	stream.indirect.gather [hbm4b:s5+s6], $0x80, s21, s6, $0xb8;
	[tilespmem:$0x10900] =	vst v63  }
0x8c: {  	_ =	swait.ge [sflag:s9], $0x8000  }
0x8d: {  	[sflag:s9] =	ssyncset.done $0x0  }
0x8e: {  	[sflag:s9] =	ssyncadd.s32 $0xFFFF8000  }
0x8f: {  	[hbm4b:s22+s2] =	stream.linear.scatter [tilespmem:s7], [sflag:$0x2], $0x8000, $0x38;
	[tilespmem:$0x10900] =	vst v63  }
0x90: {  	_ =	swait.ge [sflag:s3], $0x8000  }
0x91: {  	[sflag:s3] =	ssyncset.done $0x0  }
0x92: {  	[sflag:s3] =	ssyncadd.s32 $0xFFFF8000  }
0x93: {  	[tilespmem:s7], [sflag:$0x1] =	stream.indirect.gather [hbm4b:s5+s6], $0x80, s23, s6, $0xb8;
	[tilespmem:$0x10900] =	vst v63  }
0x94: {  	_ =	swait.ge [sflag:s9], $0x8000  }
0x95: {  	[sflag:s9] =	ssyncset.done $0x0  }
0x96: {  	[sflag:s9] =	ssyncadd.s32 $0xFFFF8000  }
0x97: {  	[hbm4b:s24+s2] =	stream.linear.scatter [tilespmem:s8], [sflag:$0x2], $0x8000, $0x38;
	[tilespmem:$0x10900] =	vst v63  }
0x98: {  	_ =	swait.ge [sflag:s3], $0x8000  }
0x99: {  	[sflag:s3] =	ssyncset.done $0x0  }
0x9a: {  	[sflag:s3] =	ssyncadd.s32 $0xFFFF8000  }
0x9b: {  	_ =	swait.ge [sflag:s9], $0x8000  }
.Ltmp1:
0x9c: {  	[sflag:s9] =	ssyncset.done $0x0;
	(pc) =	sbr.rel @p0 .LBB2_1-.Ltmp1, $4  }
0x9d: {  	[sflag:s9] =	ssyncadd.s32 $0xFFFF8000  }
0x9e: {  	[hbm4b:s25+s2] =	stream.linear.scatter [tilespmem:s7], [sflag:$0x2], $0x8000, $0x38;
	[tilespmem:$0x10900] =	vst v63  }
0x9f: {  	_ =	swait.ge [sflag:s3], $0x8000  }
0xa0: {  	[sflag:s3] =	ssyncset.done $0x0  }
.LBB2_2:
0xa1: {  	[sflag:s3] =	ssyncadd.s32 $0xFFFF8000  }
0xa2: {  	_ =	sfence.sel $0x180000  }
0xa3: {  	[bflag:$0x0] =	sbarrier.arrive $0xFFFF  }
0xa4: {  	p0 =	sne.s32 s0, $0x0;
	_ =	strace $0x90000047  }
0xa5: {  	s0 =	sadd.s32 @!p0 $0x100000, s1;
	[bflag:$0x2] =	sbarrier.arrive $0xFFFF  }
0xa6: {  	[sflag:s0] =	ssyncadd.tile.s32 @!p0 $0x1;
	_ =	shalt  }
.Lfunc_end2:
_tile_overlayer_lowered:
.L_overlay_start_2:
0xa7: {  	(tag) =	ssettag $0x2  }
0xa8: {  	s0 =	rddreg [dreg:$0x0];
	s2 =	stileid.u32  }
0xa9: {  	s1 =	rddreg [dreg:$0x1];
	p0 =	sne.s32 s2, $0x0  }
0xaa: {  	s3 =	rddreg [dreg:$0x2];
	[bflag:$0x3] =	sbarrier.arrive $0xFFFF;
	s2 =	simm.s32 @!p0 $0x1C02  }
0xab: {  	[timem:s3], [sflag:s2] =	dma.local @!p0 [hbm:s0], s1  }
0xac: {  	s0 =	simm.s32 @!p0 $0x2  }
0xad: {  	_ =	swait.ge @!p0 [sflag:s0], s1  }
0xae: {  	s1 =	ssub.s32 @!p0 $0x0, s1;
	[sflag:s0] =	ssyncset.done @!p0 $0x0  }
0xaf: {  	[sflag:s0] =	ssyncadd.s32 @!p0 s1  }
0xb0: {  	[bflag:$0x3] =	sbarrier.arrive $0xFFFF  }
0xb1: {  	_ =	shalt  }

</sc_bundles>
